<compile_context>
chip_gen: v7x
topology: tpu7x:2x2x1
jax: 0.10.2.dev20260603
libtpu: 0.0.44.dev20260713+nightly
codegen_flags: <defaults>
</compile_context>

<pallas_src>
import functools

import jax
import jax.numpy as jnp
from jax import lax
from jax.experimental import pallas as pl
from jax.experimental.pallas import tpu as pltpu
from jax.experimental.pallas import tpu_sc as plsc

_NC = 2
_NS = 16
_L = 16
_NW = _NC * _NS


def _pack_bf16_pairs(v):
    h2 = v.shape[1] // 2
    b = lax.bitcast_convert_type(v.astype(jnp.bfloat16), jnp.uint16)
    lo = b[:, :h2].astype(jnp.uint32)
    hi = b[:, h2:].astype(jnp.uint32)
    return lax.bitcast_convert_type((hi << 16) | lo, jnp.int32)


def _proj_body(xa, xp, wa, ba, wp, bp, wq, bq, wk, bk, qa, ka, qp, kp):
    ha = jnp.dot(xa[...], wa[...], preferred_element_type=jnp.float32) + ba[...]
    hp = jnp.dot(xp[...], wp[...], preferred_element_type=jnp.float32) + bp[...]
    qa[...] = _pack_bf16_pairs(
        jnp.dot(ha, wq[...], preferred_element_type=jnp.float32) + bq[...])
    ka[...] = _pack_bf16_pairs(
        jnp.dot(ha, wk[...], preferred_element_type=jnp.float32) + bk[...])
    qp[...] = _pack_bf16_pairs(
        jnp.dot(hp, wq[...], preferred_element_type=jnp.float32) + bq[...])
    kp[...] = _pack_bf16_pairs(
        jnp.dot(hp, wk[...], preferred_element_type=jnp.float32) + bk[...])


def _projections(x_author, x_paper, W_author, b_author, W_paper, b_paper,
                 Wq, bq, Wk, bk):
    N, D = x_author.shape
    H = W_author.shape[1]
    BM = 2000
    grid = (N // BM,)
    x_spec = pl.BlockSpec((BM, D), lambda i: (i, 0))
    w_spec = pl.BlockSpec((D, H), lambda i: (0, 0))
    w2_spec = pl.BlockSpec((H, H), lambda i: (0, 0))
    b_spec = pl.BlockSpec((1, H), lambda i: (0, 0))
    o_spec = pl.BlockSpec((BM, H // 2), lambda i: (i, 0))
    out_sds = jax.ShapeDtypeStruct((N, H // 2), jnp.int32)
    return pl.pallas_call(
        _proj_body,
        grid=grid,
        in_specs=[x_spec, x_spec, w_spec, b_spec, w_spec, b_spec,
                  w2_spec, b_spec, w2_spec, b_spec],
        out_specs=[o_spec, o_spec, o_spec, o_spec],
        out_shape=[out_sds, out_sds, out_sds, out_sds],
    )(x_author, x_paper, W_author, b_author.reshape(1, H),
      W_paper, b_paper.reshape(1, H), Wq, bq.reshape(1, H),
      Wk, bk.reshape(1, H))


def _make_edge_kernel(N, H, E):
    EPW = E // _NW
    C = 80
    NCHUNK = EPW // C
    GROUPS = C // _L
    HW = H // 2
    HV = HW // _L
    mesh = plsc.VectorSubcoreMesh(core_axis_name="c", subcore_axis_name="s")

    @functools.partial(
        pl.kernel,
        mesh=mesh,
        compiler_params=pltpu.CompilerParams(needs_layout_passes=False),
        out_type=jax.ShapeDtypeStruct((2, 2, _NW, _L), jnp.float32),
        scratch_types=[
            pltpu.VMEM((EPW,), jnp.int32),
            pltpu.VMEM((EPW,), jnp.int32),
            pltpu.VMEM((C, HW), jnp.int32),
            pltpu.VMEM((C, HW), jnp.int32),
            pltpu.VMEM((C, HW), jnp.int32),
            pltpu.VMEM((C, HW), jnp.int32),
            pltpu.VMEM((C,), jnp.float32),
            pltpu.VMEM((_L,), jnp.float32),
            pltpu.VMEM((_L,), jnp.float32),
            pltpu.SemaphoreType.DMA,
            pltpu.SemaphoreType.DMA,
            pltpu.SemaphoreType.DMA,
            pltpu.SemaphoreType.DMA,
        ],
    )
    def edge_kernel(qa, kp, qp, ka, sap, dap, spa, dpa, ms_out,
                    sidx, didx, qr0, kr0, qr1, kr1, lbuf, mstage, sstage,
                    semq0, semk0, semq1, semk1):
        wid = lax.axis_index("s") * _NC + lax.axis_index("c")
        base = wid * EPW
        inv_sqrt_h = 1.0 / float(H) ** 0.5
        iota16 = lax.iota(jnp.int32, _L)
        bfly = [jnp.bitwise_xor(iota16, jnp.int32(1 << s)) for s in range(4)]
        mask0 = iota16 == 0
        qrows = (qr0, qr1)
        krows = (kr0, kr1)
        semq = (semq0, semq1)
        semk = (semk0, semk1)
        for r in range(2):
            qt = (qa, qp)[r]
            kt = (kp, ka)[r]
            st = (sap, spa)[r]
            dt = (dap, dpa)[r]
            ci = pltpu.async_copy(st.at[pl.ds(base, EPW)], sidx, semq0)
            pltpu.sync_copy(dt.at[pl.ds(base, EPW)], didx)
            ci.wait()
            mstage[...] = jnp.full((_L,), -1e30, jnp.float32)
            sstage[...] = jnp.zeros((_L,), jnp.float32)

            def gather(c, buf):
                off = c * C
                pltpu.async_copy(qt.at[sidx.at[pl.ds(off, C)]],
                                 qrows[buf], semq[buf])
                pltpu.async_copy(kt.at[didx.at[pl.ds(off, C)]],
                                 krows[buf], semk[buf])

            def wait(buf):
                pltpu.make_async_copy(qt.at[sidx.at[pl.ds(0, C)]],
                                      qrows[buf], semq[buf]).wait()
                pltpu.make_async_copy(kt.at[didx.at[pl.ds(0, C)]],
                                      krows[buf], semk[buf]).wait()

            def compute(buf):
                qb = qrows[buf]
                kb = krows[buf]

                @plsc.parallel_loop(0, C, step=1, unroll=4)
                def edge_dot(e):
                    acc = (plsc.bitcast(qb[e, pl.ds(0, _L)], jnp.bfloat16) *
                           plsc.bitcast(kb[e, pl.ds(0, _L)], jnp.bfloat16))
                    for j in range(1, HV):
                        acc = acc + (
                            plsc.bitcast(qb[e, pl.ds(j * _L, _L)],
                                         jnp.bfloat16) *
                            plsc.bitcast(kb[e, pl.ds(j * _L, _L)],
                                         jnp.bfloat16))
                    ai = plsc.bitcast(acc, jnp.int32)
                    hi = plsc.bitcast(
                        jnp.bitwise_and(ai, jnp.int32(-65536)), jnp.float32)
                    lo = plsc.bitcast(
                        lax.shift_left(ai, jnp.int32(16)), jnp.float32)
                    f = hi + lo
                    for s in range(4):
                        g = lax.gather(
                            f, bfly[s][:, None],
                            lax.GatherDimensionNumbers(
                                offset_dims=(), collapsed_slice_dims=(0,),
                                start_index_map=(0,)),
                            slice_sizes=(1,),
                            mode=lax.GatherScatterMode.PROMISE_IN_BOUNDS)
                        f = f + g
                    plsc.store_scatter(lbuf, [jnp.full((_L,), e, jnp.int32)],
                                       f, mask=mask0)

                m_vec = mstage[...]
                s_vec = sstage[...]
                for g in range(GROUPS):
                    logits = lbuf[pl.ds(g * _L, _L)] * inv_sqrt_h
                    m_new = jnp.maximum(m_vec, logits)
                    s_vec = (s_vec * jnp.exp(m_vec - m_new) +
                             jnp.exp(logits - m_new))
                    m_vec = m_new
                mstage[...] = m_vec
                sstage[...] = s_vec

            gather(0, 0)

            def pair_body(p, carry):
                c = 2 * p
                gather(c + 1, 1)
                wait(0)
                compute(0)
                gather(c + 2, 0)
                wait(1)
                compute(1)
                return carry

            lax.fori_loop(0, (NCHUNK - 1) // 2, pair_body, 0)
            wait(0)
            compute(0)
            pltpu.sync_copy(mstage, ms_out.at[0, r, wid])
            pltpu.sync_copy(sstage, ms_out.at[1, r, wid])

    return edge_kernel


def _combine_body(ms, out, *, E):
    msv = ms[...]
    m0 = msv[0:1, :]
    m1 = msv[1:2, :]
    s0 = msv[2:3, :]
    s1 = msv[3:4, :]
    M0 = jnp.max(m0)
    M1 = jnp.max(m1)
    S0 = jnp.sum(s0 * jnp.exp(m0 - M0))
    S1 = jnp.sum(s1 * jnp.exp(m1 - M1))
    wm0 = (S0 / S0) * (1.0 / E)
    wm1 = (S1 / S1) * (1.0 / E)

    def sm2(a, b):
        mx = jnp.maximum(a, b)
        ea = jnp.exp(a - mx)
        eb = jnp.exp(b - mx)
        z = ea + eb
        return ea / z, eb / z

    r0, r1 = sm2(wm0, wm1)
    s3a, s3b = sm2(0.1 * r0, 0.1 * r1)
    s4a, s4b = sm2(0.1 * r0 * r1, 0.1 * r1 * r0)
    s5a, s5b = sm2(0.1 * r0 * r1 * r0, 0.1 * r1 * r0 * r1)
    row = lax.broadcasted_iota(jnp.int32, (8, 128), 0)
    col = lax.broadcasted_iota(jnp.int32, (8, 128), 1)
    vals = jnp.zeros((8, 128), jnp.float32)
    for i, v in enumerate((s3a, s3b, s4a, s4b, s5a, s5b)):
        vals = jnp.where((row == 0) & (col == i), v, vals)
    out[...] = vals


def kernel(x_author, x_paper, edge_index_ap, edge_index_pa, W_author,
           b_author, W_paper, b_paper, Wq, bq, Wk, bk):
    N, D = x_author.shape
    H = W_author.shape[1]
    E = edge_index_ap.shape[1]

    qa, ka, qp, kp = _projections(x_author, x_paper, W_author, b_author,
                                  W_paper, b_paper, Wq, bq, Wk, bk)

    edge_kernel = _make_edge_kernel(N, H, E)
    ms = edge_kernel(qa, kp, qp, ka,
                     edge_index_ap[0], edge_index_ap[1],
                     edge_index_pa[0], edge_index_pa[1])

    res = pl.pallas_call(
        functools.partial(_combine_body, E=E),
        out_shape=jax.ShapeDtypeStruct((8, 128), jnp.float32),
    )(ms.reshape(4, _NW * _L))
    return res[0, :6]

# --- scband reference (transcript-rebuilt; emitter-appended) ---
"""Pipeline reference for scband-metapath-generator-8048768713046 (READ-ONLY COPY).

The authoritative reference and input builder live on the scoring server;
editing this copy changes nothing except your own understanding.
"""

import jax, jax.numpy as jnp
import numpy as np

N = 10000
D = 128
H = 256
E = 320000

def setup_inputs(seed: int = 0) -> dict:
    key = jax.random.key(seed)
    ks = jax.random.split(key, 12)
    def xavier(k, shape):
        fan_in, fan_out = shape[0], shape[1]
        limit = float(np.sqrt(6.0 / (fan_in + fan_out)))
        return jax.random.uniform(k, shape, dtype=jnp.float32, minval=-limit, maxval=limit)
    return {
        'x_author': jax.random.normal(ks[0], (N, D), dtype=jnp.float32),
        'x_paper': jax.random.normal(ks[1], (N, D), dtype=jnp.float32),
        'edge_index_ap': jax.random.randint(ks[2], (2, E), 0, N, dtype=jnp.int32),
        'edge_index_pa': jax.random.randint(ks[3], (2, E), 0, N, dtype=jnp.int32),
        'W_author': xavier(ks[4], (D, H)),
        'b_author': jnp.zeros((H,), dtype=jnp.float32),
        'W_paper': xavier(ks[5], (D, H)),
        'b_paper': jnp.zeros((H,), dtype=jnp.float32),
        'Wq': xavier(ks[6], (H, H)),
        'bq': jnp.zeros((H,), dtype=jnp.float32),
        'Wk': xavier(ks[7], (H, H)),
        'bk': jnp.zeros((H,), dtype=jnp.float32),
    }

def reference(x_author, x_paper, edge_index_ap, edge_index_pa,
              W_author, b_author, W_paper, b_paper, Wq, bq, Wk, bk):
    # node projections (x_dict)
    h_author = x_author @ W_author + b_author
    h_paper = x_paper @ W_paper + b_paper

    def rel_weight(src_h, dst_h, eidx):
        src_idx = jnp.clip(eidx[0], 0, src_h.shape[0] - 1)
        dst_idx = jnp.clip(eidx[1], 0, dst_h.shape[0] - 1)
        src_emb = jnp.take(src_h, src_idx, axis=0)   # gather [E, H]
        dst_emb = jnp.take(dst_h, dst_idx, axis=0)   # gather [E, H]
        q = src_emb @ Wq + bq
        k = dst_emb @ Wk + bk
        logits = (q * k).sum(axis=-1) / jnp.sqrt(jnp.float32(k.shape[-1]))
        w = jax.nn.softmax(logits, axis=0)
        return w.mean()

    # edge types: ('author','writes','paper') and ('paper','written_by','author')
    w_ap = rel_weight(h_author, h_paper, edge_index_ap)
    w_pa = rel_weight(h_paper, h_author, edge_index_pa)
    norm_weights = jax.nn.softmax(jnp.stack([w_ap, w_pa]), axis=0)
    r_ap, r_pa = norm_weights[0], norm_weights[1]

    # Metapath generation (deterministic given seed_types=('author','paper'),
    # max_length=3, and the two edge types). Seed singleton paths are filtered
    # (self-loop node paths); surviving metapaths grouped by node-path length:
    #   len 3: [('author',), ap]           -> 0.1 * r_ap
    #          [('paper',),  pa]           -> 0.1 * r_pa
    #   len 4: [('author',), ap, pa]       -> 0.1 * r_ap * r_pa
    #          [('paper',),  pa, ap]       -> 0.1 * r_pa * r_ap
    #   len 5: [('author',), ap, pa, ap]   -> 0.1 * r_ap * r_pa * r_ap
    #          [('paper',),  pa, ap, pa]   -> 0.1 * r_pa * r_ap * r_pa
    s3 = jax.nn.softmax(jnp.stack([0.1 * r_ap, 0.1 * r_pa]), axis=0)
    s4 = jax.nn.softmax(jnp.stack([0.1 * r_ap * r_pa, 0.1 * r_pa * r_ap]), axis=0)
    s5 = jax.nn.softmax(jnp.stack([0.1 * r_ap * r_pa * r_ap, 0.1 * r_pa * r_ap * r_pa]), axis=0)
    return jnp.concatenate([s3, s4, s5])

if __name__ == "__main__":
    import jax
    _d = setup_inputs()
    print(jax.jit(kernel)(*tuple(_d.values())))

</pallas_src>

<mosaic_0001>
#map = affine_map<(d0, d1) -> (0, 0)>
#map1 = affine_map<(d0, d1) -> (0)>
#map2 = affine_map<(d0, d1) -> (0, 0, 0, 0)>
module attributes {stable_mosaic.version = 14 : i64} {
  func.func @edge_kernel(%arg0: i32, %arg1: i32, %arg2: memref<10000x128xi32, #tpu.memory_space<hbm>>, %arg3: memref<10000x128xi32, #tpu.memory_space<hbm>>, %arg4: memref<10000x128xi32, #tpu.memory_space<hbm>>, %arg5: memref<10000x128xi32, #tpu.memory_space<hbm>>, %arg6: memref<320000xi32, #tpu.memory_space<hbm>>, %arg7: memref<320000xi32, #tpu.memory_space<hbm>>, %arg8: memref<320000xi32, #tpu.memory_space<hbm>>, %arg9: memref<320000xi32, #tpu.memory_space<hbm>>, %arg10: memref<2x2x32x16xf32, #tpu.memory_space<hbm>>, %arg11: memref<10000xi32, #tpu.memory_space<vmem>>, %arg12: memref<10000xi32, #tpu.memory_space<vmem>>, %arg13: memref<80x128xi32, #tpu.memory_space<vmem>>, %arg14: memref<80x128xi32, #tpu.memory_space<vmem>>, %arg15: memref<80x128xi32, #tpu.memory_space<vmem>>, %arg16: memref<80x128xi32, #tpu.memory_space<vmem>>, %arg17: memref<80xf32, #tpu.memory_space<vmem>>, %arg18: memref<16xf32, #tpu.memory_space<vmem>>, %arg19: memref<16xf32, #tpu.memory_space<vmem>>, %arg20: memref<!tpu.dma_semaphore, #tpu.memory_space<semaphore_mem>>, %arg21: memref<!tpu.dma_semaphore, #tpu.memory_space<semaphore_mem>>, %arg22: memref<!tpu.dma_semaphore, #tpu.memory_space<semaphore_mem>>, %arg23: memref<!tpu.dma_semaphore, #tpu.memory_space<semaphore_mem>>) attributes {dimension_semantics = [#tpu.dimension_semantics<core_parallel>, #tpu.dimension_semantics<subcore_parallel>], iteration_bounds = array<i64: 2, 16>, scalar_prefetch = 0 : i64, scratch_operands = 13 : i64, tpu.core_type = #tpu.core_type<sc_vector_subcore>, window_params = [{transform_indices = #map}, {transform_indices = #map}, {transform_indices = #map}, {transform_indices = #map}, {transform_indices = #map1}, {transform_indices = #map1}, {transform_indices = #map1}, {transform_indices = #map1}, {transform_indices = #map2}]} {
    %mul3A = arith.constant 2 : i32
    %mul3A_0 = arith.muli %arg1, %mul3A : i32
    %add3A = arith.addi %mul3A_0, %arg0 : i32
    %mul3A_1 = arith.constant 10000 : i32
    %mul3A_2 = arith.muli %add3A, %mul3A_1 : i32
    %iota3A = tpu.iota {dimensions = array<i32: 0>} : vector<16xi32>
    %xor3A = arith.constant 1 : i32
    %xor3A_3 = vector.broadcast %xor3A : i32 to vector<16xi32>
    %xor3A_4 = arith.xori %iota3A, %xor3A_3 : vector<16xi32>
    %xor3A_5 = arith.constant 2 : i32
    %xor3A_6 = vector.broadcast %xor3A_5 : i32 to vector<16xi32>
    %xor3A_7 = arith.xori %iota3A, %xor3A_6 : vector<16xi32>
    %xor3A_8 = arith.constant 4 : i32
    %xor3A_9 = vector.broadcast %xor3A_8 : i32 to vector<16xi32>
    %xor3A_10 = arith.xori %iota3A, %xor3A_9 : vector<16xi32>
    %xor3A_11 = arith.constant 8 : i32
    %xor3A_12 = vector.broadcast %xor3A_11 : i32 to vector<16xi32>
    %xor3A_13 = arith.xori %iota3A, %xor3A_12 : vector<16xi32>
    %eq3A = arith.constant 0 : i32
    %eq3A_14 = vector.broadcast %eq3A : i32 to vector<16xi32>
    %eq3A_15 = arith.cmpi eq, %iota3A, %eq3A_14 : vector<16xi32>
    %dma_start3A = tpu.memref_slice %arg6[%mul3A_2] : memref<320000xi32, #tpu.memory_space<hbm>> -> memref<10000xi32, #tpu.memory_space<hbm>>
    %dma_start3A_16 = tpu.memref_slice %arg6[%mul3A_2] : memref<320000xi32, #tpu.memory_space<hbm>> -> memref<10000xi32, #tpu.memory_space<hbm>>
    tpu.enqueue_dma source(%dma_start3A_16 : memref<10000xi32, #tpu.memory_space<hbm>>) target(%arg11 : memref<10000xi32, #tpu.memory_space<vmem>>) target_semaphore(%arg20 : memref<!tpu.dma_semaphore, #tpu.memory_space<semaphore_mem>>)
    "tpu.region"() ({
      %run_scoped3A_231 = tpu.sem_alloc : memref<!tpu.dma_semaphore, #tpu.memory_space<semaphore_mem>>
      %dma_start3A_232 = tpu.memref_slice %arg7[%mul3A_2] : memref<320000xi32, #tpu.memory_space<hbm>> -> memref<10000xi32, #tpu.memory_space<hbm>>
      %dma_start3A_233 = tpu.memref_slice %arg7[%mul3A_2] : memref<320000xi32, #tpu.memory_space<hbm>> -> memref<10000xi32, #tpu.memory_space<hbm>>
      tpu.enqueue_dma source(%dma_start3A_233 : memref<10000xi32, #tpu.memory_space<hbm>>) target(%arg12 : memref<10000xi32, #tpu.memory_space<vmem>>) target_semaphore(%run_scoped3A_231 : memref<!tpu.dma_semaphore, #tpu.memory_space<semaphore_mem>>)
      %dma_wait3A_234 = tpu.memref_slice %arg7[%mul3A_2] : memref<320000xi32, #tpu.memory_space<hbm>> -> memref<10000xi32, #tpu.memory_space<hbm>>
      %dma_wait3A_235 = tpu.memref_slice %arg7[%mul3A_2] : memref<320000xi32, #tpu.memory_space<hbm>> -> memref<10000xi32, #tpu.memory_space<hbm>>
      tpu.wait_dma2 semaphore(%run_scoped3A_231 : memref<!tpu.dma_semaphore, #tpu.memory_space<semaphore_mem>>) src(%dma_wait3A_235 : memref<10000xi32, #tpu.memory_space<hbm>>) dst(%arg12 : memref<10000xi32, #tpu.memory_space<vmem>>)
      tpu.yield
    }) : () -> ()
    %dma_wait3A = tpu.memref_slice %arg6[%mul3A_2] : memref<320000xi32, #tpu.memory_space<hbm>> -> memref<10000xi32, #tpu.memory_space<hbm>>
    %dma_wait3A_17 = tpu.memref_slice %arg6[%mul3A_2] : memref<320000xi32, #tpu.memory_space<hbm>> -> memref<10000xi32, #tpu.memory_space<hbm>>
    tpu.wait_dma2 semaphore(%arg20 : memref<!tpu.dma_semaphore, #tpu.memory_space<semaphore_mem>>) src(%dma_wait3A_17 : memref<10000xi32, #tpu.memory_space<hbm>>) dst(%arg11 : memref<10000xi32, #tpu.memory_space<vmem>>)
    %broadcast_in_dim3A = arith.constant -1.000000e+30 : f32
    %broadcast_in_dim3A_18 = vector.broadcast %broadcast_in_dim3A : f32 to vector<16xf32>
    %swap3A = arith.constant 0 : index
    %swap3A_19 = tpu.vector_load %arg18[%swap3A] {strides = array<i32>} : memref<16xf32, #tpu.memory_space<vmem>>, vector<16xf32>,
    tpu.vector_store %arg18[%swap3A], %broadcast_in_dim3A_18 {strides = array<i32>} : memref<16xf32, #tpu.memory_space<vmem>>, vector<16xf32>,
    %broadcast_in_dim3A_20 = arith.constant 0.000000e+00 : f32
    %broadcast_in_dim3A_21 = vector.broadcast %broadcast_in_dim3A_20 : f32 to vector<16xf32>
    %swap3A_22 = arith.constant 0 : index
    %swap3A_23 = tpu.vector_load %arg19[%swap3A_22] {strides = array<i32>} : memref<16xf32, #tpu.memory_space<vmem>>, vector<16xf32>,
    tpu.vector_store %arg19[%swap3A_22], %broadcast_in_dim3A_21 {strides = array<i32>} : memref<16xf32, #tpu.memory_space<vmem>>, vector<16xf32>,
    %dma_start3A_24 = arith.constant 0 : i32
    %dma_start3A_25 = tpu.memref_slice %arg11[%dma_start3A_24] : memref<10000xi32, #tpu.memory_space<vmem>> -> memref<80xi32, #tpu.memory_space<vmem>>
    %dma_start3A_26 = arith.constant 0 : i32
    %dma_start3A_27 = arith.constant 0 : i32
    %dma_start3A_28 = tpu.memref_slice %arg2[%dma_start3A_26, %dma_start3A_27] : memref<10000x128xi32, #tpu.memory_space<hbm>> -> memref<10000x128xi32, #tpu.memory_space<hbm>>
    tpu.enqueue_indirect_dma source(%dma_start3A_28 : memref<10000x128xi32, #tpu.memory_space<hbm>>) target(%arg13 : memref<80x128xi32, #tpu.memory_space<vmem>>) offsets(%dma_start3A_25 : memref<80xi32, #tpu.memory_space<vmem>>) semaphore(%arg20 : memref<!tpu.dma_semaphore, #tpu.memory_space<semaphore_mem>>)
    %dma_start3A_29 = arith.constant 0 : i32
    %dma_start3A_30 = tpu.memref_slice %arg12[%dma_start3A_29] : memref<10000xi32, #tpu.memory_space<vmem>> -> memref<80xi32, #tpu.memory_space<vmem>>
    %dma_start3A_31 = arith.constant 0 : i32
    %dma_start3A_32 = arith.constant 0 : i32
    %dma_start3A_33 = tpu.memref_slice %arg3[%dma_start3A_31, %dma_start3A_32] : memref<10000x128xi32, #tpu.memory_space<hbm>> -> memref<10000x128xi32, #tpu.memory_space<hbm>>
    tpu.enqueue_indirect_dma source(%dma_start3A_33 : memref<10000x128xi32, #tpu.memory_space<hbm>>) target(%arg14 : memref<80x128xi32, #tpu.memory_space<vmem>>) offsets(%dma_start3A_30 : memref<80xi32, #tpu.memory_space<vmem>>) semaphore(%arg21 : memref<!tpu.dma_semaphore, #tpu.memory_space<semaphore_mem>>)
    %scan3A = arith.constant 0 : i32
    %scan3A_34 = arith.constant 0 : i32
    %scan3A_35 = arith.constant 62 : i32
    %scan3A_36 = arith.addi %scan3A_34, %scan3A_35 : i32
    %scan3A_37 = arith.constant 1 : i32
    scf.for %scan3A_231 = %scan3A_34 to %scan3A_36 step %scan3A_37  : i32 {
      %mul3A_232 = arith.constant 2 : i32
      %mul3A_233 = arith.muli %mul3A_232, %scan3A_231 : i32
      %add3A_234 = arith.constant 1 : i32
      %add3A_235 = arith.addi %mul3A_233, %add3A_234 : i32
      %mul3A_236 = arith.constant 80 : i32
      %mul3A_237 = arith.muli %add3A_235, %mul3A_236 : i32
      %dma_start3A_238 = tpu.memref_slice %arg11[%mul3A_237] : memref<10000xi32, #tpu.memory_space<vmem>> -> memref<80xi32, #tpu.memory_space<vmem>>
      %dma_start3A_239 = arith.constant 0 : i32
      %dma_start3A_240 = arith.constant 0 : i32
      %dma_start3A_241 = tpu.memref_slice %arg2[%dma_start3A_239, %dma_start3A_240] : memref<10000x128xi32, #tpu.memory_space<hbm>> -> memref<10000x128xi32, #tpu.memory_space<hbm>>
      tpu.enqueue_indirect_dma source(%dma_start3A_241 : memref<10000x128xi32, #tpu.memory_space<hbm>>) target(%arg15 : memref<80x128xi32, #tpu.memory_space<vmem>>) offsets(%dma_start3A_238 : memref<80xi32, #tpu.memory_space<vmem>>) semaphore(%arg22 : memref<!tpu.dma_semaphore, #tpu.memory_space<semaphore_mem>>)
      %dma_start3A_242 = tpu.memref_slice %arg12[%mul3A_237] : memref<10000xi32, #tpu.memory_space<vmem>> -> memref<80xi32, #tpu.memory_space<vmem>>
      %dma_start3A_243 = arith.constant 0 : i32
      %dma_start3A_244 = arith.constant 0 : i32
      %dma_start3A_245 = tpu.memref_slice %arg3[%dma_start3A_243, %dma_start3A_244] : memref<10000x128xi32, #tpu.memory_space<hbm>> -> memref<10000x128xi32, #tpu.memory_space<hbm>>
      tpu.enqueue_indirect_dma source(%dma_start3A_245 : memref<10000x128xi32, #tpu.memory_space<hbm>>) target(%arg16 : memref<80x128xi32, #tpu.memory_space<vmem>>) offsets(%dma_start3A_242 : memref<80xi32, #tpu.memory_space<vmem>>) semaphore(%arg23 : memref<!tpu.dma_semaphore, #tpu.memory_space<semaphore_mem>>)
      %dma_wait3A_246 = arith.constant 0 : i32
      %dma_wait3A_247 = tpu.memref_slice %arg11[%dma_wait3A_246] : memref<10000xi32, #tpu.memory_space<vmem>> -> memref<80xi32, #tpu.memory_space<vmem>>
      %dma_wait3A_248 = arith.constant 0 : i32
      %dma_wait3A_249 = arith.constant 0 : i32
      %dma_wait3A_250 = tpu.memref_slice %arg2[%dma_wait3A_248, %dma_wait3A_249] : memref<10000x128xi32, #tpu.memory_space<hbm>> -> memref<10000x128xi32, #tpu.memory_space<hbm>>
      tpu.wait_indirect_dma semaphore(%arg20 : memref<!tpu.dma_semaphore, #tpu.memory_space<semaphore_mem>>) src(%dma_wait3A_250 : memref<10000x128xi32, #tpu.memory_space<hbm>>) dst(%arg13 : memref<80x128xi32, #tpu.memory_space<vmem>>)
      %dma_wait3A_251 = arith.constant 0 : i32
      %dma_wait3A_252 = tpu.memref_slice %arg12[%dma_wait3A_251] : memref<10000xi32, #tpu.memory_space<vmem>> -> memref<80xi32, #tpu.memory_space<vmem>>
      %dma_wait3A_253 = arith.constant 0 : i32
      %dma_wait3A_254 = arith.constant 0 : i32
      %dma_wait3A_255 = tpu.memref_slice %arg3[%dma_wait3A_253, %dma_wait3A_254] : memref<10000x128xi32, #tpu.memory_space<hbm>> -> memref<10000x128xi32, #tpu.memory_space<hbm>>
      tpu.wait_indirect_dma semaphore(%arg21 : memref<!tpu.dma_semaphore, #tpu.memory_space<semaphore_mem>>) src(%dma_wait3A_255 : memref<10000x128xi32, #tpu.memory_space<hbm>>) dst(%arg14 : memref<80x128xi32, #tpu.memory_space<vmem>>)
      %parallel_loop3A_256 = arith.constant 0 : i32
      %parallel_loop3A_257 = arith.constant 80 : i32
      %parallel_loop3A_258 = arith.constant 1 : i32
      scf.for %parallel_loop3A_420 = %parallel_loop3A_256 to %parallel_loop3A_257 step %parallel_loop3A_258  : i32 {
        %parallel_loop3A_421 = arith.index_cast %parallel_loop3A_420 : i32 to index
        %parallel_loop3A_422 = arith.constant 0 : index
        %parallel_loop3A_423 = tpu.vector_load %arg13[%parallel_loop3A_421, %parallel_loop3A_422] {strides = array<i32>} : memref<80x128xi32, #tpu.memory_space<vmem>>, vector<16xi32>,
        %parallel_loop3A_424 = vector.bitcast %parallel_loop3A_423 : vector<16xi32> to vector<32xbf16>
        %parallel_loop3A_425 = arith.index_cast %parallel_loop3A_420 : i32 to index
        %parallel_loop3A_426 = arith.constant 0 : index
        %parallel_loop3A_427 = tpu.vector_load %arg14[%parallel_loop3A_425, %parallel_loop3A_426] {strides = array<i32>} : memref<80x128xi32, #tpu.memory_space<vmem>>, vector<16xi32>,
        %parallel_loop3A_428 = vector.bitcast %parallel_loop3A_427 : vector<16xi32> to vector<32xbf16>
        %parallel_loop3A_429 = arith.mulf %parallel_loop3A_424, %parallel_loop3A_428 : vector<32xbf16>
        %parallel_loop3A_430 = arith.index_cast %parallel_loop3A_420 : i32 to index
        %parallel_loop3A_431 = arith.constant 16 : index
        %parallel_loop3A_432 = tpu.vector_load %arg13[%parallel_loop3A_430, %parallel_loop3A_431] {strides = array<i32>} : memref<80x128xi32, #tpu.memory_space<vmem>>, vector<16xi32>,
        %parallel_loop3A_433 = vector.bitcast %parallel_loop3A_432 : vector<16xi32> to vector<32xbf16>
        %parallel_loop3A_434 = arith.index_cast %parallel_loop3A_420 : i32 to index
        %parallel_loop3A_435 = arith.constant 16 : index
        %parallel_loop3A_436 = tpu.vector_load %arg14[%parallel_loop3A_434, %parallel_loop3A_435] {strides = array<i32>} : memref<80x128xi32, #tpu.memory_space<vmem>>, vector<16xi32>,
        %parallel_loop3A_437 = vector.bitcast %parallel_loop3A_436 : vector<16xi32> to vector<32xbf16>
        %parallel_loop3A_438 = arith.mulf %parallel_loop3A_433, %parallel_loop3A_437 : vector<32xbf16>
        %parallel_loop3A_439 = arith.addf %parallel_loop3A_429, %parallel_loop3A_438 : vector<32xbf16>
        %parallel_loop3A_440 = arith.index_cast %parallel_loop3A_420 : i32 to index
        %parallel_loop3A_441 = arith.constant 32 : index
        %parallel_loop3A_442 = tpu.vector_load %arg13[%parallel_loop3A_440, %parallel_loop3A_441] {strides = array<i32>} : memref<80x128xi32, #tpu.memory_space<vmem>>, vector<16xi32>,
        %parallel_loop3A_443 = vector.bitcast %parallel_loop3A_442 : vector<16xi32> to vector<32xbf16>
        %parallel_loop3A_444 = arith.index_cast %parallel_loop3A_420 : i32 to index
        %parallel_loop3A_445 = arith.constant 32 : index
        %parallel_loop3A_446 = tpu.vector_load %arg14[%parallel_loop3A_444, %parallel_loop3A_445] {strides = array<i32>} : memref<80x128xi32, #tpu.memory_space<vmem>>, vector<16xi32>,
        %parallel_loop3A_447 = vector.bitcast %parallel_loop3A_446 : vector<16xi32> to vector<32xbf16>
        %parallel_loop3A_448 = arith.mulf %parallel_loop3A_443, %parallel_loop3A_447 : vector<32xbf16>
        %parallel_loop3A_449 = arith.addf %parallel_loop3A_439, %parallel_loop3A_448 : vector<32xbf16>
        %parallel_loop3A_450 = arith.index_cast %parallel_loop3A_420 : i32 to index
        %parallel_loop3A_451 = arith.constant 48 : index
        %parallel_loop3A_452 = tpu.vector_load %arg13[%parallel_loop3A_450, %parallel_loop3A_451] {strides = array<i32>} : memref<80x128xi32, #tpu.memory_space<vmem>>, vector<16xi32>,
        %parallel_loop3A_453 = vector.bitcast %parallel_loop3A_452 : vector<16xi32> to vector<32xbf16>
        %parallel_loop3A_454 = arith.index_cast %parallel_loop3A_420 : i32 to index
        %parallel_loop3A_455 = arith.constant 48 : index
        %parallel_loop3A_456 = tpu.vector_load %arg14[%parallel_loop3A_454, %parallel_loop3A_455] {strides = array<i32>} : memref<80x128xi32, #tpu.memory_space<vmem>>, vector<16xi32>,
        %parallel_loop3A_457 = vector.bitcast %parallel_loop3A_456 : vector<16xi32> to vector<32xbf16>
        %parallel_loop3A_458 = arith.mulf %parallel_loop3A_453, %parallel_loop3A_457 : vector<32xbf16>
        %parallel_loop3A_459 = arith.addf %parallel_loop3A_449, %parallel_loop3A_458 : vector<32xbf16>
        %parallel_loop3A_460 = arith.index_cast %parallel_loop3A_420 : i32 to index
        %parallel_loop3A_461 = arith.constant 64 : index
        %parallel_loop3A_462 = tpu.vector_load %arg13[%parallel_loop3A_460, %parallel_loop3A_461] {strides = array<i32>} : memref<80x128xi32, #tpu.memory_space<vmem>>, vector<16xi32>,
        %parallel_loop3A_463 = vector.bitcast %parallel_loop3A_462 : vector<16xi32> to vector<32xbf16>
        %parallel_loop3A_464 = arith.index_cast %parallel_loop3A_420 : i32 to index
        %parallel_loop3A_465 = arith.constant 64 : index
        %parallel_loop3A_466 = tpu.vector_load %arg14[%parallel_loop3A_464, %parallel_loop3A_465] {strides = array<i32>} : memref<80x128xi32, #tpu.memory_space<vmem>>, vector<16xi32>,
        %parallel_loop3A_467 = vector.bitcast %parallel_loop3A_466 : vector<16xi32> to vector<32xbf16>
        %parallel_loop3A_468 = arith.mulf %parallel_loop3A_463, %parallel_loop3A_467 : vector<32xbf16>
        %parallel_loop3A_469 = arith.addf %parallel_loop3A_459, %parallel_loop3A_468 : vector<32xbf16>
        %parallel_loop3A_470 = arith.index_cast %parallel_loop3A_420 : i32 to index
        %parallel_loop3A_471 = arith.constant 80 : index
        %parallel_loop3A_472 = tpu.vector_load %arg13[%parallel_loop3A_470, %parallel_loop3A_471] {strides = array<i32>} : memref<80x128xi32, #tpu.memory_space<vmem>>, vector<16xi32>,
        %parallel_loop3A_473 = vector.bitcast %parallel_loop3A_472 : vector<16xi32> to vector<32xbf16>
        %parallel_loop3A_474 = arith.index_cast %parallel_loop3A_420 : i32 to index
        %parallel_loop3A_475 = arith.constant 80 : index
        %parallel_loop3A_476 = tpu.vector_load %arg14[%parallel_loop3A_474, %parallel_loop3A_475] {strides = array<i32>} : memref<80x128xi32, #tpu.memory_space<vmem>>, vector<16xi32>,
        %parallel_loop3A_477 = vector.bitcast %parallel_loop3A_476 : vector<16xi32> to vector<32xbf16>
        %parallel_loop3A_478 = arith.mulf %parallel_loop3A_473, %parallel_loop3A_477 : vector<32xbf16>
        %parallel_loop3A_479 = arith.addf %parallel_loop3A_469, %parallel_loop3A_478 : vector<32xbf16>
        %parallel_loop3A_480 = arith.index_cast %parallel_loop3A_420 : i32 to index
        %parallel_loop3A_481 = arith.constant 96 : index
        %parallel_loop3A_482 = tpu.vector_load %arg13[%parallel_loop3A_480, %parallel_loop3A_481] {strides = array<i32>} : memref<80x128xi32, #tpu.memory_space<vmem>>, vector<16xi32>,
        %parallel_loop3A_483 = vector.bitcast %parallel_loop3A_482 : vector<16xi32> to vector<32xbf16>
        %parallel_loop3A_484 = arith.index_cast %parallel_loop3A_420 : i32 to index
        %parallel_loop3A_485 = arith.constant 96 : index
        %parallel_loop3A_486 = tpu.vector_load %arg14[%parallel_loop3A_484, %parallel_loop3A_485] {strides = array<i32>} : memref<80x128xi32, #tpu.memory_space<vmem>>, vector<16xi32>,
        %parallel_loop3A_487 = vector.bitcast %parallel_loop3A_486 : vector<16xi32> to vector<32xbf16>
        %parallel_loop3A_488 = arith.mulf %parallel_loop3A_483, %parallel_loop3A_487 : vector<32xbf16>
        %parallel_loop3A_489 = arith.addf %parallel_loop3A_479, %parallel_loop3A_488 : vector<32xbf16>
        %parallel_loop3A_490 = arith.index_cast %parallel_loop3A_420 : i32 to index
        %parallel_loop3A_491 = arith.constant 112 : index
        %parallel_loop3A_492 = tpu.vector_load %arg13[%parallel_loop3A_490, %parallel_loop3A_491] {strides = array<i32>} : memref<80x128xi32, #tpu.memory_space<vmem>>, vector<16xi32>,
        %parallel_loop3A_493 = vector.bitcast %parallel_loop3A_492 : vector<16xi32> to vector<32xbf16>
        %parallel_loop3A_494 = arith.index_cast %parallel_loop3A_420 : i32 to index
        %parallel_loop3A_495 = arith.constant 112 : index
        %parallel_loop3A_496 = tpu.vector_load %arg14[%parallel_loop3A_494, %parallel_loop3A_495] {strides = array<i32>} : memref<80x128xi32, #tpu.memory_space<vmem>>, vector<16xi32>,
        %parallel_loop3A_497 = vector.bitcast %parallel_loop3A_496 : vector<16xi32> to vector<32xbf16>
        %parallel_loop3A_498 = arith.mulf %parallel_loop3A_493, %parallel_loop3A_497 : vector<32xbf16>
        %parallel_loop3A_499 = arith.addf %parallel_loop3A_489, %parallel_loop3A_498 : vector<32xbf16>
        %parallel_loop3A_500 = vector.bitcast %parallel_loop3A_499 : vector<32xbf16> to vector<16xi32>
        %parallel_loop3A_501 = arith.constant -65536 : i32
        %parallel_loop3A_502 = vector.broadcast %parallel_loop3A_501 : i32 to vector<16xi32>
        %parallel_loop3A_503 = arith.andi %parallel_loop3A_500, %parallel_loop3A_502 : vector<16xi32>
        %parallel_loop3A_504 = vector.bitcast %parallel_loop3A_503 : vector<16xi32> to vector<16xf32>
        %parallel_loop3A_505 = arith.constant 16 : i32
        %parallel_loop3A_506 = vector.broadcast %parallel_loop3A_505 : i32 to vector<16xi32>
        %parallel_loop3A_507 = arith.shli %parallel_loop3A_500, %parallel_loop3A_506 : vector<16xi32>
        %parallel_loop3A_508 = vector.bitcast %parallel_loop3A_507 : vector<16xi32> to vector<16xf32>
        %parallel_loop3A_509 = arith.addf %parallel_loop3A_504, %parallel_loop3A_508 : vector<16xf32>
        %parallel_loop3A_510 = vector.shape_cast %xor3A_4 : vector<16xi32> to vector<16x1xi32>
        %parallel_loop3A_511 = vector.shape_cast %parallel_loop3A_510 : vector<16x1xi32> to vector<16xi32>
        %parallel_loop3A_512 = tpu.dynamic_gather %parallel_loop3A_509[%parallel_loop3A_511] in [0] : vector<16xf32>, vector<16xi32> -> vector<16xf32>
        %parallel_loop3A_513 = arith.addf %parallel_loop3A_509, %parallel_loop3A_512 : vector<16xf32>
        %parallel_loop3A_514 = vector.shape_cast %xor3A_7 : vector<16xi32> to vector<16x1xi32>
        %parallel_loop3A_515 = vector.shape_cast %parallel_loop3A_514 : vector<16x1xi32> to vector<16xi32>
        %parallel_loop3A_516 = tpu.dynamic_gather %parallel_loop3A_513[%parallel_loop3A_515] in [0] : vector<16xf32>, vector<16xi32> -> vector<16xf32>
        %parallel_loop3A_517 = arith.addf %parallel_loop3A_513, %parallel_loop3A_516 : vector<16xf32>
        %parallel_loop3A_518 = vector.shape_cast %xor3A_10 : vector<16xi32> to vector<16x1xi32>
        %parallel_loop3A_519 = vector.shape_cast %parallel_loop3A_518 : vector<16x1xi32> to vector<16xi32>
        %parallel_loop3A_520 = tpu.dynamic_gather %parallel_loop3A_517[%parallel_loop3A_519] in [0] : vector<16xf32>, vector<16xi32> -> vector<16xf32>
        %parallel_loop3A_521 = arith.addf %parallel_loop3A_517, %parallel_loop3A_520 : vector<16xf32>
        %parallel_loop3A_522 = vector.shape_cast %xor3A_13 : vector<16xi32> to vector<16x1xi32>
        %parallel_loop3A_523 = vector.shape_cast %parallel_loop3A_522 : vector<16x1xi32> to vector<16xi32>
        %parallel_loop3A_524 = tpu.dynamic_gather %parallel_loop3A_521[%parallel_loop3A_523] in [0] : vector<16xf32>, vector<16xi32> -> vector<16xf32>
        %parallel_loop3A_525 = arith.addf %parallel_loop3A_521, %parallel_loop3A_524 : vector<16xf32>
        %parallel_loop3A_526 = vector.broadcast %parallel_loop3A_420 : i32 to vector<16xi32>
        tpu.vector_store_idx %arg17[%parallel_loop3A_526], %parallel_loop3A_525 masked %eq3A_15 : memref<80xf32, #tpu.memory_space<vmem>>[vector<16xi32>], vector<16xf32>, vector<16xi1>
      } {sc.loop_unroll_factor = 4 : i64, sc.parallel_access}
      %get3A_259 = arith.constant 0 : index
      %get3A_260 = tpu.vector_load %arg18[%get3A_259] {strides = array<i32>} : memref<16xf32, #tpu.memory_space<vmem>>, vector<16xf32>,
      %get3A_261 = arith.constant 0 : index
      %get3A_262 = tpu.vector_load %arg19[%get3A_261] {strides = array<i32>} : memref<16xf32, #tpu.memory_space<vmem>>, vector<16xf32>,
      %get3A_263 = arith.constant 0 : index
      %get3A_264 = tpu.vector_load %arg17[%get3A_263] {strides = array<i32>} : memref<80xf32, #tpu.memory_space<vmem>>, vector<16xf32>,
      %mul3A_265 = arith.constant 6.250000e-02 : f32
      %mul3A_266 = vector.broadcast %mul3A_265 : f32 to vector<16xf32>
      %mul3A_267 = arith.mulf %get3A_264, %mul3A_266 : vector<16xf32>
      %max3A_268 = arith.maximumf %get3A_260, %mul3A_267 : vector<16xf32>
      %sub3A_269 = arith.subf %get3A_260, %max3A_268 : vector<16xf32>
      %exp3A_270 = math.exp %sub3A_269 : vector<16xf32>
      %mul3A_271 = arith.mulf %get3A_262, %exp3A_270 : vector<16xf32>
      %sub3A_272 = arith.subf %mul3A_267, %max3A_268 : vector<16xf32>
      %exp3A_273 = math.exp %sub3A_272 : vector<16xf32>
      %add3A_274 = arith.addf %mul3A_271, %exp3A_273 : vector<16xf32>
      %get3A_275 = arith.constant 16 : index
      %get3A_276 = tpu.vector_load %arg17[%get3A_275] {strides = array<i32>} : memref<80xf32, #tpu.memory_space<vmem>>, vector<16xf32>,
      %mul3A_277 = arith.constant 6.250000e-02 : f32
      %mul3A_278 = vector.broadcast %mul3A_277 : f32 to vector<16xf32>
      %mul3A_279 = arith.mulf %get3A_276, %mul3A_278 : vector<16xf32>
      %max3A_280 = arith.maximumf %max3A_268, %mul3A_279 : vector<16xf32>
      %sub3A_281 = arith.subf %max3A_268, %max3A_280 : vector<16xf32>
      %exp3A_282 = math.exp %sub3A_281 : vector<16xf32>
      %mul3A_283 = arith.mulf %add3A_274, %exp3A_282 : vector<16xf32>
      %sub3A_284 = arith.subf %mul3A_279, %max3A_280 : vector<16xf32>
      %exp3A_285 = math.exp %sub3A_284 : vector<16xf32>
      %add3A_286 = arith.addf %mul3A_283, %exp3A_285 : vector<16xf32>
      %get3A_287 = arith.constant 32 : index
      %get3A_288 = tpu.vector_load %arg17[%get3A_287] {strides = array<i32>} : memref<80xf32, #tpu.memory_space<vmem>>, vector<16xf32>,
      %mul3A_289 = arith.constant 6.250000e-02 : f32
      %mul3A_290 = vector.broadcast %mul3A_289 : f32 to vector<16xf32>
      %mul3A_291 = arith.mulf %get3A_288, %mul3A_290 : vector<16xf32>
      %max3A_292 = arith.maximumf %max3A_280, %mul3A_291 : vector<16xf32>
      %sub3A_293 = arith.subf %max3A_280, %max3A_292 : vector<16xf32>
      %exp3A_294 = math.exp %sub3A_293 : vector<16xf32>
      %mul3A_295 = arith.mulf %add3A_286, %exp3A_294 : vector<16xf32>
      %sub3A_296 = arith.subf %mul3A_291, %max3A_292 : vector<16xf32>
      %exp3A_297 = math.exp %sub3A_296 : vector<16xf32>
      %add3A_298 = arith.addf %mul3A_295, %exp3A_297 : vector<16xf32>
      %get3A_299 = arith.constant 48 : index
      %get3A_300 = tpu.vector_load %arg17[%get3A_299] {strides = array<i32>} : memref<80xf32, #tpu.memory_space<vmem>>, vector<16xf32>,
      %mul3A_301 = arith.constant 6.250000e-02 : f32
      %mul3A_302 = vector.broadcast %mul3A_301 : f32 to vector<16xf32>
      %mul3A_303 = arith.mulf %get3A_300, %mul3A_302 : vector<16xf32>
      %max3A_304 = arith.maximumf %max3A_292, %mul3A_303 : vector<16xf32>
      %sub3A_305 = arith.subf %max3A_292, %max3A_304 : vector<16xf32>
      %exp3A_306 = math.exp %sub3A_305 : vector<16xf32>
      %mul3A_307 = arith.mulf %add3A_298, %exp3A_306 : vector<16xf32>
      %sub3A_308 = arith.subf %mul3A_303, %max3A_304 : vector<16xf32>
      %exp3A_309 = math.exp %sub3A_308 : vector<16xf32>
      %add3A_310 = arith.addf %mul3A_307, %exp3A_309 : vector<16xf32>
      %get3A_311 = arith.constant 64 : index
      %get3A_312 = tpu.vector_load %arg17[%get3A_311] {strides = array<i32>} : memref<80xf32, #tpu.memory_space<vmem>>, vector<16xf32>,
      %mul3A_313 = arith.constant 6.250000e-02 : f32
      %mul3A_314 = vector.broadcast %mul3A_313 : f32 to vector<16xf32>
      %mul3A_315 = arith.mulf %get3A_312, %mul3A_314 : vector<16xf32>
      %max3A_316 = arith.maximumf %max3A_304, %mul3A_315 : vector<16xf32>
      %sub3A_317 = arith.subf %max3A_304, %max3A_316 : vector<16xf32>
      %exp3A_318 = math.exp %sub3A_317 : vector<16xf32>
      %mul3A_319 = arith.mulf %add3A_310, %exp3A_318 : vector<16xf32>
      %sub3A_320 = arith.subf %mul3A_315, %max3A_316 : vector<16xf32>
      %exp3A_321 = math.exp %sub3A_320 : vector<16xf32>
      %add3A_322 = arith.addf %mul3A_319, %exp3A_321 : vector<16xf32>
      %swap3A_323 = arith.constant 0 : index
      %swap3A_324 = tpu.vector_load %arg18[%swap3A_323] {strides = array<i32>} : memref<16xf32, #tpu.memory_space<vmem>>, vector<16xf32>,
      tpu.vector_store %arg18[%swap3A_323], %max3A_316 {strides = array<i32>} : memref<16xf32, #tpu.memory_space<vmem>>, vector<16xf32>,
      %swap3A_325 = arith.constant 0 : index
      %swap3A_326 = tpu.vector_load %arg19[%swap3A_325] {strides = array<i32>} : memref<16xf32, #tpu.memory_space<vmem>>, vector<16xf32>,
      tpu.vector_store %arg19[%swap3A_325], %add3A_322 {strides = array<i32>} : memref<16xf32, #tpu.memory_space<vmem>>, vector<16xf32>,
      %add3A_327 = arith.constant 2 : i32
      %add3A_328 = arith.addi %mul3A_233, %add3A_327 : i32
      %mul3A_329 = arith.constant 80 : i32
      %mul3A_330 = arith.muli %add3A_328, %mul3A_329 : i32
      %dma_start3A_331 = tpu.memref_slice %arg11[%mul3A_330] : memref<10000xi32, #tpu.memory_space<vmem>> -> memref<80xi32, #tpu.memory_space<vmem>>
      %dma_start3A_332 = arith.constant 0 : i32
      %dma_start3A_333 = arith.constant 0 : i32
      %dma_start3A_334 = tpu.memref_slice %arg2[%dma_start3A_332, %dma_start3A_333] : memref<10000x128xi32, #tpu.memory_space<hbm>> -> memref<10000x128xi32, #tpu.memory_space<hbm>>
      tpu.enqueue_indirect_dma source(%dma_start3A_334 : memref<10000x128xi32, #tpu.memory_space<hbm>>) target(%arg13 : memref<80x128xi32, #tpu.memory_space<vmem>>) offsets(%dma_start3A_331 : memref<80xi32, #tpu.memory_space<vmem>>) semaphore(%arg20 : memref<!tpu.dma_semaphore, #tpu.memory_space<semaphore_mem>>)
      %dma_start3A_335 = tpu.memref_slice %arg12[%mul3A_330] : memref<10000xi32, #tpu.memory_space<vmem>> -> memref<80xi32, #tpu.memory_space<vmem>>
      %dma_start3A_336 = arith.constant 0 : i32
      %dma_start3A_337 = arith.constant 0 : i32
      %dma_start3A_338 = tpu.memref_slice %arg3[%dma_start3A_336, %dma_start3A_337] : memref<10000x128xi32, #tpu.memory_space<hbm>> -> memref<10000x128xi32, #tpu.memory_space<hbm>>
      tpu.enqueue_indirect_dma source(%dma_start3A_338 : memref<10000x128xi32, #tpu.memory_space<hbm>>) target(%arg14 : memref<80x128xi32, #tpu.memory_space<vmem>>) offsets(%dma_start3A_335 : memref<80xi32, #tpu.memory_space<vmem>>) semaphore(%arg21 : memref<!tpu.dma_semaphore, #tpu.memory_space<semaphore_mem>>)
      %dma_wait3A_339 = arith.constant 0 : i32
      %dma_wait3A_340 = tpu.memref_slice %arg11[%dma_wait3A_339] : memref<10000xi32, #tpu.memory_space<vmem>> -> memref<80xi32, #tpu.memory_space<vmem>>
      %dma_wait3A_341 = arith.constant 0 : i32
      %dma_wait3A_342 = arith.constant 0 : i32
      %dma_wait3A_343 = tpu.memref_slice %arg2[%dma_wait3A_341, %dma_wait3A_342] : memref<10000x128xi32, #tpu.memory_space<hbm>> -> memref<10000x128xi32, #tpu.memory_space<hbm>>
      tpu.wait_indirect_dma semaphore(%arg22 : memref<!tpu.dma_semaphore, #tpu.memory_space<semaphore_mem>>) src(%dma_wait3A_343 : memref<10000x128xi32, #tpu.memory_space<hbm>>) dst(%arg15 : memref<80x128xi32, #tpu.memory_space<vmem>>)
      %dma_wait3A_344 = arith.constant 0 : i32
      %dma_wait3A_345 = tpu.memref_slice %arg12[%dma_wait3A_344] : memref<10000xi32, #tpu.memory_space<vmem>> -> memref<80xi32, #tpu.memory_space<vmem>>
      %dma_wait3A_346 = arith.constant 0 : i32
      %dma_wait3A_347 = arith.constant 0 : i32
      %dma_wait3A_348 = tpu.memref_slice %arg3[%dma_wait3A_346, %dma_wait3A_347] : memref<10000x128xi32, #tpu.memory_space<hbm>> -> memref<10000x128xi32, #tpu.memory_space<hbm>>
      tpu.wait_indirect_dma semaphore(%arg23 : memref<!tpu.dma_semaphore, #tpu.memory_space<semaphore_mem>>) src(%dma_wait3A_348 : memref<10000x128xi32, #tpu.memory_space<hbm>>) dst(%arg16 : memref<80x128xi32, #tpu.memory_space<vmem>>)
      %parallel_loop3A_349 = arith.constant 0 : i32
      %parallel_loop3A_350 = arith.constant 80 : i32
      %parallel_loop3A_351 = arith.constant 1 : i32
      scf.for %parallel_loop3A_420 = %parallel_loop3A_349 to %parallel_loop3A_350 step %parallel_loop3A_351  : i32 {
        %parallel_loop3A_421 = arith.index_cast %parallel_loop3A_420 : i32 to index
        %parallel_loop3A_422 = arith.constant 0 : index
        %parallel_loop3A_423 = tpu.vector_load %arg15[%parallel_loop3A_421, %parallel_loop3A_422] {strides = array<i32>} : memref<80x128xi32, #tpu.memory_space<vmem>>, vector<16xi32>,
        %parallel_loop3A_424 = vector.bitcast %parallel_loop3A_423 : vector<16xi32> to vector<32xbf16>
        %parallel_loop3A_425 = arith.index_cast %parallel_loop3A_420 : i32 to index
        %parallel_loop3A_426 = arith.constant 0 : index
        %parallel_loop3A_427 = tpu.vector_load %arg16[%parallel_loop3A_425, %parallel_loop3A_426] {strides = array<i32>} : memref<80x128xi32, #tpu.memory_space<vmem>>, vector<16xi32>,
        %parallel_loop3A_428 = vector.bitcast %parallel_loop3A_427 : vector<16xi32> to vector<32xbf16>
        %parallel_loop3A_429 = arith.mulf %parallel_loop3A_424, %parallel_loop3A_428 : vector<32xbf16>
        %parallel_loop3A_430 = arith.index_cast %parallel_loop3A_420 : i32 to index
        %parallel_loop3A_431 = arith.constant 16 : index
        %parallel_loop3A_432 = tpu.vector_load %arg15[%parallel_loop3A_430, %parallel_loop3A_431] {strides = array<i32>} : memref<80x128xi32, #tpu.memory_space<vmem>>, vector<16xi32>,
        %parallel_loop3A_433 = vector.bitcast %parallel_loop3A_432 : vector<16xi32> to vector<32xbf16>
        %parallel_loop3A_434 = arith.index_cast %parallel_loop3A_420 : i32 to index
        %parallel_loop3A_435 = arith.constant 16 : index
        %parallel_loop3A_436 = tpu.vector_load %arg16[%parallel_loop3A_434, %parallel_loop3A_435] {strides = array<i32>} : memref<80x128xi32, #tpu.memory_space<vmem>>, vector<16xi32>,
        %parallel_loop3A_437 = vector.bitcast %parallel_loop3A_436 : vector<16xi32> to vector<32xbf16>
        %parallel_loop3A_438 = arith.mulf %parallel_loop3A_433, %parallel_loop3A_437 : vector<32xbf16>
        %parallel_loop3A_439 = arith.addf %parallel_loop3A_429, %parallel_loop3A_438 : vector<32xbf16>
        %parallel_loop3A_440 = arith.index_cast %parallel_loop3A_420 : i32 to index
        %parallel_loop3A_441 = arith.constant 32 : index
        %parallel_loop3A_442 = tpu.vector_load %arg15[%parallel_loop3A_440, %parallel_loop3A_441] {strides = array<i32>} : memref<80x128xi32, #tpu.memory_space<vmem>>, vector<16xi32>,
        %parallel_loop3A_443 = vector.bitcast %parallel_loop3A_442 : vector<16xi32> to vector<32xbf16>
        %parallel_loop3A_444 = arith.index_cast %parallel_loop3A_420 : i32 to index
        %parallel_loop3A_445 = arith.constant 32 : index
        %parallel_loop3A_446 = tpu.vector_load %arg16[%parallel_loop3A_444, %parallel_loop3A_445] {strides = array<i32>} : memref<80x128xi32, #tpu.memory_space<vmem>>, vector<16xi32>,
        %parallel_loop3A_447 = vector.bitcast %parallel_loop3A_446 : vector<16xi32> to vector<32xbf16>
        %parallel_loop3A_448 = arith.mulf %parallel_loop3A_443, %parallel_loop3A_447 : vector<32xbf16>
        %parallel_loop3A_449 = arith.addf %parallel_loop3A_439, %parallel_loop3A_448 : vector<32xbf16>
        %parallel_loop3A_450 = arith.index_cast %parallel_loop3A_420 : i32 to index
        %parallel_loop3A_451 = arith.constant 48 : index
        %parallel_loop3A_452 = tpu.vector_load %arg15[%parallel_loop3A_450, %parallel_loop3A_451] {strides = array<i32>} : memref<80x128xi32, #tpu.memory_space<vmem>>, vector<16xi32>,
        %parallel_loop3A_453 = vector.bitcast %parallel_loop3A_452 : vector<16xi32> to vector<32xbf16>
        %parallel_loop3A_454 = arith.index_cast %parallel_loop3A_420 : i32 to index
        %parallel_loop3A_455 = arith.constant 48 : index
        %parallel_loop3A_456 = tpu.vector_load %arg16[%parallel_loop3A_454, %parallel_loop3A_455] {strides = array<i32>} : memref<80x128xi32, #tpu.memory_space<vmem>>, vector<16xi32>,
        %parallel_loop3A_457 = vector.bitcast %parallel_loop3A_456 : vector<16xi32> to vector<32xbf16>
        %parallel_loop3A_458 = arith.mulf %parallel_loop3A_453, %parallel_loop3A_457 : vector<32xbf16>
        %parallel_loop3A_459 = arith.addf %parallel_loop3A_449, %parallel_loop3A_458 : vector<32xbf16>
        %parallel_loop3A_460 = arith.index_cast %parallel_loop3A_420 : i32 to index
        %parallel_loop3A_461 = arith.constant 64 : index
        %parallel_loop3A_462 = tpu.vector_load %arg15[%parallel_loop3A_460, %parallel_loop3A_461] {strides = array<i32>} : memref<80x128xi32, #tpu.memory_space<vmem>>, vector<16xi32>,
        %parallel_loop3A_463 = vector.bitcast %parallel_loop3A_462 : vector<16xi32> to vector<32xbf16>
        %parallel_loop3A_464 = arith.index_cast %parallel_loop3A_420 : i32 to index
        %parallel_loop3A_465 = arith.constant 64 : index
        %parallel_loop3A_466 = tpu.vector_load %arg16[%parallel_loop3A_464, %parallel_loop3A_465] {strides = array<i32>} : memref<80x128xi32, #tpu.memory_space<vmem>>, vector<16xi32>,
        %parallel_loop3A_467 = vector.bitcast %parallel_loop3A_466 : vector<16xi32> to vector<32xbf16>
        %parallel_loop3A_468 = arith.mulf %parallel_loop3A_463, %parallel_loop3A_467 : vector<32xbf16>
        %parallel_loop3A_469 = arith.addf %parallel_loop3A_459, %parallel_loop3A_468 : vector<32xbf16>
        %parallel_loop3A_470 = arith.index_cast %parallel_loop3A_420 : i32 to index
        %parallel_loop3A_471 = arith.constant 80 : index
        %parallel_loop3A_472 = tpu.vector_load %arg15[%parallel_loop3A_470, %parallel_loop3A_471] {strides = array<i32>} : memref<80x128xi32, #tpu.memory_space<vmem>>, vector<16xi32>,
        %parallel_loop3A_473 = vector.bitcast %parallel_loop3A_472 : vector<16xi32> to vector<32xbf16>
        %parallel_loop3A_474 = arith.index_cast %parallel_loop3A_420 : i32 to index
        %parallel_loop3A_475 = arith.constant 80 : index
        %parallel_loop3A_476 = tpu.vector_load %arg16[%parallel_loop3A_474, %parallel_loop3A_475] {strides = array<i32>} : memref<80x128xi32, #tpu.memory_space<vmem>>, vector<16xi32>,
        %parallel_loop3A_477 = vector.bitcast %parallel_loop3A_476 : vector<16xi32> to vector<32xbf16>
        %parallel_loop3A_478 = arith.mulf %parallel_loop3A_473, %parallel_loop3A_477 : vector<32xbf16>
        %parallel_loop3A_479 = arith.addf %parallel_loop3A_469, %parallel_loop3A_478 : vector<32xbf16>
        %parallel_loop3A_480 = arith.index_cast %parallel_loop3A_420 : i32 to index
        %parallel_loop3A_481 = arith.constant 96 : index
        %parallel_loop3A_482 = tpu.vector_load %arg15[%parallel_loop3A_480, %parallel_loop3A_481] {strides = array<i32>} : memref<80x128xi32, #tpu.memory_space<vmem>>, vector<16xi32>,
        %parallel_loop3A_483 = vector.bitcast %parallel_loop3A_482 : vector<16xi32> to vector<32xbf16>
        %parallel_loop3A_484 = arith.index_cast %parallel_loop3A_420 : i32 to index
        %parallel_loop3A_485 = arith.constant 96 : index
        %parallel_loop3A_486 = tpu.vector_load %arg16[%parallel_loop3A_484, %parallel_loop3A_485] {strides = array<i32>} : memref<80x128xi32, #tpu.memory_space<vmem>>, vector<16xi32>,
        %parallel_loop3A_487 = vector.bitcast %parallel_loop3A_486 : vector<16xi32> to vector<32xbf16>
        %parallel_loop3A_488 = arith.mulf %parallel_loop3A_483, %parallel_loop3A_487 : vector<32xbf16>
        %parallel_loop3A_489 = arith.addf %parallel_loop3A_479, %parallel_loop3A_488 : vector<32xbf16>
        %parallel_loop3A_490 = arith.index_cast %parallel_loop3A_420 : i32 to index
        %parallel_loop3A_491 = arith.constant 112 : index
        %parallel_loop3A_492 = tpu.vector_load %arg15[%parallel_loop3A_490, %parallel_loop3A_491] {strides = array<i32>} : memref<80x128xi32, #tpu.memory_space<vmem>>, vector<16xi32>,
        %parallel_loop3A_493 = vector.bitcast %parallel_loop3A_492 : vector<16xi32> to vector<32xbf16>
        %parallel_loop3A_494 = arith.index_cast %parallel_loop3A_420 : i32 to index
        %parallel_loop3A_495 = arith.constant 112 : index
        %parallel_loop3A_496 = tpu.vector_load %arg16[%parallel_loop3A_494, %parallel_loop3A_495] {strides = array<i32>} : memref<80x128xi32, #tpu.memory_space<vmem>>, vector<16xi32>,
        %parallel_loop3A_497 = vector.bitcast %parallel_loop3A_496 : vector<16xi32> to vector<32xbf16>
        %parallel_loop3A_498 = arith.mulf %parallel_loop3A_493, %parallel_loop3A_497 : vector<32xbf16>
        %parallel_loop3A_499 = arith.addf %parallel_loop3A_489, %parallel_loop3A_498 : vector<32xbf16>
        %parallel_loop3A_500 = vector.bitcast %parallel_loop3A_499 : vector<32xbf16> to vector<16xi32>
        %parallel_loop3A_501 = arith.constant -65536 : i32
        %parallel_loop3A_502 = vector.broadcast %parallel_loop3A_501 : i32 to vector<16xi32>
        %parallel_loop3A_503 = arith.andi %parallel_loop3A_500, %parallel_loop3A_502 : vector<16xi32>
        %parallel_loop3A_504 = vector.bitcast %parallel_loop3A_503 : vector<16xi32> to vector<16xf32>
        %parallel_loop3A_505 = arith.constant 16 : i32
        %parallel_loop3A_506 = vector.broadcast %parallel_loop3A_505 : i32 to vector<16xi32>
        %parallel_loop3A_507 = arith.shli %parallel_loop3A_500, %parallel_loop3A_506 : vector<16xi32>
        %parallel_loop3A_508 = vector.bitcast %parallel_loop3A_507 : vector<16xi32> to vector<16xf32>
        %parallel_loop3A_509 = arith.addf %parallel_loop3A_504, %parallel_loop3A_508 : vector<16xf32>
        %parallel_loop3A_510 = vector.shape_cast %xor3A_4 : vector<16xi32> to vector<16x1xi32>
        %parallel_loop3A_511 = vector.shape_cast %parallel_loop3A_510 : vector<16x1xi32> to vector<16xi32>
        %parallel_loop3A_512 = tpu.dynamic_gather %parallel_loop3A_509[%parallel_loop3A_511] in [0] : vector<16xf32>, vector<16xi32> -> vector<16xf32>
        %parallel_loop3A_513 = arith.addf %parallel_loop3A_509, %parallel_loop3A_512 : vector<16xf32>
        %parallel_loop3A_514 = vector.shape_cast %xor3A_7 : vector<16xi32> to vector<16x1xi32>
        %parallel_loop3A_515 = vector.shape_cast %parallel_loop3A_514 : vector<16x1xi32> to vector<16xi32>
        %parallel_loop3A_516 = tpu.dynamic_gather %parallel_loop3A_513[%parallel_loop3A_515] in [0] : vector<16xf32>, vector<16xi32> -> vector<16xf32>
        %parallel_loop3A_517 = arith.addf %parallel_loop3A_513, %parallel_loop3A_516 : vector<16xf32>
        %parallel_loop3A_518 = vector.shape_cast %xor3A_10 : vector<16xi32> to vector<16x1xi32>
        %parallel_loop3A_519 = vector.shape_cast %parallel_loop3A_518 : vector<16x1xi32> to vector<16xi32>
        %parallel_loop3A_520 = tpu.dynamic_gather %parallel_loop3A_517[%parallel_loop3A_519] in [0] : vector<16xf32>, vector<16xi32> -> vector<16xf32>
        %parallel_loop3A_521 = arith.addf %parallel_loop3A_517, %parallel_loop3A_520 : vector<16xf32>
        %parallel_loop3A_522 = vector.shape_cast %xor3A_13 : vector<16xi32> to vector<16x1xi32>
        %parallel_loop3A_523 = vector.shape_cast %parallel_loop3A_522 : vector<16x1xi32> to vector<16xi32>
        %parallel_loop3A_524 = tpu.dynamic_gather %parallel_loop3A_521[%parallel_loop3A_523] in [0] : vector<16xf32>, vector<16xi32> -> vector<16xf32>
        %parallel_loop3A_525 = arith.addf %parallel_loop3A_521, %parallel_loop3A_524 : vector<16xf32>
        %parallel_loop3A_526 = vector.broadcast %parallel_loop3A_420 : i32 to vector<16xi32>
        tpu.vector_store_idx %arg17[%parallel_loop3A_526], %parallel_loop3A_525 masked %eq3A_15 : memref<80xf32, #tpu.memory_space<vmem>>[vector<16xi32>], vector<16xf32>, vector<16xi1>
      } {sc.loop_unroll_factor = 4 : i64, sc.parallel_access}
      %get3A_352 = arith.constant 0 : index
      %get3A_353 = tpu.vector_load %arg18[%get3A_352] {strides = array<i32>} : memref<16xf32, #tpu.memory_space<vmem>>, vector<16xf32>,
      %get3A_354 = arith.constant 0 : index
      %get3A_355 = tpu.vector_load %arg19[%get3A_354] {strides = array<i32>} : memref<16xf32, #tpu.memory_space<vmem>>, vector<16xf32>,
      %get3A_356 = arith.constant 0 : index
      %get3A_357 = tpu.vector_load %arg17[%get3A_356] {strides = array<i32>} : memref<80xf32, #tpu.memory_space<vmem>>, vector<16xf32>,
      %mul3A_358 = arith.constant 6.250000e-02 : f32
      %mul3A_359 = vector.broadcast %mul3A_358 : f32 to vector<16xf32>
      %mul3A_360 = arith.mulf %get3A_357, %mul3A_359 : vector<16xf32>
      %max3A_361 = arith.maximumf %get3A_353, %mul3A_360 : vector<16xf32>
      %sub3A_362 = arith.subf %get3A_353, %max3A_361 : vector<16xf32>
      %exp3A_363 = math.exp %sub3A_362 : vector<16xf32>
      %mul3A_364 = arith.mulf %get3A_355, %exp3A_363 : vector<16xf32>
      %sub3A_365 = arith.subf %mul3A_360, %max3A_361 : vector<16xf32>
      %exp3A_366 = math.exp %sub3A_365 : vector<16xf32>
      %add3A_367 = arith.addf %mul3A_364, %exp3A_366 : vector<16xf32>
      %get3A_368 = arith.constant 16 : index
      %get3A_369 = tpu.vector_load %arg17[%get3A_368] {strides = array<i32>} : memref<80xf32, #tpu.memory_space<vmem>>, vector<16xf32>,
      %mul3A_370 = arith.constant 6.250000e-02 : f32
      %mul3A_371 = vector.broadcast %mul3A_370 : f32 to vector<16xf32>
      %mul3A_372 = arith.mulf %get3A_369, %mul3A_371 : vector<16xf32>
      %max3A_373 = arith.maximumf %max3A_361, %mul3A_372 : vector<16xf32>
      %sub3A_374 = arith.subf %max3A_361, %max3A_373 : vector<16xf32>
      %exp3A_375 = math.exp %sub3A_374 : vector<16xf32>
      %mul3A_376 = arith.mulf %add3A_367, %exp3A_375 : vector<16xf32>
      %sub3A_377 = arith.subf %mul3A_372, %max3A_373 : vector<16xf32>
      %exp3A_378 = math.exp %sub3A_377 : vector<16xf32>
      %add3A_379 = arith.addf %mul3A_376, %exp3A_378 : vector<16xf32>
      %get3A_380 = arith.constant 32 : index
      %get3A_381 = tpu.vector_load %arg17[%get3A_380] {strides = array<i32>} : memref<80xf32, #tpu.memory_space<vmem>>, vector<16xf32>,
      %mul3A_382 = arith.constant 6.250000e-02 : f32
      %mul3A_383 = vector.broadcast %mul3A_382 : f32 to vector<16xf32>
      %mul3A_384 = arith.mulf %get3A_381, %mul3A_383 : vector<16xf32>
      %max3A_385 = arith.maximumf %max3A_373, %mul3A_384 : vector<16xf32>
      %sub3A_386 = arith.subf %max3A_373, %max3A_385 : vector<16xf32>
      %exp3A_387 = math.exp %sub3A_386 : vector<16xf32>
      %mul3A_388 = arith.mulf %add3A_379, %exp3A_387 : vector<16xf32>
      %sub3A_389 = arith.subf %mul3A_384, %max3A_385 : vector<16xf32>
      %exp3A_390 = math.exp %sub3A_389 : vector<16xf32>
      %add3A_391 = arith.addf %mul3A_388, %exp3A_390 : vector<16xf32>
      %get3A_392 = arith.constant 48 : index
      %get3A_393 = tpu.vector_load %arg17[%get3A_392] {strides = array<i32>} : memref<80xf32, #tpu.memory_space<vmem>>, vector<16xf32>,
      %mul3A_394 = arith.constant 6.250000e-02 : f32
      %mul3A_395 = vector.broadcast %mul3A_394 : f32 to vector<16xf32>
      %mul3A_396 = arith.mulf %get3A_393, %mul3A_395 : vector<16xf32>
      %max3A_397 = arith.maximumf %max3A_385, %mul3A_396 : vector<16xf32>
      %sub3A_398 = arith.subf %max3A_385, %max3A_397 : vector<16xf32>
      %exp3A_399 = math.exp %sub3A_398 : vector<16xf32>
      %mul3A_400 = arith.mulf %add3A_391, %exp3A_399 : vector<16xf32>
      %sub3A_401 = arith.subf %mul3A_396, %max3A_397 : vector<16xf32>
      %exp3A_402 = math.exp %sub3A_401 : vector<16xf32>
      %add3A_403 = arith.addf %mul3A_400, %exp3A_402 : vector<16xf32>
      %get3A_404 = arith.constant 64 : index
      %get3A_405 = tpu.vector_load %arg17[%get3A_404] {strides = array<i32>} : memref<80xf32, #tpu.memory_space<vmem>>, vector<16xf32>,
      %mul3A_406 = arith.constant 6.250000e-02 : f32
      %mul3A_407 = vector.broadcast %mul3A_406 : f32 to vector<16xf32>
      %mul3A_408 = arith.mulf %get3A_405, %mul3A_407 : vector<16xf32>
      %max3A_409 = arith.maximumf %max3A_397, %mul3A_408 : vector<16xf32>
      %sub3A_410 = arith.subf %max3A_397, %max3A_409 : vector<16xf32>
      %exp3A_411 = math.exp %sub3A_410 : vector<16xf32>
      %mul3A_412 = arith.mulf %add3A_403, %exp3A_411 : vector<16xf32>
      %sub3A_413 = arith.subf %mul3A_408, %max3A_409 : vector<16xf32>
      %exp3A_414 = math.exp %sub3A_413 : vector<16xf32>
      %add3A_415 = arith.addf %mul3A_412, %exp3A_414 : vector<16xf32>
      %swap3A_416 = arith.constant 0 : index
      %swap3A_417 = tpu.vector_load %arg18[%swap3A_416] {strides = array<i32>} : memref<16xf32, #tpu.memory_space<vmem>>, vector<16xf32>,
      tpu.vector_store %arg18[%swap3A_416], %max3A_409 {strides = array<i32>} : memref<16xf32, #tpu.memory_space<vmem>>, vector<16xf32>,
      %swap3A_418 = arith.constant 0 : index
      %swap3A_419 = tpu.vector_load %arg19[%swap3A_418] {strides = array<i32>} : memref<16xf32, #tpu.memory_space<vmem>>, vector<16xf32>,
      tpu.vector_store %arg19[%swap3A_418], %add3A_415 {strides = array<i32>} : memref<16xf32, #tpu.memory_space<vmem>>, vector<16xf32>,
    }
    %scan3A_38 = arith.constant 62 : i32
    %dma_wait3A_39 = arith.constant 0 : i32
    %dma_wait3A_40 = tpu.memref_slice %arg11[%dma_wait3A_39] : memref<10000xi32, #tpu.memory_space<vmem>> -> memref<80xi32, #tpu.memory_space<vmem>>
    %dma_wait3A_41 = arith.constant 0 : i32
    %dma_wait3A_42 = arith.constant 0 : i32
    %dma_wait3A_43 = tpu.memref_slice %arg2[%dma_wait3A_41, %dma_wait3A_42] : memref<10000x128xi32, #tpu.memory_space<hbm>> -> memref<10000x128xi32, #tpu.memory_space<hbm>>
    tpu.wait_indirect_dma semaphore(%arg20 : memref<!tpu.dma_semaphore, #tpu.memory_space<semaphore_mem>>) src(%dma_wait3A_43 : memref<10000x128xi32, #tpu.memory_space<hbm>>) dst(%arg13 : memref<80x128xi32, #tpu.memory_space<vmem>>)
    %dma_wait3A_44 = arith.constant 0 : i32
    %dma_wait3A_45 = tpu.memref_slice %arg12[%dma_wait3A_44] : memref<10000xi32, #tpu.memory_space<vmem>> -> memref<80xi32, #tpu.memory_space<vmem>>
    %dma_wait3A_46 = arith.constant 0 : i32
    %dma_wait3A_47 = arith.constant 0 : i32
    %dma_wait3A_48 = tpu.memref_slice %arg3[%dma_wait3A_46, %dma_wait3A_47] : memref<10000x128xi32, #tpu.memory_space<hbm>> -> memref<10000x128xi32, #tpu.memory_space<hbm>>
    tpu.wait_indirect_dma semaphore(%arg21 : memref<!tpu.dma_semaphore, #tpu.memory_space<semaphore_mem>>) src(%dma_wait3A_48 : memref<10000x128xi32, #tpu.memory_space<hbm>>) dst(%arg14 : memref<80x128xi32, #tpu.memory_space<vmem>>)
    %parallel_loop3A = arith.constant 0 : i32
    %parallel_loop3A_49 = arith.constant 80 : i32
    %parallel_loop3A_50 = arith.constant 1 : i32
    scf.for %parallel_loop3A_231 = %parallel_loop3A to %parallel_loop3A_49 step %parallel_loop3A_50  : i32 {
      %parallel_loop3A_232 = arith.index_cast %parallel_loop3A_231 : i32 to index
      %parallel_loop3A_233 = arith.constant 0 : index
      %parallel_loop3A_234 = tpu.vector_load %arg13[%parallel_loop3A_232, %parallel_loop3A_233] {strides = array<i32>} : memref<80x128xi32, #tpu.memory_space<vmem>>, vector<16xi32>,
      %parallel_loop3A_235 = vector.bitcast %parallel_loop3A_234 : vector<16xi32> to vector<32xbf16>
      %parallel_loop3A_236 = arith.index_cast %parallel_loop3A_231 : i32 to index
      %parallel_loop3A_237 = arith.constant 0 : index
      %parallel_loop3A_238 = tpu.vector_load %arg14[%parallel_loop3A_236, %parallel_loop3A_237] {strides = array<i32>} : memref<80x128xi32, #tpu.memory_space<vmem>>, vector<16xi32>,
      %parallel_loop3A_239 = vector.bitcast %parallel_loop3A_238 : vector<16xi32> to vector<32xbf16>
      %parallel_loop3A_240 = arith.mulf %parallel_loop3A_235, %parallel_loop3A_239 : vector<32xbf16>
      %parallel_loop3A_241 = arith.index_cast %parallel_loop3A_231 : i32 to index
      %parallel_loop3A_242 = arith.constant 16 : index
      %parallel_loop3A_243 = tpu.vector_load %arg13[%parallel_loop3A_241, %parallel_loop3A_242] {strides = array<i32>} : memref<80x128xi32, #tpu.memory_space<vmem>>, vector<16xi32>,
      %parallel_loop3A_244 = vector.bitcast %parallel_loop3A_243 : vector<16xi32> to vector<32xbf16>
      %parallel_loop3A_245 = arith.index_cast %parallel_loop3A_231 : i32 to index
      %parallel_loop3A_246 = arith.constant 16 : index
      %parallel_loop3A_247 = tpu.vector_load %arg14[%parallel_loop3A_245, %parallel_loop3A_246] {strides = array<i32>} : memref<80x128xi32, #tpu.memory_space<vmem>>, vector<16xi32>,
      %parallel_loop3A_248 = vector.bitcast %parallel_loop3A_247 : vector<16xi32> to vector<32xbf16>
      %parallel_loop3A_249 = arith.mulf %parallel_loop3A_244, %parallel_loop3A_248 : vector<32xbf16>
      %parallel_loop3A_250 = arith.addf %parallel_loop3A_240, %parallel_loop3A_249 : vector<32xbf16>
      %parallel_loop3A_251 = arith.index_cast %parallel_loop3A_231 : i32 to index
      %parallel_loop3A_252 = arith.constant 32 : index
      %parallel_loop3A_253 = tpu.vector_load %arg13[%parallel_loop3A_251, %parallel_loop3A_252] {strides = array<i32>} : memref<80x128xi32, #tpu.memory_space<vmem>>, vector<16xi32>,
      %parallel_loop3A_254 = vector.bitcast %parallel_loop3A_253 : vector<16xi32> to vector<32xbf16>
      %parallel_loop3A_255 = arith.index_cast %parallel_loop3A_231 : i32 to index
      %parallel_loop3A_256 = arith.constant 32 : index
      %parallel_loop3A_257 = tpu.vector_load %arg14[%parallel_loop3A_255, %parallel_loop3A_256] {strides = array<i32>} : memref<80x128xi32, #tpu.memory_space<vmem>>, vector<16xi32>,
      %parallel_loop3A_258 = vector.bitcast %parallel_loop3A_257 : vector<16xi32> to vector<32xbf16>
      %parallel_loop3A_259 = arith.mulf %parallel_loop3A_254, %parallel_loop3A_258 : vector<32xbf16>
      %parallel_loop3A_260 = arith.addf %parallel_loop3A_250, %parallel_loop3A_259 : vector<32xbf16>
      %parallel_loop3A_261 = arith.index_cast %parallel_loop3A_231 : i32 to index
      %parallel_loop3A_262 = arith.constant 48 : index
      %parallel_loop3A_263 = tpu.vector_load %arg13[%parallel_loop3A_261, %parallel_loop3A_262] {strides = array<i32>} : memref<80x128xi32, #tpu.memory_space<vmem>>, vector<16xi32>,
      %parallel_loop3A_264 = vector.bitcast %parallel_loop3A_263 : vector<16xi32> to vector<32xbf16>
      %parallel_loop3A_265 = arith.index_cast %parallel_loop3A_231 : i32 to index
      %parallel_loop3A_266 = arith.constant 48 : index
      %parallel_loop3A_267 = tpu.vector_load %arg14[%parallel_loop3A_265, %parallel_loop3A_266] {strides = array<i32>} : memref<80x128xi32, #tpu.memory_space<vmem>>, vector<16xi32>,
      %parallel_loop3A_268 = vector.bitcast %parallel_loop3A_267 : vector<16xi32> to vector<32xbf16>
      %parallel_loop3A_269 = arith.mulf %parallel_loop3A_264, %parallel_loop3A_268 : vector<32xbf16>
      %parallel_loop3A_270 = arith.addf %parallel_loop3A_260, %parallel_loop3A_269 : vector<32xbf16>
      %parallel_loop3A_271 = arith.index_cast %parallel_loop3A_231 : i32 to index
      %parallel_loop3A_272 = arith.constant 64 : index
      %parallel_loop3A_273 = tpu.vector_load %arg13[%parallel_loop3A_271, %parallel_loop3A_272] {strides = array<i32>} : memref<80x128xi32, #tpu.memory_space<vmem>>, vector<16xi32>,
      %parallel_loop3A_274 = vector.bitcast %parallel_loop3A_273 : vector<16xi32> to vector<32xbf16>
      %parallel_loop3A_275 = arith.index_cast %parallel_loop3A_231 : i32 to index
      %parallel_loop3A_276 = arith.constant 64 : index
      %parallel_loop3A_277 = tpu.vector_load %arg14[%parallel_loop3A_275, %parallel_loop3A_276] {strides = array<i32>} : memref<80x128xi32, #tpu.memory_space<vmem>>, vector<16xi32>,
      %parallel_loop3A_278 = vector.bitcast %parallel_loop3A_277 : vector<16xi32> to vector<32xbf16>
      %parallel_loop3A_279 = arith.mulf %parallel_loop3A_274, %parallel_loop3A_278 : vector<32xbf16>
      %parallel_loop3A_280 = arith.addf %parallel_loop3A_270, %parallel_loop3A_279 : vector<32xbf16>
      %parallel_loop3A_281 = arith.index_cast %parallel_loop3A_231 : i32 to index
      %parallel_loop3A_282 = arith.constant 80 : index
      %parallel_loop3A_283 = tpu.vector_load %arg13[%parallel_loop3A_281, %parallel_loop3A_282] {strides = array<i32>} : memref<80x128xi32, #tpu.memory_space<vmem>>, vector<16xi32>,
      %parallel_loop3A_284 = vector.bitcast %parallel_loop3A_283 : vector<16xi32> to vector<32xbf16>
      %parallel_loop3A_285 = arith.index_cast %parallel_loop3A_231 : i32 to index
      %parallel_loop3A_286 = arith.constant 80 : index
      %parallel_loop3A_287 = tpu.vector_load %arg14[%parallel_loop3A_285, %parallel_loop3A_286] {strides = array<i32>} : memref<80x128xi32, #tpu.memory_space<vmem>>, vector<16xi32>,
      %parallel_loop3A_288 = vector.bitcast %parallel_loop3A_287 : vector<16xi32> to vector<32xbf16>
      %parallel_loop3A_289 = arith.mulf %parallel_loop3A_284, %parallel_loop3A_288 : vector<32xbf16>
      %parallel_loop3A_290 = arith.addf %parallel_loop3A_280, %parallel_loop3A_289 : vector<32xbf16>
      %parallel_loop3A_291 = arith.index_cast %parallel_loop3A_231 : i32 to index
      %parallel_loop3A_292 = arith.constant 96 : index
      %parallel_loop3A_293 = tpu.vector_load %arg13[%parallel_loop3A_291, %parallel_loop3A_292] {strides = array<i32>} : memref<80x128xi32, #tpu.memory_space<vmem>>, vector<16xi32>,
      %parallel_loop3A_294 = vector.bitcast %parallel_loop3A_293 : vector<16xi32> to vector<32xbf16>
      %parallel_loop3A_295 = arith.index_cast %parallel_loop3A_231 : i32 to index
      %parallel_loop3A_296 = arith.constant 96 : index
      %parallel_loop3A_297 = tpu.vector_load %arg14[%parallel_loop3A_295, %parallel_loop3A_296] {strides = array<i32>} : memref<80x128xi32, #tpu.memory_space<vmem>>, vector<16xi32>,
      %parallel_loop3A_298 = vector.bitcast %parallel_loop3A_297 : vector<16xi32> to vector<32xbf16>
      %parallel_loop3A_299 = arith.mulf %parallel_loop3A_294, %parallel_loop3A_298 : vector<32xbf16>
      %parallel_loop3A_300 = arith.addf %parallel_loop3A_290, %parallel_loop3A_299 : vector<32xbf16>
      %parallel_loop3A_301 = arith.index_cast %parallel_loop3A_231 : i32 to index
      %parallel_loop3A_302 = arith.constant 112 : index
      %parallel_loop3A_303 = tpu.vector_load %arg13[%parallel_loop3A_301, %parallel_loop3A_302] {strides = array<i32>} : memref<80x128xi32, #tpu.memory_space<vmem>>, vector<16xi32>,
      %parallel_loop3A_304 = vector.bitcast %parallel_loop3A_303 : vector<16xi32> to vector<32xbf16>
      %parallel_loop3A_305 = arith.index_cast %parallel_loop3A_231 : i32 to index
      %parallel_loop3A_306 = arith.constant 112 : index
      %parallel_loop3A_307 = tpu.vector_load %arg14[%parallel_loop3A_305, %parallel_loop3A_306] {strides = array<i32>} : memref<80x128xi32, #tpu.memory_space<vmem>>, vector<16xi32>,
      %parallel_loop3A_308 = vector.bitcast %parallel_loop3A_307 : vector<16xi32> to vector<32xbf16>
      %parallel_loop3A_309 = arith.mulf %parallel_loop3A_304, %parallel_loop3A_308 : vector<32xbf16>
      %parallel_loop3A_310 = arith.addf %parallel_loop3A_300, %parallel_loop3A_309 : vector<32xbf16>
      %parallel_loop3A_311 = vector.bitcast %parallel_loop3A_310 : vector<32xbf16> to vector<16xi32>
      %parallel_loop3A_312 = arith.constant -65536 : i32
      %parallel_loop3A_313 = vector.broadcast %parallel_loop3A_312 : i32 to vector<16xi32>
      %parallel_loop3A_314 = arith.andi %parallel_loop3A_311, %parallel_loop3A_313 : vector<16xi32>
      %parallel_loop3A_315 = vector.bitcast %parallel_loop3A_314 : vector<16xi32> to vector<16xf32>
      %parallel_loop3A_316 = arith.constant 16 : i32
      %parallel_loop3A_317 = vector.broadcast %parallel_loop3A_316 : i32 to vector<16xi32>
      %parallel_loop3A_318 = arith.shli %parallel_loop3A_311, %parallel_loop3A_317 : vector<16xi32>
      %parallel_loop3A_319 = vector.bitcast %parallel_loop3A_318 : vector<16xi32> to vector<16xf32>
      %parallel_loop3A_320 = arith.addf %parallel_loop3A_315, %parallel_loop3A_319 : vector<16xf32>
      %parallel_loop3A_321 = vector.shape_cast %xor3A_4 : vector<16xi32> to vector<16x1xi32>
      %parallel_loop3A_322 = vector.shape_cast %parallel_loop3A_321 : vector<16x1xi32> to vector<16xi32>
      %parallel_loop3A_323 = tpu.dynamic_gather %parallel_loop3A_320[%parallel_loop3A_322] in [0] : vector<16xf32>, vector<16xi32> -> vector<16xf32>
      %parallel_loop3A_324 = arith.addf %parallel_loop3A_320, %parallel_loop3A_323 : vector<16xf32>
      %parallel_loop3A_325 = vector.shape_cast %xor3A_7 : vector<16xi32> to vector<16x1xi32>
      %parallel_loop3A_326 = vector.shape_cast %parallel_loop3A_325 : vector<16x1xi32> to vector<16xi32>
      %parallel_loop3A_327 = tpu.dynamic_gather %parallel_loop3A_324[%parallel_loop3A_326] in [0] : vector<16xf32>, vector<16xi32> -> vector<16xf32>
      %parallel_loop3A_328 = arith.addf %parallel_loop3A_324, %parallel_loop3A_327 : vector<16xf32>
      %parallel_loop3A_329 = vector.shape_cast %xor3A_10 : vector<16xi32> to vector<16x1xi32>
      %parallel_loop3A_330 = vector.shape_cast %parallel_loop3A_329 : vector<16x1xi32> to vector<16xi32>
      %parallel_loop3A_331 = tpu.dynamic_gather %parallel_loop3A_328[%parallel_loop3A_330] in [0] : vector<16xf32>, vector<16xi32> -> vector<16xf32>
      %parallel_loop3A_332 = arith.addf %parallel_loop3A_328, %parallel_loop3A_331 : vector<16xf32>
      %parallel_loop3A_333 = vector.shape_cast %xor3A_13 : vector<16xi32> to vector<16x1xi32>
      %parallel_loop3A_334 = vector.shape_cast %parallel_loop3A_333 : vector<16x1xi32> to vector<16xi32>
      %parallel_loop3A_335 = tpu.dynamic_gather %parallel_loop3A_332[%parallel_loop3A_334] in [0] : vector<16xf32>, vector<16xi32> -> vector<16xf32>
      %parallel_loop3A_336 = arith.addf %parallel_loop3A_332, %parallel_loop3A_335 : vector<16xf32>
      %parallel_loop3A_337 = vector.broadcast %parallel_loop3A_231 : i32 to vector<16xi32>
      tpu.vector_store_idx %arg17[%parallel_loop3A_337], %parallel_loop3A_336 masked %eq3A_15 : memref<80xf32, #tpu.memory_space<vmem>>[vector<16xi32>], vector<16xf32>, vector<16xi1>
    } {sc.loop_unroll_factor = 4 : i64, sc.parallel_access}
    %get3A = arith.constant 0 : index
    %get3A_51 = tpu.vector_load %arg18[%get3A] {strides = array<i32>} : memref<16xf32, #tpu.memory_space<vmem>>, vector<16xf32>,
    %get3A_52 = arith.constant 0 : index
    %get3A_53 = tpu.vector_load %arg19[%get3A_52] {strides = array<i32>} : memref<16xf32, #tpu.memory_space<vmem>>, vector<16xf32>,
    %get3A_54 = arith.constant 0 : index
    %get3A_55 = tpu.vector_load %arg17[%get3A_54] {strides = array<i32>} : memref<80xf32, #tpu.memory_space<vmem>>, vector<16xf32>,
    %mul3A_56 = arith.constant 6.250000e-02 : f32
    %mul3A_57 = vector.broadcast %mul3A_56 : f32 to vector<16xf32>
    %mul3A_58 = arith.mulf %get3A_55, %mul3A_57 : vector<16xf32>
    %max3A = arith.maximumf %get3A_51, %mul3A_58 : vector<16xf32>
    %sub3A = arith.subf %get3A_51, %max3A : vector<16xf32>
    %exp3A = math.exp %sub3A : vector<16xf32>
    %mul3A_59 = arith.mulf %get3A_53, %exp3A : vector<16xf32>
    %sub3A_60 = arith.subf %mul3A_58, %max3A : vector<16xf32>
    %exp3A_61 = math.exp %sub3A_60 : vector<16xf32>
    %add3A_62 = arith.addf %mul3A_59, %exp3A_61 : vector<16xf32>
    %get3A_63 = arith.constant 16 : index
    %get3A_64 = tpu.vector_load %arg17[%get3A_63] {strides = array<i32>} : memref<80xf32, #tpu.memory_space<vmem>>, vector<16xf32>,
    %mul3A_65 = arith.constant 6.250000e-02 : f32
    %mul3A_66 = vector.broadcast %mul3A_65 : f32 to vector<16xf32>
    %mul3A_67 = arith.mulf %get3A_64, %mul3A_66 : vector<16xf32>
    %max3A_68 = arith.maximumf %max3A, %mul3A_67 : vector<16xf32>
    %sub3A_69 = arith.subf %max3A, %max3A_68 : vector<16xf32>
    %exp3A_70 = math.exp %sub3A_69 : vector<16xf32>
    %mul3A_71 = arith.mulf %add3A_62, %exp3A_70 : vector<16xf32>
    %sub3A_72 = arith.subf %mul3A_67, %max3A_68 : vector<16xf32>
    %exp3A_73 = math.exp %sub3A_72 : vector<16xf32>
    %add3A_74 = arith.addf %mul3A_71, %exp3A_73 : vector<16xf32>
    %get3A_75 = arith.constant 32 : index
    %get3A_76 = tpu.vector_load %arg17[%get3A_75] {strides = array<i32>} : memref<80xf32, #tpu.memory_space<vmem>>, vector<16xf32>,
    %mul3A_77 = arith.constant 6.250000e-02 : f32
    %mul3A_78 = vector.broadcast %mul3A_77 : f32 to vector<16xf32>
    %mul3A_79 = arith.mulf %get3A_76, %mul3A_78 : vector<16xf32>
    %max3A_80 = arith.maximumf %max3A_68, %mul3A_79 : vector<16xf32>
    %sub3A_81 = arith.subf %max3A_68, %max3A_80 : vector<16xf32>
    %exp3A_82 = math.exp %sub3A_81 : vector<16xf32>
    %mul3A_83 = arith.mulf %add3A_74, %exp3A_82 : vector<16xf32>
    %sub3A_84 = arith.subf %mul3A_79, %max3A_80 : vector<16xf32>
    %exp3A_85 = math.exp %sub3A_84 : vector<16xf32>
    %add3A_86 = arith.addf %mul3A_83, %exp3A_85 : vector<16xf32>
    %get3A_87 = arith.constant 48 : index
    %get3A_88 = tpu.vector_load %arg17[%get3A_87] {strides = array<i32>} : memref<80xf32, #tpu.memory_space<vmem>>, vector<16xf32>,
    %mul3A_89 = arith.constant 6.250000e-02 : f32
    %mul3A_90 = vector.broadcast %mul3A_89 : f32 to vector<16xf32>
    %mul3A_91 = arith.mulf %get3A_88, %mul3A_90 : vector<16xf32>
    %max3A_92 = arith.maximumf %max3A_80, %mul3A_91 : vector<16xf32>
    %sub3A_93 = arith.subf %max3A_80, %max3A_92 : vector<16xf32>
    %exp3A_94 = math.exp %sub3A_93 : vector<16xf32>
    %mul3A_95 = arith.mulf %add3A_86, %exp3A_94 : vector<16xf32>
    %sub3A_96 = arith.subf %mul3A_91, %max3A_92 : vector<16xf32>
    %exp3A_97 = math.exp %sub3A_96 : vector<16xf32>
    %add3A_98 = arith.addf %mul3A_95, %exp3A_97 : vector<16xf32>
    %get3A_99 = arith.constant 64 : index
    %get3A_100 = tpu.vector_load %arg17[%get3A_99] {strides = array<i32>} : memref<80xf32, #tpu.memory_space<vmem>>, vector<16xf32>,
    %mul3A_101 = arith.constant 6.250000e-02 : f32
    %mul3A_102 = vector.broadcast %mul3A_101 : f32 to vector<16xf32>
    %mul3A_103 = arith.mulf %get3A_100, %mul3A_102 : vector<16xf32>
    %max3A_104 = arith.maximumf %max3A_92, %mul3A_103 : vector<16xf32>
    %sub3A_105 = arith.subf %max3A_92, %max3A_104 : vector<16xf32>
    %exp3A_106 = math.exp %sub3A_105 : vector<16xf32>
    %mul3A_107 = arith.mulf %add3A_98, %exp3A_106 : vector<16xf32>
    %sub3A_108 = arith.subf %mul3A_103, %max3A_104 : vector<16xf32>
    %exp3A_109 = math.exp %sub3A_108 : vector<16xf32>
    %add3A_110 = arith.addf %mul3A_107, %exp3A_109 : vector<16xf32>
    %swap3A_111 = arith.constant 0 : index
    %swap3A_112 = tpu.vector_load %arg18[%swap3A_111] {strides = array<i32>} : memref<16xf32, #tpu.memory_space<vmem>>, vector<16xf32>,
    tpu.vector_store %arg18[%swap3A_111], %max3A_104 {strides = array<i32>} : memref<16xf32, #tpu.memory_space<vmem>>, vector<16xf32>,
    %swap3A_113 = arith.constant 0 : index
    %swap3A_114 = tpu.vector_load %arg19[%swap3A_113] {strides = array<i32>} : memref<16xf32, #tpu.memory_space<vmem>>, vector<16xf32>,
    tpu.vector_store %arg19[%swap3A_113], %add3A_110 {strides = array<i32>} : memref<16xf32, #tpu.memory_space<vmem>>, vector<16xf32>,
    %run_scoped3A = arith.constant 0 : i32
    %run_scoped3A_115 = arith.constant 0 : i32
    "tpu.region"() ({
      %run_scoped3A_231 = tpu.sem_alloc : memref<!tpu.dma_semaphore, #tpu.memory_space<semaphore_mem>>
      %dma_start3A_232 = arith.constant 0 : i32
      %dma_start3A_233 = tpu.memref_slice %arg10[%run_scoped3A, %run_scoped3A_115, %add3A, %dma_start3A_232] : memref<2x2x32x16xf32, #tpu.memory_space<hbm>> -> memref<1x1x1x16xf32, #tpu.memory_space<hbm>>
      %dma_start3A_234 = tpu.memref_squeeze %dma_start3A_233 : memref<1x1x1x16xf32, #tpu.memory_space<hbm>> -> memref<16xf32, #tpu.memory_space<hbm>>
      %dma_start3A_235 = arith.constant 0 : i32
      %dma_start3A_236 = tpu.memref_slice %arg10[%run_scoped3A, %run_scoped3A_115, %add3A, %dma_start3A_235] : memref<2x2x32x16xf32, #tpu.memory_space<hbm>> -> memref<1x1x1x16xf32, #tpu.memory_space<hbm>>
      %dma_start3A_237 = tpu.memref_squeeze %dma_start3A_236 : memref<1x1x1x16xf32, #tpu.memory_space<hbm>> -> memref<16xf32, #tpu.memory_space<hbm>>
      tpu.enqueue_dma source(%arg18 : memref<16xf32, #tpu.memory_space<vmem>>) target(%dma_start3A_237 : memref<16xf32, #tpu.memory_space<hbm>>) target_semaphore(%run_scoped3A_231 : memref<!tpu.dma_semaphore, #tpu.memory_space<semaphore_mem>>)
      %dma_wait3A_238 = arith.constant 0 : i32
      %dma_wait3A_239 = tpu.memref_slice %arg10[%run_scoped3A, %run_scoped3A_115, %add3A, %dma_wait3A_238] : memref<2x2x32x16xf32, #tpu.memory_space<hbm>> -> memref<1x1x1x16xf32, #tpu.memory_space<hbm>>
      %dma_wait3A_240 = tpu.memref_squeeze %dma_wait3A_239 : memref<1x1x1x16xf32, #tpu.memory_space<hbm>> -> memref<16xf32, #tpu.memory_space<hbm>>
      %dma_wait3A_241 = arith.constant 0 : i32
      %dma_wait3A_242 = tpu.memref_slice %arg10[%run_scoped3A, %run_scoped3A_115, %add3A, %dma_wait3A_241] : memref<2x2x32x16xf32, #tpu.memory_space<hbm>> -> memref<1x1x1x16xf32, #tpu.memory_space<hbm>>
      %dma_wait3A_243 = tpu.memref_squeeze %dma_wait3A_242 : memref<1x1x1x16xf32, #tpu.memory_space<hbm>> -> memref<16xf32, #tpu.memory_space<hbm>>
      tpu.wait_dma2 semaphore(%run_scoped3A_231 : memref<!tpu.dma_semaphore, #tpu.memory_space<semaphore_mem>>) src(%arg18 : memref<16xf32, #tpu.memory_space<vmem>>) dst(%dma_wait3A_243 : memref<16xf32, #tpu.memory_space<hbm>>)
      tpu.yield
    }) : () -> ()
    %run_scoped3A_116 = arith.constant 1 : i32
    %run_scoped3A_117 = arith.constant 0 : i32
    "tpu.region"() ({
      %run_scoped3A_231 = tpu.sem_alloc : memref<!tpu.dma_semaphore, #tpu.memory_space<semaphore_mem>>
      %dma_start3A_232 = arith.constant 0 : i32
      %dma_start3A_233 = tpu.memref_slice %arg10[%run_scoped3A_116, %run_scoped3A_117, %add3A, %dma_start3A_232] : memref<2x2x32x16xf32, #tpu.memory_space<hbm>> -> memref<1x1x1x16xf32, #tpu.memory_space<hbm>>
      %dma_start3A_234 = tpu.memref_squeeze %dma_start3A_233 : memref<1x1x1x16xf32, #tpu.memory_space<hbm>> -> memref<16xf32, #tpu.memory_space<hbm>>
      %dma_start3A_235 = arith.constant 0 : i32
      %dma_start3A_236 = tpu.memref_slice %arg10[%run_scoped3A_116, %run_scoped3A_117, %add3A, %dma_start3A_235] : memref<2x2x32x16xf32, #tpu.memory_space<hbm>> -> memref<1x1x1x16xf32, #tpu.memory_space<hbm>>
      %dma_start3A_237 = tpu.memref_squeeze %dma_start3A_236 : memref<1x1x1x16xf32, #tpu.memory_space<hbm>> -> memref<16xf32, #tpu.memory_space<hbm>>
      tpu.enqueue_dma source(%arg19 : memref<16xf32, #tpu.memory_space<vmem>>) target(%dma_start3A_237 : memref<16xf32, #tpu.memory_space<hbm>>) target_semaphore(%run_scoped3A_231 : memref<!tpu.dma_semaphore, #tpu.memory_space<semaphore_mem>>)
      %dma_wait3A_238 = arith.constant 0 : i32
      %dma_wait3A_239 = tpu.memref_slice %arg10[%run_scoped3A_116, %run_scoped3A_117, %add3A, %dma_wait3A_238] : memref<2x2x32x16xf32, #tpu.memory_space<hbm>> -> memref<1x1x1x16xf32, #tpu.memory_space<hbm>>
      %dma_wait3A_240 = tpu.memref_squeeze %dma_wait3A_239 : memref<1x1x1x16xf32, #tpu.memory_space<hbm>> -> memref<16xf32, #tpu.memory_space<hbm>>
      %dma_wait3A_241 = arith.constant 0 : i32
      %dma_wait3A_242 = tpu.memref_slice %arg10[%run_scoped3A_116, %run_scoped3A_117, %add3A, %dma_wait3A_241] : memref<2x2x32x16xf32, #tpu.memory_space<hbm>> -> memref<1x1x1x16xf32, #tpu.memory_space<hbm>>
      %dma_wait3A_243 = tpu.memref_squeeze %dma_wait3A_242 : memref<1x1x1x16xf32, #tpu.memory_space<hbm>> -> memref<16xf32, #tpu.memory_space<hbm>>
      tpu.wait_dma2 semaphore(%run_scoped3A_231 : memref<!tpu.dma_semaphore, #tpu.memory_space<semaphore_mem>>) src(%arg19 : memref<16xf32, #tpu.memory_space<vmem>>) dst(%dma_wait3A_243 : memref<16xf32, #tpu.memory_space<hbm>>)
      tpu.yield
    }) : () -> ()
    %dma_start3A_118 = tpu.memref_slice %arg8[%mul3A_2] : memref<320000xi32, #tpu.memory_space<hbm>> -> memref<10000xi32, #tpu.memory_space<hbm>>
    %dma_start3A_119 = tpu.memref_slice %arg8[%mul3A_2] : memref<320000xi32, #tpu.memory_space<hbm>> -> memref<10000xi32, #tpu.memory_space<hbm>>
    tpu.enqueue_dma source(%dma_start3A_119 : memref<10000xi32, #tpu.memory_space<hbm>>) target(%arg11 : memref<10000xi32, #tpu.memory_space<vmem>>) target_semaphore(%arg20 : memref<!tpu.dma_semaphore, #tpu.memory_space<semaphore_mem>>)
    "tpu.region"() ({
      %run_scoped3A_231 = tpu.sem_alloc : memref<!tpu.dma_semaphore, #tpu.memory_space<semaphore_mem>>
      %dma_start3A_232 = tpu.memref_slice %arg9[%mul3A_2] : memref<320000xi32, #tpu.memory_space<hbm>> -> memref<10000xi32, #tpu.memory_space<hbm>>
      %dma_start3A_233 = tpu.memref_slice %arg9[%mul3A_2] : memref<320000xi32, #tpu.memory_space<hbm>> -> memref<10000xi32, #tpu.memory_space<hbm>>
      tpu.enqueue_dma source(%dma_start3A_233 : memref<10000xi32, #tpu.memory_space<hbm>>) target(%arg12 : memref<10000xi32, #tpu.memory_space<vmem>>) target_semaphore(%run_scoped3A_231 : memref<!tpu.dma_semaphore, #tpu.memory_space<semaphore_mem>>)
      %dma_wait3A_234 = tpu.memref_slice %arg9[%mul3A_2] : memref<320000xi32, #tpu.memory_space<hbm>> -> memref<10000xi32, #tpu.memory_space<hbm>>
      %dma_wait3A_235 = tpu.memref_slice %arg9[%mul3A_2] : memref<320000xi32, #tpu.memory_space<hbm>> -> memref<10000xi32, #tpu.memory_space<hbm>>
      tpu.wait_dma2 semaphore(%run_scoped3A_231 : memref<!tpu.dma_semaphore, #tpu.memory_space<semaphore_mem>>) src(%dma_wait3A_235 : memref<10000xi32, #tpu.memory_space<hbm>>) dst(%arg12 : memref<10000xi32, #tpu.memory_space<vmem>>)
      tpu.yield
    }) : () -> ()
    %dma_wait3A_120 = tpu.memref_slice %arg8[%mul3A_2] : memref<320000xi32, #tpu.memory_space<hbm>> -> memref<10000xi32, #tpu.memory_space<hbm>>
    %dma_wait3A_121 = tpu.memref_slice %arg8[%mul3A_2] : memref<320000xi32, #tpu.memory_space<hbm>> -> memref<10000xi32, #tpu.memory_space<hbm>>
    tpu.wait_dma2 semaphore(%arg20 : memref<!tpu.dma_semaphore, #tpu.memory_space<semaphore_mem>>) src(%dma_wait3A_121 : memref<10000xi32, #tpu.memory_space<hbm>>) dst(%arg11 : memref<10000xi32, #tpu.memory_space<vmem>>)
    %broadcast_in_dim3A_122 = arith.constant -1.000000e+30 : f32
    %broadcast_in_dim3A_123 = vector.broadcast %broadcast_in_dim3A_122 : f32 to vector<16xf32>
    %swap3A_124 = arith.constant 0 : index
    %swap3A_125 = tpu.vector_load %arg18[%swap3A_124] {strides = array<i32>} : memref<16xf32, #tpu.memory_space<vmem>>, vector<16xf32>,
    tpu.vector_store %arg18[%swap3A_124], %broadcast_in_dim3A_123 {strides = array<i32>} : memref<16xf32, #tpu.memory_space<vmem>>, vector<16xf32>,
    %broadcast_in_dim3A_126 = arith.constant 0.000000e+00 : f32
    %broadcast_in_dim3A_127 = vector.broadcast %broadcast_in_dim3A_126 : f32 to vector<16xf32>
    %swap3A_128 = arith.constant 0 : index
    %swap3A_129 = tpu.vector_load %arg19[%swap3A_128] {strides = array<i32>} : memref<16xf32, #tpu.memory_space<vmem>>, vector<16xf32>,
    tpu.vector_store %arg19[%swap3A_128], %broadcast_in_dim3A_127 {strides = array<i32>} : memref<16xf32, #tpu.memory_space<vmem>>, vector<16xf32>,
    %dma_start3A_130 = arith.constant 0 : i32
    %dma_start3A_131 = tpu.memref_slice %arg11[%dma_start3A_130] : memref<10000xi32, #tpu.memory_space<vmem>> -> memref<80xi32, #tpu.memory_space<vmem>>
    %dma_start3A_132 = arith.constant 0 : i32
    %dma_start3A_133 = arith.constant 0 : i32
    %dma_start3A_134 = tpu.memref_slice %arg4[%dma_start3A_132, %dma_start3A_133] : memref<10000x128xi32, #tpu.memory_space<hbm>> -> memref<10000x128xi32, #tpu.memory_space<hbm>>
    tpu.enqueue_indirect_dma source(%dma_start3A_134 : memref<10000x128xi32, #tpu.memory_space<hbm>>) target(%arg13 : memref<80x128xi32, #tpu.memory_space<vmem>>) offsets(%dma_start3A_131 : memref<80xi32, #tpu.memory_space<vmem>>) semaphore(%arg20 : memref<!tpu.dma_semaphore, #tpu.memory_space<semaphore_mem>>)
    %dma_start3A_135 = arith.constant 0 : i32
    %dma_start3A_136 = tpu.memref_slice %arg12[%dma_start3A_135] : memref<10000xi32, #tpu.memory_space<vmem>> -> memref<80xi32, #tpu.memory_space<vmem>>
    %dma_start3A_137 = arith.constant 0 : i32
    %dma_start3A_138 = arith.constant 0 : i32
    %dma_start3A_139 = tpu.memref_slice %arg5[%dma_start3A_137, %dma_start3A_138] : memref<10000x128xi32, #tpu.memory_space<hbm>> -> memref<10000x128xi32, #tpu.memory_space<hbm>>
    tpu.enqueue_indirect_dma source(%dma_start3A_139 : memref<10000x128xi32, #tpu.memory_space<hbm>>) target(%arg14 : memref<80x128xi32, #tpu.memory_space<vmem>>) offsets(%dma_start3A_136 : memref<80xi32, #tpu.memory_space<vmem>>) semaphore(%arg21 : memref<!tpu.dma_semaphore, #tpu.memory_space<semaphore_mem>>)
    %scan3A_140 = arith.constant 0 : i32
    %scan3A_141 = arith.constant 0 : i32
    %scan3A_142 = arith.constant 62 : i32
    %scan3A_143 = arith.addi %scan3A_141, %scan3A_142 : i32
    %scan3A_144 = arith.constant 1 : i32
    scf.for %scan3A_231 = %scan3A_141 to %scan3A_143 step %scan3A_144  : i32 {
      %mul3A_232 = arith.constant 2 : i32
      %mul3A_233 = arith.muli %mul3A_232, %scan3A_231 : i32
      %add3A_234 = arith.constant 1 : i32
      %add3A_235 = arith.addi %mul3A_233, %add3A_234 : i32
      %mul3A_236 = arith.constant 80 : i32
      %mul3A_237 = arith.muli %add3A_235, %mul3A_236 : i32
      %dma_start3A_238 = tpu.memref_slice %arg11[%mul3A_237] : memref<10000xi32, #tpu.memory_space<vmem>> -> memref<80xi32, #tpu.memory_space<vmem>>
      %dma_start3A_239 = arith.constant 0 : i32
      %dma_start3A_240 = arith.constant 0 : i32
      %dma_start3A_241 = tpu.memref_slice %arg4[%dma_start3A_239, %dma_start3A_240] : memref<10000x128xi32, #tpu.memory_space<hbm>> -> memref<10000x128xi32, #tpu.memory_space<hbm>>
      tpu.enqueue_indirect_dma source(%dma_start3A_241 : memref<10000x128xi32, #tpu.memory_space<hbm>>) target(%arg15 : memref<80x128xi32, #tpu.memory_space<vmem>>) offsets(%dma_start3A_238 : memref<80xi32, #tpu.memory_space<vmem>>) semaphore(%arg22 : memref<!tpu.dma_semaphore, #tpu.memory_space<semaphore_mem>>)
      %dma_start3A_242 = tpu.memref_slice %arg12[%mul3A_237] : memref<10000xi32, #tpu.memory_space<vmem>> -> memref<80xi32, #tpu.memory_space<vmem>>
      %dma_start3A_243 = arith.constant 0 : i32
      %dma_start3A_244 = arith.constant 0 : i32
      %dma_start3A_245 = tpu.memref_slice %arg5[%dma_start3A_243, %dma_start3A_244] : memref<10000x128xi32, #tpu.memory_space<hbm>> -> memref<10000x128xi32, #tpu.memory_space<hbm>>
      tpu.enqueue_indirect_dma source(%dma_start3A_245 : memref<10000x128xi32, #tpu.memory_space<hbm>>) target(%arg16 : memref<80x128xi32, #tpu.memory_space<vmem>>) offsets(%dma_start3A_242 : memref<80xi32, #tpu.memory_space<vmem>>) semaphore(%arg23 : memref<!tpu.dma_semaphore, #tpu.memory_space<semaphore_mem>>)
      %dma_wait3A_246 = arith.constant 0 : i32
      %dma_wait3A_247 = tpu.memref_slice %arg11[%dma_wait3A_246] : memref<10000xi32, #tpu.memory_space<vmem>> -> memref<80xi32, #tpu.memory_space<vmem>>
      %dma_wait3A_248 = arith.constant 0 : i32
      %dma_wait3A_249 = arith.constant 0 : i32
      %dma_wait3A_250 = tpu.memref_slice %arg4[%dma_wait3A_248, %dma_wait3A_249] : memref<10000x128xi32, #tpu.memory_space<hbm>> -> memref<10000x128xi32, #tpu.memory_space<hbm>>
      tpu.wait_indirect_dma semaphore(%arg20 : memref<!tpu.dma_semaphore, #tpu.memory_space<semaphore_mem>>) src(%dma_wait3A_250 : memref<10000x128xi32, #tpu.memory_space<hbm>>) dst(%arg13 : memref<80x128xi32, #tpu.memory_space<vmem>>)
      %dma_wait3A_251 = arith.constant 0 : i32
      %dma_wait3A_252 = tpu.memref_slice %arg12[%dma_wait3A_251] : memref<10000xi32, #tpu.memory_space<vmem>> -> memref<80xi32, #tpu.memory_space<vmem>>
      %dma_wait3A_253 = arith.constant 0 : i32
      %dma_wait3A_254 = arith.constant 0 : i32
      %dma_wait3A_255 = tpu.memref_slice %arg5[%dma_wait3A_253, %dma_wait3A_254] : memref<10000x128xi32, #tpu.memory_space<hbm>> -> memref<10000x128xi32, #tpu.memory_space<hbm>>
      tpu.wait_indirect_dma semaphore(%arg21 : memref<!tpu.dma_semaphore, #tpu.memory_space<semaphore_mem>>) src(%dma_wait3A_255 : memref<10000x128xi32, #tpu.memory_space<hbm>>) dst(%arg14 : memref<80x128xi32, #tpu.memory_space<vmem>>)
      %parallel_loop3A_256 = arith.constant 0 : i32
      %parallel_loop3A_257 = arith.constant 80 : i32
      %parallel_loop3A_258 = arith.constant 1 : i32
      scf.for %parallel_loop3A_420 = %parallel_loop3A_256 to %parallel_loop3A_257 step %parallel_loop3A_258  : i32 {
        %parallel_loop3A_421 = arith.index_cast %parallel_loop3A_420 : i32 to index
        %parallel_loop3A_422 = arith.constant 0 : index
        %parallel_loop3A_423 = tpu.vector_load %arg13[%parallel_loop3A_421, %parallel_loop3A_422] {strides = array<i32>} : memref<80x128xi32, #tpu.memory_space<vmem>>, vector<16xi32>,
        %parallel_loop3A_424 = vector.bitcast %parallel_loop3A_423 : vector<16xi32> to vector<32xbf16>
        %parallel_loop3A_425 = arith.index_cast %parallel_loop3A_420 : i32 to index
        %parallel_loop3A_426 = arith.constant 0 : index
        %parallel_loop3A_427 = tpu.vector_load %arg14[%parallel_loop3A_425, %parallel_loop3A_426] {strides = array<i32>} : memref<80x128xi32, #tpu.memory_space<vmem>>, vector<16xi32>,
        %parallel_loop3A_428 = vector.bitcast %parallel_loop3A_427 : vector<16xi32> to vector<32xbf16>
        %parallel_loop3A_429 = arith.mulf %parallel_loop3A_424, %parallel_loop3A_428 : vector<32xbf16>
        %parallel_loop3A_430 = arith.index_cast %parallel_loop3A_420 : i32 to index
        %parallel_loop3A_431 = arith.constant 16 : index
        %parallel_loop3A_432 = tpu.vector_load %arg13[%parallel_loop3A_430, %parallel_loop3A_431] {strides = array<i32>} : memref<80x128xi32, #tpu.memory_space<vmem>>, vector<16xi32>,
        %parallel_loop3A_433 = vector.bitcast %parallel_loop3A_432 : vector<16xi32> to vector<32xbf16>
        %parallel_loop3A_434 = arith.index_cast %parallel_loop3A_420 : i32 to index
        %parallel_loop3A_435 = arith.constant 16 : index
        %parallel_loop3A_436 = tpu.vector_load %arg14[%parallel_loop3A_434, %parallel_loop3A_435] {strides = array<i32>} : memref<80x128xi32, #tpu.memory_space<vmem>>, vector<16xi32>,
        %parallel_loop3A_437 = vector.bitcast %parallel_loop3A_436 : vector<16xi32> to vector<32xbf16>
        %parallel_loop3A_438 = arith.mulf %parallel_loop3A_433, %parallel_loop3A_437 : vector<32xbf16>
        %parallel_loop3A_439 = arith.addf %parallel_loop3A_429, %parallel_loop3A_438 : vector<32xbf16>
        %parallel_loop3A_440 = arith.index_cast %parallel_loop3A_420 : i32 to index
        %parallel_loop3A_441 = arith.constant 32 : index
        %parallel_loop3A_442 = tpu.vector_load %arg13[%parallel_loop3A_440, %parallel_loop3A_441] {strides = array<i32>} : memref<80x128xi32, #tpu.memory_space<vmem>>, vector<16xi32>,
        %parallel_loop3A_443 = vector.bitcast %parallel_loop3A_442 : vector<16xi32> to vector<32xbf16>
        %parallel_loop3A_444 = arith.index_cast %parallel_loop3A_420 : i32 to index
        %parallel_loop3A_445 = arith.constant 32 : index
        %parallel_loop3A_446 = tpu.vector_load %arg14[%parallel_loop3A_444, %parallel_loop3A_445] {strides = array<i32>} : memref<80x128xi32, #tpu.memory_space<vmem>>, vector<16xi32>,
        %parallel_loop3A_447 = vector.bitcast %parallel_loop3A_446 : vector<16xi32> to vector<32xbf16>
        %parallel_loop3A_448 = arith.mulf %parallel_loop3A_443, %parallel_loop3A_447 : vector<32xbf16>
        %parallel_loop3A_449 = arith.addf %parallel_loop3A_439, %parallel_loop3A_448 : vector<32xbf16>
        %parallel_loop3A_450 = arith.index_cast %parallel_loop3A_420 : i32 to index
        %parallel_loop3A_451 = arith.constant 48 : index
        %parallel_loop3A_452 = tpu.vector_load %arg13[%parallel_loop3A_450, %parallel_loop3A_451] {strides = array<i32>} : memref<80x128xi32, #tpu.memory_space<vmem>>, vector<16xi32>,
        %parallel_loop3A_453 = vector.bitcast %parallel_loop3A_452 : vector<16xi32> to vector<32xbf16>
        %parallel_loop3A_454 = arith.index_cast %parallel_loop3A_420 : i32 to index
        %parallel_loop3A_455 = arith.constant 48 : index
        %parallel_loop3A_456 = tpu.vector_load %arg14[%parallel_loop3A_454, %parallel_loop3A_455] {strides = array<i32>} : memref<80x128xi32, #tpu.memory_space<vmem>>, vector<16xi32>,
        %parallel_loop3A_457 = vector.bitcast %parallel_loop3A_456 : vector<16xi32> to vector<32xbf16>
        %parallel_loop3A_458 = arith.mulf %parallel_loop3A_453, %parallel_loop3A_457 : vector<32xbf16>
        %parallel_loop3A_459 = arith.addf %parallel_loop3A_449, %parallel_loop3A_458 : vector<32xbf16>
        %parallel_loop3A_460 = arith.index_cast %parallel_loop3A_420 : i32 to index
        %parallel_loop3A_461 = arith.constant 64 : index
        %parallel_loop3A_462 = tpu.vector_load %arg13[%parallel_loop3A_460, %parallel_loop3A_461] {strides = array<i32>} : memref<80x128xi32, #tpu.memory_space<vmem>>, vector<16xi32>,
        %parallel_loop3A_463 = vector.bitcast %parallel_loop3A_462 : vector<16xi32> to vector<32xbf16>
        %parallel_loop3A_464 = arith.index_cast %parallel_loop3A_420 : i32 to index
        %parallel_loop3A_465 = arith.constant 64 : index
        %parallel_loop3A_466 = tpu.vector_load %arg14[%parallel_loop3A_464, %parallel_loop3A_465] {strides = array<i32>} : memref<80x128xi32, #tpu.memory_space<vmem>>, vector<16xi32>,
        %parallel_loop3A_467 = vector.bitcast %parallel_loop3A_466 : vector<16xi32> to vector<32xbf16>
        %parallel_loop3A_468 = arith.mulf %parallel_loop3A_463, %parallel_loop3A_467 : vector<32xbf16>
        %parallel_loop3A_469 = arith.addf %parallel_loop3A_459, %parallel_loop3A_468 : vector<32xbf16>
        %parallel_loop3A_470 = arith.index_cast %parallel_loop3A_420 : i32 to index
        %parallel_loop3A_471 = arith.constant 80 : index
        %parallel_loop3A_472 = tpu.vector_load %arg13[%parallel_loop3A_470, %parallel_loop3A_471] {strides = array<i32>} : memref<80x128xi32, #tpu.memory_space<vmem>>, vector<16xi32>,
        %parallel_loop3A_473 = vector.bitcast %parallel_loop3A_472 : vector<16xi32> to vector<32xbf16>
        %parallel_loop3A_474 = arith.index_cast %parallel_loop3A_420 : i32 to index
        %parallel_loop3A_475 = arith.constant 80 : index
        %parallel_loop3A_476 = tpu.vector_load %arg14[%parallel_loop3A_474, %parallel_loop3A_475] {strides = array<i32>} : memref<80x128xi32, #tpu.memory_space<vmem>>, vector<16xi32>,
        %parallel_loop3A_477 = vector.bitcast %parallel_loop3A_476 : vector<16xi32> to vector<32xbf16>
        %parallel_loop3A_478 = arith.mulf %parallel_loop3A_473, %parallel_loop3A_477 : vector<32xbf16>
        %parallel_loop3A_479 = arith.addf %parallel_loop3A_469, %parallel_loop3A_478 : vector<32xbf16>
        %parallel_loop3A_480 = arith.index_cast %parallel_loop3A_420 : i32 to index
        %parallel_loop3A_481 = arith.constant 96 : index
        %parallel_loop3A_482 = tpu.vector_load %arg13[%parallel_loop3A_480, %parallel_loop3A_481] {strides = array<i32>} : memref<80x128xi32, #tpu.memory_space<vmem>>, vector<16xi32>,
        %parallel_loop3A_483 = vector.bitcast %parallel_loop3A_482 : vector<16xi32> to vector<32xbf16>
        %parallel_loop3A_484 = arith.index_cast %parallel_loop3A_420 : i32 to index
        %parallel_loop3A_485 = arith.constant 96 : index
        %parallel_loop3A_486 = tpu.vector_load %arg14[%parallel_loop3A_484, %parallel_loop3A_485] {strides = array<i32>} : memref<80x128xi32, #tpu.memory_space<vmem>>, vector<16xi32>,
        %parallel_loop3A_487 = vector.bitcast %parallel_loop3A_486 : vector<16xi32> to vector<32xbf16>
        %parallel_loop3A_488 = arith.mulf %parallel_loop3A_483, %parallel_loop3A_487 : vector<32xbf16>
        %parallel_loop3A_489 = arith.addf %parallel_loop3A_479, %parallel_loop3A_488 : vector<32xbf16>
        %parallel_loop3A_490 = arith.index_cast %parallel_loop3A_420 : i32 to index
        %parallel_loop3A_491 = arith.constant 112 : index
        %parallel_loop3A_492 = tpu.vector_load %arg13[%parallel_loop3A_490, %parallel_loop3A_491] {strides = array<i32>} : memref<80x128xi32, #tpu.memory_space<vmem>>, vector<16xi32>,
        %parallel_loop3A_493 = vector.bitcast %parallel_loop3A_492 : vector<16xi32> to vector<32xbf16>
        %parallel_loop3A_494 = arith.index_cast %parallel_loop3A_420 : i32 to index
        %parallel_loop3A_495 = arith.constant 112 : index
        %parallel_loop3A_496 = tpu.vector_load %arg14[%parallel_loop3A_494, %parallel_loop3A_495] {strides = array<i32>} : memref<80x128xi32, #tpu.memory_space<vmem>>, vector<16xi32>,
        %parallel_loop3A_497 = vector.bitcast %parallel_loop3A_496 : vector<16xi32> to vector<32xbf16>
        %parallel_loop3A_498 = arith.mulf %parallel_loop3A_493, %parallel_loop3A_497 : vector<32xbf16>
        %parallel_loop3A_499 = arith.addf %parallel_loop3A_489, %parallel_loop3A_498 : vector<32xbf16>
        %parallel_loop3A_500 = vector.bitcast %parallel_loop3A_499 : vector<32xbf16> to vector<16xi32>
        %parallel_loop3A_501 = arith.constant -65536 : i32
        %parallel_loop3A_502 = vector.broadcast %parallel_loop3A_501 : i32 to vector<16xi32>
        %parallel_loop3A_503 = arith.andi %parallel_loop3A_500, %parallel_loop3A_502 : vector<16xi32>
        %parallel_loop3A_504 = vector.bitcast %parallel_loop3A_503 : vector<16xi32> to vector<16xf32>
        %parallel_loop3A_505 = arith.constant 16 : i32
        %parallel_loop3A_506 = vector.broadcast %parallel_loop3A_505 : i32 to vector<16xi32>
        %parallel_loop3A_507 = arith.shli %parallel_loop3A_500, %parallel_loop3A_506 : vector<16xi32>
        %parallel_loop3A_508 = vector.bitcast %parallel_loop3A_507 : vector<16xi32> to vector<16xf32>
        %parallel_loop3A_509 = arith.addf %parallel_loop3A_504, %parallel_loop3A_508 : vector<16xf32>
        %parallel_loop3A_510 = vector.shape_cast %xor3A_4 : vector<16xi32> to vector<16x1xi32>
        %parallel_loop3A_511 = vector.shape_cast %parallel_loop3A_510 : vector<16x1xi32> to vector<16xi32>
        %parallel_loop3A_512 = tpu.dynamic_gather %parallel_loop3A_509[%parallel_loop3A_511] in [0] : vector<16xf32>, vector<16xi32> -> vector<16xf32>
        %parallel_loop3A_513 = arith.addf %parallel_loop3A_509, %parallel_loop3A_512 : vector<16xf32>
        %parallel_loop3A_514 = vector.shape_cast %xor3A_7 : vector<16xi32> to vector<16x1xi32>
        %parallel_loop3A_515 = vector.shape_cast %parallel_loop3A_514 : vector<16x1xi32> to vector<16xi32>
        %parallel_loop3A_516 = tpu.dynamic_gather %parallel_loop3A_513[%parallel_loop3A_515] in [0] : vector<16xf32>, vector<16xi32> -> vector<16xf32>
        %parallel_loop3A_517 = arith.addf %parallel_loop3A_513, %parallel_loop3A_516 : vector<16xf32>
        %parallel_loop3A_518 = vector.shape_cast %xor3A_10 : vector<16xi32> to vector<16x1xi32>
        %parallel_loop3A_519 = vector.shape_cast %parallel_loop3A_518 : vector<16x1xi32> to vector<16xi32>
        %parallel_loop3A_520 = tpu.dynamic_gather %parallel_loop3A_517[%parallel_loop3A_519] in [0] : vector<16xf32>, vector<16xi32> -> vector<16xf32>
        %parallel_loop3A_521 = arith.addf %parallel_loop3A_517, %parallel_loop3A_520 : vector<16xf32>
        %parallel_loop3A_522 = vector.shape_cast %xor3A_13 : vector<16xi32> to vector<16x1xi32>
        %parallel_loop3A_523 = vector.shape_cast %parallel_loop3A_522 : vector<16x1xi32> to vector<16xi32>
        %parallel_loop3A_524 = tpu.dynamic_gather %parallel_loop3A_521[%parallel_loop3A_523] in [0] : vector<16xf32>, vector<16xi32> -> vector<16xf32>
        %parallel_loop3A_525 = arith.addf %parallel_loop3A_521, %parallel_loop3A_524 : vector<16xf32>
        %parallel_loop3A_526 = vector.broadcast %parallel_loop3A_420 : i32 to vector<16xi32>
        tpu.vector_store_idx %arg17[%parallel_loop3A_526], %parallel_loop3A_525 masked %eq3A_15 : memref<80xf32, #tpu.memory_space<vmem>>[vector<16xi32>], vector<16xf32>, vector<16xi1>
      } {sc.loop_unroll_factor = 4 : i64, sc.parallel_access}
      %get3A_259 = arith.constant 0 : index
      %get3A_260 = tpu.vector_load %arg18[%get3A_259] {strides = array<i32>} : memref<16xf32, #tpu.memory_space<vmem>>, vector<16xf32>,
      %get3A_261 = arith.constant 0 : index
      %get3A_262 = tpu.vector_load %arg19[%get3A_261] {strides = array<i32>} : memref<16xf32, #tpu.memory_space<vmem>>, vector<16xf32>,
      %get3A_263 = arith.constant 0 : index
      %get3A_264 = tpu.vector_load %arg17[%get3A_263] {strides = array<i32>} : memref<80xf32, #tpu.memory_space<vmem>>, vector<16xf32>,
      %mul3A_265 = arith.constant 6.250000e-02 : f32
      %mul3A_266 = vector.broadcast %mul3A_265 : f32 to vector<16xf32>
      %mul3A_267 = arith.mulf %get3A_264, %mul3A_266 : vector<16xf32>
      %max3A_268 = arith.maximumf %get3A_260, %mul3A_267 : vector<16xf32>
      %sub3A_269 = arith.subf %get3A_260, %max3A_268 : vector<16xf32>
      %exp3A_270 = math.exp %sub3A_269 : vector<16xf32>
      %mul3A_271 = arith.mulf %get3A_262, %exp3A_270 : vector<16xf32>
      %sub3A_272 = arith.subf %mul3A_267, %max3A_268 : vector<16xf32>
      %exp3A_273 = math.exp %sub3A_272 : vector<16xf32>
      %add3A_274 = arith.addf %mul3A_271, %exp3A_273 : vector<16xf32>
      %get3A_275 = arith.constant 16 : index
      %get3A_276 = tpu.vector_load %arg17[%get3A_275] {strides = array<i32>} : memref<80xf32, #tpu.memory_space<vmem>>, vector<16xf32>,
      %mul3A_277 = arith.constant 6.250000e-02 : f32
      %mul3A_278 = vector.broadcast %mul3A_277 : f32 to vector<16xf32>
      %mul3A_279 = arith.mulf %get3A_276, %mul3A_278 : vector<16xf32>
      %max3A_280 = arith.maximumf %max3A_268, %mul3A_279 : vector<16xf32>
      %sub3A_281 = arith.subf %max3A_268, %max3A_280 : vector<16xf32>
      %exp3A_282 = math.exp %sub3A_281 : vector<16xf32>
      %mul3A_283 = arith.mulf %add3A_274, %exp3A_282 : vector<16xf32>
      %sub3A_284 = arith.subf %mul3A_279, %max3A_280 : vector<16xf32>
      %exp3A_285 = math.exp %sub3A_284 : vector<16xf32>
      %add3A_286 = arith.addf %mul3A_283, %exp3A_285 : vector<16xf32>
      %get3A_287 = arith.constant 32 : index
      %get3A_288 = tpu.vector_load %arg17[%get3A_287] {strides = array<i32>} : memref<80xf32, #tpu.memory_space<vmem>>, vector<16xf32>,
      %mul3A_289 = arith.constant 6.250000e-02 : f32
      %mul3A_290 = vector.broadcast %mul3A_289 : f32 to vector<16xf32>
      %mul3A_291 = arith.mulf %get3A_288, %mul3A_290 : vector<16xf32>
      %max3A_292 = arith.maximumf %max3A_280, %mul3A_291 : vector<16xf32>
      %sub3A_293 = arith.subf %max3A_280, %max3A_292 : vector<16xf32>
      %exp3A_294 = math.exp %sub3A_293 : vector<16xf32>
      %mul3A_295 = arith.mulf %add3A_286, %exp3A_294 : vector<16xf32>
      %sub3A_296 = arith.subf %mul3A_291, %max3A_292 : vector<16xf32>
      %exp3A_297 = math.exp %sub3A_296 : vector<16xf32>
      %add3A_298 = arith.addf %mul3A_295, %exp3A_297 : vector<16xf32>
      %get3A_299 = arith.constant 48 : index
      %get3A_300 = tpu.vector_load %arg17[%get3A_299] {strides = array<i32>} : memref<80xf32, #tpu.memory_space<vmem>>, vector<16xf32>,
      %mul3A_301 = arith.constant 6.250000e-02 : f32
      %mul3A_302 = vector.broadcast %mul3A_301 : f32 to vector<16xf32>
      %mul3A_303 = arith.mulf %get3A_300, %mul3A_302 : vector<16xf32>
      %max3A_304 = arith.maximumf %max3A_292, %mul3A_303 : vector<16xf32>
      %sub3A_305 = arith.subf %max3A_292, %max3A_304 : vector<16xf32>
      %exp3A_306 = math.exp %sub3A_305 : vector<16xf32>
      %mul3A_307 = arith.mulf %add3A_298, %exp3A_306 : vector<16xf32>
      %sub3A_308 = arith.subf %mul3A_303, %max3A_304 : vector<16xf32>
      %exp3A_309 = math.exp %sub3A_308 : vector<16xf32>
      %add3A_310 = arith.addf %mul3A_307, %exp3A_309 : vector<16xf32>
      %get3A_311 = arith.constant 64 : index
      %get3A_312 = tpu.vector_load %arg17[%get3A_311] {strides = array<i32>} : memref<80xf32, #tpu.memory_space<vmem>>, vector<16xf32>,
      %mul3A_313 = arith.constant 6.250000e-02 : f32
      %mul3A_314 = vector.broadcast %mul3A_313 : f32 to vector<16xf32>
      %mul3A_315 = arith.mulf %get3A_312, %mul3A_314 : vector<16xf32>
      %max3A_316 = arith.maximumf %max3A_304, %mul3A_315 : vector<16xf32>
      %sub3A_317 = arith.subf %max3A_304, %max3A_316 : vector<16xf32>
      %exp3A_318 = math.exp %sub3A_317 : vector<16xf32>
      %mul3A_319 = arith.mulf %add3A_310, %exp3A_318 : vector<16xf32>
      %sub3A_320 = arith.subf %mul3A_315, %max3A_316 : vector<16xf32>
      %exp3A_321 = math.exp %sub3A_320 : vector<16xf32>
      %add3A_322 = arith.addf %mul3A_319, %exp3A_321 : vector<16xf32>
      %swap3A_323 = arith.constant 0 : index
      %swap3A_324 = tpu.vector_load %arg18[%swap3A_323] {strides = array<i32>} : memref<16xf32, #tpu.memory_space<vmem>>, vector<16xf32>,
      tpu.vector_store %arg18[%swap3A_323], %max3A_316 {strides = array<i32>} : memref<16xf32, #tpu.memory_space<vmem>>, vector<16xf32>,
      %swap3A_325 = arith.constant 0 : index
      %swap3A_326 = tpu.vector_load %arg19[%swap3A_325] {strides = array<i32>} : memref<16xf32, #tpu.memory_space<vmem>>, vector<16xf32>,
      tpu.vector_store %arg19[%swap3A_325], %add3A_322 {strides = array<i32>} : memref<16xf32, #tpu.memory_space<vmem>>, vector<16xf32>,
      %add3A_327 = arith.constant 2 : i32
      %add3A_328 = arith.addi %mul3A_233, %add3A_327 : i32
      %mul3A_329 = arith.constant 80 : i32
      %mul3A_330 = arith.muli %add3A_328, %mul3A_329 : i32
      %dma_start3A_331 = tpu.memref_slice %arg11[%mul3A_330] : memref<10000xi32, #tpu.memory_space<vmem>> -> memref<80xi32, #tpu.memory_space<vmem>>
      %dma_start3A_332 = arith.constant 0 : i32
      %dma_start3A_333 = arith.constant 0 : i32
      %dma_start3A_334 = tpu.memref_slice %arg4[%dma_start3A_332, %dma_start3A_333] : memref<10000x128xi32, #tpu.memory_space<hbm>> -> memref<10000x128xi32, #tpu.memory_space<hbm>>
      tpu.enqueue_indirect_dma source(%dma_start3A_334 : memref<10000x128xi32, #tpu.memory_space<hbm>>) target(%arg13 : memref<80x128xi32, #tpu.memory_space<vmem>>) offsets(%dma_start3A_331 : memref<80xi32, #tpu.memory_space<vmem>>) semaphore(%arg20 : memref<!tpu.dma_semaphore, #tpu.memory_space<semaphore_mem>>)
      %dma_start3A_335 = tpu.memref_slice %arg12[%mul3A_330] : memref<10000xi32, #tpu.memory_space<vmem>> -> memref<80xi32, #tpu.memory_space<vmem>>
      %dma_start3A_336 = arith.constant 0 : i32
      %dma_start3A_337 = arith.constant 0 : i32
      %dma_start3A_338 = tpu.memref_slice %arg5[%dma_start3A_336, %dma_start3A_337] : memref<10000x128xi32, #tpu.memory_space<hbm>> -> memref<10000x128xi32, #tpu.memory_space<hbm>>
      tpu.enqueue_indirect_dma source(%dma_start3A_338 : memref<10000x128xi32, #tpu.memory_space<hbm>>) target(%arg14 : memref<80x128xi32, #tpu.memory_space<vmem>>) offsets(%dma_start3A_335 : memref<80xi32, #tpu.memory_space<vmem>>) semaphore(%arg21 : memref<!tpu.dma_semaphore, #tpu.memory_space<semaphore_mem>>)
      %dma_wait3A_339 = arith.constant 0 : i32
      %dma_wait3A_340 = tpu.memref_slice %arg11[%dma_wait3A_339] : memref<10000xi32, #tpu.memory_space<vmem>> -> memref<80xi32, #tpu.memory_space<vmem>>
      %dma_wait3A_341 = arith.constant 0 : i32
      %dma_wait3A_342 = arith.constant 0 : i32
      %dma_wait3A_343 = tpu.memref_slice %arg4[%dma_wait3A_341, %dma_wait3A_342] : memref<10000x128xi32, #tpu.memory_space<hbm>> -> memref<10000x128xi32, #tpu.memory_space<hbm>>
      tpu.wait_indirect_dma semaphore(%arg22 : memref<!tpu.dma_semaphore, #tpu.memory_space<semaphore_mem>>) src(%dma_wait3A_343 : memref<10000x128xi32, #tpu.memory_space<hbm>>) dst(%arg15 : memref<80x128xi32, #tpu.memory_space<vmem>>)
      %dma_wait3A_344 = arith.constant 0 : i32
      %dma_wait3A_345 = tpu.memref_slice %arg12[%dma_wait3A_344] : memref<10000xi32, #tpu.memory_space<vmem>> -> memref<80xi32, #tpu.memory_space<vmem>>
      %dma_wait3A_346 = arith.constant 0 : i32
      %dma_wait3A_347 = arith.constant 0 : i32
      %dma_wait3A_348 = tpu.memref_slice %arg5[%dma_wait3A_346, %dma_wait3A_347] : memref<10000x128xi32, #tpu.memory_space<hbm>> -> memref<10000x128xi32, #tpu.memory_space<hbm>>
      tpu.wait_indirect_dma semaphore(%arg23 : memref<!tpu.dma_semaphore, #tpu.memory_space<semaphore_mem>>) src(%dma_wait3A_348 : memref<10000x128xi32, #tpu.memory_space<hbm>>) dst(%arg16 : memref<80x128xi32, #tpu.memory_space<vmem>>)
      %parallel_loop3A_349 = arith.constant 0 : i32
      %parallel_loop3A_350 = arith.constant 80 : i32
      %parallel_loop3A_351 = arith.constant 1 : i32
      scf.for %parallel_loop3A_420 = %parallel_loop3A_349 to %parallel_loop3A_350 step %parallel_loop3A_351  : i32 {
        %parallel_loop3A_421 = arith.index_cast %parallel_loop3A_420 : i32 to index
        %parallel_loop3A_422 = arith.constant 0 : index
        %parallel_loop3A_423 = tpu.vector_load %arg15[%parallel_loop3A_421, %parallel_loop3A_422] {strides = array<i32>} : memref<80x128xi32, #tpu.memory_space<vmem>>, vector<16xi32>,
        %parallel_loop3A_424 = vector.bitcast %parallel_loop3A_423 : vector<16xi32> to vector<32xbf16>
        %parallel_loop3A_425 = arith.index_cast %parallel_loop3A_420 : i32 to index
        %parallel_loop3A_426 = arith.constant 0 : index
        %parallel_loop3A_427 = tpu.vector_load %arg16[%parallel_loop3A_425, %parallel_loop3A_426] {strides = array<i32>} : memref<80x128xi32, #tpu.memory_space<vmem>>, vector<16xi32>,
        %parallel_loop3A_428 = vector.bitcast %parallel_loop3A_427 : vector<16xi32> to vector<32xbf16>
        %parallel_loop3A_429 = arith.mulf %parallel_loop3A_424, %parallel_loop3A_428 : vector<32xbf16>
        %parallel_loop3A_430 = arith.index_cast %parallel_loop3A_420 : i32 to index
        %parallel_loop3A_431 = arith.constant 16 : index
        %parallel_loop3A_432 = tpu.vector_load %arg15[%parallel_loop3A_430, %parallel_loop3A_431] {strides = array<i32>} : memref<80x128xi32, #tpu.memory_space<vmem>>, vector<16xi32>,
        %parallel_loop3A_433 = vector.bitcast %parallel_loop3A_432 : vector<16xi32> to vector<32xbf16>
        %parallel_loop3A_434 = arith.index_cast %parallel_loop3A_420 : i32 to index
        %parallel_loop3A_435 = arith.constant 16 : index
        %parallel_loop3A_436 = tpu.vector_load %arg16[%parallel_loop3A_434, %parallel_loop3A_435] {strides = array<i32>} : memref<80x128xi32, #tpu.memory_space<vmem>>, vector<16xi32>,
        %parallel_loop3A_437 = vector.bitcast %parallel_loop3A_436 : vector<16xi32> to vector<32xbf16>
        %parallel_loop3A_438 = arith.mulf %parallel_loop3A_433, %parallel_loop3A_437 : vector<32xbf16>
        %parallel_loop3A_439 = arith.addf %parallel_loop3A_429, %parallel_loop3A_438 : vector<32xbf16>
        %parallel_loop3A_440 = arith.index_cast %parallel_loop3A_420 : i32 to index
        %parallel_loop3A_441 = arith.constant 32 : index
        %parallel_loop3A_442 = tpu.vector_load %arg15[%parallel_loop3A_440, %parallel_loop3A_441] {strides = array<i32>} : memref<80x128xi32, #tpu.memory_space<vmem>>, vector<16xi32>,
        %parallel_loop3A_443 = vector.bitcast %parallel_loop3A_442 : vector<16xi32> to vector<32xbf16>
        %parallel_loop3A_444 = arith.index_cast %parallel_loop3A_420 : i32 to index
        %parallel_loop3A_445 = arith.constant 32 : index
        %parallel_loop3A_446 = tpu.vector_load %arg16[%parallel_loop3A_444, %parallel_loop3A_445] {strides = array<i32>} : memref<80x128xi32, #tpu.memory_space<vmem>>, vector<16xi32>,
        %parallel_loop3A_447 = vector.bitcast %parallel_loop3A_446 : vector<16xi32> to vector<32xbf16>
        %parallel_loop3A_448 = arith.mulf %parallel_loop3A_443, %parallel_loop3A_447 : vector<32xbf16>
        %parallel_loop3A_449 = arith.addf %parallel_loop3A_439, %parallel_loop3A_448 : vector<32xbf16>
        %parallel_loop3A_450 = arith.index_cast %parallel_loop3A_420 : i32 to index
        %parallel_loop3A_451 = arith.constant 48 : index
        %parallel_loop3A_452 = tpu.vector_load %arg15[%parallel_loop3A_450, %parallel_loop3A_451] {strides = array<i32>} : memref<80x128xi32, #tpu.memory_space<vmem>>, vector<16xi32>,
        %parallel_loop3A_453 = vector.bitcast %parallel_loop3A_452 : vector<16xi32> to vector<32xbf16>
        %parallel_loop3A_454 = arith.index_cast %parallel_loop3A_420 : i32 to index
        %parallel_loop3A_455 = arith.constant 48 : index
        %parallel_loop3A_456 = tpu.vector_load %arg16[%parallel_loop3A_454, %parallel_loop3A_455] {strides = array<i32>} : memref<80x128xi32, #tpu.memory_space<vmem>>, vector<16xi32>,
        %parallel_loop3A_457 = vector.bitcast %parallel_loop3A_456 : vector<16xi32> to vector<32xbf16>
        %parallel_loop3A_458 = arith.mulf %parallel_loop3A_453, %parallel_loop3A_457 : vector<32xbf16>
        %parallel_loop3A_459 = arith.addf %parallel_loop3A_449, %parallel_loop3A_458 : vector<32xbf16>
        %parallel_loop3A_460 = arith.index_cast %parallel_loop3A_420 : i32 to index
        %parallel_loop3A_461 = arith.constant 64 : index
        %parallel_loop3A_462 = tpu.vector_load %arg15[%parallel_loop3A_460, %parallel_loop3A_461] {strides = array<i32>} : memref<80x128xi32, #tpu.memory_space<vmem>>, vector<16xi32>,
        %parallel_loop3A_463 = vector.bitcast %parallel_loop3A_462 : vector<16xi32> to vector<32xbf16>
        %parallel_loop3A_464 = arith.index_cast %parallel_loop3A_420 : i32 to index
        %parallel_loop3A_465 = arith.constant 64 : index
        %parallel_loop3A_466 = tpu.vector_load %arg16[%parallel_loop3A_464, %parallel_loop3A_465] {strides = array<i32>} : memref<80x128xi32, #tpu.memory_space<vmem>>, vector<16xi32>,
        %parallel_loop3A_467 = vector.bitcast %parallel_loop3A_466 : vector<16xi32> to vector<32xbf16>
        %parallel_loop3A_468 = arith.mulf %parallel_loop3A_463, %parallel_loop3A_467 : vector<32xbf16>
        %parallel_loop3A_469 = arith.addf %parallel_loop3A_459, %parallel_loop3A_468 : vector<32xbf16>
        %parallel_loop3A_470 = arith.index_cast %parallel_loop3A_420 : i32 to index
        %parallel_loop3A_471 = arith.constant 80 : index
        %parallel_loop3A_472 = tpu.vector_load %arg15[%parallel_loop3A_470, %parallel_loop3A_471] {strides = array<i32>} : memref<80x128xi32, #tpu.memory_space<vmem>>, vector<16xi32>,
        %parallel_loop3A_473 = vector.bitcast %parallel_loop3A_472 : vector<16xi32> to vector<32xbf16>
        %parallel_loop3A_474 = arith.index_cast %parallel_loop3A_420 : i32 to index
        %parallel_loop3A_475 = arith.constant 80 : index
        %parallel_loop3A_476 = tpu.vector_load %arg16[%parallel_loop3A_474, %parallel_loop3A_475] {strides = array<i32>} : memref<80x128xi32, #tpu.memory_space<vmem>>, vector<16xi32>,
        %parallel_loop3A_477 = vector.bitcast %parallel_loop3A_476 : vector<16xi32> to vector<32xbf16>
        %parallel_loop3A_478 = arith.mulf %parallel_loop3A_473, %parallel_loop3A_477 : vector<32xbf16>
        %parallel_loop3A_479 = arith.addf %parallel_loop3A_469, %parallel_loop3A_478 : vector<32xbf16>
        %parallel_loop3A_480 = arith.index_cast %parallel_loop3A_420 : i32 to index
        %parallel_loop3A_481 = arith.constant 96 : index
        %parallel_loop3A_482 = tpu.vector_load %arg15[%parallel_loop3A_480, %parallel_loop3A_481] {strides = array<i32>} : memref<80x128xi32, #tpu.memory_space<vmem>>, vector<16xi32>,
        %parallel_loop3A_483 = vector.bitcast %parallel_loop3A_482 : vector<16xi32> to vector<32xbf16>
        %parallel_loop3A_484 = arith.index_cast %parallel_loop3A_420 : i32 to index
        %parallel_loop3A_485 = arith.constant 96 : index
        %parallel_loop3A_486 = tpu.vector_load %arg16[%parallel_loop3A_484, %parallel_loop3A_485] {strides = array<i32>} : memref<80x128xi32, #tpu.memory_space<vmem>>, vector<16xi32>,
        %parallel_loop3A_487 = vector.bitcast %parallel_loop3A_486 : vector<16xi32> to vector<32xbf16>
        %parallel_loop3A_488 = arith.mulf %parallel_loop3A_483, %parallel_loop3A_487 : vector<32xbf16>
        %parallel_loop3A_489 = arith.addf %parallel_loop3A_479, %parallel_loop3A_488 : vector<32xbf16>
        %parallel_loop3A_490 = arith.index_cast %parallel_loop3A_420 : i32 to index
        %parallel_loop3A_491 = arith.constant 112 : index
        %parallel_loop3A_492 = tpu.vector_load %arg15[%parallel_loop3A_490, %parallel_loop3A_491] {strides = array<i32>} : memref<80x128xi32, #tpu.memory_space<vmem>>, vector<16xi32>,
        %parallel_loop3A_493 = vector.bitcast %parallel_loop3A_492 : vector<16xi32> to vector<32xbf16>
        %parallel_loop3A_494 = arith.index_cast %parallel_loop3A_420 : i32 to index
        %parallel_loop3A_495 = arith.constant 112 : index
        %parallel_loop3A_496 = tpu.vector_load %arg16[%parallel_loop3A_494, %parallel_loop3A_495] {strides = array<i32>} : memref<80x128xi32, #tpu.memory_space<vmem>>, vector<16xi32>,
        %parallel_loop3A_497 = vector.bitcast %parallel_loop3A_496 : vector<16xi32> to vector<32xbf16>
        %parallel_loop3A_498 = arith.mulf %parallel_loop3A_493, %parallel_loop3A_497 : vector<32xbf16>
        %parallel_loop3A_499 = arith.addf %parallel_loop3A_489, %parallel_loop3A_498 : vector<32xbf16>
        %parallel_loop3A_500 = vector.bitcast %parallel_loop3A_499 : vector<32xbf16> to vector<16xi32>
        %parallel_loop3A_501 = arith.constant -65536 : i32
        %parallel_loop3A_502 = vector.broadcast %parallel_loop3A_501 : i32 to vector<16xi32>
        %parallel_loop3A_503 = arith.andi %parallel_loop3A_500, %parallel_loop3A_502 : vector<16xi32>
        %parallel_loop3A_504 = vector.bitcast %parallel_loop3A_503 : vector<16xi32> to vector<16xf32>
        %parallel_loop3A_505 = arith.constant 16 : i32
        %parallel_loop3A_506 = vector.broadcast %parallel_loop3A_505 : i32 to vector<16xi32>
        %parallel_loop3A_507 = arith.shli %parallel_loop3A_500, %parallel_loop3A_506 : vector<16xi32>
        %parallel_loop3A_508 = vector.bitcast %parallel_loop3A_507 : vector<16xi32> to vector<16xf32>
        %parallel_loop3A_509 = arith.addf %parallel_loop3A_504, %parallel_loop3A_508 : vector<16xf32>
        %parallel_loop3A_510 = vector.shape_cast %xor3A_4 : vector<16xi32> to vector<16x1xi32>
        %parallel_loop3A_511 = vector.shape_cast %parallel_loop3A_510 : vector<16x1xi32> to vector<16xi32>
        %parallel_loop3A_512 = tpu.dynamic_gather %parallel_loop3A_509[%parallel_loop3A_511] in [0] : vector<16xf32>, vector<16xi32> -> vector<16xf32>
        %parallel_loop3A_513 = arith.addf %parallel_loop3A_509, %parallel_loop3A_512 : vector<16xf32>
        %parallel_loop3A_514 = vector.shape_cast %xor3A_7 : vector<16xi32> to vector<16x1xi32>
        %parallel_loop3A_515 = vector.shape_cast %parallel_loop3A_514 : vector<16x1xi32> to vector<16xi32>
        %parallel_loop3A_516 = tpu.dynamic_gather %parallel_loop3A_513[%parallel_loop3A_515] in [0] : vector<16xf32>, vector<16xi32> -> vector<16xf32>
        %parallel_loop3A_517 = arith.addf %parallel_loop3A_513, %parallel_loop3A_516 : vector<16xf32>
        %parallel_loop3A_518 = vector.shape_cast %xor3A_10 : vector<16xi32> to vector<16x1xi32>
        %parallel_loop3A_519 = vector.shape_cast %parallel_loop3A_518 : vector<16x1xi32> to vector<16xi32>
        %parallel_loop3A_520 = tpu.dynamic_gather %parallel_loop3A_517[%parallel_loop3A_519] in [0] : vector<16xf32>, vector<16xi32> -> vector<16xf32>
        %parallel_loop3A_521 = arith.addf %parallel_loop3A_517, %parallel_loop3A_520 : vector<16xf32>
        %parallel_loop3A_522 = vector.shape_cast %xor3A_13 : vector<16xi32> to vector<16x1xi32>
        %parallel_loop3A_523 = vector.shape_cast %parallel_loop3A_522 : vector<16x1xi32> to vector<16xi32>
        %parallel_loop3A_524 = tpu.dynamic_gather %parallel_loop3A_521[%parallel_loop3A_523] in [0] : vector<16xf32>, vector<16xi32> -> vector<16xf32>
        %parallel_loop3A_525 = arith.addf %parallel_loop3A_521, %parallel_loop3A_524 : vector<16xf32>
        %parallel_loop3A_526 = vector.broadcast %parallel_loop3A_420 : i32 to vector<16xi32>
        tpu.vector_store_idx %arg17[%parallel_loop3A_526], %parallel_loop3A_525 masked %eq3A_15 : memref<80xf32, #tpu.memory_space<vmem>>[vector<16xi32>], vector<16xf32>, vector<16xi1>
      } {sc.loop_unroll_factor = 4 : i64, sc.parallel_access}
      %get3A_352 = arith.constant 0 : index
      %get3A_353 = tpu.vector_load %arg18[%get3A_352] {strides = array<i32>} : memref<16xf32, #tpu.memory_space<vmem>>, vector<16xf32>,
      %get3A_354 = arith.constant 0 : index
      %get3A_355 = tpu.vector_load %arg19[%get3A_354] {strides = array<i32>} : memref<16xf32, #tpu.memory_space<vmem>>, vector<16xf32>,
      %get3A_356 = arith.constant 0 : index
      %get3A_357 = tpu.vector_load %arg17[%get3A_356] {strides = array<i32>} : memref<80xf32, #tpu.memory_space<vmem>>, vector<16xf32>,
      %mul3A_358 = arith.constant 6.250000e-02 : f32
      %mul3A_359 = vector.broadcast %mul3A_358 : f32 to vector<16xf32>
      %mul3A_360 = arith.mulf %get3A_357, %mul3A_359 : vector<16xf32>
      %max3A_361 = arith.maximumf %get3A_353, %mul3A_360 : vector<16xf32>
      %sub3A_362 = arith.subf %get3A_353, %max3A_361 : vector<16xf32>
      %exp3A_363 = math.exp %sub3A_362 : vector<16xf32>
      %mul3A_364 = arith.mulf %get3A_355, %exp3A_363 : vector<16xf32>
      %sub3A_365 = arith.subf %mul3A_360, %max3A_361 : vector<16xf32>
      %exp3A_366 = math.exp %sub3A_365 : vector<16xf32>
      %add3A_367 = arith.addf %mul3A_364, %exp3A_366 : vector<16xf32>
      %get3A_368 = arith.constant 16 : index
      %get3A_369 = tpu.vector_load %arg17[%get3A_368] {strides = array<i32>} : memref<80xf32, #tpu.memory_space<vmem>>, vector<16xf32>,
      %mul3A_370 = arith.constant 6.250000e-02 : f32
      %mul3A_371 = vector.broadcast %mul3A_370 : f32 to vector<16xf32>
      %mul3A_372 = arith.mulf %get3A_369, %mul3A_371 : vector<16xf32>
      %max3A_373 = arith.maximumf %max3A_361, %mul3A_372 : vector<16xf32>
      %sub3A_374 = arith.subf %max3A_361, %max3A_373 : vector<16xf32>
      %exp3A_375 = math.exp %sub3A_374 : vector<16xf32>
      %mul3A_376 = arith.mulf %add3A_367, %exp3A_375 : vector<16xf32>
      %sub3A_377 = arith.subf %mul3A_372, %max3A_373 : vector<16xf32>
      %exp3A_378 = math.exp %sub3A_377 : vector<16xf32>
      %add3A_379 = arith.addf %mul3A_376, %exp3A_378 : vector<16xf32>
      %get3A_380 = arith.constant 32 : index
      %get3A_381 = tpu.vector_load %arg17[%get3A_380] {strides = array<i32>} : memref<80xf32, #tpu.memory_space<vmem>>, vector<16xf32>,
      %mul3A_382 = arith.constant 6.250000e-02 : f32
      %mul3A_383 = vector.broadcast %mul3A_382 : f32 to vector<16xf32>
      %mul3A_384 = arith.mulf %get3A_381, %mul3A_383 : vector<16xf32>
      %max3A_385 = arith.maximumf %max3A_373, %mul3A_384 : vector<16xf32>
      %sub3A_386 = arith.subf %max3A_373, %max3A_385 : vector<16xf32>
      %exp3A_387 = math.exp %sub3A_386 : vector<16xf32>
      %mul3A_388 = arith.mulf %add3A_379, %exp3A_387 : vector<16xf32>
      %sub3A_389 = arith.subf %mul3A_384, %max3A_385 : vector<16xf32>
      %exp3A_390 = math.exp %sub3A_389 : vector<16xf32>
      %add3A_391 = arith.addf %mul3A_388, %exp3A_390 : vector<16xf32>
      %get3A_392 = arith.constant 48 : index
      %get3A_393 = tpu.vector_load %arg17[%get3A_392] {strides = array<i32>} : memref<80xf32, #tpu.memory_space<vmem>>, vector<16xf32>,
      %mul3A_394 = arith.constant 6.250000e-02 : f32
      %mul3A_395 = vector.broadcast %mul3A_394 : f32 to vector<16xf32>
      %mul3A_396 = arith.mulf %get3A_393, %mul3A_395 : vector<16xf32>
      %max3A_397 = arith.maximumf %max3A_385, %mul3A_396 : vector<16xf32>
      %sub3A_398 = arith.subf %max3A_385, %max3A_397 : vector<16xf32>
      %exp3A_399 = math.exp %sub3A_398 : vector<16xf32>
      %mul3A_400 = arith.mulf %add3A_391, %exp3A_399 : vector<16xf32>
      %sub3A_401 = arith.subf %mul3A_396, %max3A_397 : vector<16xf32>
      %exp3A_402 = math.exp %sub3A_401 : vector<16xf32>
      %add3A_403 = arith.addf %mul3A_400, %exp3A_402 : vector<16xf32>
      %get3A_404 = arith.constant 64 : index
      %get3A_405 = tpu.vector_load %arg17[%get3A_404] {strides = array<i32>} : memref<80xf32, #tpu.memory_space<vmem>>, vector<16xf32>,
      %mul3A_406 = arith.constant 6.250000e-02 : f32
      %mul3A_407 = vector.broadcast %mul3A_406 : f32 to vector<16xf32>
      %mul3A_408 = arith.mulf %get3A_405, %mul3A_407 : vector<16xf32>
      %max3A_409 = arith.maximumf %max3A_397, %mul3A_408 : vector<16xf32>
      %sub3A_410 = arith.subf %max3A_397, %max3A_409 : vector<16xf32>
      %exp3A_411 = math.exp %sub3A_410 : vector<16xf32>
      %mul3A_412 = arith.mulf %add3A_403, %exp3A_411 : vector<16xf32>
      %sub3A_413 = arith.subf %mul3A_408, %max3A_409 : vector<16xf32>
      %exp3A_414 = math.exp %sub3A_413 : vector<16xf32>
      %add3A_415 = arith.addf %mul3A_412, %exp3A_414 : vector<16xf32>
      %swap3A_416 = arith.constant 0 : index
      %swap3A_417 = tpu.vector_load %arg18[%swap3A_416] {strides = array<i32>} : memref<16xf32, #tpu.memory_space<vmem>>, vector<16xf32>,
      tpu.vector_store %arg18[%swap3A_416], %max3A_409 {strides = array<i32>} : memref<16xf32, #tpu.memory_space<vmem>>, vector<16xf32>,
      %swap3A_418 = arith.constant 0 : index
      %swap3A_419 = tpu.vector_load %arg19[%swap3A_418] {strides = array<i32>} : memref<16xf32, #tpu.memory_space<vmem>>, vector<16xf32>,
      tpu.vector_store %arg19[%swap3A_418], %add3A_415 {strides = array<i32>} : memref<16xf32, #tpu.memory_space<vmem>>, vector<16xf32>,
    }
    %scan3A_145 = arith.constant 62 : i32
    %dma_wait3A_146 = arith.constant 0 : i32
    %dma_wait3A_147 = tpu.memref_slice %arg11[%dma_wait3A_146] : memref<10000xi32, #tpu.memory_space<vmem>> -> memref<80xi32, #tpu.memory_space<vmem>>
    %dma_wait3A_148 = arith.constant 0 : i32
    %dma_wait3A_149 = arith.constant 0 : i32
    %dma_wait3A_150 = tpu.memref_slice %arg4[%dma_wait3A_148, %dma_wait3A_149] : memref<10000x128xi32, #tpu.memory_space<hbm>> -> memref<10000x128xi32, #tpu.memory_space<hbm>>
    tpu.wait_indirect_dma semaphore(%arg20 : memref<!tpu.dma_semaphore, #tpu.memory_space<semaphore_mem>>) src(%dma_wait3A_150 : memref<10000x128xi32, #tpu.memory_space<hbm>>) dst(%arg13 : memref<80x128xi32, #tpu.memory_space<vmem>>)
    %dma_wait3A_151 = arith.constant 0 : i32
    %dma_wait3A_152 = tpu.memref_slice %arg12[%dma_wait3A_151] : memref<10000xi32, #tpu.memory_space<vmem>> -> memref<80xi32, #tpu.memory_space<vmem>>
    %dma_wait3A_153 = arith.constant 0 : i32
    %dma_wait3A_154 = arith.constant 0 : i32
    %dma_wait3A_155 = tpu.memref_slice %arg5[%dma_wait3A_153, %dma_wait3A_154] : memref<10000x128xi32, #tpu.memory_space<hbm>> -> memref<10000x128xi32, #tpu.memory_space<hbm>>
    tpu.wait_indirect_dma semaphore(%arg21 : memref<!tpu.dma_semaphore, #tpu.memory_space<semaphore_mem>>) src(%dma_wait3A_155 : memref<10000x128xi32, #tpu.memory_space<hbm>>) dst(%arg14 : memref<80x128xi32, #tpu.memory_space<vmem>>)
    %parallel_loop3A_156 = arith.constant 0 : i32
    %parallel_loop3A_157 = arith.constant 80 : i32
    %parallel_loop3A_158 = arith.constant 1 : i32
    scf.for %parallel_loop3A_231 = %parallel_loop3A_156 to %parallel_loop3A_157 step %parallel_loop3A_158  : i32 {
      %parallel_loop3A_232 = arith.index_cast %parallel_loop3A_231 : i32 to index
      %parallel_loop3A_233 = arith.constant 0 : index
      %parallel_loop3A_234 = tpu.vector_load %arg13[%parallel_loop3A_232, %parallel_loop3A_233] {strides = array<i32>} : memref<80x128xi32, #tpu.memory_space<vmem>>, vector<16xi32>,
      %parallel_loop3A_235 = vector.bitcast %parallel_loop3A_234 : vector<16xi32> to vector<32xbf16>
      %parallel_loop3A_236 = arith.index_cast %parallel_loop3A_231 : i32 to index
      %parallel_loop3A_237 = arith.constant 0 : index
      %parallel_loop3A_238 = tpu.vector_load %arg14[%parallel_loop3A_236, %parallel_loop3A_237] {strides = array<i32>} : memref<80x128xi32, #tpu.memory_space<vmem>>, vector<16xi32>,
      %parallel_loop3A_239 = vector.bitcast %parallel_loop3A_238 : vector<16xi32> to vector<32xbf16>
      %parallel_loop3A_240 = arith.mulf %parallel_loop3A_235, %parallel_loop3A_239 : vector<32xbf16>
      %parallel_loop3A_241 = arith.index_cast %parallel_loop3A_231 : i32 to index
      %parallel_loop3A_242 = arith.constant 16 : index
      %parallel_loop3A_243 = tpu.vector_load %arg13[%parallel_loop3A_241, %parallel_loop3A_242] {strides = array<i32>} : memref<80x128xi32, #tpu.memory_space<vmem>>, vector<16xi32>,
      %parallel_loop3A_244 = vector.bitcast %parallel_loop3A_243 : vector<16xi32> to vector<32xbf16>
      %parallel_loop3A_245 = arith.index_cast %parallel_loop3A_231 : i32 to index
      %parallel_loop3A_246 = arith.constant 16 : index
      %parallel_loop3A_247 = tpu.vector_load %arg14[%parallel_loop3A_245, %parallel_loop3A_246] {strides = array<i32>} : memref<80x128xi32, #tpu.memory_space<vmem>>, vector<16xi32>,
      %parallel_loop3A_248 = vector.bitcast %parallel_loop3A_247 : vector<16xi32> to vector<32xbf16>
      %parallel_loop3A_249 = arith.mulf %parallel_loop3A_244, %parallel_loop3A_248 : vector<32xbf16>
      %parallel_loop3A_250 = arith.addf %parallel_loop3A_240, %parallel_loop3A_249 : vector<32xbf16>
      %parallel_loop3A_251 = arith.index_cast %parallel_loop3A_231 : i32 to index
      %parallel_loop3A_252 = arith.constant 32 : index
      %parallel_loop3A_253 = tpu.vector_load %arg13[%parallel_loop3A_251, %parallel_loop3A_252] {strides = array<i32>} : memref<80x128xi32, #tpu.memory_space<vmem>>, vector<16xi32>,
      %parallel_loop3A_254 = vector.bitcast %parallel_loop3A_253 : vector<16xi32> to vector<32xbf16>
      %parallel_loop3A_255 = arith.index_cast %parallel_loop3A_231 : i32 to index
      %parallel_loop3A_256 = arith.constant 32 : index
      %parallel_loop3A_257 = tpu.vector_load %arg14[%parallel_loop3A_255, %parallel_loop3A_256] {strides = array<i32>} : memref<80x128xi32, #tpu.memory_space<vmem>>, vector<16xi32>,
      %parallel_loop3A_258 = vector.bitcast %parallel_loop3A_257 : vector<16xi32> to vector<32xbf16>
      %parallel_loop3A_259 = arith.mulf %parallel_loop3A_254, %parallel_loop3A_258 : vector<32xbf16>
      %parallel_loop3A_260 = arith.addf %parallel_loop3A_250, %parallel_loop3A_259 : vector<32xbf16>
      %parallel_loop3A_261 = arith.index_cast %parallel_loop3A_231 : i32 to index
      %parallel_loop3A_262 = arith.constant 48 : index
      %parallel_loop3A_263 = tpu.vector_load %arg13[%parallel_loop3A_261, %parallel_loop3A_262] {strides = array<i32>} : memref<80x128xi32, #tpu.memory_space<vmem>>, vector<16xi32>,
      %parallel_loop3A_264 = vector.bitcast %parallel_loop3A_263 : vector<16xi32> to vector<32xbf16>
      %parallel_loop3A_265 = arith.index_cast %parallel_loop3A_231 : i32 to index
      %parallel_loop3A_266 = arith.constant 48 : index
      %parallel_loop3A_267 = tpu.vector_load %arg14[%parallel_loop3A_265, %parallel_loop3A_266] {strides = array<i32>} : memref<80x128xi32, #tpu.memory_space<vmem>>, vector<16xi32>,
      %parallel_loop3A_268 = vector.bitcast %parallel_loop3A_267 : vector<16xi32> to vector<32xbf16>
      %parallel_loop3A_269 = arith.mulf %parallel_loop3A_264, %parallel_loop3A_268 : vector<32xbf16>
      %parallel_loop3A_270 = arith.addf %parallel_loop3A_260, %parallel_loop3A_269 : vector<32xbf16>
      %parallel_loop3A_271 = arith.index_cast %parallel_loop3A_231 : i32 to index
      %parallel_loop3A_272 = arith.constant 64 : index
      %parallel_loop3A_273 = tpu.vector_load %arg13[%parallel_loop3A_271, %parallel_loop3A_272] {strides = array<i32>} : memref<80x128xi32, #tpu.memory_space<vmem>>, vector<16xi32>,
      %parallel_loop3A_274 = vector.bitcast %parallel_loop3A_273 : vector<16xi32> to vector<32xbf16>
      %parallel_loop3A_275 = arith.index_cast %parallel_loop3A_231 : i32 to index
      %parallel_loop3A_276 = arith.constant 64 : index
      %parallel_loop3A_277 = tpu.vector_load %arg14[%parallel_loop3A_275, %parallel_loop3A_276] {strides = array<i32>} : memref<80x128xi32, #tpu.memory_space<vmem>>, vector<16xi32>,
      %parallel_loop3A_278 = vector.bitcast %parallel_loop3A_277 : vector<16xi32> to vector<32xbf16>
      %parallel_loop3A_279 = arith.mulf %parallel_loop3A_274, %parallel_loop3A_278 : vector<32xbf16>
      %parallel_loop3A_280 = arith.addf %parallel_loop3A_270, %parallel_loop3A_279 : vector<32xbf16>
      %parallel_loop3A_281 = arith.index_cast %parallel_loop3A_231 : i32 to index
      %parallel_loop3A_282 = arith.constant 80 : index
      %parallel_loop3A_283 = tpu.vector_load %arg13[%parallel_loop3A_281, %parallel_loop3A_282] {strides = array<i32>} : memref<80x128xi32, #tpu.memory_space<vmem>>, vector<16xi32>,
      %parallel_loop3A_284 = vector.bitcast %parallel_loop3A_283 : vector<16xi32> to vector<32xbf16>
      %parallel_loop3A_285 = arith.index_cast %parallel_loop3A_231 : i32 to index
      %parallel_loop3A_286 = arith.constant 80 : index
      %parallel_loop3A_287 = tpu.vector_load %arg14[%parallel_loop3A_285, %parallel_loop3A_286] {strides = array<i32>} : memref<80x128xi32, #tpu.memory_space<vmem>>, vector<16xi32>,
      %parallel_loop3A_288 = vector.bitcast %parallel_loop3A_287 : vector<16xi32> to vector<32xbf16>
      %parallel_loop3A_289 = arith.mulf %parallel_loop3A_284, %parallel_loop3A_288 : vector<32xbf16>
      %parallel_loop3A_290 = arith.addf %parallel_loop3A_280, %parallel_loop3A_289 : vector<32xbf16>
      %parallel_loop3A_291 = arith.index_cast %parallel_loop3A_231 : i32 to index
      %parallel_loop3A_292 = arith.constant 96 : index
      %parallel_loop3A_293 = tpu.vector_load %arg13[%parallel_loop3A_291, %parallel_loop3A_292] {strides = array<i32>} : memref<80x128xi32, #tpu.memory_space<vmem>>, vector<16xi32>,
      %parallel_loop3A_294 = vector.bitcast %parallel_loop3A_293 : vector<16xi32> to vector<32xbf16>
      %parallel_loop3A_295 = arith.index_cast %parallel_loop3A_231 : i32 to index
      %parallel_loop3A_296 = arith.constant 96 : index
      %parallel_loop3A_297 = tpu.vector_load %arg14[%parallel_loop3A_295, %parallel_loop3A_296] {strides = array<i32>} : memref<80x128xi32, #tpu.memory_space<vmem>>, vector<16xi32>,
      %parallel_loop3A_298 = vector.bitcast %parallel_loop3A_297 : vector<16xi32> to vector<32xbf16>
      %parallel_loop3A_299 = arith.mulf %parallel_loop3A_294, %parallel_loop3A_298 : vector<32xbf16>
      %parallel_loop3A_300 = arith.addf %parallel_loop3A_290, %parallel_loop3A_299 : vector<32xbf16>
      %parallel_loop3A_301 = arith.index_cast %parallel_loop3A_231 : i32 to index
      %parallel_loop3A_302 = arith.constant 112 : index
      %parallel_loop3A_303 = tpu.vector_load %arg13[%parallel_loop3A_301, %parallel_loop3A_302] {strides = array<i32>} : memref<80x128xi32, #tpu.memory_space<vmem>>, vector<16xi32>,
      %parallel_loop3A_304 = vector.bitcast %parallel_loop3A_303 : vector<16xi32> to vector<32xbf16>
      %parallel_loop3A_305 = arith.index_cast %parallel_loop3A_231 : i32 to index
      %parallel_loop3A_306 = arith.constant 112 : index
      %parallel_loop3A_307 = tpu.vector_load %arg14[%parallel_loop3A_305, %parallel_loop3A_306] {strides = array<i32>} : memref<80x128xi32, #tpu.memory_space<vmem>>, vector<16xi32>,
      %parallel_loop3A_308 = vector.bitcast %parallel_loop3A_307 : vector<16xi32> to vector<32xbf16>
      %parallel_loop3A_309 = arith.mulf %parallel_loop3A_304, %parallel_loop3A_308 : vector<32xbf16>
      %parallel_loop3A_310 = arith.addf %parallel_loop3A_300, %parallel_loop3A_309 : vector<32xbf16>
      %parallel_loop3A_311 = vector.bitcast %parallel_loop3A_310 : vector<32xbf16> to vector<16xi32>
      %parallel_loop3A_312 = arith.constant -65536 : i32
      %parallel_loop3A_313 = vector.broadcast %parallel_loop3A_312 : i32 to vector<16xi32>
      %parallel_loop3A_314 = arith.andi %parallel_loop3A_311, %parallel_loop3A_313 : vector<16xi32>
      %parallel_loop3A_315 = vector.bitcast %parallel_loop3A_314 : vector<16xi32> to vector<16xf32>
      %parallel_loop3A_316 = arith.constant 16 : i32
      %parallel_loop3A_317 = vector.broadcast %parallel_loop3A_316 : i32 to vector<16xi32>
      %parallel_loop3A_318 = arith.shli %parallel_loop3A_311, %parallel_loop3A_317 : vector<16xi32>
      %parallel_loop3A_319 = vector.bitcast %parallel_loop3A_318 : vector<16xi32> to vector<16xf32>
      %parallel_loop3A_320 = arith.addf %parallel_loop3A_315, %parallel_loop3A_319 : vector<16xf32>
      %parallel_loop3A_321 = vector.shape_cast %xor3A_4 : vector<16xi32> to vector<16x1xi32>
      %parallel_loop3A_322 = vector.shape_cast %parallel_loop3A_321 : vector<16x1xi32> to vector<16xi32>
      %parallel_loop3A_323 = tpu.dynamic_gather %parallel_loop3A_320[%parallel_loop3A_322] in [0] : vector<16xf32>, vector<16xi32> -> vector<16xf32>
      %parallel_loop3A_324 = arith.addf %parallel_loop3A_320, %parallel_loop3A_323 : vector<16xf32>
      %parallel_loop3A_325 = vector.shape_cast %xor3A_7 : vector<16xi32> to vector<16x1xi32>
      %parallel_loop3A_326 = vector.shape_cast %parallel_loop3A_325 : vector<16x1xi32> to vector<16xi32>
      %parallel_loop3A_327 = tpu.dynamic_gather %parallel_loop3A_324[%parallel_loop3A_326] in [0] : vector<16xf32>, vector<16xi32> -> vector<16xf32>
      %parallel_loop3A_328 = arith.addf %parallel_loop3A_324, %parallel_loop3A_327 : vector<16xf32>
      %parallel_loop3A_329 = vector.shape_cast %xor3A_10 : vector<16xi32> to vector<16x1xi32>
      %parallel_loop3A_330 = vector.shape_cast %parallel_loop3A_329 : vector<16x1xi32> to vector<16xi32>
      %parallel_loop3A_331 = tpu.dynamic_gather %parallel_loop3A_328[%parallel_loop3A_330] in [0] : vector<16xf32>, vector<16xi32> -> vector<16xf32>
      %parallel_loop3A_332 = arith.addf %parallel_loop3A_328, %parallel_loop3A_331 : vector<16xf32>
      %parallel_loop3A_333 = vector.shape_cast %xor3A_13 : vector<16xi32> to vector<16x1xi32>
      %parallel_loop3A_334 = vector.shape_cast %parallel_loop3A_333 : vector<16x1xi32> to vector<16xi32>
      %parallel_loop3A_335 = tpu.dynamic_gather %parallel_loop3A_332[%parallel_loop3A_334] in [0] : vector<16xf32>, vector<16xi32> -> vector<16xf32>
      %parallel_loop3A_336 = arith.addf %parallel_loop3A_332, %parallel_loop3A_335 : vector<16xf32>
      %parallel_loop3A_337 = vector.broadcast %parallel_loop3A_231 : i32 to vector<16xi32>
      tpu.vector_store_idx %arg17[%parallel_loop3A_337], %parallel_loop3A_336 masked %eq3A_15 : memref<80xf32, #tpu.memory_space<vmem>>[vector<16xi32>], vector<16xf32>, vector<16xi1>
    } {sc.loop_unroll_factor = 4 : i64, sc.parallel_access}
    %get3A_159 = arith.constant 0 : index
    %get3A_160 = tpu.vector_load %arg18[%get3A_159] {strides = array<i32>} : memref<16xf32, #tpu.memory_space<vmem>>, vector<16xf32>,
    %get3A_161 = arith.constant 0 : index
    %get3A_162 = tpu.vector_load %arg19[%get3A_161] {strides = array<i32>} : memref<16xf32, #tpu.memory_space<vmem>>, vector<16xf32>,
    %get3A_163 = arith.constant 0 : index
    %get3A_164 = tpu.vector_load %arg17[%get3A_163] {strides = array<i32>} : memref<80xf32, #tpu.memory_space<vmem>>, vector<16xf32>,
    %mul3A_165 = arith.constant 6.250000e-02 : f32
    %mul3A_166 = vector.broadcast %mul3A_165 : f32 to vector<16xf32>
    %mul3A_167 = arith.mulf %get3A_164, %mul3A_166 : vector<16xf32>
    %max3A_168 = arith.maximumf %get3A_160, %mul3A_167 : vector<16xf32>
    %sub3A_169 = arith.subf %get3A_160, %max3A_168 : vector<16xf32>
    %exp3A_170 = math.exp %sub3A_169 : vector<16xf32>
    %mul3A_171 = arith.mulf %get3A_162, %exp3A_170 : vector<16xf32>
    %sub3A_172 = arith.subf %mul3A_167, %max3A_168 : vector<16xf32>
    %exp3A_173 = math.exp %sub3A_172 : vector<16xf32>
    %add3A_174 = arith.addf %mul3A_171, %exp3A_173 : vector<16xf32>
    %get3A_175 = arith.constant 16 : index
    %get3A_176 = tpu.vector_load %arg17[%get3A_175] {strides = array<i32>} : memref<80xf32, #tpu.memory_space<vmem>>, vector<16xf32>,
    %mul3A_177 = arith.constant 6.250000e-02 : f32
    %mul3A_178 = vector.broadcast %mul3A_177 : f32 to vector<16xf32>
    %mul3A_179 = arith.mulf %get3A_176, %mul3A_178 : vector<16xf32>
    %max3A_180 = arith.maximumf %max3A_168, %mul3A_179 : vector<16xf32>
    %sub3A_181 = arith.subf %max3A_168, %max3A_180 : vector<16xf32>
    %exp3A_182 = math.exp %sub3A_181 : vector<16xf32>
    %mul3A_183 = arith.mulf %add3A_174, %exp3A_182 : vector<16xf32>
    %sub3A_184 = arith.subf %mul3A_179, %max3A_180 : vector<16xf32>
    %exp3A_185 = math.exp %sub3A_184 : vector<16xf32>
    %add3A_186 = arith.addf %mul3A_183, %exp3A_185 : vector<16xf32>
    %get3A_187 = arith.constant 32 : index
    %get3A_188 = tpu.vector_load %arg17[%get3A_187] {strides = array<i32>} : memref<80xf32, #tpu.memory_space<vmem>>, vector<16xf32>,
    %mul3A_189 = arith.constant 6.250000e-02 : f32
    %mul3A_190 = vector.broadcast %mul3A_189 : f32 to vector<16xf32>
    %mul3A_191 = arith.mulf %get3A_188, %mul3A_190 : vector<16xf32>
    %max3A_192 = arith.maximumf %max3A_180, %mul3A_191 : vector<16xf32>
    %sub3A_193 = arith.subf %max3A_180, %max3A_192 : vector<16xf32>
    %exp3A_194 = math.exp %sub3A_193 : vector<16xf32>
    %mul3A_195 = arith.mulf %add3A_186, %exp3A_194 : vector<16xf32>
    %sub3A_196 = arith.subf %mul3A_191, %max3A_192 : vector<16xf32>
    %exp3A_197 = math.exp %sub3A_196 : vector<16xf32>
    %add3A_198 = arith.addf %mul3A_195, %exp3A_197 : vector<16xf32>
    %get3A_199 = arith.constant 48 : index
    %get3A_200 = tpu.vector_load %arg17[%get3A_199] {strides = array<i32>} : memref<80xf32, #tpu.memory_space<vmem>>, vector<16xf32>,
    %mul3A_201 = arith.constant 6.250000e-02 : f32
    %mul3A_202 = vector.broadcast %mul3A_201 : f32 to vector<16xf32>
    %mul3A_203 = arith.mulf %get3A_200, %mul3A_202 : vector<16xf32>
    %max3A_204 = arith.maximumf %max3A_192, %mul3A_203 : vector<16xf32>
    %sub3A_205 = arith.subf %max3A_192, %max3A_204 : vector<16xf32>
    %exp3A_206 = math.exp %sub3A_205 : vector<16xf32>
    %mul3A_207 = arith.mulf %add3A_198, %exp3A_206 : vector<16xf32>
    %sub3A_208 = arith.subf %mul3A_203, %max3A_204 : vector<16xf32>
    %exp3A_209 = math.exp %sub3A_208 : vector<16xf32>
    %add3A_210 = arith.addf %mul3A_207, %exp3A_209 : vector<16xf32>
    %get3A_211 = arith.constant 64 : index
    %get3A_212 = tpu.vector_load %arg17[%get3A_211] {strides = array<i32>} : memref<80xf32, #tpu.memory_space<vmem>>, vector<16xf32>,
    %mul3A_213 = arith.constant 6.250000e-02 : f32
    %mul3A_214 = vector.broadcast %mul3A_213 : f32 to vector<16xf32>
    %mul3A_215 = arith.mulf %get3A_212, %mul3A_214 : vector<16xf32>
    %max3A_216 = arith.maximumf %max3A_204, %mul3A_215 : vector<16xf32>
    %sub3A_217 = arith.subf %max3A_204, %max3A_216 : vector<16xf32>
    %exp3A_218 = math.exp %sub3A_217 : vector<16xf32>
    %mul3A_219 = arith.mulf %add3A_210, %exp3A_218 : vector<16xf32>
    %sub3A_220 = arith.subf %mul3A_215, %max3A_216 : vector<16xf32>
    %exp3A_221 = math.exp %sub3A_220 : vector<16xf32>
    %add3A_222 = arith.addf %mul3A_219, %exp3A_221 : vector<16xf32>
    %swap3A_223 = arith.constant 0 : index
    %swap3A_224 = tpu.vector_load %arg18[%swap3A_223] {strides = array<i32>} : memref<16xf32, #tpu.memory_space<vmem>>, vector<16xf32>,
    tpu.vector_store %arg18[%swap3A_223], %max3A_216 {strides = array<i32>} : memref<16xf32, #tpu.memory_space<vmem>>, vector<16xf32>,
    %swap3A_225 = arith.constant 0 : index
    %swap3A_226 = tpu.vector_load %arg19[%swap3A_225] {strides = array<i32>} : memref<16xf32, #tpu.memory_space<vmem>>, vector<16xf32>,
    tpu.vector_store %arg19[%swap3A_225], %add3A_222 {strides = array<i32>} : memref<16xf32, #tpu.memory_space<vmem>>, vector<16xf32>,
    %run_scoped3A_227 = arith.constant 0 : i32
    %run_scoped3A_228 = arith.constant 1 : i32
    "tpu.region"() ({
      %run_scoped3A_231 = tpu.sem_alloc : memref<!tpu.dma_semaphore, #tpu.memory_space<semaphore_mem>>
      %dma_start3A_232 = arith.constant 0 : i32
      %dma_start3A_233 = tpu.memref_slice %arg10[%run_scoped3A_227, %run_scoped3A_228, %add3A, %dma_start3A_232] : memref<2x2x32x16xf32, #tpu.memory_space<hbm>> -> memref<1x1x1x16xf32, #tpu.memory_space<hbm>>
      %dma_start3A_234 = tpu.memref_squeeze %dma_start3A_233 : memref<1x1x1x16xf32, #tpu.memory_space<hbm>> -> memref<16xf32, #tpu.memory_space<hbm>>
      %dma_start3A_235 = arith.constant 0 : i32
      %dma_start3A_236 = tpu.memref_slice %arg10[%run_scoped3A_227, %run_scoped3A_228, %add3A, %dma_start3A_235] : memref<2x2x32x16xf32, #tpu.memory_space<hbm>> -> memref<1x1x1x16xf32, #tpu.memory_space<hbm>>
      %dma_start3A_237 = tpu.memref_squeeze %dma_start3A_236 : memref<1x1x1x16xf32, #tpu.memory_space<hbm>> -> memref<16xf32, #tpu.memory_space<hbm>>
      tpu.enqueue_dma source(%arg18 : memref<16xf32, #tpu.memory_space<vmem>>) target(%dma_start3A_237 : memref<16xf32, #tpu.memory_space<hbm>>) target_semaphore(%run_scoped3A_231 : memref<!tpu.dma_semaphore, #tpu.memory_space<semaphore_mem>>)
      %dma_wait3A_238 = arith.constant 0 : i32
      %dma_wait3A_239 = tpu.memref_slice %arg10[%run_scoped3A_227, %run_scoped3A_228, %add3A, %dma_wait3A_238] : memref<2x2x32x16xf32, #tpu.memory_space<hbm>> -> memref<1x1x1x16xf32, #tpu.memory_space<hbm>>
      %dma_wait3A_240 = tpu.memref_squeeze %dma_wait3A_239 : memref<1x1x1x16xf32, #tpu.memory_space<hbm>> -> memref<16xf32, #tpu.memory_space<hbm>>
      %dma_wait3A_241 = arith.constant 0 : i32
      %dma_wait3A_242 = tpu.memref_slice %arg10[%run_scoped3A_227, %run_scoped3A_228, %add3A, %dma_wait3A_241] : memref<2x2x32x16xf32, #tpu.memory_space<hbm>> -> memref<1x1x1x16xf32, #tpu.memory_space<hbm>>
      %dma_wait3A_243 = tpu.memref_squeeze %dma_wait3A_242 : memref<1x1x1x16xf32, #tpu.memory_space<hbm>> -> memref<16xf32, #tpu.memory_space<hbm>>
      tpu.wait_dma2 semaphore(%run_scoped3A_231 : memref<!tpu.dma_semaphore, #tpu.memory_space<semaphore_mem>>) src(%arg18 : memref<16xf32, #tpu.memory_space<vmem>>) dst(%dma_wait3A_243 : memref<16xf32, #tpu.memory_space<hbm>>)
      tpu.yield
    }) : () -> ()
    %run_scoped3A_229 = arith.constant 1 : i32
    %run_scoped3A_230 = arith.constant 1 : i32
    "tpu.region"() ({
      %run_scoped3A_231 = tpu.sem_alloc : memref<!tpu.dma_semaphore, #tpu.memory_space<semaphore_mem>>
      %dma_start3A_232 = arith.constant 0 : i32
      %dma_start3A_233 = tpu.memref_slice %arg10[%run_scoped3A_229, %run_scoped3A_230, %add3A, %dma_start3A_232] : memref<2x2x32x16xf32, #tpu.memory_space<hbm>> -> memref<1x1x1x16xf32, #tpu.memory_space<hbm>>
      %dma_start3A_234 = tpu.memref_squeeze %dma_start3A_233 : memref<1x1x1x16xf32, #tpu.memory_space<hbm>> -> memref<16xf32, #tpu.memory_space<hbm>>
      %dma_start3A_235 = arith.constant 0 : i32
      %dma_start3A_236 = tpu.memref_slice %arg10[%run_scoped3A_229, %run_scoped3A_230, %add3A, %dma_start3A_235] : memref<2x2x32x16xf32, #tpu.memory_space<hbm>> -> memref<1x1x1x16xf32, #tpu.memory_space<hbm>>
      %dma_start3A_237 = tpu.memref_squeeze %dma_start3A_236 : memref<1x1x1x16xf32, #tpu.memory_space<hbm>> -> memref<16xf32, #tpu.memory_space<hbm>>
      tpu.enqueue_dma source(%arg19 : memref<16xf32, #tpu.memory_space<vmem>>) target(%dma_start3A_237 : memref<16xf32, #tpu.memory_space<hbm>>) target_semaphore(%run_scoped3A_231 : memref<!tpu.dma_semaphore, #tpu.memory_space<semaphore_mem>>)
      %dma_wait3A_238 = arith.constant 0 : i32
      %dma_wait3A_239 = tpu.memref_slice %arg10[%run_scoped3A_229, %run_scoped3A_230, %add3A, %dma_wait3A_238] : memref<2x2x32x16xf32, #tpu.memory_space<hbm>> -> memref<1x1x1x16xf32, #tpu.memory_space<hbm>>
      %dma_wait3A_240 = tpu.memref_squeeze %dma_wait3A_239 : memref<1x1x1x16xf32, #tpu.memory_space<hbm>> -> memref<16xf32, #tpu.memory_space<hbm>>
      %dma_wait3A_241 = arith.constant 0 : i32
      %dma_wait3A_242 = tpu.memref_slice %arg10[%run_scoped3A_229, %run_scoped3A_230, %add3A, %dma_wait3A_241] : memref<2x2x32x16xf32, #tpu.memory_space<hbm>> -> memref<1x1x1x16xf32, #tpu.memory_space<hbm>>
      %dma_wait3A_243 = tpu.memref_squeeze %dma_wait3A_242 : memref<1x1x1x16xf32, #tpu.memory_space<hbm>> -> memref<16xf32, #tpu.memory_space<hbm>>
      tpu.wait_dma2 semaphore(%run_scoped3A_231 : memref<!tpu.dma_semaphore, #tpu.memory_space<semaphore_mem>>) src(%arg19 : memref<16xf32, #tpu.memory_space<vmem>>) dst(%dma_wait3A_243 : memref<16xf32, #tpu.memory_space<hbm>>)
      tpu.yield
    }) : () -> ()
    return
  }
}

module attributes {stable_mosaic.version = 14 : i64} {
  func.func @_proj_body(%arg0: i32, %arg1: memref<2000x128xf32, #tpu.memory_space<vmem>>, %arg2: memref<2000x128xf32, #tpu.memory_space<vmem>>, %arg3: memref<128x256xf32, #tpu.memory_space<vmem>>, %arg4: memref<1x256xf32, #tpu.memory_space<vmem>>, %arg5: memref<128x256xf32, #tpu.memory_space<vmem>>, %arg6: memref<1x256xf32, #tpu.memory_space<vmem>>, %arg7: memref<256x256xf32, #tpu.memory_space<vmem>>, %arg8: memref<1x256xf32, #tpu.memory_space<vmem>>, %arg9: memref<256x256xf32, #tpu.memory_space<vmem>>, %arg10: memref<1x256xf32, #tpu.memory_space<vmem>>, %arg11: memref<2000x128xi32, #tpu.memory_space<vmem>>, %arg12: memref<2000x128xi32, #tpu.memory_space<vmem>>, %arg13: memref<2000x128xi32, #tpu.memory_space<vmem>>, %arg14: memref<2000x128xi32, #tpu.memory_space<vmem>>) attributes {dimension_semantics = [#tpu.dimension_semantics<arbitrary>], iteration_bounds = array<i64: 5>, scalar_prefetch = 0 : i64, scratch_operands = 0 : i64, tpu.core_type = #tpu.core_type<tc>, window_params = [{transform_indices = @transform_0, window_bounds = array<i64: 2000, 128>}, {transform_indices = @transform_1, window_bounds = array<i64: 2000, 128>}, {pipeline_mode = #tpu.pipeline_mode<synchronous>, transform_indices = @transform_2, window_bounds = array<i64: 128, 256>}, {pipeline_mode = #tpu.pipeline_mode<synchronous>, transform_indices = @transform_3, window_bounds = array<i64: 1, 256>}, {pipeline_mode = #tpu.pipeline_mode<synchronous>, transform_indices = @transform_4, window_bounds = array<i64: 128, 256>}, {pipeline_mode = #tpu.pipeline_mode<synchronous>, transform_indices = @transform_5, window_bounds = array<i64: 1, 256>}, {pipeline_mode = #tpu.pipeline_mode<synchronous>, transform_indices = @transform_6, window_bounds = array<i64: 256, 256>}, {pipeline_mode = #tpu.pipeline_mode<synchronous>, transform_indices = @transform_7, window_bounds = array<i64: 1, 256>}, {pipeline_mode = #tpu.pipeline_mode<synchronous>, transform_indices = @transform_8, window_bounds = array<i64: 256, 256>}, {pipeline_mode = #tpu.pipeline_mode<synchronous>, transform_indices = @transform_9, window_bounds = array<i64: 1, 256>}, {transform_indices = @transform_10, window_bounds = array<i64: 2000, 128>}, {transform_indices = @transform_11, window_bounds = array<i64: 2000, 128>}, {transform_indices = @transform_12, window_bounds = array<i64: 2000, 128>}, {transform_indices = @transform_13, window_bounds = array<i64: 2000, 128>}]} {
    %get3A = arith.constant 0 : index
    %get3A_0 = arith.constant 0 : index
    %get3A_1 = vector.load %arg1[%get3A, %get3A_0] : memref<2000x128xf32, #tpu.memory_space<vmem>>, vector<2000x128xf32>
    %get3A_2 = arith.constant 0 : index
    %get3A_3 = arith.constant 0 : index
    %get3A_4 = vector.load %arg3[%get3A_2, %get3A_3] : memref<128x256xf32, #tpu.memory_space<vmem>>, vector<128x256xf32>
    %dot_general3A = arith.constant dense<0.000000e+00> : vector<2000x256xf32>
    %dot_general3A_5 = tpu.matmul %get3A_1, %get3A_4, %dot_general3A {dimension_numbers = #tpu.dot_dimension_numbers<[1], [0], [0], [1], [0, 0, 1, 1], [], []>, transpose_lhs_hint = false} : vector<2000x128xf32>, vector<128x256xf32>, vector<2000x256xf32> -> vector<2000x256xf32>
    %get3A_6 = arith.constant 0 : index
    %get3A_7 = arith.constant 0 : index
    %get3A_8 = vector.load %arg4[%get3A_6, %get3A_7] : memref<1x256xf32, #tpu.memory_space<vmem>>, vector<1x256xf32>
    %add3A = vector.broadcast %get3A_8 : vector<1x256xf32> to vector<2000x256xf32>
    %add3A_9 = arith.addf %dot_general3A_5, %add3A : vector<2000x256xf32>
    %get3A_10 = arith.constant 0 : index
    %get3A_11 = arith.constant 0 : index
    %get3A_12 = vector.load %arg2[%get3A_10, %get3A_11] : memref<2000x128xf32, #tpu.memory_space<vmem>>, vector<2000x128xf32>
    %get3A_13 = arith.constant 0 : index
    %get3A_14 = arith.constant 0 : index
    %get3A_15 = vector.load %arg5[%get3A_13, %get3A_14] : memref<128x256xf32, #tpu.memory_space<vmem>>, vector<128x256xf32>
    %dot_general3A_16 = arith.constant dense<0.000000e+00> : vector<2000x256xf32>
    %dot_general3A_17 = tpu.matmul %get3A_12, %get3A_15, %dot_general3A_16 {dimension_numbers = #tpu.dot_dimension_numbers<[1], [0], [0], [1], [0, 0, 1, 1], [], []>, transpose_lhs_hint = false} : vector<2000x128xf32>, vector<128x256xf32>, vector<2000x256xf32> -> vector<2000x256xf32>
    %get3A_18 = arith.constant 0 : index
    %get3A_19 = arith.constant 0 : index
    %get3A_20 = vector.load %arg6[%get3A_18, %get3A_19] : memref<1x256xf32, #tpu.memory_space<vmem>>, vector<1x256xf32>
    %add3A_21 = vector.broadcast %get3A_20 : vector<1x256xf32> to vector<2000x256xf32>
    %add3A_22 = arith.addf %dot_general3A_17, %add3A_21 : vector<2000x256xf32>
    %get3A_23 = arith.constant 0 : index
    %get3A_24 = arith.constant 0 : index
    %get3A_25 = vector.load %arg7[%get3A_23, %get3A_24] : memref<256x256xf32, #tpu.memory_space<vmem>>, vector<256x256xf32>
    %dot_general3A_26 = arith.constant dense<0.000000e+00> : vector<2000x256xf32>
    %dot_general3A_27 = tpu.matmul %add3A_9, %get3A_25, %dot_general3A_26 {dimension_numbers = #tpu.dot_dimension_numbers<[1], [0], [0], [1], [0, 0, 1, 1], [], []>, transpose_lhs_hint = false} : vector<2000x256xf32>, vector<256x256xf32>, vector<2000x256xf32> -> vector<2000x256xf32>
    %get3A_28 = arith.constant 0 : index
    %get3A_29 = arith.constant 0 : index
    %get3A_30 = vector.load %arg8[%get3A_28, %get3A_29] : memref<1x256xf32, #tpu.memory_space<vmem>>, vector<1x256xf32>
    %add3A_31 = vector.broadcast %get3A_30 : vector<1x256xf32> to vector<2000x256xf32>
    %add3A_32 = arith.addf %dot_general3A_27, %add3A_31 : vector<2000x256xf32>
    %convert_element_type3A = arith.truncf %add3A_32 : vector<2000x256xf32> to vector<2000x256xbf16>
    %bitcast_convert_type3A = tpu.bitcast %convert_element_type3A : vector<2000x256xbf16> -> vector<2000x256xi16>
    %slice3A = vector.extract_strided_slice %bitcast_convert_type3A {offsets = [0, 0], sizes = [2000, 128], strides = [1, 1]} : vector<2000x256xi16> to vector<2000x128xi16>
    %convert_element_type3A_33 = arith.extui %slice3A : vector<2000x128xi16> to vector<2000x128xi32>
    %slice3A_34 = vector.extract_strided_slice %bitcast_convert_type3A {offsets = [0, 128], sizes = [2000, 128], strides = [1, 1]} : vector<2000x256xi16> to vector<2000x128xi16>
    %convert_element_type3A_35 = arith.extui %slice3A_34 : vector<2000x128xi16> to vector<2000x128xi32>
    %shift_left3A = arith.constant 16 : i32
    %shift_left3A_36 = vector.broadcast %shift_left3A : i32 to vector<2000x128xi32>
    %shift_left3A_37 = arith.shli %convert_element_type3A_35, %shift_left3A_36 : vector<2000x128xi32>
    %or3A = arith.ori %shift_left3A_37, %convert_element_type3A_33 : vector<2000x128xi32>
    %bitcast_convert_type3A_38 = tpu.bitcast %or3A : vector<2000x128xi32> -> vector<2000x128xi32>
    %swap3A = arith.constant 0 : index
    %swap3A_39 = arith.constant 0 : index
    %swap3A_40 = vector.load %arg11[%swap3A, %swap3A_39] : memref<2000x128xi32, #tpu.memory_space<vmem>>, vector<2000x128xi32>
    tpu.vector_store %arg11[%swap3A, %swap3A_39], %bitcast_convert_type3A_38 {strides = array<i32>} : memref<2000x128xi32, #tpu.memory_space<vmem>>, vector<2000x128xi32>,
    %get3A_41 = arith.constant 0 : index
    %get3A_42 = arith.constant 0 : index
    %get3A_43 = vector.load %arg9[%get3A_41, %get3A_42] : memref<256x256xf32, #tpu.memory_space<vmem>>, vector<256x256xf32>
    %dot_general3A_44 = arith.constant dense<0.000000e+00> : vector<2000x256xf32>
    %dot_general3A_45 = tpu.matmul %add3A_9, %get3A_43, %dot_general3A_44 {dimension_numbers = #tpu.dot_dimension_numbers<[1], [0], [0], [1], [0, 0, 1, 1], [], []>, transpose_lhs_hint = false} : vector<2000x256xf32>, vector<256x256xf32>, vector<2000x256xf32> -> vector<2000x256xf32>
    %get3A_46 = arith.constant 0 : index
    %get3A_47 = arith.constant 0 : index
    %get3A_48 = vector.load %arg10[%get3A_46, %get3A_47] : memref<1x256xf32, #tpu.memory_space<vmem>>, vector<1x256xf32>
    %add3A_49 = vector.broadcast %get3A_48 : vector<1x256xf32> to vector<2000x256xf32>
    %add3A_50 = arith.addf %dot_general3A_45, %add3A_49 : vector<2000x256xf32>
    %convert_element_type3A_51 = arith.truncf %add3A_50 : vector<2000x256xf32> to vector<2000x256xbf16>
    %bitcast_convert_type3A_52 = tpu.bitcast %convert_element_type3A_51 : vector<2000x256xbf16> -> vector<2000x256xi16>
    %slice3A_53 = vector.extract_strided_slice %bitcast_convert_type3A_52 {offsets = [0, 0], sizes = [2000, 128], strides = [1, 1]} : vector<2000x256xi16> to vector<2000x128xi16>
    %convert_element_type3A_54 = arith.extui %slice3A_53 : vector<2000x128xi16> to vector<2000x128xi32>
    %slice3A_55 = vector.extract_strided_slice %bitcast_convert_type3A_52 {offsets = [0, 128], sizes = [2000, 128], strides = [1, 1]} : vector<2000x256xi16> to vector<2000x128xi16>
    %convert_element_type3A_56 = arith.extui %slice3A_55 : vector<2000x128xi16> to vector<2000x128xi32>
    %shift_left3A_57 = arith.constant 16 : i32
    %shift_left3A_58 = vector.broadcast %shift_left3A_57 : i32 to vector<2000x128xi32>
    %shift_left3A_59 = arith.shli %convert_element_type3A_56, %shift_left3A_58 : vector<2000x128xi32>
    %or3A_60 = arith.ori %shift_left3A_59, %convert_element_type3A_54 : vector<2000x128xi32>
    %bitcast_convert_type3A_61 = tpu.bitcast %or3A_60 : vector<2000x128xi32> -> vector<2000x128xi32>
    %swap3A_62 = arith.constant 0 : index
    %swap3A_63 = arith.constant 0 : index
    %swap3A_64 = vector.load %arg12[%swap3A_62, %swap3A_63] : memref<2000x128xi32, #tpu.memory_space<vmem>>, vector<2000x128xi32>
    tpu.vector_store %arg12[%swap3A_62, %swap3A_63], %bitcast_convert_type3A_61 {strides = array<i32>} : memref<2000x128xi32, #tpu.memory_space<vmem>>, vector<2000x128xi32>,
    %get3A_65 = arith.constant 0 : index
    %get3A_66 = arith.constant 0 : index
    %get3A_67 = vector.load %arg7[%get3A_65, %get3A_66] : memref<256x256xf32, #tpu.memory_space<vmem>>, vector<256x256xf32>
    %dot_general3A_68 = arith.constant dense<0.000000e+00> : vector<2000x256xf32>
    %dot_general3A_69 = tpu.matmul %add3A_22, %get3A_67, %dot_general3A_68 {dimension_numbers = #tpu.dot_dimension_numbers<[1], [0], [0], [1], [0, 0, 1, 1], [], []>, transpose_lhs_hint = false} : vector<2000x256xf32>, vector<256x256xf32>, vector<2000x256xf32> -> vector<2000x256xf32>
    %get3A_70 = arith.constant 0 : index
    %get3A_71 = arith.constant 0 : index
    %get3A_72 = vector.load %arg8[%get3A_70, %get3A_71] : memref<1x256xf32, #tpu.memory_space<vmem>>, vector<1x256xf32>
    %add3A_73 = vector.broadcast %get3A_72 : vector<1x256xf32> to vector<2000x256xf32>
    %add3A_74 = arith.addf %dot_general3A_69, %add3A_73 : vector<2000x256xf32>
    %convert_element_type3A_75 = arith.truncf %add3A_74 : vector<2000x256xf32> to vector<2000x256xbf16>
    %bitcast_convert_type3A_76 = tpu.bitcast %convert_element_type3A_75 : vector<2000x256xbf16> -> vector<2000x256xi16>
    %slice3A_77 = vector.extract_strided_slice %bitcast_convert_type3A_76 {offsets = [0, 0], sizes = [2000, 128], strides = [1, 1]} : vector<2000x256xi16> to vector<2000x128xi16>
    %convert_element_type3A_78 = arith.extui %slice3A_77 : vector<2000x128xi16> to vector<2000x128xi32>
    %slice3A_79 = vector.extract_strided_slice %bitcast_convert_type3A_76 {offsets = [0, 128], sizes = [2000, 128], strides = [1, 1]} : vector<2000x256xi16> to vector<2000x128xi16>
    %convert_element_type3A_80 = arith.extui %slice3A_79 : vector<2000x128xi16> to vector<2000x128xi32>
    %shift_left3A_81 = arith.constant 16 : i32
    %shift_left3A_82 = vector.broadcast %shift_left3A_81 : i32 to vector<2000x128xi32>
    %shift_left3A_83 = arith.shli %convert_element_type3A_80, %shift_left3A_82 : vector<2000x128xi32>
    %or3A_84 = arith.ori %shift_left3A_83, %convert_element_type3A_78 : vector<2000x128xi32>
    %bitcast_convert_type3A_85 = tpu.bitcast %or3A_84 : vector<2000x128xi32> -> vector<2000x128xi32>
    %swap3A_86 = arith.constant 0 : index
    %swap3A_87 = arith.constant 0 : index
    %swap3A_88 = vector.load %arg13[%swap3A_86, %swap3A_87] : memref<2000x128xi32, #tpu.memory_space<vmem>>, vector<2000x128xi32>
    tpu.vector_store %arg13[%swap3A_86, %swap3A_87], %bitcast_convert_type3A_85 {strides = array<i32>} : memref<2000x128xi32, #tpu.memory_space<vmem>>, vector<2000x128xi32>,
    %get3A_89 = arith.constant 0 : index
    %get3A_90 = arith.constant 0 : index
    %get3A_91 = vector.load %arg9[%get3A_89, %get3A_90] : memref<256x256xf32, #tpu.memory_space<vmem>>, vector<256x256xf32>
    %dot_general3A_92 = arith.constant dense<0.000000e+00> : vector<2000x256xf32>
    %dot_general3A_93 = tpu.matmul %add3A_22, %get3A_91, %dot_general3A_92 {dimension_numbers = #tpu.dot_dimension_numbers<[1], [0], [0], [1], [0, 0, 1, 1], [], []>, transpose_lhs_hint = false} : vector<2000x256xf32>, vector<256x256xf32>, vector<2000x256xf32> -> vector<2000x256xf32>
    %get3A_94 = arith.constant 0 : index
    %get3A_95 = arith.constant 0 : index
    %get3A_96 = vector.load %arg10[%get3A_94, %get3A_95] : memref<1x256xf32, #tpu.memory_space<vmem>>, vector<1x256xf32>
    %add3A_97 = vector.broadcast %get3A_96 : vector<1x256xf32> to vector<2000x256xf32>
    %add3A_98 = arith.addf %dot_general3A_93, %add3A_97 : vector<2000x256xf32>
    %convert_element_type3A_99 = arith.truncf %add3A_98 : vector<2000x256xf32> to vector<2000x256xbf16>
    %bitcast_convert_type3A_100 = tpu.bitcast %convert_element_type3A_99 : vector<2000x256xbf16> -> vector<2000x256xi16>
    %slice3A_101 = vector.extract_strided_slice %bitcast_convert_type3A_100 {offsets = [0, 0], sizes = [2000, 128], strides = [1, 1]} : vector<2000x256xi16> to vector<2000x128xi16>
    %convert_element_type3A_102 = arith.extui %slice3A_101 : vector<2000x128xi16> to vector<2000x128xi32>
    %slice3A_103 = vector.extract_strided_slice %bitcast_convert_type3A_100 {offsets = [0, 128], sizes = [2000, 128], strides = [1, 1]} : vector<2000x256xi16> to vector<2000x128xi16>
    %convert_element_type3A_104 = arith.extui %slice3A_103 : vector<2000x128xi16> to vector<2000x128xi32>
    %shift_left3A_105 = arith.constant 16 : i32
    %shift_left3A_106 = vector.broadcast %shift_left3A_105 : i32 to vector<2000x128xi32>
    %shift_left3A_107 = arith.shli %convert_element_type3A_104, %shift_left3A_106 : vector<2000x128xi32>
    %or3A_108 = arith.ori %shift_left3A_107, %convert_element_type3A_102 : vector<2000x128xi32>
    %bitcast_convert_type3A_109 = tpu.bitcast %or3A_108 : vector<2000x128xi32> -> vector<2000x128xi32>
    %swap3A_110 = arith.constant 0 : index
    %swap3A_111 = arith.constant 0 : index
    %swap3A_112 = vector.load %arg14[%swap3A_110, %swap3A_111] : memref<2000x128xi32, #tpu.memory_space<vmem>>, vector<2000x128xi32>
    tpu.vector_store %arg14[%swap3A_110, %swap3A_111], %bitcast_convert_type3A_109 {strides = array<i32>} : memref<2000x128xi32, #tpu.memory_space<vmem>>, vector<2000x128xi32>,
    return
  }
  func.func @transform_0(%arg0: i32) -> (i32, i32) {
    %c0_i32 = arith.constant 0 : i32
    %c0_i32_0 = arith.constant 0 : i32
    return %arg0, %c0_i32 : i32, i32
  }
  func.func @transform_1(%arg0: i32) -> (i32, i32) {
    %c0_i32 = arith.constant 0 : i32
    %c0_i32_0 = arith.constant 0 : i32
    return %arg0, %c0_i32 : i32, i32
  }
  func.func @transform_2(%arg0: i32) -> (i32, i32) {
    %c0_i32 = arith.constant 0 : i32
    %c0_i32_0 = arith.constant 0 : i32
    %c0_i32_1 = arith.constant 0 : i32
    return %c0_i32, %c0_i32_0 : i32, i32
  }
  func.func @transform_3(%arg0: i32) -> (i32, i32) {
    %c0_i32 = arith.constant 0 : i32
    %c0_i32_0 = arith.constant 0 : i32
    %c0_i32_1 = arith.constant 0 : i32
    return %c0_i32, %c0_i32_0 : i32, i32
  }
  func.func @transform_4(%arg0: i32) -> (i32, i32) {
    %c0_i32 = arith.constant 0 : i32
    %c0_i32_0 = arith.constant 0 : i32
    %c0_i32_1 = arith.constant 0 : i32
    return %c0_i32, %c0_i32_0 : i32, i32
  }
  func.func @transform_5(%arg0: i32) -> (i32, i32) {
    %c0_i32 = arith.constant 0 : i32
    %c0_i32_0 = arith.constant 0 : i32
    %c0_i32_1 = arith.constant 0 : i32
    return %c0_i32, %c0_i32_0 : i32, i32
  }
  func.func @transform_6(%arg0: i32) -> (i32, i32) {
    %c0_i32 = arith.constant 0 : i32
    %c0_i32_0 = arith.constant 0 : i32
    %c0_i32_1 = arith.constant 0 : i32
    return %c0_i32, %c0_i32_0 : i32, i32
  }
  func.func @transform_7(%arg0: i32) -> (i32, i32) {
    %c0_i32 = arith.constant 0 : i32
    %c0_i32_0 = arith.constant 0 : i32
    %c0_i32_1 = arith.constant 0 : i32
    return %c0_i32, %c0_i32_0 : i32, i32
  }
  func.func @transform_8(%arg0: i32) -> (i32, i32) {
    %c0_i32 = arith.constant 0 : i32
    %c0_i32_0 = arith.constant 0 : i32
    %c0_i32_1 = arith.constant 0 : i32
    return %c0_i32, %c0_i32_0 : i32, i32
  }
  func.func @transform_9(%arg0: i32) -> (i32, i32) {
    %c0_i32 = arith.constant 0 : i32
    %c0_i32_0 = arith.constant 0 : i32
    %c0_i32_1 = arith.constant 0 : i32
    return %c0_i32, %c0_i32_0 : i32, i32
  }
  func.func @transform_10(%arg0: i32) -> (i32, i32) {
    %c0_i32 = arith.constant 0 : i32
    %c0_i32_0 = arith.constant 0 : i32
    return %arg0, %c0_i32 : i32, i32
  }
  func.func @transform_11(%arg0: i32) -> (i32, i32) {
    %c0_i32 = arith.constant 0 : i32
    %c0_i32_0 = arith.constant 0 : i32
    return %arg0, %c0_i32 : i32, i32
  }
  func.func @transform_12(%arg0: i32) -> (i32, i32) {
    %c0_i32 = arith.constant 0 : i32
    %c0_i32_0 = arith.constant 0 : i32
    return %arg0, %c0_i32 : i32, i32
  }
  func.func @transform_13(%arg0: i32) -> (i32, i32) {
    %c0_i32 = arith.constant 0 : i32
    %c0_i32_0 = arith.constant 0 : i32
    return %arg0, %c0_i32 : i32, i32
  }
}

module attributes {stable_mosaic.version = 14 : i64} {
  func.func @_combine_body(%arg0: memref<4x512xf32, #tpu.memory_space<vmem>>, %arg1: memref<8x128xf32, #tpu.memory_space<vmem>>) attributes {dimension_semantics = [], scalar_prefetch = 0 : i64, scratch_operands = 0 : i64, tpu.core_type = #tpu.core_type<tc>} {
    %get3A = arith.constant 0 : index
    %get3A_0 = arith.constant 0 : index
    %get3A_1 = vector.load %arg0[%get3A, %get3A_0] : memref<4x512xf32, #tpu.memory_space<vmem>>, vector<4x512xf32>
    %slice3A = vector.extract_strided_slice %get3A_1 {offsets = [0, 0], sizes = [1, 512], strides = [1, 1]} : vector<4x512xf32> to vector<1x512xf32>
    %slice3A_2 = vector.extract_strided_slice %get3A_1 {offsets = [1, 0], sizes = [1, 512], strides = [1, 1]} : vector<4x512xf32> to vector<1x512xf32>
    %slice3A_3 = vector.extract_strided_slice %get3A_1 {offsets = [2, 0], sizes = [1, 512], strides = [1, 1]} : vector<4x512xf32> to vector<1x512xf32>
    %slice3A_4 = vector.extract_strided_slice %get3A_1 {offsets = [3, 0], sizes = [1, 512], strides = [1, 1]} : vector<4x512xf32> to vector<1x512xf32>
    %reduce_max3A = vector.shape_cast %slice3A : vector<1x512xf32> to vector<1x1x512xf32>
    %reduce_max3A_5 = arith.constant dense<0xFF800000> : vector<1xf32>
    %reduce_max3A_6 = vector.multi_reduction <maximumf>, %reduce_max3A, %reduce_max3A_5 [1, 2] : vector<1x1x512xf32> to vector<1xf32>
    %reduce_max3A_7 = vector.shape_cast %reduce_max3A_6 : vector<1xf32> to vector<1x1x1xf32>
    %reduce_max3A_8 = vector.extract %reduce_max3A_7[0, 0, 0] : f32 from vector<1x1x1xf32>
    %reduce_max3A_9 = vector.shape_cast %slice3A_2 : vector<1x512xf32> to vector<1x1x512xf32>
    %reduce_max3A_10 = arith.constant dense<0xFF800000> : vector<1xf32>
    %reduce_max3A_11 = vector.multi_reduction <maximumf>, %reduce_max3A_9, %reduce_max3A_10 [1, 2] : vector<1x1x512xf32> to vector<1xf32>
    %reduce_max3A_12 = vector.shape_cast %reduce_max3A_11 : vector<1xf32> to vector<1x1x1xf32>
    %reduce_max3A_13 = vector.extract %reduce_max3A_12[0, 0, 0] : f32 from vector<1x1x1xf32>
    %sub3A = vector.broadcast %reduce_max3A_8 : f32 to vector<1x512xf32>
    %sub3A_14 = arith.subf %slice3A, %sub3A : vector<1x512xf32>
    %exp3A = math.exp %sub3A_14 : vector<1x512xf32>
    %mul3A = arith.mulf %slice3A_3, %exp3A : vector<1x512xf32>
    %reduce_sum3A = vector.shape_cast %mul3A : vector<1x512xf32> to vector<1x1x512xf32>
    %reduce_sum3A_15 = arith.constant dense<0.000000e+00> : vector<1xf32>
    %reduce_sum3A_16 = vector.multi_reduction <add>, %reduce_sum3A, %reduce_sum3A_15 [1, 2] : vector<1x1x512xf32> to vector<1xf32>
    %reduce_sum3A_17 = vector.shape_cast %reduce_sum3A_16 : vector<1xf32> to vector<1x1x1xf32>
    %reduce_sum3A_18 = vector.extract %reduce_sum3A_17[0, 0, 0] : f32 from vector<1x1x1xf32>
    %sub3A_19 = vector.broadcast %reduce_max3A_13 : f32 to vector<1x512xf32>
    %sub3A_20 = arith.subf %slice3A_2, %sub3A_19 : vector<1x512xf32>
    %exp3A_21 = math.exp %sub3A_20 : vector<1x512xf32>
    %mul3A_22 = arith.mulf %slice3A_4, %exp3A_21 : vector<1x512xf32>
    %reduce_sum3A_23 = vector.shape_cast %mul3A_22 : vector<1x512xf32> to vector<1x1x512xf32>
    %reduce_sum3A_24 = arith.constant dense<0.000000e+00> : vector<1xf32>
    %reduce_sum3A_25 = vector.multi_reduction <add>, %reduce_sum3A_23, %reduce_sum3A_24 [1, 2] : vector<1x1x512xf32> to vector<1xf32>
    %reduce_sum3A_26 = vector.shape_cast %reduce_sum3A_25 : vector<1xf32> to vector<1x1x1xf32>
    %reduce_sum3A_27 = vector.extract %reduce_sum3A_26[0, 0, 0] : f32 from vector<1x1x1xf32>
    %div3A = arith.divf %reduce_sum3A_18, %reduce_sum3A_18 : f32
    %mul3A_28 = arith.constant 3.125000e-06 : f32
    %mul3A_29 = arith.mulf %div3A, %mul3A_28 : f32
    %div3A_30 = arith.divf %reduce_sum3A_27, %reduce_sum3A_27 : f32
    %mul3A_31 = arith.constant 3.125000e-06 : f32
    %mul3A_32 = arith.mulf %div3A_30, %mul3A_31 : f32
    %max3A = arith.maximumf %mul3A_29, %mul3A_32 : f32
    %sub3A_33 = arith.subf %mul3A_29, %max3A : f32
    %exp3A_34 = math.exp %sub3A_33 : f32
    %sub3A_35 = arith.subf %mul3A_32, %max3A : f32
    %exp3A_36 = math.exp %sub3A_35 : f32
    %add3A = arith.addf %exp3A_34, %exp3A_36 : f32
    %div3A_37 = arith.divf %exp3A_34, %add3A : f32
    %div3A_38 = arith.divf %exp3A_36, %add3A : f32
    %mul3A_39 = arith.constant 1.000000e-01 : f32
    %mul3A_40 = arith.mulf %mul3A_39, %div3A_37 : f32
    %mul3A_41 = arith.constant 1.000000e-01 : f32
    %mul3A_42 = arith.mulf %mul3A_41, %div3A_38 : f32
    %max3A_43 = arith.maximumf %mul3A_40, %mul3A_42 : f32
    %sub3A_44 = arith.subf %mul3A_40, %max3A_43 : f32
    %exp3A_45 = math.exp %sub3A_44 : f32
    %sub3A_46 = arith.subf %mul3A_42, %max3A_43 : f32
    %exp3A_47 = math.exp %sub3A_46 : f32
    %add3A_48 = arith.addf %exp3A_45, %exp3A_47 : f32
    %div3A_49 = arith.divf %exp3A_45, %add3A_48 : f32
    %div3A_50 = arith.divf %exp3A_47, %add3A_48 : f32
    %mul3A_51 = arith.constant 1.000000e-01 : f32
    %mul3A_52 = arith.mulf %mul3A_51, %div3A_37 : f32
    %mul3A_53 = arith.mulf %mul3A_52, %div3A_38 : f32
    %mul3A_54 = arith.constant 1.000000e-01 : f32
    %mul3A_55 = arith.mulf %mul3A_54, %div3A_38 : f32
    %mul3A_56 = arith.mulf %mul3A_55, %div3A_37 : f32
    %max3A_57 = arith.maximumf %mul3A_53, %mul3A_56 : f32
    %sub3A_58 = arith.subf %mul3A_53, %max3A_57 : f32
    %exp3A_59 = math.exp %sub3A_58 : f32
    %sub3A_60 = arith.subf %mul3A_56, %max3A_57 : f32
    %exp3A_61 = math.exp %sub3A_60 : f32
    %add3A_62 = arith.addf %exp3A_59, %exp3A_61 : f32
    %div3A_63 = arith.divf %exp3A_59, %add3A_62 : f32
    %div3A_64 = arith.divf %exp3A_61, %add3A_62 : f32
    %mul3A_65 = arith.constant 1.000000e-01 : f32
    %mul3A_66 = arith.mulf %mul3A_65, %div3A_37 : f32
    %mul3A_67 = arith.mulf %mul3A_66, %div3A_38 : f32
    %mul3A_68 = arith.mulf %mul3A_67, %div3A_37 : f32
    %mul3A_69 = arith.constant 1.000000e-01 : f32
    %mul3A_70 = arith.mulf %mul3A_69, %div3A_38 : f32
    %mul3A_71 = arith.mulf %mul3A_70, %div3A_37 : f32
    %mul3A_72 = arith.mulf %mul3A_71, %div3A_38 : f32
    %max3A_73 = arith.maximumf %mul3A_68, %mul3A_72 : f32
    %sub3A_74 = arith.subf %mul3A_68, %max3A_73 : f32
    %exp3A_75 = math.exp %sub3A_74 : f32
    %sub3A_76 = arith.subf %mul3A_72, %max3A_73 : f32
    %exp3A_77 = math.exp %sub3A_76 : f32
    %add3A_78 = arith.addf %exp3A_75, %exp3A_77 : f32
    %div3A_79 = arith.divf %exp3A_75, %add3A_78 : f32
    %div3A_80 = arith.divf %exp3A_77, %add3A_78 : f32
    %iota3A = tpu.iota {dimensions = array<i32: 0>} : vector<8x128xi32>
    %iota3A_81 = tpu.iota {dimensions = array<i32: 1>} : vector<8x128xi32>
    %broadcast_in_dim3A = arith.constant 0.000000e+00 : f32
    %broadcast_in_dim3A_82 = vector.broadcast %broadcast_in_dim3A : f32 to vector<8x128xf32>
    %eq3A = arith.constant 0 : i32
    %eq3A_83 = vector.broadcast %eq3A : i32 to vector<8x128xi32>
    %eq3A_84 = arith.cmpi eq, %iota3A, %eq3A_83 : vector<8x128xi32>
    %eq3A_85 = arith.constant 0 : i32
    %eq3A_86 = vector.broadcast %eq3A_85 : i32 to vector<8x128xi32>
    %eq3A_87 = arith.cmpi eq, %iota3A_81, %eq3A_86 : vector<8x128xi32>
    %and3A = arith.andi %eq3A_84, %eq3A_87 : vector<8x128xi1>
    %broadcast_in_dim3A_88 = vector.broadcast %div3A_49 : f32 to vector<8x128xf32>
    %select_n3A = arith.select %and3A, %broadcast_in_dim3A_88, %broadcast_in_dim3A_82 : vector<8x128xi1>, vector<8x128xf32>
    %eq3A_89 = arith.constant 0 : i32
    %eq3A_90 = vector.broadcast %eq3A_89 : i32 to vector<8x128xi32>
    %eq3A_91 = arith.cmpi eq, %iota3A, %eq3A_90 : vector<8x128xi32>
    %eq3A_92 = arith.constant 1 : i32
    %eq3A_93 = vector.broadcast %eq3A_92 : i32 to vector<8x128xi32>
    %eq3A_94 = arith.cmpi eq, %iota3A_81, %eq3A_93 : vector<8x128xi32>
    %and3A_95 = arith.andi %eq3A_91, %eq3A_94 : vector<8x128xi1>
    %broadcast_in_dim3A_96 = vector.broadcast %div3A_50 : f32 to vector<8x128xf32>
    %select_n3A_97 = arith.select %and3A_95, %broadcast_in_dim3A_96, %select_n3A : vector<8x128xi1>, vector<8x128xf32>
    %eq3A_98 = arith.constant 0 : i32
    %eq3A_99 = vector.broadcast %eq3A_98 : i32 to vector<8x128xi32>
    %eq3A_100 = arith.cmpi eq, %iota3A, %eq3A_99 : vector<8x128xi32>
    %eq3A_101 = arith.constant 2 : i32
    %eq3A_102 = vector.broadcast %eq3A_101 : i32 to vector<8x128xi32>
    %eq3A_103 = arith.cmpi eq, %iota3A_81, %eq3A_102 : vector<8x128xi32>
    %and3A_104 = arith.andi %eq3A_100, %eq3A_103 : vector<8x128xi1>
    %broadcast_in_dim3A_105 = vector.broadcast %div3A_63 : f32 to vector<8x128xf32>
    %select_n3A_106 = arith.select %and3A_104, %broadcast_in_dim3A_105, %select_n3A_97 : vector<8x128xi1>, vector<8x128xf32>
    %eq3A_107 = arith.constant 0 : i32
    %eq3A_108 = vector.broadcast %eq3A_107 : i32 to vector<8x128xi32>
    %eq3A_109 = arith.cmpi eq, %iota3A, %eq3A_108 : vector<8x128xi32>
    %eq3A_110 = arith.constant 3 : i32
    %eq3A_111 = vector.broadcast %eq3A_110 : i32 to vector<8x128xi32>
    %eq3A_112 = arith.cmpi eq, %iota3A_81, %eq3A_111 : vector<8x128xi32>
    %and3A_113 = arith.andi %eq3A_109, %eq3A_112 : vector<8x128xi1>
    %broadcast_in_dim3A_114 = vector.broadcast %div3A_64 : f32 to vector<8x128xf32>
    %select_n3A_115 = arith.select %and3A_113, %broadcast_in_dim3A_114, %select_n3A_106 : vector<8x128xi1>, vector<8x128xf32>
    %eq3A_116 = arith.constant 0 : i32
    %eq3A_117 = vector.broadcast %eq3A_116 : i32 to vector<8x128xi32>
    %eq3A_118 = arith.cmpi eq, %iota3A, %eq3A_117 : vector<8x128xi32>
    %eq3A_119 = arith.constant 4 : i32
    %eq3A_120 = vector.broadcast %eq3A_119 : i32 to vector<8x128xi32>
    %eq3A_121 = arith.cmpi eq, %iota3A_81, %eq3A_120 : vector<8x128xi32>
    %and3A_122 = arith.andi %eq3A_118, %eq3A_121 : vector<8x128xi1>
    %broadcast_in_dim3A_123 = vector.broadcast %div3A_79 : f32 to vector<8x128xf32>
    %select_n3A_124 = arith.select %and3A_122, %broadcast_in_dim3A_123, %select_n3A_115 : vector<8x128xi1>, vector<8x128xf32>
    %eq3A_125 = arith.constant 0 : i32
    %eq3A_126 = vector.broadcast %eq3A_125 : i32 to vector<8x128xi32>
    %eq3A_127 = arith.cmpi eq, %iota3A, %eq3A_126 : vector<8x128xi32>
    %eq3A_128 = arith.constant 5 : i32
    %eq3A_129 = vector.broadcast %eq3A_128 : i32 to vector<8x128xi32>
    %eq3A_130 = arith.cmpi eq, %iota3A_81, %eq3A_129 : vector<8x128xi32>
    %and3A_131 = arith.andi %eq3A_127, %eq3A_130 : vector<8x128xi1>
    %broadcast_in_dim3A_132 = vector.broadcast %div3A_80 : f32 to vector<8x128xf32>
    %select_n3A_133 = arith.select %and3A_131, %broadcast_in_dim3A_132, %select_n3A_124 : vector<8x128xi1>, vector<8x128xf32>
    %swap3A = arith.constant 0 : index
    %swap3A_134 = arith.constant 0 : index
    %swap3A_135 = vector.load %arg1[%swap3A, %swap3A_134] : memref<8x128xf32, #tpu.memory_space<vmem>>, vector<8x128xf32>
    tpu.vector_store %arg1[%swap3A, %swap3A_134], %select_n3A_133 {strides = array<i32>} : memref<8x128xf32, #tpu.memory_space<vmem>>, vector<8x128xf32>,
    return
  }
}

</mosaic_0001>

<sc_bundles>
// kernel: kernel.5.cloned.1.call-start
scs
__scs_entry_jumppad:
0x0: {  	(pc) =	sbr.rel $0x88, $3  }
0x1: {  	(tag) =	ssettag $0x0;
	lr =	simm.s32 $0x1  }
0x2: {  	[smem:$0x3F95] =	sst lr;
	_ =	strace $0xD0000000  }
0x3: {  	_ = 	snop  }
0x4: {  	_ = 	snop  }
0x5: {  	_ = 	snop  }
0x6: {  	_ = 	snop  }
0x7: {  	_ = 	snop  }
__scs_overlays_trampoline_lowered:
0x8: {  	[smem:$0x3FA4] =	sst s0  }
0x9: {  	[smem:$0x3FA5] =	sst s1  }
0xa: {  	[smem:$0x3FA6] =	sst s2  }
0xb: {  	[smem:$0x3FA7] =	sst s3  }
0xc: {  	[smem:$0x3FA8] =	sst s4  }
0xd: {  	[smem:$0x3FA9] =	sst s5  }
0xe: {  	[smem:$0x3FAA] =	sst s6  }
0xf: {  	[smem:$0x3FAB] =	sst s7  }
0x10: {  	[smem:$0x3FAC] =	sst s8  }
0x11: {  	[smem:$0x3FAD] =	sst s9;
	s0 =	simm.s32 @!p0 $0x0  }
0x12: {  	s1 =	sld [smem:$0x3F93];
	s0 =	simm.s32 @p0 $0x1  }
0x13: {  	[smem:$0x3FAE] =	sst s0;
	s0 =	simm.s32 @!p1 $0x0  }
0x14: {  	s2 =	sld [smem:$0x3F92];
	s0 =	simm.s32 @p1 $0x1  }
0x15: {  	[smem:$0x3FAF] =	sst s0;
	s0 =	simm.s32 @!p2 $0x0  }
0x16: {  	s3 =	sld [smem:$0x3FDB];
	s0 =	simm.s32 @p2 $0x1  }
0x17: {  	s4 =	simm.s32 $0x1BF5;
	[smem:$0x3FB1] =	sst s0  }
0x18: {  	s0 =	sld [smem:$0x3F94];
	_ =	swait.ge [sflag:s4], $0x0  }
0x19: {  	s7 =	sld [smem:$0x3F95]  }
0x1a: {  	s8 =	sadd.s32 $0xFFFFE003, lr  }
0x1b: {  	s9 =	sadd.s32 $0xFFFFFEF7, lr;
	s5 =	simm.s32 $0xFFFFFFFF;
	p2 =	slt.u32 s8, $0xFFFFF086  }
0x1c: {  	p1 =	slt.u32 s9, $0xF7A;
	s5 =	simm.s32 @!p2 $0x0  }
0x1d: {  	s5 =	simm.s32 @p1 $0x1;
	p0 =	seq.s32 s7, s2  }
0x1e: {  	s7 =	smul.u32 @!p0 $0xF7A, s2;
	p2 =	seq.s32 @!p0 s5, $0x0  }
0x1f: {  	s9 =	smul.u32 $0xF7A, s1;
	s8 =	simm.s32 @!p0 $0x1BF5;
	p2 =	por !p2, p0  }
0x20: {  	[sflag:s8] =	ssyncset.s32 @!p0 $0xFFFFF086;
	s6 =	sadd.s32 @!p0 s3, s7;
	s7 =	simm.s32 @!p0 $0x108  }
0x21: {  	s3 =	sadd.s32 s3, s9;
	s6 =	sadd.s32 @!p0 $0x88, s6;
	s7 =	simm.s32 @p2 $0x1082  }
0x22: {  	[simem:s7], [sflag:s8] =	dma.local @!p0 [hbm:s6], $0xF7A  }
0x23: {  	s9 =	sor.u32 $0xD0000000, s2;
	s6 =	simm.s32 $0x108;
	_ =	swait.ge @!p0 [sflag:s8], $0x0  }
0x24: {  	s3 =	sadd.s32 $0x88, s3;
	s6 =	simm.s32 @!p1 $0x1082;
	[sflag:s4] =	ssyncset.s32 $0xFFFFF086  }
0x25: {  	[simem:s6], [sflag:s4] =	dma.local [hbm:s3], $0xF7A  }
0x26: {  	[smem:$0x3F95] =	sst s1;
	(tag) =	ssettag s2;
	_ =	strace s9  }
0x27: {  	s1 =	sld [smem:$0x3FA5]  }
0x28: {  	s2 =	sld [smem:$0x3FA6]  }
0x29: {  	s4 =	sld [smem:$0x3FA8]  }
0x2a: {  	p0 =	seq.s32 s5, $0x0;
	s5 =	sld [smem:$0x3FA9]  }
0x2b: {  	s6 =	sld [smem:$0x3FAA]  }
0x2c: {  	s7 =	sld [smem:$0x3FAB]  }
0x2d: {  	s3 =	simm.s32 $0x108;
	s8 =	sld [smem:$0x3FAC]  }
0x2e: {  	s3 =	simm.s32 @!p0 $0x1082;
	s9 =	sld [smem:$0x3FAD]  }
0x2f: {  	lr =	sadd.s32 s0, s3;
	s0 =	sld [smem:$0x3FA4]  }
0x30: {  	s3 =	sld [smem:$0x3FA7]  }
0x31: {  	[smem:$0x3FB0] =	sst s10  }
0x32: {  	s10 =	sld [smem:$0x3FAE];
	_ =	sdelay $0x3  }
0x33: {  	p0 =	seq.s32 s10, $0x1;
	s10 =	sld [smem:$0x3FB0];
	_ =	sdelay $0x3  }
0x34: {  	[smem:$0x3FB0] =	sst s10  }
0x35: {  	s10 =	sld [smem:$0x3FAF];
	_ =	sdelay $0x3  }
0x36: {  	p1 =	seq.s32 s10, $0x1;
	s10 =	sld [smem:$0x3FB0];
	_ =	sdelay $0x3  }
0x37: {  	[smem:$0x3FB0] =	sst s10  }
0x38: {  	s10 =	sld [smem:$0x3FB1]  }
0x39: {  	_ = 	snop;
	(pc) =	sbr.ind lr, $3  }
0x3a: {  	_ = 	snop  }
0x3b: {  	_ = 	snop  }
0x3c: {  	p2 =	seq.s32 s10, $0x1;
	s10 =	sld [smem:$0x3FB0]  }
0x3d: {  	_ =	shalt  }
0x3e: {  	_ =	shalt  }
0x3f: {  	_ =	shalt  }
0x40: {  	_ =	shalt  }
0x41: {  	_ =	shalt  }
0x42: {  	_ =	shalt  }
0x43: {  	_ =	shalt  }
0x44: {  	_ =	shalt  }
0x45: {  	_ =	shalt  }
0x46: {  	_ =	shalt  }
0x47: {  	_ =	shalt  }
0x48: {  	_ =	shalt  }
0x49: {  	_ =	shalt  }
0x4a: {  	_ =	shalt  }
0x4b: {  	_ =	shalt  }
0x4c: {  	_ =	shalt  }
0x4d: {  	_ =	shalt  }
0x4e: {  	_ =	shalt  }
0x4f: {  	_ =	shalt  }
0x50: {  	_ =	shalt  }
0x51: {  	_ =	shalt  }
0x52: {  	_ =	shalt  }
0x53: {  	_ =	shalt  }
0x54: {  	_ =	shalt  }
0x55: {  	_ =	shalt  }
0x56: {  	_ =	shalt  }
0x57: {  	_ =	shalt  }
0x58: {  	_ =	shalt  }
0x59: {  	_ =	shalt  }
0x5a: {  	_ =	shalt  }
0x5b: {  	_ =	shalt  }
0x5c: {  	_ =	shalt  }
0x5d: {  	_ =	shalt  }
0x5e: {  	_ =	shalt  }
0x5f: {  	_ =	shalt  }
0x60: {  	_ =	shalt  }
0x61: {  	_ =	shalt  }
0x62: {  	_ =	shalt  }
0x63: {  	_ =	shalt  }
0x64: {  	_ =	shalt  }
0x65: {  	_ =	shalt  }
0x66: {  	_ =	shalt  }
0x67: {  	_ =	shalt  }
0x68: {  	_ =	shalt  }
0x69: {  	_ =	shalt  }
0x6a: {  	_ =	shalt  }
0x6b: {  	_ =	shalt  }
0x6c: {  	_ =	shalt  }
0x6d: {  	_ =	shalt  }
0x6e: {  	_ =	shalt  }
0x6f: {  	_ =	shalt  }
0x70: {  	_ =	shalt  }
0x71: {  	_ =	shalt  }
0x72: {  	_ =	shalt  }
0x73: {  	_ =	shalt  }
0x74: {  	_ =	shalt  }
0x75: {  	_ =	shalt  }
0x76: {  	_ =	shalt  }
0x77: {  	_ =	shalt  }
0x78: {  	_ =	shalt  }
0x79: {  	_ =	shalt  }
0x7a: {  	_ =	shalt  }
0x7b: {  	_ =	shalt  }
0x7c: {  	_ =	shalt  }
0x7d: {  	_ =	shalt  }
0x7e: {  	_ =	shalt  }
0x7f: {  	_ =	shalt  }
0x80: {  	_ =	shalt  }
0x81: {  	_ =	shalt  }
0x82: {  	_ =	shalt  }
0x83: {  	_ =	shalt  }
0x84: {  	_ =	shalt  }
0x85: {  	_ =	shalt  }
0x86: {  	_ =	shalt  }
0x87: {  	_ =	shalt  }
.Lfunc_end0:
.L_simem_size_0:
called_computation_lowered:
.L_overlay_start_0:
0x88: {  	s2 =	sld [smem:$0x3FD9]  }
0x89: {  	s3 =	sld [smem:$0x3FFE];
	_ =	sdelay $0x1  }
0x8a: {  	s1 =	srdreg.scid  }
0x8b: {  	s0 =	sand.u32 $0x1, s1  }
0x8c: {  	s16 =	sshll.u32 s0, $0xA;
	s2 =	sadd.s32 s3, s2  }
0x8d: {  	s2 =	sadd.s32 s2, s16  }
0x8e: {  	[smem:$0x3FBC] =	sst s2  }
0x8f: {  	_ = 	snop  }
0x90: {  	(tm) =	ssettm $0x1  }
0x91: {  	s17 =	sld [smem:$0x3FFB];
	_ =	sdelay $0x3  }
0x92: {  	_ =	strace s17  }
0x93: {  	s2 =	sld [smem:$0x3FFC];
	_ =	sdelay $0x3  }
0x94: {  	_ =	strace s2  }
0x95: {  	s2 =	sld [smem:$0x3FFD];
	_ =	sdelay $0x3  }
0x96: {  	_ =	strace s2  }
0x97: {  	_ =	strace $0x8FFFFFFF  }
0x98: {  	s18 =	sld [smem:$0x3FDB];
	_ =	sdelay $0x1  }
0x99: {  	s19 =	simm.s32 $_scs_section_size  }
0x9a: {  	s4 =	simm.s32 $_size__tile_overlayer_lowered;
	s5 =	simm.s32 $_tile_overlayer_lowered  }
0x9b: {  	s22 =	simm.s32 $0x1BFF;
	s21 =	sshll.u32 s5, $0x1;
	s2 =	sadd.s32 s19, s18  }
0x9c: {  	s6 =	simm.s32 $0x0;
	s20 =	sshll.u32 s4, $0x1;
	s4 =	sadd.s32 s21, s2  }
0x9d: {  	[timem:s6], [sflag:s22] =	dma.local [hbm:s4], s20  }
0x9e: {  	_ =	swait.ge [sflag:s22], s20  }
0x9f: {  	s3 =	ssub.s32 $0x0, s20;
	[sflag:s22] =	ssyncset.done $0x0  }
0xa0: {  	[sflag:s22] =	ssyncadd.s32 s3;
	_ =	sdelay $0x1  }
0xa1: {  	s23 =	simm.s32 $0x1B8B  }
0xa2: {  	_ =	swait.ge [sflag:s23], $0x1  }
0xa3: {  	[sflag:s23] =	ssyncset.done $0x0  }
0xa4: {  	s25 =	simm.s32 $0x1B8E;
	s24 =	sld [smem:$0x3FFE];
	[sflag:s23] =	ssyncadd.s32 $0xFFFFFFFF  }
0xa5: {  	s26 =	simm.s32 $execute0_lowered;
	[smem:$0x3FD2] =	sst s25  }
0xa6: {  	s4 =	sshll.u32 s26, $0x1;
	_ =	strace $0x80000046;
	[dreg:$0x1] =	wrdreg $0xFFFFFFFF  }
0xa7: {  	s28 =	simm.s32 $_size_execute0_lowered;
	s2 =	sadd.s32 s2, s4;
	[dreg:$0x0] =	wrdreg $0x0  }
0xa8: {  	s4 =	sshll.u32 s28, $0x1;
	[dreg:$0x2] =	wrdreg s2  }
0xa9: {  	[dreg:$0x3] =	wrdreg s4  }
0xaa: {  	[dreg:$0x4] =	wrdreg $0xC0  }
0xab: {  	_ =	task [dreg:s6], $0x5FFFF  }
0xac: {  	[dreg:$0x1] =	wrdreg $0xFFFFFFFF  }
0xad: {  	[dreg:$0x0] =	wrdreg $0x60  }
0xae: {  	[dreg:$0x2] =	wrdreg s24  }
0xaf: {  	[dreg:$0x3] =	wrdreg $0x9  }
0xb0: {  	_ =	task.clear_ibuf [dreg:s6], $0x4FFFF;
	_ =	strace $0x90000046  }
0xb1: {  	s29 =	simm.s32 $0x9;
	_ =	strace $0x80000048  }
0xb2: {  	_ =	swait.ge [sflag:s29], $0x1  }
0xb3: {  	[sflag:s29] =	ssyncadd.s32 $0xFFFFFFFF  }
0xb4: {  	_ =	strace $0x90000048  }
0xb5: {  	_ =	sfence  }
0xb6: {  	s30 =	sld [smem:$0x0];
	_ =	sdelay $0x2  }
0xb7: {  	s31 =	sshll.u32 s1, $0xD;
	s1 =	sshrl.u32 s1, $0x2  }
0xb8: {  	s3 =	sand.u32 $0x4000, s31;
	s1 =	sadd.s32 s1, s30  }
0xb9: {  	s0 =	sor.u32 s3, s0;
	s1 =	sshll.u32 s1, $0x11  }
0xba: {  	s0 =	sor.u32 s1, s0  }
0xbb: {  	s0 =	sadd.s32 $0x8F2B, s0  }
0xbc: {  	[sflag:s0] =	ssyncadd.remote.s32 $0x1  }
0xbd: {  	_ =	sfence.sel $0xFFFF  }
0xbe: {  	[dreg:$0x0] =	wrdreg $0xFFFFFFFF;
	(pc) =	sbr.abs _section_cstart, $3  }
0xbf: {  	[dreg:$0x1] =	wrdreg $0xFFFFFFFF  }
0xc0: {  	_ =	task.clear_ibuf [dreg:s6], $0x2FFFF;
	_ =	strace $0x9FFFFFFF  }
0xc1: {  	(tm) =	ssettm $0x7FFFFFFF  }
tec
execute0_lowered:
.L_overlay_start_1:
0x0: {  	(tag) =	ssettag $0x1  }
0x1: {  	s0 =	rddreg [dreg:$0x0]  }
0x2: {  	s2 =	simm.s32 $0x0;
	s1 =	srdreg.scid;
	s3 =	stileid.u32  }
0x3: {  	s16 =	simm.s32 $0x2780;
	s17 =	simm.s32 $0x5;
	s18 =	simm.s32 $0x1  }
0x4: {  	v0 =	vimm.s32 $0xEFCDAB89;
	s19 =	simm.s32 $0x50;
	s20 =	simm.s32 $0x4F00;
	s21 =	simm.s32 $0x7700  }
0x5: {  	v1 =	vimm.s32 $0x67452301;
	v2 =	vimm.s32 $0xDCFE98BA;
	s22 =	simm.s32 $0x9F00;
	s23 =	simm.s32 $0xC700;
	s24 =	simm.s32 $0x2  }
0x6: {  	v3 =	vimm.s32 $0x54761032;
	v4 =	vimm.s32 $0xBA98FEDC;
	s28 =	simm.s32 $0x4;
	s31 =	simm.s32 $0x0;
	[smem:$0x7FF] =	sst s2  }
0x7: {  	v5 =	vimm.s32 $0x32107654;
	v6 =	vimm.s32 $0xFEDCBA98;
	s1 =	sand.u32 $0x1, s1;
	s3 =	sshll.u32 s3, $0x1;
	s4 =	sadd.s32 $0x9D800, s0  }
0x8: {  	v7 =	vimm.s32 $0x76543210;
	v0 =	vunpack.c.l.s4.s8 v0;
	s5 =	sadd.s32 $0x76600, s0;
	s6 =	sadd.s32 $0x4F400, s0;
	v1 =	vunpack.c.l.s4.s8 v1;
	s7 =	sor.u32 s1, s3  }
0x9: {  	v2 =	vunpack.c.l.s4.s8 v2;
	v3 =	vunpack.c.l.s4.s8 v3;
	v4 =	vunpack.c.l.s4.s8 v4;
	_ =	strace $0x80000047;
	s1 =	ssub.s32 $0x2, s1;
	s8 =	smul.u32 $0x4E2, s7  }
0xa: {  	v5 =	vunpack.c.l.s4.s8 v5;
	v6 =	vunpack.c.l.s4.s8 v6;
	s3 =	sadd.s32 $0x28200, s0;
	s7 =	sshll.u32 s7, $0x4;
	v0 =	vunpack.c.0.s8.s32 v0;
	s25 =	sshrl.u32 s1, $0x1  }
0xb: {  	v1 =	vunpack.c.0.s8.s32 v1;
	v2 =	vunpack.c.0.s8.s32 v2;
	v3 =	vunpack.c.0.s8.s32 v3;
	s1 =	ssub.s32 s1, s25;
	s25 =	simm.s32 $0xEF00;
	s8 =	sadd.s32 s8, s0  }
0xc: {  	v7 =	vunpack.c.l.s4.s8 v7;
	v4 =	vunpack.c.0.s8.s32 v4;
	v5 =	vunpack.c.0.s8.s32 v5;
	s0 =	sadd.s32 s7, s0;
	s15 =	smax.u32 s1, $0x1;
	s9 =	sadd.s32 $0x14600, s8  }
0xd: {  	v6 =	vunpack.c.0.s8.s32 v6;
	v8 =	vcombine.low v1, v0;
	v3 =	vcombine.low v3, v2;
	s26 =	sadd.s32 $0x1E400, s8;
	s29 =	sadd.s32 $0xC4A00, s0;
	[dreg:$0x2] =	wrdreg s9  }
0xe: {  	v0 =	vimm.f32 $-1.000000020e+30;
	v4 =	vcombine.low v5, v4;
	v5 =	vunpack.c.0.s8.s32 v7;
	s30 =	sadd.s32 $0xC4E00, s0;
	s11 =	sadd.s32 $0xA800, s8;
	[dreg:$0x3] =	wrdreg s26  }
0xf: {  	v1 =	vimm.f32 $0.0e+00;
	v6 =	vand.u32 $0xF, v6;
	s12 =	sadd.s32 $0xA00, s8;
	s13 =	sadd.s32 $0xC4C00, s0;
	[dreg:$0x4] =	wrdreg s29;
	v2 =	vand.u32 $0xF, v8  }
0x10: {  	s14 =	sadd.s32 $0xC5000, s0;
	[dreg:$0x5] =	wrdreg s30;
	s26 =	simm.s32 $0x3;
	v3 =	vand.u32 $0xF, v3;
	v4 =	vand.u32 $0xF, v4;
	v5 =	vcombine.low v6, v5  }
.LBB2_1:
0x11: {  	s0 =	rddreg [dreg:$0x2]  }
0x12: {  	[tilespmem:s2], [sflag:$0x1] =	stream.linear.gather [hbm4b:s0+s2], $0x2710, $0x38;
	[tilespmem:$0xF080] =	vst v63  }
0x13: {  	s30 =	rddreg [dreg:$0x3]  }
0x14: {  	[tilespmem:s16], [sflag:$0x5] =	stream.linear.gather [hbm4b:s30+s2], $0x2710, $0x38;
	[tilespmem:$0xF080] =	vst v63  }
0x15: {  	_ =	swait.ge [sflag:s17], $0x2710  }
0x16: {  	[sflag:s17] =	ssyncset.done $0x0  }
0x17: {  	[sflag:s17] =	ssyncadd.s32 $0xFFFFD8F0  }
0x18: {  	_ =	swait.ge [sflag:s18], $0x2710  }
0x19: {  	[sflag:s18] =	ssyncset.done $0x0  }
0x1a: {  	[sflag:s18] =	ssyncadd.s32 $0xFFFFD8F0  }
0x1b: {  	[tilespmem:$0xEF80] =	vst v0  }
0x1c: {  	[tilespmem:$0xF000] =	vst v1  }
0x1d: {  	[tilespmem:s20], [sflag:$0x1] =	stream.indirect.gather [hbm4b:s3+s19], $0x80, s2, s19, $0xb8;
	[tilespmem:$0xF080] =	vst v63  }
0x1e: {  	s0 =	simm.s32 $0x0  }
0x1f: {  	[tilespmem:s21], [sflag:$0x2] =	stream.indirect.gather [hbm4b:s4+s19], $0x80, s16, s19, $0xb8;
	[tilespmem:$0xF080] =	vst v63  }
.LBB2_2:
0x20: {  	s1 =	smul.u32 $0xA0, s0;
	_ =	sdelay $0x1  }
0x21: {  	s7 =	sadd.s32 $0x50, s1  }
0x22: {  	[tilespmem:s22], [sflag:$0x3] =	stream.indirect.gather [hbm4b:s3+s19], $0x80, s7, s19, $0xb8;
	[tilespmem:$0xF080] =	vst v63  }
0x23: {  	s9 =	sadd.s32 $0x27D0, s1  }
0x24: {  	[tilespmem:s23], [sflag:$0x4] =	stream.indirect.gather [hbm4b:s4+s19], $0x80, s9, s19, $0xb8;
	[tilespmem:$0xF080] =	vst v63  }
0x25: {  	_ =	swait.ge [sflag:s18], $0x2800  }
0x26: {  	[sflag:s18] =	ssyncset.done $0x0  }
0x27: {  	[sflag:s18] =	ssyncadd.s32 $0xFFFFD800  }
0x28: {  	_ =	swait.ge [sflag:s24], $0x2800  }
0x29: {  	[sflag:s24] =	ssyncset.done $0x0  }
0x2a: {  	s8 =	simm.s32 $0x5000;
	[sflag:s24] =	ssyncadd.s32 $0xFFFFD800  }
0x2b: {  	s10 =	simm.s32 $0x7800;
	v6 =	vld [tilespmem:s8+$0x80]  }
0x2c: {  	v7 =	vld [tilespmem:s10+$0x80]  }
0x2d: {  	v8 =	vld [tilespmem:s8+$0x90]  }
0x2e: {  	v9 =	vld [tilespmem:s10+$0x90]  }
0x2f: {  	v10 =	vld [tilespmem:s8+$0xA0]  }
0x30: {  	v11 =	vld [tilespmem:s10+$0xA0]  }
0x31: {  	v12 =	vld [tilespmem:s8+$0xB0]  }
0x32: {  	v13 =	vld [tilespmem:s10+$0xB0]  }
0x33: {  	v14 =	vld [tilespmem:s8+$0xC0]  }
0x34: {  	v15 =	vld [tilespmem:s10+$0xC0]  }
0x35: {  	v16 =	vld [tilespmem:s8+$0xD0]  }
0x36: {  	v17 =	vld [tilespmem:s10+$0xD0]  }
0x37: {  	v18 =	vld [tilespmem:s8+$0xE0]  }
0x38: {  	v19 =	vld [tilespmem:s10+$0xE0]  }
0x39: {  	v20 =	vld [tilespmem:s8+$0xF0]  }
0x3a: {  	v21 =	vld [tilespmem:s10+$0xF0]  }
0x3b: {  	v22 =	vld [tilespmem:s10+$0xFFFFFF00]  }
0x3c: {  	v23 =	vld [tilespmem:s8+$0xFFFFFF10]  }
0x3d: {  	v24 =	vld [tilespmem:s10+$0xFFFFFF10]  }
0x3e: {  	v25 =	vld [tilespmem:s8+$0xFFFFFF80]  }
0x3f: {  	v26 =	vld [tilespmem:s10+$0xFFFFFF80]  }
0x40: {  	v27 =	vld [tilespmem:s8+$0xFFFFFF90]  }
0x41: {  	v28 =	vld [tilespmem:s10+$0xFFFFFF90]  }
0x42: {  	v29 =	vld [tilespmem:s8+$0x0]  }
0x43: {  	v30 =	vld [tilespmem:s10+$0x0]  }
0x44: {  	v31 =	vld [tilespmem:s8+$0x10]  }
0x45: {  	v32 =	vld [tilespmem:s10+$0x10]  }
0x46: {  	v33 =	vld [tilespmem:s8+$0xFFFFFF00]  }
0x47: {  	v34 =	vld [tilespmem:s8+$0xFFFFFF20]  }
0x48: {  	v62 =	vld [tilespmem:s10+$0x30]  }
0x49: {  	v63 =	vld [tilespmem:s8+$0xFFFFFF40]  }
0x4a: {  	v44 =	vld [tilespmem:s10+$0xFFFFFF40];
	v6 =	vmul.bf16 v7, v6;
	v7 =	vmul.bf16 v9, v8  }
0x4b: {  	v45 =	vld [tilespmem:s8+$0xFFFFFFC0]  }
0x4c: {  	v35 =	vld [tilespmem:s8+$0x40];
	v6 =	vadd.bf16 v7, v6;
	v7 =	vmul.bf16 v11, v10  }
0x4d: {  	v37 =	vld [tilespmem:s10+$0x40]  }
0x4e: {  	v46 =	vld [tilespmem:s8+$0xFFFFFF50];
	v6 =	vadd.bf16 v7, v6;
	v7 =	vmul.bf16 v13, v12  }
0x4f: {  	v38 =	vld [tilespmem:s10+$0xFFFFFF50]  }
0x50: {  	v40 =	vld [tilespmem:s8+$0xFFFFFFD0];
	v6 =	vadd.bf16 v7, v6;
	v7 =	vmul.bf16 v15, v14  }
0x51: {  	v41 =	vld [tilespmem:s10+$0xFFFFFFD0]  }
0x52: {  	v48 =	vld [tilespmem:s8+$0x50];
	v6 =	vadd.bf16 v7, v6;
	v7 =	vmul.bf16 v17, v16  }
0x53: {  	v50 =	vld [tilespmem:s10+$0x50]  }
0x54: {  	v53 =	vld [tilespmem:s8+$0xFFFFFF60];
	v6 =	vadd.bf16 v7, v6;
	v7 =	vmul.bf16 v19, v18  }
0x55: {  	v8 =	vld [tilespmem:s10+$0xFFFFFF20]  }
0x56: {  	v9 =	vld [tilespmem:s8+$0xFFFFFFA0];
	v6 =	vadd.bf16 v7, v6;
	v7 =	vmul.bf16 v21, v20  }
0x57: {  	v10 =	vld [tilespmem:s10+$0xFFFFFFA0]  }
0x58: {  	v11 =	vld [tilespmem:s8+$0x20];
	v6 =	vadd.bf16 v7, v6  }
0x59: {  	v12 =	vld [tilespmem:s10+$0x20]  }
0x5a: {  	v13 =	vld [tilespmem:s8+$0xFFFFFF30];
	v36 =	vand.u32 $0xFFFF0000, v6;
	v6 =	vshll.u32 v6, $0x10  }
0x5b: {  	v23 =	vmul.bf16 v24, v23;
	v14 =	vld [tilespmem:s10+$0xFFFFFF30];
	v6 =	vadd.f32 v6, v36  }
0x5c: {  	v47 =	vmul.bf16 v26, v25;
	v22 =	vmul.bf16 v22, v33;
	v15 =	vld [tilespmem:s8+$0xFFFFFFB0]  }
0x5d: {  	v49 =	vmul.bf16 v28, v27;
	v16 =	vld [tilespmem:s10+$0xFFFFFFB0];
	v39 =	vperm.xlane v6, v2  }
0x5e: {  	v51 =	vmul.bf16 v30, v29;
	v31 =	vmul.bf16 v32, v31;
	v22 =	vadd.bf16 v23, v22;
	v17 =	vld [tilespmem:s8+$0x30]  }
0x5f: {  	v54 =	vld [tilespmem:s10+$0xFFFFFF60];
	v24 =	vadd.bf16 v49, v47;
	v8 =	vmul.bf16 v8, v34;
	v6 =	vadd.f32 v6, v39  }
0x60: {  	v55 =	vld [tilespmem:s8+$0xFFFFFFE0];
	v9 =	vmul.bf16 v10, v9;
	v10 =	vadd.bf16 v31, v51;
	v11 =	vmul.bf16 v12, v11  }
0x61: {  	v58 =	vmul.bf16 v38, v46;
	v8 =	vadd.bf16 v8, v22;
	v7 =	vld [tilespmem:s10+$0xFFFFFFC0];
	v52 =	vperm.xlane v6, v3  }
0x62: {  	v12 =	vld [tilespmem:s10+$0xFFFFFFE0];
	v9 =	vadd.bf16 v9, v24;
	v13 =	vmul.bf16 v14, v13;
	v10 =	vadd.bf16 v11, v10  }
0x63: {  	v14 =	vld [tilespmem:s8+$0x60];
	v11 =	vmul.bf16 v16, v15;
	v15 =	vmul.bf16 v62, v17;
	v6 =	vadd.f32 v6, v52  }
0x64: {  	v61 =	vmul.bf16 v41, v40;
	v16 =	vld [tilespmem:s10+$0x60];
	v8 =	vadd.bf16 v13, v8;
	v13 =	vmul.bf16 v44, v63  }
0x65: {  	v17 =	vld [tilespmem:s8+$0xFFFFFF70];
	v9 =	vadd.bf16 v11, v9;
	v10 =	vadd.bf16 v15, v10;
	v56 =	vperm.xlane v6, v4  }
0x66: {  	v11 =	vld [tilespmem:s10+$0xFFFFFF70];
	v13 =	vadd.bf16 v13, v8;
	v8 =	vmul.bf16 v37, v35;
	v7 =	vmul.bf16 v7, v45  }
0x67: {  	s9 =	simm.s32 $0x3;
	v57 =	vld [tilespmem:s8+$0xFFFFFFF0];
	v62 =	vmul.bf16 v50, v48;
	v63 =	vmul.bf16 v54, v53;
	v6 =	vadd.f32 v6, v56  }
0x68: {  	v59 =	vld [tilespmem:s10+$0xFFFFFFF0];
	v15 =	vmov s9;
	v60 =	vadd.bf16 v8, v10;
	v7 =	vadd.bf16 v7, v9  }
0x69: {  	v12 =	vmul.bf16 v12, v55;
	v8 =	vld [tilespmem:s8+$0x70];
	v13 =	vadd.bf16 v58, v13;
	v9 =	vperm.xlane v6, v5  }
0x6a: {  	s7 =	simm.s32 $0x7A00;
	v10 =	vld [tilespmem:s10+$0x70];
	v14 =	vmul.bf16 v16, v14;
	v21 =	vadd.bf16 v62, v60;
	v22 =	vadd.bf16 v61, v7  }
0x6b: {  	v19 =	vadd.bf16 v63, v13;
	v16 =	vmul.bf16 v11, v17;
	v7 =	vld [tilespmem:s7+$0x80];
	v9 =	vadd.f32 v6, v9  }
0x6c: {  	s30 =	simm.s32 $0x5200;
	v11 =	vadd.bf16 v14, v21;
	v13 =	vadd.bf16 v12, v22;
	v12 =	vld [tilespmem:s7+$0x90]  }
0x6d: {  	v14 =	vadd.bf16 v16, v19;
	v6 =	vld [tilespmem:s30+$0x80];
	[tilespmem:v15+s25+$0x0] =	vst.idx.msk $0x1, v9;
	v15 =	vmul.bf16 v59, v57  }
0x6e: {  	s29 =	simm.s32 $0x4;
	s9 =	simm.s32 $0x8;
	s8 =	simm.s32 $0x0;
	v9 =	vld [tilespmem:s30+$0x90]  }
.LBB2_3:
0x6f: {  	p0 =	slt.u32 s9, $0x4C;
	v16 =	vld [tilespmem:s30+$0xA0];
	v17 =	vand.u32 $0xFFFF0000, v14;
	v13 =	vadd.bf16 v15, v13;
	v8 =	vmul.bf16 v10, v8  }
0x70: {  	v14 =	vshll.u32 v14, $0x10;
	v15 =	vmov s8;
	v10 =	vld [tilespmem:s7+$0xA0]  }
0x71: {  	v18 =	vld [tilespmem:s30+$0xB0];
	v19 =	vand.u32 $0xFFFF0000, v13;
	v13 =	vshll.u32 v13, $0x10;
	v8 =	vadd.bf16 v8, v11  }
0x72: {  	v14 =	vadd.f32 v14, v17;
	v15 =	vand.u32 $0xFFFFFFFC, v15;
	v11 =	vld [tilespmem:s7+$0xB0];
	v13 =	vadd.f32 v13, v19  }
0x73: {  	v6 =	vmul.bf16 v7, v6;
	v7 =	vmul.bf16 v12, v9;
	v9 =	vld [tilespmem:s30+$0xC0];
	v12 =	vand.u32 $0xFFFF0000, v8  }
0x74: {  	v19 =	vperm.xlane v14, v2;
	v8 =	vshll.u32 v8, $0x10;
	v17 =	vld [tilespmem:s7+$0xC0];
	v20 =	vperm.xlane v13, v2  }
0x75: {  	s10 =	sadd.s32 $0x1, s8;
	v8 =	vadd.f32 v8, v12;
	v6 =	vadd.bf16 v7, v6;
	v7 =	vmul.bf16 v10, v16;
	v10 =	vld [tilespmem:s30+$0xD0]  }
0x76: {  	v14 =	vadd.f32 v14, v19;
	v16 =	vmov s10;
	v12 =	vld [tilespmem:s7+$0xD0];
	v13 =	vadd.f32 v13, v20  }
0x77: {  	s10 =	sadd.s32 $0x2, s8;
	s8 =	smov.u32 s29;
	s29 =	smov.u32 s9;
	v6 =	vadd.bf16 v7, v6;
	v7 =	vmul.bf16 v11, v18;
	v11 =	vld [tilespmem:s30+$0xE0];
	v18 =	vperm.xlane v8, v2  }
0x78: {  	v20 =	vperm.xlane v14, v3;
	v22 =	vmov s10;
	v19 =	vld [tilespmem:s7+$0xE0];
	v21 =	vperm.xlane v13, v3  }
0x79: {  	v6 =	vadd.bf16 v7, v6;
	v7 =	vmul.bf16 v17, v9;
	v9 =	vld [tilespmem:s30+$0xF0];
	v8 =	vadd.f32 v8, v18  }
0x7a: {  	v15 =	vbroadcast v15, $0x0;
	v14 =	vadd.f32 v14, v20;
	v17 =	vld [tilespmem:s7+$0xF0];
	v13 =	vadd.f32 v13, v21  }
0x7b: {  	v18 =	vld [tilespmem:s7+$0xFFFFFF00];
	v6 =	vadd.bf16 v7, v6;
	v7 =	vmul.bf16 v12, v10;
	v10 =	vperm.xlane v8, v3  }
0x7c: {  	v16 =	vand.u32 $0xFFFFFFFD, v16;
	v20 =	vperm.xlane v14, v4;
	v12 =	vld [tilespmem:s30+$0xFFFFFF10];
	v21 =	vperm.xlane v13, v4  }
0x7d: {  	v23 =	vld [tilespmem:s7+$0xFFFFFF10];
	v6 =	vadd.bf16 v7, v6;
	v7 =	vmul.bf16 v19, v11;
	v8 =	vadd.f32 v8, v10  }
0x7e: {  	v11 =	vadd.f32 v14, v20;
	v14 =	vbroadcast v16, $0x0;
	v10 =	vld [tilespmem:s30+$0xFFFFFF80];
	v13 =	vadd.f32 v13, v21  }
0x7f: {  	v16 =	vld [tilespmem:s7+$0xFFFFFF80];
	v6 =	vadd.bf16 v7, v6;
	v7 =	vmul.bf16 v17, v9;
	v9 =	vperm.xlane v8, v4  }
0x80: {  	v21 =	vand.u32 $0xFFFFFFFE, v22;
	v19 =	vperm.xlane v11, v5;
	v17 =	vld [tilespmem:s30+$0xFFFFFF90];
	v20 =	vperm.xlane v13, v5  }
0x81: {  	v22 =	vld [tilespmem:s7+$0xFFFFFF90];
	v6 =	vadd.bf16 v7, v6;
	v7 =	vadd.f32 v8, v9;
	v8 =	vbroadcast v21, $0x0  }
0x82: {  	v11 =	vadd.f32 v11, v19;
	v9 =	vmul.bf16 v23, v12;
	v12 =	vld [tilespmem:s30+$0x0];
	v13 =	vadd.f32 v13, v20  }
0x83: {  	v19 =	vld [tilespmem:s7+$0x0];
	v20 =	vand.u32 $0xFFFF0000, v6;
	v6 =	vshll.u32 v6, $0x10;
	v21 =	vperm.xlane v7, v5  }
0x84: {  	v10 =	vmul.bf16 v16, v10;
	v16 =	vld [tilespmem:s30+$0x10];
	v6 =	vadd.f32 v6, v20;
	[tilespmem:v15+s25+$0x0] =	vst.idx.msk $0x1, v11  }
0x85: {  	v11 =	vld [tilespmem:s7+$0x10];
	[tilespmem:v14+s25+$0x0] =	vst.idx.msk $0x1, v13;
	v7 =	vadd.f32 v7, v21  }
0x86: {  	v13 =	vld [tilespmem:s30+$0xFFFFFF00];
	v14 =	vmul.bf16 v22, v17;
	v15 =	vperm.xlane v6, v2  }
0x87: {  	v17 =	vld [tilespmem:s30+$0xFFFFFF20];
	[tilespmem:v8+s25+$0x0] =	vst.idx.msk $0x1, v7  }
0x88: {  	v7 =	vld [tilespmem:s7+$0xFFFFFF20];
	v8 =	vadd.bf16 v14, v10;
	v10 =	vmul.bf16 v19, v12;
	v6 =	vadd.f32 v6, v15  }
0x89: {  	v12 =	vld [tilespmem:s30+$0xFFFFFFA0]  }
0x8a: {  	v14 =	vld [tilespmem:s7+$0xFFFFFFA0];
	v11 =	vmul.bf16 v11, v16;
	v15 =	vperm.xlane v6, v3  }
0x8b: {  	v13 =	vmul.bf16 v18, v13;
	v16 =	vld [tilespmem:s30+$0x20]  }
0x8c: {  	v10 =	vadd.bf16 v11, v10;
	v11 =	vld [tilespmem:s7+$0x20];
	v6 =	vadd.f32 v6, v15  }
0x8d: {  	v9 =	vadd.bf16 v9, v13;
	v7 =	vmul.bf16 v7, v17;
	v13 =	vld [tilespmem:s30+$0xFFFFFF30]  }
0x8e: {  	v15 =	vld [tilespmem:s7+$0xFFFFFF30];
	v17 =	vperm.xlane v6, v4  }
0x8f: {  	v7 =	vadd.bf16 v7, v9;
	v9 =	vmul.bf16 v14, v12;
	v12 =	vld [tilespmem:s30+$0xFFFFFFB0]  }
0x90: {  	s10 =	sadd.s32 $0x3, s8;
	v14 =	vld [tilespmem:s7+$0xFFFFFFB0];
	v6 =	vadd.f32 v6, v17  }
0x91: {  	v8 =	vadd.bf16 v9, v8;
	v9 =	vmul.bf16 v11, v16;
	v11 =	vld [tilespmem:s30+$0x30];
	v16 =	vmov s10  }
0x92: {  	v17 =	vld [tilespmem:s7+$0x30];
	v18 =	vperm.xlane v6, v5  }
0x93: {  	v13 =	vmul.bf16 v15, v13;
	v15 =	vld [tilespmem:s30+$0xFFFFFF40];
	v9 =	vadd.bf16 v9, v10  }
0x94: {  	v10 =	vld [tilespmem:s7+$0xFFFFFF40];
	v6 =	vadd.f32 v6, v18  }
0x95: {  	v7 =	vadd.bf16 v13, v7;
	v12 =	vmul.bf16 v14, v12;
	v13 =	vld [tilespmem:s30+$0xFFFFFFC0]  }
0x96: {  	v14 =	vld [tilespmem:s7+$0xFFFFFFC0];
	[tilespmem:v16+s25+$0x0] =	vst.idx.msk $0x1, v6  }
0x97: {  	v6 =	vadd.bf16 v12, v8;
	v8 =	vmul.bf16 v17, v11;
	v11 =	vld [tilespmem:s30+$0x40]  }
0x98: {  	v12 =	vld [tilespmem:s7+$0x40]  }
0x99: {  	v10 =	vmul.bf16 v10, v15;
	v15 =	vld [tilespmem:s30+$0xFFFFFF50];
	v8 =	vadd.bf16 v8, v9  }
0x9a: {  	v9 =	vld [tilespmem:s7+$0xFFFFFF50]  }
0x9b: {  	v7 =	vadd.bf16 v10, v7;
	v10 =	vmul.bf16 v14, v13;
	v13 =	vld [tilespmem:s30+$0xFFFFFFD0]  }
0x9c: {  	v14 =	vld [tilespmem:s7+$0xFFFFFFD0]  }
0x9d: {  	v6 =	vadd.bf16 v10, v6;
	v10 =	vmul.bf16 v12, v11;
	v11 =	vld [tilespmem:s30+$0x50]  }
0x9e: {  	v12 =	vld [tilespmem:s7+$0x50]  }
0x9f: {  	v9 =	vmul.bf16 v9, v15;
	v15 =	vld [tilespmem:s30+$0xFFFFFF60];
	v8 =	vadd.bf16 v10, v8  }
0xa0: {  	v10 =	vld [tilespmem:s7+$0xFFFFFF60]  }
0xa1: {  	v7 =	vadd.bf16 v9, v7;
	v9 =	vmul.bf16 v14, v13;
	v13 =	vld [tilespmem:s30+$0xFFFFFFE0]  }
0xa2: {  	v14 =	vld [tilespmem:s7+$0xFFFFFFE0]  }
0xa3: {  	v6 =	vadd.bf16 v9, v6;
	v9 =	vmul.bf16 v12, v11;
	v11 =	vld [tilespmem:s30+$0x60]  }
0xa4: {  	v12 =	vld [tilespmem:s7+$0x60]  }
0xa5: {  	v10 =	vmul.bf16 v10, v15;
	v15 =	vld [tilespmem:s30+$0xFFFFFF70];
	v9 =	vadd.bf16 v9, v8  }
0xa6: {  	v16 =	vld [tilespmem:s7+$0xFFFFFF70]  }
0xa7: {  	v17 =	vadd.bf16 v10, v7;
	v7 =	vmul.bf16 v14, v13;
	v18 =	vld [tilespmem:s30+$0xFFFFFFF0]  }
0xa8: {  	v19 =	vld [tilespmem:s7+$0xFFFFFFF0]  }
0xa9: {  	v13 =	vadd.bf16 v7, v6;
	v7 =	vmul.bf16 v12, v11;
	v8 =	vld [tilespmem:s30+$0x70]  }
.Ltmp0:
0xaa: {  	s30 =	sadd.s32 $0x200, s30;
	v10 =	vld [tilespmem:s7+$0x70];
	(pc) =	sbr.rel @p0 .LBB2_3-.Ltmp0, $4  }
0xab: {  	s7 =	sadd.s32 $0x200, s7;
	v6 =	vld [tilespmem:s30+$0x80];
	v12 =	vmul.bf16 v16, v15;
	v11 =	vadd.bf16 v7, v9  }
0xac: {  	v7 =	vld [tilespmem:s7+$0x80]  }
0xad: {  	v9 =	vld [tilespmem:s30+$0x90];
	v14 =	vadd.bf16 v12, v17;
	v15 =	vmul.bf16 v19, v18  }
0xae: {  	s9 =	sadd.s32 $0x4, s9;
	v12 =	vld [tilespmem:s7+$0x90]  }
0xaf: {  	v16 =	vld [tilespmem:s30+$0xA0]  }
0xb0: {  	v17 =	vld [tilespmem:s7+$0xA0]  }
0xb1: {  	v18 =	vld [tilespmem:s30+$0xB0]  }
0xb2: {  	v19 =	vld [tilespmem:s7+$0xB0]  }
0xb3: {  	v20 =	vld [tilespmem:s30+$0xC0]  }
0xb4: {  	v21 =	vld [tilespmem:s7+$0xC0]  }
0xb5: {  	v22 =	vld [tilespmem:s30+$0xD0]  }
0xb6: {  	v23 =	vld [tilespmem:s7+$0xD0]  }
0xb7: {  	v24 =	vld [tilespmem:s30+$0xE0]  }
0xb8: {  	v25 =	vld [tilespmem:s7+$0xE0]  }
0xb9: {  	v26 =	vld [tilespmem:s30+$0xF0]  }
0xba: {  	v27 =	vld [tilespmem:s7+$0xF0]  }
0xbb: {  	v28 =	vld [tilespmem:s7+$0xFFFFFF00]  }
0xbc: {  	v29 =	vld [tilespmem:s30+$0xFFFFFF10]  }
0xbd: {  	v30 =	vld [tilespmem:s7+$0xFFFFFF10]  }
0xbe: {  	v31 =	vld [tilespmem:s30+$0xFFFFFF80]  }
0xbf: {  	v32 =	vld [tilespmem:s7+$0xFFFFFF80]  }
0xc0: {  	v33 =	vld [tilespmem:s30+$0xFFFFFF90]  }
0xc1: {  	v34 =	vld [tilespmem:s7+$0xFFFFFF90]  }
0xc2: {  	v35 =	vld [tilespmem:s30+$0x0]  }
0xc3: {  	v36 =	vld [tilespmem:s7+$0x0]  }
0xc4: {  	v37 =	vld [tilespmem:s30+$0x10]  }
0xc5: {  	v38 =	vld [tilespmem:s7+$0x10]  }
0xc6: {  	v39 =	vld [tilespmem:s30+$0xFFFFFF00]  }
0xc7: {  	v40 =	vld [tilespmem:s30+$0xFFFFFF20]  }
0xc8: {  	v41 =	vld [tilespmem:s7+$0xFFFFFF20]  }
0xc9: {  	v42 =	vld [tilespmem:s30+$0xFFFFFFA0]  }
0xca: {  	v43 =	vld [tilespmem:s7+$0xFFFFFFA0]  }
0xcb: {  	v8 =	vmul.bf16 v10, v8;
	v10 =	vld [tilespmem:s30+$0x20]  }
0xcc: {  	v44 =	vld [tilespmem:s7+$0x20]  }
0xcd: {  	v13 =	vadd.bf16 v15, v13;
	v46 =	vld [tilespmem:s30+$0x50]  }
0xce: {  	v15 =	vand.u32 $0xFFFF0000, v14;
	v48 =	vld [tilespmem:s7+$0x50]  }
0xcf: {  	v14 =	vshll.u32 v14, $0x10;
	s9 =	sadd.s32 $0x1, s8;
	v51 =	vld [tilespmem:s30+$0xFFFFFF60];
	s10 =	sadd.s32 $0x2, s8;
	v45 =	vand.u32 $0xFFFF0000, v13;
	v13 =	vshll.u32 v13, $0x10  }
0xd0: {  	v53 =	vld [tilespmem:s7+$0xFFFFFF60];
	v49 =	vmov s9;
	v54 =	vmov s10;
	v13 =	vadd.f32 v13, v45  }
0xd1: {  	v56 =	vld [tilespmem:s30+$0xFFFFFFE0];
	v8 =	vadd.bf16 v8, v11;
	v6 =	vmul.bf16 v7, v6;
	v7 =	vmul.bf16 v12, v9  }
0xd2: {  	v11 =	vld [tilespmem:s30+$0xFFFFFF30];
	v12 =	vadd.f32 v14, v15;
	v45 =	vperm.xlane v13, v2;
	v26 =	vmul.bf16 v27, v26  }
0xd3: {  	v9 =	vld [tilespmem:s7+$0xFFFFFF30];
	v14 =	vand.u32 $0xFFFF0000, v8;
	v61 =	vmul.bf16 v32, v31;
	v62 =	vmul.bf16 v34, v33  }
0xd4: {  	v15 =	vld [tilespmem:s30+$0xFFFFFFB0];
	v8 =	vshll.u32 v8, $0x10;
	v63 =	vmul.bf16 v30, v29;
	v47 =	vmul.bf16 v36, v35  }
0xd5: {  	v8 =	vadd.f32 v8, v14;
	v14 =	vld [tilespmem:s30+$0x30];
	v28 =	vmul.bf16 v28, v39;
	v50 =	vmul.bf16 v38, v37  }
0xd6: {  	v27 =	vld [tilespmem:s7+$0xFFFFFF50];
	v34 =	vand.u32 $0xFFFFFFFD, v49;
	v52 =	vmul.bf16 v41, v40;
	v55 =	vmul.bf16 v43, v42  }
0xd7: {  	v32 =	vld [tilespmem:s30+$0xFFFFFFD0];
	v10 =	vmul.bf16 v44, v10;
	v6 =	vadd.bf16 v7, v6;
	v7 =	vmul.bf16 v17, v16  }
0xd8: {  	v38 =	vand.u32 $0xFFFFFFFE, v54;
	v16 =	vld [tilespmem:s7+$0xFFFFFFB0];
	v17 =	vperm.xlane v12, v2;
	v34 =	vbroadcast v34, $0x0  }
0xd9: {  	v13 =	vadd.f32 v13, v45;
	v6 =	vadd.bf16 v7, v6;
	v7 =	vmul.bf16 v19, v18;
	v18 =	vld [tilespmem:s7+$0x30]  }
0xda: {  	v31 =	vadd.bf16 v50, v47;
	v12 =	vadd.f32 v12, v17;
	v17 =	vperm.xlane v8, v2;
	v19 =	vld [tilespmem:s30+$0xFFFFFF40]  }
0xdb: {  	v9 =	vmul.bf16 v9, v11;
	v11 =	vld [tilespmem:s30+$0x60];
	v6 =	vadd.bf16 v7, v6;
	v7 =	vmul.bf16 v21, v20  }
0xdc: {  	v45 =	vperm.xlane v13, v3;
	v10 =	vadd.bf16 v10, v31;
	v20 =	vld [tilespmem:s7+$0xFFFFFF40];
	v58 =	vperm.xlane v12, v3  }
0xdd: {  	v8 =	vadd.f32 v8, v17;
	v17 =	vld [tilespmem:s30+$0xFFFFFFC0];
	v6 =	vadd.bf16 v7, v6;
	v7 =	vmul.bf16 v23, v22  }
0xde: {  	v21 =	vld [tilespmem:s30+$0xFFFFFF50];
	v13 =	vadd.f32 v13, v45;
	v45 =	vmov s8;
	v15 =	vmul.bf16 v16, v15  }
0xdf: {  	v16 =	vld [tilespmem:s30+$0xFFFFFF70];
	v59 =	vperm.xlane v8, v3;
	v6 =	vadd.bf16 v7, v6;
	v7 =	vmul.bf16 v25, v24  }
0xe0: {  	v22 =	vld [tilespmem:s7+$0xFFFFFFC0];
	v12 =	vadd.f32 v12, v58;
	v29 =	vand.u32 $0xFFFFFFFC, v45;
	v14 =	vmul.bf16 v18, v14  }
0xe1: {  	v23 =	vld [tilespmem:s30+$0x40];
	v29 =	vbroadcast v29, $0x0;
	v8 =	vadd.f32 v8, v59;
	v6 =	vadd.bf16 v7, v6  }
0xe2: {  	v24 =	vld [tilespmem:s7+$0x40];
	v60 =	vperm.xlane v12, v4;
	v25 =	vadd.bf16 v62, v61;
	v10 =	vadd.bf16 v14, v10  }
0xe3: {  	v58 =	vld [tilespmem:s7+$0xFFFFFFE0];
	v7 =	vperm.xlane v13, v4;
	v6 =	vadd.bf16 v26, v6;
	v26 =	vadd.bf16 v63, v28  }
0xe4: {  	v61 =	vld [tilespmem:s7+$0x60];
	v12 =	vadd.f32 v12, v60;
	v57 =	vperm.xlane v8, v4;
	v25 =	vadd.bf16 v55, v25  }
0xe5: {  	v19 =	vmul.bf16 v20, v19;
	v7 =	vadd.f32 v13, v7;
	v13 =	vld [tilespmem:s7+$0xFFFFFFD0];
	v26 =	vadd.bf16 v52, v26  }
0xe6: {  	v17 =	vmul.bf16 v22, v17;
	v63 =	vld [tilespmem:s7+$0xFFFFFF70];
	v15 =	vadd.bf16 v15, v25;
	v8 =	vadd.f32 v8, v57  }
0xe7: {  	v25 =	vld [tilespmem:s30+$0xFFFFFFF0];
	v14 =	vmul.bf16 v24, v23;
	v62 =	vand.u32 $0xFFFF0000, v6;
	v9 =	vadd.bf16 v9, v26  }
0xe8: {  	v6 =	vshll.u32 v6, $0x10;
	v15 =	vadd.bf16 v17, v15;
	v17 =	vmul.bf16 v27, v21;
	v27 =	vld [tilespmem:s30+$0x70]  }
0xe9: {  	v59 =	vperm.xlane v12, v5;
	v6 =	vadd.f32 v6, v62;
	v26 =	vld [tilespmem:s7+$0xFFFFFFF0];
	v9 =	vadd.bf16 v19, v9  }
0xea: {  	v10 =	vadd.bf16 v14, v10;
	v14 =	vmul.bf16 v48, v46;
	v13 =	vmul.bf16 v13, v32;
	v32 =	vld [tilespmem:s7+$0x70]  }
0xeb: {  	v33 =	vperm.xlane v6, v2;
	v9 =	vadd.bf16 v17, v9;
	v17 =	vmul.bf16 v53, v51  }
0xec: {  	v10 =	vadd.bf16 v14, v10;
	v14 =	vmul.bf16 v58, v56;
	v13 =	vadd.bf16 v13, v15  }
0xed: {  	v11 =	vmul.bf16 v61, v11;
	v15 =	vmul.bf16 v63, v16;
	v9 =	vadd.bf16 v17, v9  }
0xee: {  	v6 =	vadd.f32 v6, v33;
	v13 =	vadd.bf16 v14, v13;
	v14 =	vmul.bf16 v26, v25  }
0xef: {  	v10 =	vadd.bf16 v11, v10;
	v11 =	vmul.bf16 v32, v27;
	v9 =	vadd.bf16 v15, v9  }
0xf0: {  	v60 =	vperm.xlane v7, v5;
	v13 =	vadd.bf16 v14, v13;
	v15 =	vperm.xlane v6, v3  }
0xf1: {  	v10 =	vadd.bf16 v11, v10;
	v14 =	vand.u32 $0xFFFF0000, v9;
	v9 =	vshll.u32 v9, $0x10  }
0xf2: {  	v11 =	vand.u32 $0xFFFF0000, v13;
	v13 =	vshll.u32 v13, $0x10;
	v9 =	vadd.f32 v9, v14  }
0xf3: {  	v11 =	vadd.f32 v13, v11;
	v13 =	vand.u32 $0xFFFF0000, v10;
	v10 =	vshll.u32 v10, $0x10  }
0xf4: {  	v12 =	vadd.f32 v12, v59;
	v10 =	vadd.f32 v10, v13;
	v16 =	vperm.xlane v9, v2  }
0xf5: {  	v7 =	vadd.f32 v7, v60;
	v6 =	vadd.f32 v6, v15;
	v13 =	vperm.xlane v11, v2  }
0xf6: {  	v15 =	vperm.xlane v8, v5;
	v9 =	vadd.f32 v9, v16;
	v16 =	vperm.xlane v10, v2  }
0xf7: {  	v14 =	vbroadcast v38, $0x0;
	v17 =	vperm.xlane v6, v4;
	v11 =	vadd.f32 v11, v13  }
0xf8: {  	s9 =	sadd.s32 $0x3, s29;
	v8 =	vadd.f32 v8, v15;
	v13 =	vperm.xlane v9, v3;
	v10 =	vadd.f32 v10, v16  }
0xf9: {  	v15 =	vmov s9;
	v6 =	vadd.f32 v6, v17;
	v16 =	vperm.xlane v11, v3  }
0xfa: {  	v17 =	vmov s29;
	v9 =	vadd.f32 v9, v13;
	v13 =	vperm.xlane v10, v3  }
0xfb: {  	s10 =	sadd.s32 $0x1, s29;
	v17 =	vand.u32 $0xFFFFFFFC, v17;
	v39 =	vperm.xlane v6, v5;
	v11 =	vadd.f32 v11, v16  }
0xfc: {  	v16 =	vmov s10;
	v40 =	vperm.xlane v9, v4;
	v10 =	vadd.f32 v10, v13  }
0xfd: {  	s8 =	sadd.s32 $0x2, s29;
	v17 =	vbroadcast v17, $0x0;
	v16 =	vand.u32 $0xFFFFFFFD, v16;
	v41 =	vperm.xlane v11, v4  }
0xfe: {  	v13 =	vmov s8;
	v9 =	vadd.f32 v9, v40;
	v42 =	vperm.xlane v10, v4  }
0xff: {  	v16 =	vbroadcast v16, $0x0;
	v13 =	vand.u32 $0xFFFFFFFE, v13;
	v11 =	vadd.f32 v11, v41  }
0x100: {  	[tilespmem:v29+s25+$0x0] =	vst.idx.msk $0x1, v12;
	v13 =	vbroadcast v13, $0x0;
	v12 =	vperm.xlane v9, v5;
	v10 =	vadd.f32 v10, v42  }
0x101: {  	[tilespmem:v34+s25+$0x0] =	vst.idx.msk $0x1, v7;
	v6 =	vadd.f32 v6, v39;
	v7 =	vperm.xlane v11, v5  }
0x102: {  	[tilespmem:v14+s25+$0x0] =	vst.idx.msk $0x1, v8;
	v8 =	vadd.f32 v9, v12;
	v9 =	vperm.xlane v10, v5  }
0x103: {  	[tilespmem:v15+s25+$0x0] =	vst.idx.msk $0x1, v6;
	v6 =	vadd.f32 v11, v7  }
0x104: {  	[tilespmem:v17+s25+$0x0] =	vst.idx.msk $0x1, v8;
	v7 =	vadd.f32 v10, v9  }
0x105: {  	[tilespmem:v16+s25+$0x0] =	vst.idx.msk $0x1, v6  }
0x106: {  	[tilespmem:v13+s25+$0x0] =	vst.idx.msk $0x1, v7  }
0x107: {  	v6 =	vld [tilespmem:$0xEF00];
	_ =	sdelay $0x1  }
0x108: {  	v7 =	vld [tilespmem:$0xEF80];
	_ =	sdelay $0x1  }
0x109: {  	v8 =	vld [tilespmem:$0xEF10]  }
0x10a: {  	v6 =	vmul.f32 $6.250000000e-02, v6;
	_ =	sdelay $0x1  }
0x10b: {  	v9 =	vmax.f32 v7, v6  }
0x10c: {  	v7 =	vsub.f32 v7, v9  }
0x10d: {  	v10 =	vld [tilespmem:$0xEF20];
	v8 =	vmul.f32 $6.250000000e-02, v8;
	v6 =	vsub.f32 v6, v9  }
0x10e: {  	v7 =	vmul.f32 $1.442695020e+00, v7  }
0x10f: {  	v11 =	vmax.f32 v9, v8;
	v6 =	vmul.f32 $1.442695020e+00, v6  }
0x110: {  	(erf) = vpow2.f32 v7;
	v7 =	vsub.f32 v9, v11  }
0x111: {  	(erf) = vpow2.f32 v6;
	v6 =	vld [tilespmem:$0xEF30]  }
0x112: {  	v9 =	vmul.f32 $6.250000000e-02, v10;
	v7 =	vmul.f32 $1.442695020e+00, v7  }
0x113: {  	v8 =	vsub.f32 v8, v11  }
0x114: {  	v12 =	vld [tilespmem:$0xEF40];
	(erf) = vpow2.f32 v7;
	v7 =	vmax.f32 v11, v9  }
0x115: {  	v8 =	vmul.f32 $1.442695020e+00, v8;
	v10 =	vld [tilespmem:$0xF000];
	v11 =	vsub.f32 v11, v7  }
0x116: {  	v6 =	vmul.f32 $6.250000000e-02, v6  }
0x117: {  	(erf) = vpow2.f32 v8;
	v9 =	vsub.f32 v9, v7;
	v8 =	vmul.f32 $1.442695020e+00, v11  }
0x118: {  	v11 =	vmax.f32 v7, v6  }
0x119: {  	v13 =	vpop (erf);
	(erf) = vpow2.f32 v8;
	v8 =	vmul.f32 $1.442695020e+00, v9;
	v7 =	vsub.f32 v7, v11  }
0x11a: {  	v9 =	vmul.f32 v13, v10;
	v10 =	vmul.f32 $6.250000000e-02, v12  }
0x11b: {  	v6 =	vsub.f32 v6, v11;
	v12 =	vpop (erf);
	v7 =	vmul.f32 $1.442695020e+00, v7  }
0x11c: {  	(erf) = vpow2.f32 v8;
	v8 =	vadd.f32 v9, v12;
	v9 =	vmax.f32 v11, v10  }
0x11d: {  	v6 =	vmul.f32 $1.442695020e+00, v6;
	v12 =	vpop (erf);
	(erf) = vpow2.f32 v7;
	v7 =	vsub.f32 v11, v9;
	_ =	sdelay $0x1  }
0x11e: {  	(erf) = vpow2.f32 v6;
	v6 =	vmul.f32 $1.442695020e+00, v7;
	v7 =	vsub.f32 v10, v9  }
0x11f: {  	v8 =	vmul.f32 v8, v12  }
0x120: {  	v10 =	vpop (erf)  }
0x121: {  	v8 =	vadd.f32 v8, v10;
	(erf) = vpow2.f32 v6;
	v6 =	vmul.f32 $1.442695020e+00, v7  }
0x122: {  	v7 =	vpop (erf)  }
0x123: {  	v7 =	vmul.f32 v8, v7  }
0x124: {  	(erf) = vpow2.f32 v6  }
0x125: {  	v6 =	vpop (erf)  }
0x126: {  	v6 =	vadd.f32 v7, v6  }
0x127: {  	v7 =	vpop (erf)  }
0x128: {  	v6 =	vmul.f32 v6, v7  }
0x129: {  	v7 =	vpop (erf)  }
0x12a: {  	v6 =	vadd.f32 v6, v7  }
0x12b: {  	v7 =	vpop (erf)  }
0x12c: {  	v6 =	vmul.f32 v6, v7  }
0x12d: {  	v7 =	vpop (erf)  }
0x12e: {  	v6 =	vadd.f32 v6, v7  }
0x12f: {  	[tilespmem:$0xEF80] =	vst v9  }
0x130: {  	s9 =	sadd.s32 $0xA0, s1;
	[tilespmem:$0xF000] =	vst v6  }
0x131: {  	[tilespmem:s20], [sflag:$0x1] =	stream.indirect.gather [hbm4b:s3+s19], $0x80, s9, s19, $0xb8;
	[tilespmem:$0xF080] =	vst v63  }
0x132: {  	s10 =	sadd.s32 $0x2820, s1  }
0x133: {  	[tilespmem:s21], [sflag:$0x2] =	stream.indirect.gather [hbm4b:s4+s19], $0x80, s10, s19, $0xb8;
	[tilespmem:$0xF080] =	vst v63  }
0x134: {  	_ =	swait.ge [sflag:s26], $0x2800  }
0x135: {  	[sflag:s26] =	ssyncset.done $0x0  }
0x136: {  	[sflag:s26] =	ssyncadd.s32 $0xFFFFD800  }
0x137: {  	_ =	swait.ge [sflag:s28], $0x2800  }
0x138: {  	[sflag:s28] =	ssyncset.done $0x0  }
0x139: {  	s1 =	simm.s32 $0xA000;
	[sflag:s28] =	ssyncadd.s32 $0xFFFFD800  }
0x13a: {  	s9 =	simm.s32 $0xC800;
	v6 =	vld [tilespmem:s1+$0x80]  }
0x13b: {  	v7 =	vld [tilespmem:s9+$0x80]  }
0x13c: {  	v8 =	vld [tilespmem:s1+$0x90]  }
0x13d: {  	v9 =	vld [tilespmem:s9+$0x90]  }
0x13e: {  	v10 =	vld [tilespmem:s1+$0xA0]  }
0x13f: {  	v11 =	vld [tilespmem:s9+$0xA0]  }
0x140: {  	v12 =	vld [tilespmem:s1+$0xB0]  }
0x141: {  	v13 =	vld [tilespmem:s9+$0xB0]  }
0x142: {  	v14 =	vld [tilespmem:s1+$0xC0]  }
0x143: {  	v15 =	vld [tilespmem:s9+$0xC0]  }
0x144: {  	v16 =	vld [tilespmem:s1+$0xD0]  }
0x145: {  	v17 =	vld [tilespmem:s9+$0xD0]  }
0x146: {  	v43 =	vld [tilespmem:s1+$0xE0]  }
0x147: {  	v44 =	vld [tilespmem:s9+$0xE0]  }
0x148: {  	v45 =	vld [tilespmem:s1+$0xF0]  }
0x149: {  	v46 =	vld [tilespmem:s9+$0xF0]  }
0x14a: {  	v22 =	vld [tilespmem:s9+$0xFFFFFF00]  }
0x14b: {  	v23 =	vld [tilespmem:s1+$0xFFFFFF10]  }
0x14c: {  	v47 =	vld [tilespmem:s9+$0xFFFFFF10]  }
0x14d: {  	v48 =	vld [tilespmem:s1+$0xFFFFFF80]  }
0x14e: {  	v49 =	vld [tilespmem:s9+$0xFFFFFF80]  }
0x14f: {  	v50 =	vld [tilespmem:s1+$0xFFFFFF90]  }
0x150: {  	v51 =	vld [tilespmem:s9+$0xFFFFFF90]  }
0x151: {  	v52 =	vld [tilespmem:s1+$0x0]  }
0x152: {  	v53 =	vld [tilespmem:s9+$0x0]  }
0x153: {  	v31 =	vld [tilespmem:s1+$0x10]  }
0x154: {  	v54 =	vld [tilespmem:s9+$0x10]  }
0x155: {  	v55 =	vld [tilespmem:s1+$0xFFFFFF00]  }
0x156: {  	v56 =	vld [tilespmem:s1+$0xFFFFFF20]  }
0x157: {  	v18 =	vld [tilespmem:s9+$0x30]  }
0x158: {  	v19 =	vld [tilespmem:s1+$0xFFFFFF40]  }
0x159: {  	v57 =	vld [tilespmem:s9+$0xFFFFFF40];
	v6 =	vmul.bf16 v7, v6;
	v7 =	vmul.bf16 v9, v8  }
0x15a: {  	v58 =	vld [tilespmem:s1+$0xFFFFFFC0]  }
0x15b: {  	v59 =	vld [tilespmem:s1+$0x40];
	v6 =	vadd.bf16 v7, v6;
	v7 =	vmul.bf16 v11, v10  }
0x15c: {  	v61 =	vld [tilespmem:s9+$0x40]  }
0x15d: {  	v62 =	vld [tilespmem:s1+$0xFFFFFF50];
	v6 =	vadd.bf16 v7, v6;
	v7 =	vmul.bf16 v13, v12  }
0x15e: {  	v63 =	vld [tilespmem:s9+$0xFFFFFF50]  }
0x15f: {  	v8 =	vld [tilespmem:s9+$0xFFFFFF20];
	v6 =	vadd.bf16 v7, v6;
	v7 =	vmul.bf16 v15, v14  }
0x160: {  	v9 =	vld [tilespmem:s1+$0xFFFFFFA0];
	v23 =	vmul.bf16 v47, v23  }
0x161: {  	v47 =	vmul.bf16 v49, v48;
	v48 =	vld [tilespmem:s1+$0x50];
	v6 =	vadd.bf16 v7, v6;
	v7 =	vmul.bf16 v17, v16  }
0x162: {  	v49 =	vmul.bf16 v51, v50;
	v50 =	vld [tilespmem:s9+$0x50]  }
0x163: {  	v51 =	vmul.bf16 v53, v52;
	v53 =	vld [tilespmem:s1+$0xFFFFFF60];
	v6 =	vadd.bf16 v7, v6;
	v7 =	vmul.bf16 v44, v43  }
0x164: {  	v31 =	vmul.bf16 v54, v31;
	v54 =	vld [tilespmem:s9+$0xFFFFFF60]  }
0x165: {  	v10 =	vld [tilespmem:s9+$0xFFFFFFA0];
	v6 =	vadd.bf16 v7, v6;
	v7 =	vmul.bf16 v46, v45  }
0x166: {  	v11 =	vld [tilespmem:s1+$0x20]  }
0x167: {  	v12 =	vld [tilespmem:s9+$0x20];
	v6 =	vadd.bf16 v7, v6  }
0x168: {  	v13 =	vld [tilespmem:s1+$0xFFFFFF30]  }
0x169: {  	v14 =	vld [tilespmem:s9+$0xFFFFFF30];
	v60 =	vand.u32 $0xFFFF0000, v6;
	v6 =	vshll.u32 v6, $0x10  }
0x16a: {  	v15 =	vld [tilespmem:s1+$0xFFFFFFB0];
	v6 =	vadd.f32 v6, v60  }
0x16b: {  	v22 =	vmul.bf16 v22, v55;
	v16 =	vld [tilespmem:s9+$0xFFFFFFB0]  }
0x16c: {  	v17 =	vld [tilespmem:s1+$0x30];
	v44 =	vperm.xlane v6, v2  }
0x16d: {  	v55 =	vld [tilespmem:s1+$0xFFFFFFE0];
	v22 =	vadd.bf16 v23, v22  }
0x16e: {  	v8 =	vmul.bf16 v8, v56;
	v11 =	vmul.bf16 v12, v11;
	v12 =	vld [tilespmem:s9+$0xFFFFFFE0];
	v6 =	vadd.f32 v6, v44  }
0x16f: {  	v9 =	vmul.bf16 v10, v9;
	v10 =	vadd.bf16 v31, v51;
	v13 =	vmul.bf16 v14, v13;
	v14 =	vld [tilespmem:s1+$0x60]  }
0x170: {  	v24 =	vadd.bf16 v49, v47;
	v8 =	vadd.bf16 v8, v22;
	v7 =	vld [tilespmem:s9+$0xFFFFFFC0];
	v52 =	vperm.xlane v6, v3  }
0x171: {  	v10 =	vadd.bf16 v11, v10;
	v45 =	vld [tilespmem:s1+$0xFFFFFFD0];
	v11 =	vmul.bf16 v16, v15;
	v15 =	vmul.bf16 v18, v17  }
0x172: {  	v46 =	vld [tilespmem:s9+$0xFFFFFFD0];
	v8 =	vadd.bf16 v13, v8;
	v13 =	vmul.bf16 v57, v19;
	v6 =	vadd.f32 v6, v52  }
0x173: {  	v9 =	vadd.bf16 v9, v24;
	v16 =	vld [tilespmem:s9+$0x60];
	v12 =	vmul.bf16 v12, v55;
	v10 =	vadd.bf16 v15, v10  }
0x174: {  	s10 =	simm.s32 $0x3;
	v17 =	vld [tilespmem:s1+$0xFFFFFF70];
	v13 =	vadd.bf16 v13, v8;
	v8 =	vmul.bf16 v61, v59;
	v56 =	vperm.xlane v6, v4  }
0x175: {  	v9 =	vadd.bf16 v11, v9;
	v11 =	vld [tilespmem:s9+$0xFFFFFF70];
	v15 =	vmov s10;
	v7 =	vmul.bf16 v7, v58  }
0x176: {  	v57 =	vld [tilespmem:s1+$0xFFFFFFF0];
	v60 =	vadd.bf16 v8, v10;
	v58 =	vmul.bf16 v63, v62;
	v6 =	vadd.f32 v6, v56  }
0x177: {  	v59 =	vld [tilespmem:s9+$0xFFFFFFF0];
	v61 =	vmul.bf16 v46, v45;
	v62 =	vmul.bf16 v50, v48;
	v7 =	vadd.bf16 v7, v9  }
0x178: {  	v8 =	vld [tilespmem:s1+$0x70];
	v63 =	vmul.bf16 v54, v53;
	v13 =	vadd.bf16 v58, v13;
	v9 =	vperm.xlane v6, v5  }
0x179: {  	s29 =	simm.s32 $0xCA00;
	v10 =	vld [tilespmem:s9+$0x70];
	v14 =	vmul.bf16 v16, v14;
	v21 =	vadd.bf16 v62, v60;
	v22 =	vadd.bf16 v61, v7  }
0x17a: {  	v16 =	vmul.bf16 v11, v17;
	v19 =	vadd.bf16 v63, v13;
	v7 =	vld [tilespmem:s29+$0x80];
	v9 =	vadd.f32 v6, v9  }
0x17b: {  	s7 =	simm.s32 $0xA200;
	v11 =	vadd.bf16 v14, v21;
	v13 =	vadd.bf16 v12, v22;
	v12 =	vld [tilespmem:s29+$0x90]  }
0x17c: {  	v14 =	vadd.bf16 v16, v19;
	v6 =	vld [tilespmem:s7+$0x80];
	[tilespmem:v15+s25+$0x0] =	vst.idx.msk $0x1, v9;
	v15 =	vmul.bf16 v59, v57  }
0x17d: {  	s30 =	simm.s32 $0x0;
	s8 =	simm.s32 $0x8;
	s1 =	simm.s32 $0x4;
	v9 =	vld [tilespmem:s7+$0x90]  }
.LBB2_5:
0x17e: {  	p0 =	slt.u32 s8, $0x4C;
	v16 =	vld [tilespmem:s7+$0xA0];
	v17 =	vand.u32 $0xFFFF0000, v14;
	v13 =	vadd.bf16 v15, v13;
	v8 =	vmul.bf16 v10, v8  }
0x17f: {  	v14 =	vshll.u32 v14, $0x10;
	v15 =	vmov s30;
	v10 =	vld [tilespmem:s29+$0xA0]  }
0x180: {  	v18 =	vld [tilespmem:s7+$0xB0];
	v19 =	vand.u32 $0xFFFF0000, v13;
	v13 =	vshll.u32 v13, $0x10;
	v8 =	vadd.bf16 v8, v11  }
0x181: {  	v14 =	vadd.f32 v14, v17;
	v15 =	vand.u32 $0xFFFFFFFC, v15;
	v11 =	vld [tilespmem:s29+$0xB0];
	v13 =	vadd.f32 v13, v19  }
0x182: {  	v6 =	vmul.bf16 v7, v6;
	v7 =	vmul.bf16 v12, v9;
	v9 =	vld [tilespmem:s7+$0xC0];
	v12 =	vand.u32 $0xFFFF0000, v8  }
0x183: {  	v19 =	vperm.xlane v14, v2;
	v8 =	vshll.u32 v8, $0x10;
	v17 =	vld [tilespmem:s29+$0xC0];
	v20 =	vperm.xlane v13, v2  }
0x184: {  	s9 =	sadd.s32 $0x1, s30;
	v8 =	vadd.f32 v8, v12;
	v6 =	vadd.bf16 v7, v6;
	v7 =	vmul.bf16 v10, v16;
	v10 =	vld [tilespmem:s7+$0xD0]  }
0x185: {  	v14 =	vadd.f32 v14, v19;
	v16 =	vmov s9;
	v12 =	vld [tilespmem:s29+$0xD0];
	v13 =	vadd.f32 v13, v20  }
0x186: {  	s9 =	sadd.s32 $0x2, s30;
	s30 =	smov.u32 s1;
	s1 =	smov.u32 s8;
	v6 =	vadd.bf16 v7, v6;
	v7 =	vmul.bf16 v11, v18;
	v11 =	vld [tilespmem:s7+$0xE0];
	v18 =	vperm.xlane v8, v2  }
0x187: {  	v20 =	vperm.xlane v14, v3;
	v22 =	vmov s9;
	v19 =	vld [tilespmem:s29+$0xE0];
	v21 =	vperm.xlane v13, v3  }
0x188: {  	v6 =	vadd.bf16 v7, v6;
	v7 =	vmul.bf16 v17, v9;
	v9 =	vld [tilespmem:s7+$0xF0];
	v8 =	vadd.f32 v8, v18  }
0x189: {  	v15 =	vbroadcast v15, $0x0;
	v14 =	vadd.f32 v14, v20;
	v17 =	vld [tilespmem:s29+$0xF0];
	v13 =	vadd.f32 v13, v21  }
0x18a: {  	v18 =	vld [tilespmem:s29+$0xFFFFFF00];
	v6 =	vadd.bf16 v7, v6;
	v7 =	vmul.bf16 v12, v10;
	v10 =	vperm.xlane v8, v3  }
0x18b: {  	v16 =	vand.u32 $0xFFFFFFFD, v16;
	v20 =	vperm.xlane v14, v4;
	v12 =	vld [tilespmem:s7+$0xFFFFFF10];
	v21 =	vperm.xlane v13, v4  }
0x18c: {  	v23 =	vld [tilespmem:s29+$0xFFFFFF10];
	v6 =	vadd.bf16 v7, v6;
	v7 =	vmul.bf16 v19, v11;
	v8 =	vadd.f32 v8, v10  }
0x18d: {  	v11 =	vadd.f32 v14, v20;
	v14 =	vbroadcast v16, $0x0;
	v10 =	vld [tilespmem:s7+$0xFFFFFF80];
	v13 =	vadd.f32 v13, v21  }
0x18e: {  	v16 =	vld [tilespmem:s29+$0xFFFFFF80];
	v6 =	vadd.bf16 v7, v6;
	v7 =	vmul.bf16 v17, v9;
	v9 =	vperm.xlane v8, v4  }
0x18f: {  	v21 =	vand.u32 $0xFFFFFFFE, v22;
	v19 =	vperm.xlane v11, v5;
	v17 =	vld [tilespmem:s7+$0xFFFFFF90];
	v20 =	vperm.xlane v13, v5  }
0x190: {  	v22 =	vld [tilespmem:s29+$0xFFFFFF90];
	v6 =	vadd.bf16 v7, v6;
	v7 =	vadd.f32 v8, v9;
	v8 =	vbroadcast v21, $0x0  }
0x191: {  	v11 =	vadd.f32 v11, v19;
	v9 =	vmul.bf16 v23, v12;
	v12 =	vld [tilespmem:s7+$0x0];
	v13 =	vadd.f32 v13, v20  }
0x192: {  	v19 =	vld [tilespmem:s29+$0x0];
	v20 =	vand.u32 $0xFFFF0000, v6;
	v6 =	vshll.u32 v6, $0x10;
	v21 =	vperm.xlane v7, v5  }
0x193: {  	v10 =	vmul.bf16 v16, v10;
	v16 =	vld [tilespmem:s7+$0x10];
	v6 =	vadd.f32 v6, v20;
	[tilespmem:v15+s25+$0x0] =	vst.idx.msk $0x1, v11  }
0x194: {  	v11 =	vld [tilespmem:s29+$0x10];
	[tilespmem:v14+s25+$0x0] =	vst.idx.msk $0x1, v13;
	v7 =	vadd.f32 v7, v21  }
0x195: {  	v13 =	vld [tilespmem:s7+$0xFFFFFF00];
	v14 =	vmul.bf16 v22, v17;
	v15 =	vperm.xlane v6, v2  }
0x196: {  	v17 =	vld [tilespmem:s7+$0xFFFFFF20];
	[tilespmem:v8+s25+$0x0] =	vst.idx.msk $0x1, v7  }
0x197: {  	v7 =	vld [tilespmem:s29+$0xFFFFFF20];
	v8 =	vadd.bf16 v14, v10;
	v10 =	vmul.bf16 v19, v12;
	v6 =	vadd.f32 v6, v15  }
0x198: {  	v12 =	vld [tilespmem:s7+$0xFFFFFFA0]  }
0x199: {  	v14 =	vld [tilespmem:s29+$0xFFFFFFA0];
	v11 =	vmul.bf16 v11, v16;
	v15 =	vperm.xlane v6, v3  }
0x19a: {  	v13 =	vmul.bf16 v18, v13;
	v16 =	vld [tilespmem:s7+$0x20]  }
0x19b: {  	v10 =	vadd.bf16 v11, v10;
	v11 =	vld [tilespmem:s29+$0x20];
	v6 =	vadd.f32 v6, v15  }
0x19c: {  	v9 =	vadd.bf16 v9, v13;
	v7 =	vmul.bf16 v7, v17;
	v13 =	vld [tilespmem:s7+$0xFFFFFF30]  }
0x19d: {  	v15 =	vld [tilespmem:s29+$0xFFFFFF30];
	v17 =	vperm.xlane v6, v4  }
0x19e: {  	v7 =	vadd.bf16 v7, v9;
	v9 =	vmul.bf16 v14, v12;
	v12 =	vld [tilespmem:s7+$0xFFFFFFB0]  }
0x19f: {  	s9 =	sadd.s32 $0x3, s30;
	v14 =	vld [tilespmem:s29+$0xFFFFFFB0];
	v6 =	vadd.f32 v6, v17  }
0x1a0: {  	v8 =	vadd.bf16 v9, v8;
	v9 =	vmul.bf16 v11, v16;
	v11 =	vld [tilespmem:s7+$0x30];
	v16 =	vmov s9  }
0x1a1: {  	v17 =	vld [tilespmem:s29+$0x30];
	v18 =	vperm.xlane v6, v5  }
0x1a2: {  	v13 =	vmul.bf16 v15, v13;
	v15 =	vld [tilespmem:s7+$0xFFFFFF40];
	v9 =	vadd.bf16 v9, v10  }
0x1a3: {  	v10 =	vld [tilespmem:s29+$0xFFFFFF40];
	v6 =	vadd.f32 v6, v18  }
0x1a4: {  	v7 =	vadd.bf16 v13, v7;
	v12 =	vmul.bf16 v14, v12;
	v13 =	vld [tilespmem:s7+$0xFFFFFFC0]  }
0x1a5: {  	v14 =	vld [tilespmem:s29+$0xFFFFFFC0];
	[tilespmem:v16+s25+$0x0] =	vst.idx.msk $0x1, v6  }
0x1a6: {  	v6 =	vadd.bf16 v12, v8;
	v8 =	vmul.bf16 v17, v11;
	v11 =	vld [tilespmem:s7+$0x40]  }
0x1a7: {  	v12 =	vld [tilespmem:s29+$0x40]  }
0x1a8: {  	v10 =	vmul.bf16 v10, v15;
	v15 =	vld [tilespmem:s7+$0xFFFFFF50];
	v8 =	vadd.bf16 v8, v9  }
0x1a9: {  	v9 =	vld [tilespmem:s29+$0xFFFFFF50]  }
0x1aa: {  	v7 =	vadd.bf16 v10, v7;
	v10 =	vmul.bf16 v14, v13;
	v13 =	vld [tilespmem:s7+$0xFFFFFFD0]  }
0x1ab: {  	v14 =	vld [tilespmem:s29+$0xFFFFFFD0]  }
0x1ac: {  	v6 =	vadd.bf16 v10, v6;
	v10 =	vmul.bf16 v12, v11;
	v11 =	vld [tilespmem:s7+$0x50]  }
0x1ad: {  	v12 =	vld [tilespmem:s29+$0x50]  }
0x1ae: {  	v9 =	vmul.bf16 v9, v15;
	v15 =	vld [tilespmem:s7+$0xFFFFFF60];
	v8 =	vadd.bf16 v10, v8  }
0x1af: {  	v10 =	vld [tilespmem:s29+$0xFFFFFF60]  }
0x1b0: {  	v7 =	vadd.bf16 v9, v7;
	v9 =	vmul.bf16 v14, v13;
	v13 =	vld [tilespmem:s7+$0xFFFFFFE0]  }
0x1b1: {  	v14 =	vld [tilespmem:s29+$0xFFFFFFE0]  }
0x1b2: {  	v6 =	vadd.bf16 v9, v6;
	v9 =	vmul.bf16 v12, v11;
	v11 =	vld [tilespmem:s7+$0x60]  }
0x1b3: {  	v12 =	vld [tilespmem:s29+$0x60]  }
0x1b4: {  	v10 =	vmul.bf16 v10, v15;
	v15 =	vld [tilespmem:s7+$0xFFFFFF70];
	v9 =	vadd.bf16 v9, v8  }
0x1b5: {  	v16 =	vld [tilespmem:s29+$0xFFFFFF70]  }
0x1b6: {  	v17 =	vadd.bf16 v10, v7;
	v7 =	vmul.bf16 v14, v13;
	v18 =	vld [tilespmem:s7+$0xFFFFFFF0]  }
0x1b7: {  	v19 =	vld [tilespmem:s29+$0xFFFFFFF0]  }
0x1b8: {  	v13 =	vadd.bf16 v7, v6;
	v7 =	vmul.bf16 v12, v11;
	v8 =	vld [tilespmem:s7+$0x70]  }
.Ltmp1:
0x1b9: {  	s7 =	sadd.s32 $0x200, s7;
	v10 =	vld [tilespmem:s29+$0x70];
	(pc) =	sbr.rel @p0 .LBB2_5-.Ltmp1, $4  }
0x1ba: {  	s29 =	sadd.s32 $0x200, s29;
	v6 =	vld [tilespmem:s7+$0x80];
	v12 =	vmul.bf16 v16, v15;
	v11 =	vadd.bf16 v7, v9  }
0x1bb: {  	v7 =	vld [tilespmem:s29+$0x80]  }
0x1bc: {  	v9 =	vld [tilespmem:s7+$0x90];
	v14 =	vadd.bf16 v12, v17;
	v15 =	vmul.bf16 v19, v18  }
0x1bd: {  	s8 =	sadd.s32 $0x4, s8;
	v12 =	vld [tilespmem:s29+$0x90]  }
0x1be: {  	v16 =	vld [tilespmem:s7+$0xA0]  }
0x1bf: {  	v17 =	vld [tilespmem:s29+$0xA0]  }
0x1c0: {  	v18 =	vld [tilespmem:s7+$0xB0]  }
0x1c1: {  	v19 =	vld [tilespmem:s29+$0xB0]  }
0x1c2: {  	v20 =	vld [tilespmem:s7+$0xC0]  }
0x1c3: {  	v21 =	vld [tilespmem:s29+$0xC0]  }
0x1c4: {  	v22 =	vld [tilespmem:s7+$0xD0]  }
0x1c5: {  	v23 =	vld [tilespmem:s29+$0xD0]  }
0x1c6: {  	v24 =	vld [tilespmem:s7+$0xE0]  }
0x1c7: {  	v25 =	vld [tilespmem:s29+$0xE0]  }
0x1c8: {  	v26 =	vld [tilespmem:s7+$0xF0]  }
0x1c9: {  	v27 =	vld [tilespmem:s29+$0xF0]  }
0x1ca: {  	v28 =	vld [tilespmem:s29+$0xFFFFFF00]  }
0x1cb: {  	v29 =	vld [tilespmem:s7+$0xFFFFFF10]  }
0x1cc: {  	v30 =	vld [tilespmem:s29+$0xFFFFFF10]  }
0x1cd: {  	v31 =	vld [tilespmem:s7+$0xFFFFFF80]  }
0x1ce: {  	v32 =	vld [tilespmem:s29+$0xFFFFFF80]  }
0x1cf: {  	v33 =	vld [tilespmem:s7+$0xFFFFFF90]  }
0x1d0: {  	v34 =	vld [tilespmem:s29+$0xFFFFFF90]  }
0x1d1: {  	v35 =	vld [tilespmem:s7+$0x0]  }
0x1d2: {  	v36 =	vld [tilespmem:s29+$0x0]  }
0x1d3: {  	v37 =	vld [tilespmem:s7+$0x10]  }
0x1d4: {  	v38 =	vld [tilespmem:s29+$0x10]  }
0x1d5: {  	v39 =	vld [tilespmem:s7+$0xFFFFFF00]  }
0x1d6: {  	v40 =	vld [tilespmem:s7+$0xFFFFFF20]  }
0x1d7: {  	v41 =	vld [tilespmem:s29+$0xFFFFFF20]  }
0x1d8: {  	v42 =	vld [tilespmem:s7+$0xFFFFFFA0]  }
0x1d9: {  	v43 =	vld [tilespmem:s29+$0xFFFFFFA0]  }
0x1da: {  	v8 =	vmul.bf16 v10, v8;
	v10 =	vld [tilespmem:s7+$0x20]  }
0x1db: {  	v44 =	vld [tilespmem:s29+$0x20]  }
0x1dc: {  	v13 =	vadd.bf16 v15, v13;
	v15 =	vld [tilespmem:s29+$0x30]  }
0x1dd: {  	v49 =	vld [tilespmem:s7+$0xFFFFFF50]  }
0x1de: {  	v53 =	vand.u32 $0xFFFF0000, v14;
	v54 =	vshll.u32 v14, $0x10;
	v51 =	vld [tilespmem:s29+$0xFFFFFF50]  }
0x1df: {  	v14 =	vadd.f32 v54, v53;
	v54 =	vld [tilespmem:s7+$0xFFFFFFD0];
	v45 =	vand.u32 $0xFFFF0000, v13;
	v13 =	vshll.u32 v13, $0x10  }
0x1e0: {  	v8 =	vadd.bf16 v8, v11;
	v11 =	vld [tilespmem:s7+$0xFFFFFF30];
	v55 =	vadd.f32 v13, v45  }
0x1e1: {  	v6 =	vmul.bf16 v7, v6;
	v13 =	vld [tilespmem:s7+$0xFFFFFFB0];
	v57 =	vperm.xlane v14, v2  }
0x1e2: {  	v7 =	vmul.bf16 v12, v9;
	v9 =	vld [tilespmem:s29+$0xFFFFFF30];
	v46 =	vperm.xlane v55, v2  }
0x1e3: {  	v16 =	vmul.bf16 v17, v16;
	v17 =	vld [tilespmem:s7+$0x30];
	v58 =	vmul.bf16 v19, v18  }
0x1e4: {  	v56 =	vand.u32 $0xFFFF0000, v8;
	v18 =	vld [tilespmem:s7+$0xFFFFFF40];
	v20 =	vmul.bf16 v21, v20;
	v61 =	vmul.bf16 v23, v22  }
0x1e5: {  	v8 =	vshll.u32 v8, $0x10;
	v21 =	vld [tilespmem:s7+$0xFFFFFFC0];
	v24 =	vmul.bf16 v25, v24;
	v50 =	vmul.bf16 v27, v26  }
0x1e6: {  	v8 =	vadd.f32 v8, v56;
	v52 =	vmul.bf16 v32, v31;
	v53 =	vmul.bf16 v34, v33;
	v56 =	vld [tilespmem:s29+$0xFFFFFFD0]  }
0x1e7: {  	s10 =	sadd.s32 $0x3, s1;
	v14 =	vadd.f32 v14, v57;
	v28 =	vmul.bf16 v28, v39;
	v57 =	vmul.bf16 v36, v35;
	v34 =	vld [tilespmem:s7+$0xFFFFFF60]  }
0x1e8: {  	v10 =	vmul.bf16 v44, v10;
	v35 =	vld [tilespmem:s29+$0xFFFFFF60];
	v33 =	vmov s10;
	v6 =	vadd.bf16 v7, v6  }
0x1e9: {  	v19 =	vld [tilespmem:s29+$0xFFFFFFC0];
	v12 =	vadd.f32 v55, v46;
	v59 =	vperm.xlane v8, v2;
	v45 =	vperm.xlane v14, v3  }
0x1ea: {  	v36 =	vld [tilespmem:s7+$0xFFFFFFE0];
	v55 =	vmul.bf16 v30, v29;
	v6 =	vadd.bf16 v16, v6;
	v16 =	vadd.bf16 v53, v52  }
0x1eb: {  	v7 =	vld [tilespmem:s29+$0xFFFFFFB0];
	v60 =	vperm.xlane v12, v3;
	v8 =	vadd.f32 v8, v59;
	v9 =	vmul.bf16 v9, v11  }
0x1ec: {  	v46 =	vld [tilespmem:s29+$0xFFFFFF40];
	v6 =	vadd.bf16 v58, v6;
	v58 =	vmul.bf16 v38, v37;
	v15 =	vmul.bf16 v15, v17  }
0x1ed: {  	s8 =	sadd.s32 $0x1, s30;
	v52 =	vld [tilespmem:s29+$0xFFFFFFF0];
	v14 =	vadd.f32 v14, v45;
	v47 =	vmul.bf16 v56, v54;
	v53 =	vmul.bf16 v35, v34  }
0x1ee: {  	v45 =	vld [tilespmem:s29+$0x40];
	v54 =	vmov s8;
	v35 =	vmov s1;
	v62 =	vperm.xlane v8, v3  }
0x1ef: {  	v38 =	vld [tilespmem:s29+$0xFFFFFFE0];
	v12 =	vadd.f32 v12, v60;
	v63 =	vperm.xlane v14, v4;
	v60 =	vmul.bf16 v41, v40  }
0x1f0: {  	v59 =	vld [tilespmem:s7+$0x50];
	v7 =	vmul.bf16 v7, v13;
	v41 =	vmul.bf16 v19, v21;
	v6 =	vadd.bf16 v20, v6  }
0x1f1: {  	v56 =	vld [tilespmem:s29+$0x70];
	v39 =	vmul.bf16 v46, v18;
	v46 =	vmul.bf16 v51, v49;
	v51 =	vmov s30  }
0x1f2: {  	v20 =	vld [tilespmem:s7+$0x40];
	v48 =	vperm.xlane v12, v4;
	v14 =	vadd.f32 v14, v63;
	v63 =	vadd.bf16 v58, v57  }
0x1f3: {  	v8 =	vadd.f32 v8, v62;
	v62 =	vld [tilespmem:s29+$0x50];
	v6 =	vadd.bf16 v61, v6;
	v61 =	vmul.bf16 v43, v42  }
0x1f4: {  	v42 =	vld [tilespmem:s29+$0x60];
	v12 =	vadd.f32 v12, v48;
	v10 =	vadd.bf16 v10, v63;
	v11 =	vmul.bf16 v38, v36  }
0x1f5: {  	v48 =	vld [tilespmem:s29+$0xFFFFFF70];
	v58 =	vperm.xlane v8, v4;
	s29 =	sadd.s32 $0x1, s1;
	v6 =	vadd.bf16 v24, v6;
	v24 =	vadd.bf16 v55, v28  }
0x1f6: {  	v40 =	vld [tilespmem:s7+$0x60];
	v16 =	vadd.bf16 v61, v16;
	v38 =	vmov s29;
	v10 =	vadd.bf16 v15, v10  }
0x1f7: {  	v44 =	vmul.bf16 v45, v20;
	v15 =	vand.u32 $0xFFFFFFFC, v51;
	v8 =	vadd.f32 v8, v58  }
0x1f8: {  	v61 =	vperm.xlane v12, v5;
	v24 =	vadd.bf16 v60, v24;
	v7 =	vadd.bf16 v7, v16  }
0x1f9: {  	v17 =	vand.u32 $0xFFFFFFFD, v38;
	v6 =	vadd.bf16 v50, v6;
	v49 =	vmul.bf16 v62, v59;
	v50 =	vld [tilespmem:s7+$0xFFFFFFF0]  }
0x1fa: {  	v55 =	vld [tilespmem:s7+$0x70];
	v15 =	vbroadcast v15, $0x0;
	v9 =	vadd.bf16 v9, v24;
	v7 =	vadd.bf16 v41, v7  }
0x1fb: {  	v45 =	vld [tilespmem:s7+$0xFFFFFF70];
	v60 =	vperm.xlane v14, v5;
	v10 =	vadd.bf16 v44, v10;
	v16 =	vmul.bf16 v42, v40  }
0x1fc: {  	v37 =	vand.u32 $0xFFFF0000, v6;
	v9 =	vadd.bf16 v39, v9;
	v7 =	vadd.bf16 v47, v7  }
0x1fd: {  	v6 =	vshll.u32 v6, $0x10;
	v24 =	vand.u32 $0xFFFFFFFD, v54;
	v10 =	vadd.bf16 v49, v10  }
0x1fe: {  	v19 =	vmul.bf16 v52, v50;
	v9 =	vadd.bf16 v46, v9;
	v7 =	vadd.bf16 v11, v7  }
0x1ff: {  	v6 =	vadd.f32 v6, v37;
	v13 =	vmul.bf16 v56, v55;
	v10 =	vadd.bf16 v16, v10  }
0x200: {  	v20 =	vmul.bf16 v48, v45;
	v9 =	vadd.bf16 v53, v9;
	v7 =	vadd.bf16 v19, v7  }
0x201: {  	v57 =	vbroadcast v24, $0x0;
	v43 =	vperm.xlane v6, v2;
	v10 =	vadd.bf16 v13, v10  }
0x202: {  	v9 =	vadd.bf16 v20, v9;
	v20 =	vand.u32 $0xFFFF0000, v7;
	v7 =	vshll.u32 v7, $0x10  }
0x203: {  	v24 =	vand.u32 $0xFFFF0000, v10;
	v10 =	vshll.u32 v10, $0x10;
	v7 =	vadd.f32 v7, v20  }
0x204: {  	v10 =	vadd.f32 v10, v24;
	v63 =	vand.u32 $0xFFFF0000, v9;
	v9 =	vshll.u32 v9, $0x10  }
0x205: {  	s9 =	sadd.s32 $0x2, s30;
	v6 =	vadd.f32 v6, v43;
	v9 =	vadd.f32 v9, v63;
	v28 =	vperm.xlane v7, v2  }
0x206: {  	v59 =	vmov s9;
	v17 =	vbroadcast v17, $0x0;
	v30 =	vperm.xlane v10, v2  }
0x207: {  	v62 =	vperm.xlane v6, v3;
	v26 =	vperm.xlane v9, v2;
	v7 =	vadd.f32 v7, v28  }
0x208: {  	v18 =	vand.u32 $0xFFFFFFFE, v59;
	v29 =	vperm.xlane v8, v5;
	v10 =	vadd.f32 v10, v30  }
0x209: {  	s30 =	sadd.s32 $0x2, s1;
	v6 =	vadd.f32 v6, v62;
	v9 =	vadd.f32 v9, v26;
	v34 =	vperm.xlane v7, v3  }
0x20a: {  	v40 =	vmov s30;
	v25 =	vbroadcast v18, $0x0;
	v36 =	vperm.xlane v10, v3  }
0x20b: {  	v31 =	vperm.xlane v6, v4;
	v32 =	vperm.xlane v9, v3;
	v7 =	vadd.f32 v7, v34  }
0x20c: {  	v27 =	vadd.f32 v14, v60;
	v18 =	vand.u32 $0xFFFFFFFC, v35;
	v10 =	vadd.f32 v10, v36  }
0x20d: {  	v6 =	vadd.f32 v6, v31;
	v9 =	vadd.f32 v9, v32;
	v41 =	vperm.xlane v7, v4  }
0x20e: {  	v8 =	vadd.f32 v8, v29;
	v11 =	vand.u32 $0xFFFFFFFE, v40;
	v42 =	vperm.xlane v10, v4  }
0x20f: {  	v37 =	vperm.xlane v6, v5;
	v39 =	vperm.xlane v9, v4;
	v7 =	vadd.f32 v7, v41  }
0x210: {  	v18 =	vbroadcast v18, $0x0;
	[tilespmem:v15+s25+$0x0] =	vst.idx.msk $0x1, v27;
	v11 =	vbroadcast v11, $0x0;
	v10 =	vadd.f32 v10, v42  }
0x211: {  	v6 =	vadd.f32 v6, v37;
	v9 =	vadd.f32 v9, v39;
	v44 =	vperm.xlane v7, v5  }
0x212: {  	v12 =	vadd.f32 v12, v61;
	[tilespmem:v25+s25+$0x0] =	vst.idx.msk $0x1, v8;
	v46 =	vperm.xlane v10, v5  }
0x213: {  	[tilespmem:v33+s25+$0x0] =	vst.idx.msk $0x1, v6;
	v43 =	vperm.xlane v9, v5;
	v6 =	vadd.f32 v7, v44  }
0x214: {  	[tilespmem:v57+s25+$0x0] =	vst.idx.msk $0x1, v12;
	v7 =	vadd.f32 v10, v46  }
0x215: {  	v45 =	vadd.f32 v9, v43;
	[tilespmem:v17+s25+$0x0] =	vst.idx.msk $0x1, v6  }
0x216: {  	[tilespmem:v11+s25+$0x0] =	vst.idx.msk $0x1, v7  }
0x217: {  	[tilespmem:v18+s25+$0x0] =	vst.idx.msk $0x1, v45  }
0x218: {  	v6 =	vld [tilespmem:$0xEF00];
	_ =	sdelay $0x1  }
0x219: {  	v7 =	vld [tilespmem:$0xEF80];
	_ =	sdelay $0x1  }
0x21a: {  	v8 =	vld [tilespmem:$0xEF10]  }
0x21b: {  	v6 =	vmul.f32 $6.250000000e-02, v6;
	_ =	sdelay $0x1  }
0x21c: {  	v47 =	vmax.f32 v7, v6  }
0x21d: {  	v7 =	vsub.f32 v7, v47  }
0x21e: {  	v8 =	vmul.f32 $6.250000000e-02, v8;
	v6 =	vsub.f32 v6, v47  }
0x21f: {  	v48 =	vld [tilespmem:$0xEF20];
	v7 =	vmul.f32 $1.442695020e+00, v7  }
0x220: {  	v49 =	vmax.f32 v47, v8;
	v6 =	vmul.f32 $1.442695020e+00, v6  }
0x221: {  	(erf) = vpow2.f32 v7;
	v7 =	vsub.f32 v47, v49  }
0x222: {  	(erf) = vpow2.f32 v6;
	v6 =	vld [tilespmem:$0xEF30]  }
0x223: {  	v7 =	vmul.f32 $1.442695020e+00, v7  }
0x224: {  	v50 =	vmul.f32 $6.250000000e-02, v48;
	v8 =	vsub.f32 v8, v49  }
0x225: {  	v52 =	vld [tilespmem:$0xEF40];
	(erf) = vpow2.f32 v7  }
0x226: {  	v8 =	vmul.f32 $1.442695020e+00, v8;
	v7 =	vmax.f32 v49, v50  }
0x227: {  	v11 =	vsub.f32 v49, v7;
	v6 =	vmul.f32 $6.250000000e-02, v6  }
0x228: {  	v51 =	vld [tilespmem:$0xF000];
	(erf) = vpow2.f32 v8  }
0x229: {  	v9 =	vsub.f32 v50, v7;
	v53 =	vmul.f32 $1.442695020e+00, v11;
	v54 =	vmax.f32 v7, v6  }
0x22a: {  	v58 =	vmul.f32 $6.250000000e-02, v52;
	v7 =	vsub.f32 v7, v54  }
0x22b: {  	v56 =	vmul.f32 $1.442695020e+00, v9;
	v55 =	vpop (erf);
	(erf) = vpow2.f32 v53  }
0x22c: {  	v6 =	vsub.f32 v6, v54;
	v7 =	vmul.f32 $1.442695020e+00, v7  }
0x22d: {  	v61 =	vmax.f32 v54, v58;
	v57 =	vmul.f32 v55, v51;
	v59 =	vpop (erf);
	(erf) = vpow2.f32 v56  }
0x22e: {  	v6 =	vmul.f32 $1.442695020e+00, v6;
	v62 =	vpop (erf);
	(erf) = vpow2.f32 v7;
	v7 =	vsub.f32 v54, v61  }
0x22f: {  	v60 =	vadd.f32 v57, v59  }
0x230: {  	(erf) = vpow2.f32 v6;
	v6 =	vmul.f32 $1.442695020e+00, v7;
	v7 =	vsub.f32 v58, v61  }
0x231: {  	v8 =	vmul.f32 v60, v62  }
0x232: {  	v63 =	vpop (erf)  }
0x233: {  	v8 =	vadd.f32 v8, v63;
	(erf) = vpow2.f32 v6;
	v6 =	vmul.f32 $1.442695020e+00, v7  }
0x234: {  	v7 =	vpop (erf)  }
0x235: {  	v7 =	vmul.f32 v8, v7  }
0x236: {  	(erf) = vpow2.f32 v6  }
0x237: {  	v6 =	vpop (erf)  }
0x238: {  	v6 =	vadd.f32 v7, v6  }
0x239: {  	v7 =	vpop (erf)  }
0x23a: {  	v6 =	vmul.f32 v6, v7  }
0x23b: {  	v7 =	vpop (erf)  }
0x23c: {  	s0 =	sadd.s32 $0x1, s0;
	v6 =	vadd.f32 v6, v7  }
0x23d: {  	p0 =	sne.s32 s0, $0x3E;
	v7 =	vpop (erf)  }
.Ltmp2:
0x23e: {  	v6 =	vmul.f32 v6, v7;
	(pc) =	sbr.rel @p0 .LBB2_2-.Ltmp2, $4  }
0x23f: {  	v7 =	vpop (erf)  }
0x240: {  	v6 =	vadd.f32 v6, v7  }
0x241: {  	[tilespmem:$0xEF80] =	vst v61  }
0x242: {  	[tilespmem:$0xF000] =	vst v6  }
0x243: {  	_ =	swait.ge [sflag:s18], $0x2800  }
0x244: {  	[sflag:s18] =	ssyncset.done $0x0  }
0x245: {  	[sflag:s18] =	ssyncadd.s32 $0xFFFFD800  }
0x246: {  	_ =	swait.ge [sflag:s24], $0x2800  }
0x247: {  	[sflag:s24] =	ssyncset.done $0x0  }
0x248: {  	s1 =	simm.s32 $0x5000;
	[sflag:s24] =	ssyncadd.s32 $0xFFFFD800  }
0x249: {  	s0 =	simm.s32 $0x7800;
	v6 =	vld [tilespmem:s1+$0x80]  }
0x24a: {  	v7 =	vld [tilespmem:s0+$0x80]  }
0x24b: {  	v8 =	vld [tilespmem:s1+$0x90]  }
0x24c: {  	v9 =	vld [tilespmem:s0+$0x90]  }
0x24d: {  	v10 =	vld [tilespmem:s1+$0xA0]  }
0x24e: {  	v11 =	vld [tilespmem:s0+$0xA0]  }
0x24f: {  	v12 =	vld [tilespmem:s1+$0xB0]  }
0x250: {  	v13 =	vld [tilespmem:s0+$0xB0]  }
0x251: {  	v14 =	vld [tilespmem:s1+$0xC0]  }
0x252: {  	v15 =	vld [tilespmem:s0+$0xC0]  }
0x253: {  	v16 =	vld [tilespmem:s1+$0xD0]  }
0x254: {  	v17 =	vld [tilespmem:s0+$0xD0]  }
0x255: {  	v18 =	vld [tilespmem:s1+$0xE0]  }
0x256: {  	v19 =	vld [tilespmem:s0+$0xE0]  }
0x257: {  	v20 =	vld [tilespmem:s1+$0xF0]  }
0x258: {  	v21 =	vld [tilespmem:s0+$0xF0]  }
0x259: {  	v22 =	vld [tilespmem:s0+$0xFFFFFF00]  }
0x25a: {  	v23 =	vld [tilespmem:s1+$0xFFFFFF10]  }
0x25b: {  	v24 =	vld [tilespmem:s0+$0xFFFFFF10]  }
0x25c: {  	v25 =	vld [tilespmem:s1+$0xFFFFFF80]  }
0x25d: {  	v26 =	vld [tilespmem:s0+$0xFFFFFF80]  }
0x25e: {  	v27 =	vld [tilespmem:s1+$0xFFFFFF90]  }
0x25f: {  	v28 =	vld [tilespmem:s0+$0xFFFFFF90]  }
0x260: {  	v29 =	vld [tilespmem:s1+$0x0]  }
0x261: {  	v30 =	vld [tilespmem:s0+$0x0]  }
0x262: {  	v31 =	vld [tilespmem:s1+$0x10]  }
0x263: {  	v32 =	vld [tilespmem:s0+$0x10]  }
0x264: {  	v33 =	vld [tilespmem:s1+$0xFFFFFF00]  }
0x265: {  	v34 =	vld [tilespmem:s1+$0xFFFFFF20]  }
0x266: {  	v62 =	vld [tilespmem:s0+$0x30]  }
0x267: {  	v63 =	vld [tilespmem:s1+$0xFFFFFF40]  }
0x268: {  	v44 =	vld [tilespmem:s0+$0xFFFFFF40];
	v6 =	vmul.bf16 v7, v6;
	v7 =	vmul.bf16 v9, v8  }
0x269: {  	v45 =	vld [tilespmem:s1+$0xFFFFFFC0]  }
0x26a: {  	v35 =	vld [tilespmem:s1+$0x40];
	v6 =	vadd.bf16 v7, v6;
	v7 =	vmul.bf16 v11, v10  }
0x26b: {  	v37 =	vld [tilespmem:s0+$0x40]  }
0x26c: {  	v46 =	vld [tilespmem:s1+$0xFFFFFF50];
	v6 =	vadd.bf16 v7, v6;
	v7 =	vmul.bf16 v13, v12  }
0x26d: {  	v38 =	vld [tilespmem:s0+$0xFFFFFF50]  }
0x26e: {  	v40 =	vld [tilespmem:s1+$0xFFFFFFD0];
	v6 =	vadd.bf16 v7, v6;
	v7 =	vmul.bf16 v15, v14  }
0x26f: {  	v41 =	vld [tilespmem:s0+$0xFFFFFFD0]  }
0x270: {  	v48 =	vld [tilespmem:s1+$0x50];
	v6 =	vadd.bf16 v7, v6;
	v7 =	vmul.bf16 v17, v16  }
0x271: {  	v50 =	vld [tilespmem:s0+$0x50]  }
0x272: {  	v53 =	vld [tilespmem:s1+$0xFFFFFF60];
	v6 =	vadd.bf16 v7, v6;
	v7 =	vmul.bf16 v19, v18  }
0x273: {  	v8 =	vld [tilespmem:s0+$0xFFFFFF20]  }
0x274: {  	v9 =	vld [tilespmem:s1+$0xFFFFFFA0];
	v6 =	vadd.bf16 v7, v6;
	v7 =	vmul.bf16 v21, v20  }
0x275: {  	v10 =	vld [tilespmem:s0+$0xFFFFFFA0]  }
0x276: {  	v11 =	vld [tilespmem:s1+$0x20];
	v6 =	vadd.bf16 v7, v6  }
0x277: {  	v12 =	vld [tilespmem:s0+$0x20]  }
0x278: {  	v13 =	vld [tilespmem:s1+$0xFFFFFF30];
	v36 =	vand.u32 $0xFFFF0000, v6;
	v6 =	vshll.u32 v6, $0x10  }
0x279: {  	v23 =	vmul.bf16 v24, v23;
	v14 =	vld [tilespmem:s0+$0xFFFFFF30];
	v6 =	vadd.f32 v6, v36  }
0x27a: {  	v47 =	vmul.bf16 v26, v25;
	v22 =	vmul.bf16 v22, v33;
	v15 =	vld [tilespmem:s1+$0xFFFFFFB0]  }
0x27b: {  	v49 =	vmul.bf16 v28, v27;
	v16 =	vld [tilespmem:s0+$0xFFFFFFB0];
	v39 =	vperm.xlane v6, v2  }
0x27c: {  	v51 =	vmul.bf16 v30, v29;
	v31 =	vmul.bf16 v32, v31;
	v22 =	vadd.bf16 v23, v22;
	v17 =	vld [tilespmem:s1+$0x30]  }
0x27d: {  	v54 =	vld [tilespmem:s0+$0xFFFFFF60];
	v24 =	vadd.bf16 v49, v47;
	v8 =	vmul.bf16 v8, v34;
	v6 =	vadd.f32 v6, v39  }
0x27e: {  	v55 =	vld [tilespmem:s1+$0xFFFFFFE0];
	v9 =	vmul.bf16 v10, v9;
	v10 =	vadd.bf16 v31, v51;
	v11 =	vmul.bf16 v12, v11  }
0x27f: {  	v58 =	vmul.bf16 v38, v46;
	v8 =	vadd.bf16 v8, v22;
	v7 =	vld [tilespmem:s0+$0xFFFFFFC0];
	v52 =	vperm.xlane v6, v3  }
0x280: {  	v12 =	vld [tilespmem:s0+$0xFFFFFFE0];
	v9 =	vadd.bf16 v9, v24;
	v13 =	vmul.bf16 v14, v13;
	v10 =	vadd.bf16 v11, v10  }
0x281: {  	v14 =	vld [tilespmem:s1+$0x60];
	v11 =	vmul.bf16 v16, v15;
	v15 =	vmul.bf16 v62, v17;
	v6 =	vadd.f32 v6, v52  }
0x282: {  	v61 =	vmul.bf16 v41, v40;
	v16 =	vld [tilespmem:s0+$0x60];
	v8 =	vadd.bf16 v13, v8;
	v13 =	vmul.bf16 v44, v63  }
0x283: {  	v17 =	vld [tilespmem:s1+$0xFFFFFF70];
	v9 =	vadd.bf16 v11, v9;
	v10 =	vadd.bf16 v15, v10;
	v56 =	vperm.xlane v6, v4  }
0x284: {  	v11 =	vld [tilespmem:s0+$0xFFFFFF70];
	v13 =	vadd.bf16 v13, v8;
	v8 =	vmul.bf16 v37, v35;
	v7 =	vmul.bf16 v7, v45  }
0x285: {  	s7 =	simm.s32 $0x3;
	v57 =	vld [tilespmem:s1+$0xFFFFFFF0];
	v62 =	vmul.bf16 v50, v48;
	v63 =	vmul.bf16 v54, v53;
	v6 =	vadd.f32 v6, v56  }
0x286: {  	v59 =	vld [tilespmem:s0+$0xFFFFFFF0];
	v15 =	vmov s7;
	v60 =	vadd.bf16 v8, v10;
	v7 =	vadd.bf16 v7, v9  }
0x287: {  	v12 =	vmul.bf16 v12, v55;
	v8 =	vld [tilespmem:s1+$0x70];
	v13 =	vadd.bf16 v58, v13;
	v9 =	vperm.xlane v6, v5  }
0x288: {  	s7 =	simm.s32 $0x7A00;
	v10 =	vld [tilespmem:s0+$0x70];
	v14 =	vmul.bf16 v16, v14;
	v21 =	vadd.bf16 v62, v60;
	v22 =	vadd.bf16 v61, v7  }
0x289: {  	v19 =	vadd.bf16 v63, v13;
	v16 =	vmul.bf16 v11, v17;
	v7 =	vld [tilespmem:s7+$0x80];
	v9 =	vadd.f32 v6, v9  }
0x28a: {  	s1 =	simm.s32 $0x5200;
	v11 =	vadd.bf16 v14, v21;
	v13 =	vadd.bf16 v12, v22;
	v12 =	vld [tilespmem:s7+$0x90]  }
0x28b: {  	v14 =	vadd.bf16 v16, v19;
	v6 =	vld [tilespmem:s1+$0x80];
	[tilespmem:v15+s25+$0x0] =	vst.idx.msk $0x1, v9;
	v15 =	vmul.bf16 v59, v57  }
0x28c: {  	s29 =	simm.s32 $0x0;
	s8 =	simm.s32 $0x8;
	s0 =	simm.s32 $0x4;
	v9 =	vld [tilespmem:s1+$0x90]  }
.LBB2_8:
0x28d: {  	p0 =	slt.u32 s8, $0x4C;
	v16 =	vld [tilespmem:s1+$0xA0];
	v17 =	vand.u32 $0xFFFF0000, v14;
	v13 =	vadd.bf16 v15, v13;
	v8 =	vmul.bf16 v10, v8  }
0x28e: {  	v14 =	vshll.u32 v14, $0x10;
	v15 =	vmov s29;
	v10 =	vld [tilespmem:s7+$0xA0]  }
0x28f: {  	v18 =	vld [tilespmem:s1+$0xB0];
	v19 =	vand.u32 $0xFFFF0000, v13;
	v13 =	vshll.u32 v13, $0x10;
	v8 =	vadd.bf16 v8, v11  }
0x290: {  	v14 =	vadd.f32 v14, v17;
	v15 =	vand.u32 $0xFFFFFFFC, v15;
	v11 =	vld [tilespmem:s7+$0xB0];
	v13 =	vadd.f32 v13, v19  }
0x291: {  	v6 =	vmul.bf16 v7, v6;
	v7 =	vmul.bf16 v12, v9;
	v9 =	vld [tilespmem:s1+$0xC0];
	v12 =	vand.u32 $0xFFFF0000, v8  }
0x292: {  	v19 =	vperm.xlane v14, v2;
	v8 =	vshll.u32 v8, $0x10;
	v17 =	vld [tilespmem:s7+$0xC0];
	v20 =	vperm.xlane v13, v2  }
0x293: {  	s9 =	sadd.s32 $0x1, s29;
	v8 =	vadd.f32 v8, v12;
	v6 =	vadd.bf16 v7, v6;
	v7 =	vmul.bf16 v10, v16;
	v10 =	vld [tilespmem:s1+$0xD0]  }
0x294: {  	v14 =	vadd.f32 v14, v19;
	v16 =	vmov s9;
	v12 =	vld [tilespmem:s7+$0xD0];
	v13 =	vadd.f32 v13, v20  }
0x295: {  	s9 =	sadd.s32 $0x2, s29;
	s29 =	smov.u32 s0;
	s0 =	smov.u32 s8;
	v6 =	vadd.bf16 v7, v6;
	v7 =	vmul.bf16 v11, v18;
	v11 =	vld [tilespmem:s1+$0xE0];
	v18 =	vperm.xlane v8, v2  }
0x296: {  	v20 =	vperm.xlane v14, v3;
	v22 =	vmov s9;
	v19 =	vld [tilespmem:s7+$0xE0];
	v21 =	vperm.xlane v13, v3  }
0x297: {  	v6 =	vadd.bf16 v7, v6;
	v7 =	vmul.bf16 v17, v9;
	v9 =	vld [tilespmem:s1+$0xF0];
	v8 =	vadd.f32 v8, v18  }
0x298: {  	v15 =	vbroadcast v15, $0x0;
	v14 =	vadd.f32 v14, v20;
	v17 =	vld [tilespmem:s7+$0xF0];
	v13 =	vadd.f32 v13, v21  }
0x299: {  	v18 =	vld [tilespmem:s7+$0xFFFFFF00];
	v6 =	vadd.bf16 v7, v6;
	v7 =	vmul.bf16 v12, v10;
	v10 =	vperm.xlane v8, v3  }
0x29a: {  	v16 =	vand.u32 $0xFFFFFFFD, v16;
	v20 =	vperm.xlane v14, v4;
	v12 =	vld [tilespmem:s1+$0xFFFFFF10];
	v21 =	vperm.xlane v13, v4  }
0x29b: {  	v23 =	vld [tilespmem:s7+$0xFFFFFF10];
	v6 =	vadd.bf16 v7, v6;
	v7 =	vmul.bf16 v19, v11;
	v8 =	vadd.f32 v8, v10  }
0x29c: {  	v11 =	vadd.f32 v14, v20;
	v14 =	vbroadcast v16, $0x0;
	v10 =	vld [tilespmem:s1+$0xFFFFFF80];
	v13 =	vadd.f32 v13, v21  }
0x29d: {  	v16 =	vld [tilespmem:s7+$0xFFFFFF80];
	v6 =	vadd.bf16 v7, v6;
	v7 =	vmul.bf16 v17, v9;
	v9 =	vperm.xlane v8, v4  }
0x29e: {  	v21 =	vand.u32 $0xFFFFFFFE, v22;
	v19 =	vperm.xlane v11, v5;
	v17 =	vld [tilespmem:s1+$0xFFFFFF90];
	v20 =	vperm.xlane v13, v5  }
0x29f: {  	v22 =	vld [tilespmem:s7+$0xFFFFFF90];
	v6 =	vadd.bf16 v7, v6;
	v7 =	vadd.f32 v8, v9;
	v8 =	vbroadcast v21, $0x0  }
0x2a0: {  	v11 =	vadd.f32 v11, v19;
	v9 =	vmul.bf16 v23, v12;
	v12 =	vld [tilespmem:s1+$0x0];
	v13 =	vadd.f32 v13, v20  }
0x2a1: {  	v19 =	vld [tilespmem:s7+$0x0];
	v20 =	vand.u32 $0xFFFF0000, v6;
	v6 =	vshll.u32 v6, $0x10;
	v21 =	vperm.xlane v7, v5  }
0x2a2: {  	v10 =	vmul.bf16 v16, v10;
	v16 =	vld [tilespmem:s1+$0x10];
	v6 =	vadd.f32 v6, v20;
	[tilespmem:v15+s25+$0x0] =	vst.idx.msk $0x1, v11  }
0x2a3: {  	v11 =	vld [tilespmem:s7+$0x10];
	[tilespmem:v14+s25+$0x0] =	vst.idx.msk $0x1, v13;
	v7 =	vadd.f32 v7, v21  }
0x2a4: {  	v13 =	vld [tilespmem:s1+$0xFFFFFF00];
	v14 =	vmul.bf16 v22, v17;
	v15 =	vperm.xlane v6, v2  }
0x2a5: {  	v17 =	vld [tilespmem:s1+$0xFFFFFF20];
	[tilespmem:v8+s25+$0x0] =	vst.idx.msk $0x1, v7  }
0x2a6: {  	v7 =	vld [tilespmem:s7+$0xFFFFFF20];
	v8 =	vadd.bf16 v14, v10;
	v10 =	vmul.bf16 v19, v12;
	v6 =	vadd.f32 v6, v15  }
0x2a7: {  	v12 =	vld [tilespmem:s1+$0xFFFFFFA0]  }
0x2a8: {  	v14 =	vld [tilespmem:s7+$0xFFFFFFA0];
	v11 =	vmul.bf16 v11, v16;
	v15 =	vperm.xlane v6, v3  }
0x2a9: {  	v13 =	vmul.bf16 v18, v13;
	v16 =	vld [tilespmem:s1+$0x20]  }
0x2aa: {  	v10 =	vadd.bf16 v11, v10;
	v11 =	vld [tilespmem:s7+$0x20];
	v6 =	vadd.f32 v6, v15  }
0x2ab: {  	v9 =	vadd.bf16 v9, v13;
	v7 =	vmul.bf16 v7, v17;
	v13 =	vld [tilespmem:s1+$0xFFFFFF30]  }
0x2ac: {  	v15 =	vld [tilespmem:s7+$0xFFFFFF30];
	v17 =	vperm.xlane v6, v4  }
0x2ad: {  	v7 =	vadd.bf16 v7, v9;
	v9 =	vmul.bf16 v14, v12;
	v12 =	vld [tilespmem:s1+$0xFFFFFFB0]  }
0x2ae: {  	s9 =	sadd.s32 $0x3, s29;
	v14 =	vld [tilespmem:s7+$0xFFFFFFB0];
	v6 =	vadd.f32 v6, v17  }
0x2af: {  	v8 =	vadd.bf16 v9, v8;
	v9 =	vmul.bf16 v11, v16;
	v11 =	vld [tilespmem:s1+$0x30];
	v16 =	vmov s9  }
0x2b0: {  	v17 =	vld [tilespmem:s7+$0x30];
	v18 =	vperm.xlane v6, v5  }
0x2b1: {  	v13 =	vmul.bf16 v15, v13;
	v15 =	vld [tilespmem:s1+$0xFFFFFF40];
	v9 =	vadd.bf16 v9, v10  }
0x2b2: {  	v10 =	vld [tilespmem:s7+$0xFFFFFF40];
	v6 =	vadd.f32 v6, v18  }
0x2b3: {  	v7 =	vadd.bf16 v13, v7;
	v12 =	vmul.bf16 v14, v12;
	v13 =	vld [tilespmem:s1+$0xFFFFFFC0]  }
0x2b4: {  	v14 =	vld [tilespmem:s7+$0xFFFFFFC0];
	[tilespmem:v16+s25+$0x0] =	vst.idx.msk $0x1, v6  }
0x2b5: {  	v6 =	vadd.bf16 v12, v8;
	v8 =	vmul.bf16 v17, v11;
	v11 =	vld [tilespmem:s1+$0x40]  }
0x2b6: {  	v12 =	vld [tilespmem:s7+$0x40]  }
0x2b7: {  	v10 =	vmul.bf16 v10, v15;
	v15 =	vld [tilespmem:s1+$0xFFFFFF50];
	v8 =	vadd.bf16 v8, v9  }
0x2b8: {  	v9 =	vld [tilespmem:s7+$0xFFFFFF50]  }
0x2b9: {  	v7 =	vadd.bf16 v10, v7;
	v10 =	vmul.bf16 v14, v13;
	v13 =	vld [tilespmem:s1+$0xFFFFFFD0]  }
0x2ba: {  	v14 =	vld [tilespmem:s7+$0xFFFFFFD0]  }
0x2bb: {  	v6 =	vadd.bf16 v10, v6;
	v10 =	vmul.bf16 v12, v11;
	v11 =	vld [tilespmem:s1+$0x50]  }
0x2bc: {  	v12 =	vld [tilespmem:s7+$0x50]  }
0x2bd: {  	v9 =	vmul.bf16 v9, v15;
	v15 =	vld [tilespmem:s1+$0xFFFFFF60];
	v8 =	vadd.bf16 v10, v8  }
0x2be: {  	v10 =	vld [tilespmem:s7+$0xFFFFFF60]  }
0x2bf: {  	v7 =	vadd.bf16 v9, v7;
	v9 =	vmul.bf16 v14, v13;
	v13 =	vld [tilespmem:s1+$0xFFFFFFE0]  }
0x2c0: {  	v14 =	vld [tilespmem:s7+$0xFFFFFFE0]  }
0x2c1: {  	v6 =	vadd.bf16 v9, v6;
	v9 =	vmul.bf16 v12, v11;
	v11 =	vld [tilespmem:s1+$0x60]  }
0x2c2: {  	v12 =	vld [tilespmem:s7+$0x60]  }
0x2c3: {  	v10 =	vmul.bf16 v10, v15;
	v15 =	vld [tilespmem:s1+$0xFFFFFF70];
	v9 =	vadd.bf16 v9, v8  }
0x2c4: {  	v16 =	vld [tilespmem:s7+$0xFFFFFF70]  }
0x2c5: {  	v17 =	vadd.bf16 v10, v7;
	v7 =	vmul.bf16 v14, v13;
	v18 =	vld [tilespmem:s1+$0xFFFFFFF0]  }
0x2c6: {  	v19 =	vld [tilespmem:s7+$0xFFFFFFF0]  }
0x2c7: {  	v13 =	vadd.bf16 v7, v6;
	v7 =	vmul.bf16 v12, v11;
	v8 =	vld [tilespmem:s1+$0x70]  }
.Ltmp3:
0x2c8: {  	s1 =	sadd.s32 $0x200, s1;
	v10 =	vld [tilespmem:s7+$0x70];
	(pc) =	sbr.rel @p0 .LBB2_8-.Ltmp3, $4  }
0x2c9: {  	s7 =	sadd.s32 $0x200, s7;
	v6 =	vld [tilespmem:s1+$0x80];
	v12 =	vmul.bf16 v16, v15;
	v11 =	vadd.bf16 v7, v9  }
0x2ca: {  	v7 =	vld [tilespmem:s7+$0x80]  }
0x2cb: {  	v9 =	vld [tilespmem:s1+$0x90];
	v14 =	vadd.bf16 v12, v17;
	v15 =	vmul.bf16 v19, v18  }
0x2cc: {  	s8 =	sadd.s32 $0x4, s8;
	v12 =	vld [tilespmem:s7+$0x90]  }
0x2cd: {  	v16 =	vld [tilespmem:s1+$0xA0]  }
0x2ce: {  	v17 =	vld [tilespmem:s7+$0xA0]  }
0x2cf: {  	v18 =	vld [tilespmem:s1+$0xB0]  }
0x2d0: {  	v19 =	vld [tilespmem:s7+$0xB0]  }
0x2d1: {  	v20 =	vld [tilespmem:s1+$0xC0]  }
0x2d2: {  	v21 =	vld [tilespmem:s7+$0xC0]  }
0x2d3: {  	v22 =	vld [tilespmem:s1+$0xD0]  }
0x2d4: {  	v23 =	vld [tilespmem:s7+$0xD0]  }
0x2d5: {  	v24 =	vld [tilespmem:s1+$0xE0]  }
0x2d6: {  	v25 =	vld [tilespmem:s7+$0xE0]  }
0x2d7: {  	v26 =	vld [tilespmem:s1+$0xF0]  }
0x2d8: {  	v27 =	vld [tilespmem:s7+$0xF0]  }
0x2d9: {  	v28 =	vld [tilespmem:s7+$0xFFFFFF00]  }
0x2da: {  	v29 =	vld [tilespmem:s1+$0xFFFFFF10]  }
0x2db: {  	v30 =	vld [tilespmem:s7+$0xFFFFFF10]  }
0x2dc: {  	v31 =	vld [tilespmem:s1+$0xFFFFFF80]  }
0x2dd: {  	v32 =	vld [tilespmem:s7+$0xFFFFFF80]  }
0x2de: {  	v33 =	vld [tilespmem:s1+$0xFFFFFF90]  }
0x2df: {  	v34 =	vld [tilespmem:s7+$0xFFFFFF90]  }
0x2e0: {  	v35 =	vld [tilespmem:s1+$0x0]  }
0x2e1: {  	v36 =	vld [tilespmem:s7+$0x0]  }
0x2e2: {  	v37 =	vld [tilespmem:s1+$0x10]  }
0x2e3: {  	v38 =	vld [tilespmem:s7+$0x10]  }
0x2e4: {  	v39 =	vld [tilespmem:s1+$0xFFFFFF00]  }
0x2e5: {  	v40 =	vld [tilespmem:s1+$0xFFFFFF20]  }
0x2e6: {  	v41 =	vld [tilespmem:s7+$0xFFFFFF20]  }
0x2e7: {  	v42 =	vld [tilespmem:s1+$0xFFFFFFA0]  }
0x2e8: {  	v43 =	vld [tilespmem:s7+$0xFFFFFFA0]  }
0x2e9: {  	v8 =	vmul.bf16 v10, v8;
	v10 =	vld [tilespmem:s1+$0x20]  }
0x2ea: {  	v44 =	vld [tilespmem:s7+$0x20]  }
0x2eb: {  	v13 =	vadd.bf16 v15, v13;
	v15 =	vld [tilespmem:s7+$0x30]  }
0x2ec: {  	v49 =	vld [tilespmem:s1+$0xFFFFFF50]  }
0x2ed: {  	v53 =	vand.u32 $0xFFFF0000, v14;
	v54 =	vshll.u32 v14, $0x10;
	v51 =	vld [tilespmem:s7+$0xFFFFFF50]  }
0x2ee: {  	v14 =	vadd.f32 v54, v53;
	v54 =	vld [tilespmem:s1+$0xFFFFFFD0];
	v45 =	vand.u32 $0xFFFF0000, v13;
	v13 =	vshll.u32 v13, $0x10  }
0x2ef: {  	v8 =	vadd.bf16 v8, v11;
	v11 =	vld [tilespmem:s1+$0xFFFFFF30];
	v55 =	vadd.f32 v13, v45  }
0x2f0: {  	v6 =	vmul.bf16 v7, v6;
	v13 =	vld [tilespmem:s1+$0xFFFFFFB0];
	v57 =	vperm.xlane v14, v2  }
0x2f1: {  	v7 =	vmul.bf16 v12, v9;
	v9 =	vld [tilespmem:s7+$0xFFFFFF30];
	v46 =	vperm.xlane v55, v2  }
0x2f2: {  	v16 =	vmul.bf16 v17, v16;
	v17 =	vld [tilespmem:s1+$0x30];
	v58 =	vmul.bf16 v19, v18  }
0x2f3: {  	v56 =	vand.u32 $0xFFFF0000, v8;
	v18 =	vld [tilespmem:s1+$0xFFFFFF40];
	v20 =	vmul.bf16 v21, v20;
	v61 =	vmul.bf16 v23, v22  }
0x2f4: {  	v8 =	vshll.u32 v8, $0x10;
	v21 =	vld [tilespmem:s1+$0xFFFFFFC0];
	v24 =	vmul.bf16 v25, v24;
	v50 =	vmul.bf16 v27, v26  }
0x2f5: {  	v8 =	vadd.f32 v8, v56;
	v52 =	vmul.bf16 v32, v31;
	v53 =	vmul.bf16 v34, v33;
	v56 =	vld [tilespmem:s7+$0xFFFFFFD0]  }
0x2f6: {  	s30 =	sadd.s32 $0x3, s0;
	v14 =	vadd.f32 v14, v57;
	v28 =	vmul.bf16 v28, v39;
	v57 =	vmul.bf16 v36, v35;
	v34 =	vld [tilespmem:s1+$0xFFFFFF60]  }
0x2f7: {  	v10 =	vmul.bf16 v44, v10;
	v35 =	vld [tilespmem:s7+$0xFFFFFF60];
	v33 =	vmov s30;
	v6 =	vadd.bf16 v7, v6  }
0x2f8: {  	v19 =	vld [tilespmem:s7+$0xFFFFFFC0];
	v12 =	vadd.f32 v55, v46;
	v59 =	vperm.xlane v8, v2;
	v45 =	vperm.xlane v14, v3  }
0x2f9: {  	v36 =	vld [tilespmem:s1+$0xFFFFFFE0];
	v55 =	vmul.bf16 v30, v29;
	v6 =	vadd.bf16 v16, v6;
	v16 =	vadd.bf16 v53, v52  }
0x2fa: {  	v7 =	vld [tilespmem:s7+$0xFFFFFFB0];
	v60 =	vperm.xlane v12, v3;
	v8 =	vadd.f32 v8, v59;
	v9 =	vmul.bf16 v9, v11  }
0x2fb: {  	v46 =	vld [tilespmem:s7+$0xFFFFFF40];
	v6 =	vadd.bf16 v58, v6;
	v58 =	vmul.bf16 v38, v37;
	v15 =	vmul.bf16 v15, v17  }
0x2fc: {  	s8 =	sadd.s32 $0x1, s29;
	v52 =	vld [tilespmem:s7+$0xFFFFFFF0];
	v14 =	vadd.f32 v14, v45;
	v47 =	vmul.bf16 v56, v54;
	v53 =	vmul.bf16 v35, v34  }
0x2fd: {  	v45 =	vld [tilespmem:s7+$0x40];
	v54 =	vmov s8;
	v35 =	vmov s0;
	v62 =	vperm.xlane v8, v3  }
0x2fe: {  	v38 =	vld [tilespmem:s7+$0xFFFFFFE0];
	v12 =	vadd.f32 v12, v60;
	v63 =	vperm.xlane v14, v4;
	v60 =	vmul.bf16 v41, v40  }
0x2ff: {  	v59 =	vld [tilespmem:s1+$0x50];
	v7 =	vmul.bf16 v7, v13;
	v41 =	vmul.bf16 v19, v21;
	v6 =	vadd.bf16 v20, v6  }
0x300: {  	v56 =	vld [tilespmem:s7+$0x70];
	v39 =	vmul.bf16 v46, v18;
	v46 =	vmul.bf16 v51, v49;
	v51 =	vmov s29  }
0x301: {  	v20 =	vld [tilespmem:s1+$0x40];
	v48 =	vperm.xlane v12, v4;
	v14 =	vadd.f32 v14, v63;
	v63 =	vadd.bf16 v58, v57  }
0x302: {  	v8 =	vadd.f32 v8, v62;
	v62 =	vld [tilespmem:s7+$0x50];
	v6 =	vadd.bf16 v61, v6;
	v61 =	vmul.bf16 v43, v42  }
0x303: {  	v42 =	vld [tilespmem:s7+$0x60];
	v12 =	vadd.f32 v12, v48;
	v10 =	vadd.bf16 v10, v63;
	v11 =	vmul.bf16 v38, v36  }
0x304: {  	v48 =	vld [tilespmem:s7+$0xFFFFFF70];
	v58 =	vperm.xlane v8, v4;
	s7 =	sadd.s32 $0x1, s0;
	v6 =	vadd.bf16 v24, v6;
	v24 =	vadd.bf16 v55, v28  }
0x305: {  	v40 =	vld [tilespmem:s1+$0x60];
	v16 =	vadd.bf16 v61, v16;
	v38 =	vmov s7;
	v10 =	vadd.bf16 v15, v10  }
0x306: {  	v44 =	vmul.bf16 v45, v20;
	v15 =	vand.u32 $0xFFFFFFFC, v51;
	v8 =	vadd.f32 v8, v58  }
0x307: {  	v61 =	vperm.xlane v12, v5;
	v24 =	vadd.bf16 v60, v24;
	v7 =	vadd.bf16 v7, v16  }
0x308: {  	v17 =	vand.u32 $0xFFFFFFFD, v38;
	v6 =	vadd.bf16 v50, v6;
	v49 =	vmul.bf16 v62, v59;
	v50 =	vld [tilespmem:s1+$0xFFFFFFF0]  }
0x309: {  	v55 =	vld [tilespmem:s1+$0x70];
	v15 =	vbroadcast v15, $0x0;
	v9 =	vadd.bf16 v9, v24;
	v7 =	vadd.bf16 v41, v7  }
0x30a: {  	v45 =	vld [tilespmem:s1+$0xFFFFFF70];
	v60 =	vperm.xlane v14, v5;
	v10 =	vadd.bf16 v44, v10;
	v16 =	vmul.bf16 v42, v40  }
0x30b: {  	v37 =	vand.u32 $0xFFFF0000, v6;
	v9 =	vadd.bf16 v39, v9;
	v7 =	vadd.bf16 v47, v7  }
0x30c: {  	v6 =	vshll.u32 v6, $0x10;
	v24 =	vand.u32 $0xFFFFFFFD, v54;
	v10 =	vadd.bf16 v49, v10  }
0x30d: {  	v19 =	vmul.bf16 v52, v50;
	v9 =	vadd.bf16 v46, v9;
	v7 =	vadd.bf16 v11, v7  }
0x30e: {  	v6 =	vadd.f32 v6, v37;
	v13 =	vmul.bf16 v56, v55;
	v10 =	vadd.bf16 v16, v10  }
0x30f: {  	v20 =	vmul.bf16 v48, v45;
	v9 =	vadd.bf16 v53, v9;
	v7 =	vadd.bf16 v19, v7  }
0x310: {  	v57 =	vbroadcast v24, $0x0;
	v43 =	vperm.xlane v6, v2;
	v10 =	vadd.bf16 v13, v10  }
0x311: {  	v9 =	vadd.bf16 v20, v9;
	v20 =	vand.u32 $0xFFFF0000, v7;
	v7 =	vshll.u32 v7, $0x10  }
0x312: {  	v24 =	vand.u32 $0xFFFF0000, v10;
	v10 =	vshll.u32 v10, $0x10;
	v7 =	vadd.f32 v7, v20  }
0x313: {  	v10 =	vadd.f32 v10, v24;
	v63 =	vand.u32 $0xFFFF0000, v9;
	v9 =	vshll.u32 v9, $0x10  }
0x314: {  	s29 =	sadd.s32 $0x2, s29;
	v6 =	vadd.f32 v6, v43;
	v9 =	vadd.f32 v9, v63;
	v28 =	vperm.xlane v7, v2  }
0x315: {  	v59 =	vmov s29;
	v17 =	vbroadcast v17, $0x0;
	v30 =	vperm.xlane v10, v2  }
0x316: {  	v62 =	vperm.xlane v6, v3;
	v26 =	vperm.xlane v9, v2;
	v7 =	vadd.f32 v7, v28  }
0x317: {  	v18 =	vand.u32 $0xFFFFFFFE, v59;
	v29 =	vperm.xlane v8, v5;
	v10 =	vadd.f32 v10, v30  }
0x318: {  	s8 =	sadd.s32 $0x2, s0;
	v6 =	vadd.f32 v6, v62;
	v9 =	vadd.f32 v9, v26;
	v34 =	vperm.xlane v7, v3  }
0x319: {  	v40 =	vmov s8;
	v25 =	vbroadcast v18, $0x0;
	v36 =	vperm.xlane v10, v3  }
0x31a: {  	v31 =	vperm.xlane v6, v4;
	v32 =	vperm.xlane v9, v3;
	v7 =	vadd.f32 v7, v34  }
0x31b: {  	v27 =	vadd.f32 v14, v60;
	v18 =	vand.u32 $0xFFFFFFFC, v35;
	v10 =	vadd.f32 v10, v36  }
0x31c: {  	v6 =	vadd.f32 v6, v31;
	v9 =	vadd.f32 v9, v32;
	v41 =	vperm.xlane v7, v4  }
0x31d: {  	v8 =	vadd.f32 v8, v29;
	v11 =	vand.u32 $0xFFFFFFFE, v40;
	v42 =	vperm.xlane v10, v4  }
0x31e: {  	v37 =	vperm.xlane v6, v5;
	v39 =	vperm.xlane v9, v4;
	v7 =	vadd.f32 v7, v41  }
0x31f: {  	v18 =	vbroadcast v18, $0x0;
	[tilespmem:v15+s25+$0x0] =	vst.idx.msk $0x1, v27;
	v11 =	vbroadcast v11, $0x0;
	v10 =	vadd.f32 v10, v42  }
0x320: {  	v6 =	vadd.f32 v6, v37;
	v9 =	vadd.f32 v9, v39;
	v44 =	vperm.xlane v7, v5  }
0x321: {  	v12 =	vadd.f32 v12, v61;
	[tilespmem:v25+s25+$0x0] =	vst.idx.msk $0x1, v8;
	v46 =	vperm.xlane v10, v5  }
0x322: {  	[tilespmem:v33+s25+$0x0] =	vst.idx.msk $0x1, v6;
	v43 =	vperm.xlane v9, v5;
	v6 =	vadd.f32 v7, v44  }
0x323: {  	[tilespmem:v57+s25+$0x0] =	vst.idx.msk $0x1, v12;
	v7 =	vadd.f32 v10, v46  }
0x324: {  	v45 =	vadd.f32 v9, v43;
	[tilespmem:v17+s25+$0x0] =	vst.idx.msk $0x1, v6  }
0x325: {  	[tilespmem:v11+s25+$0x0] =	vst.idx.msk $0x1, v7  }
0x326: {  	[tilespmem:v18+s25+$0x0] =	vst.idx.msk $0x1, v45  }
0x327: {  	v6 =	vld [tilespmem:$0xEF00];
	_ =	sdelay $0x1  }
0x328: {  	v7 =	vld [tilespmem:$0xEF80];
	_ =	sdelay $0x1  }
0x329: {  	v8 =	vld [tilespmem:$0xEF10]  }
0x32a: {  	v6 =	vmul.f32 $6.250000000e-02, v6;
	_ =	sdelay $0x1  }
0x32b: {  	v47 =	vmax.f32 v7, v6  }
0x32c: {  	v7 =	vsub.f32 v7, v47  }
0x32d: {  	v8 =	vmul.f32 $6.250000000e-02, v8;
	v6 =	vsub.f32 v6, v47  }
0x32e: {  	v48 =	vld [tilespmem:$0xEF20];
	v7 =	vmul.f32 $1.442695020e+00, v7  }
0x32f: {  	v49 =	vmax.f32 v47, v8;
	v6 =	vmul.f32 $1.442695020e+00, v6  }
0x330: {  	(erf) = vpow2.f32 v7;
	v7 =	vsub.f32 v47, v49  }
0x331: {  	(erf) = vpow2.f32 v6;
	v6 =	vld [tilespmem:$0xEF30]  }
0x332: {  	v7 =	vmul.f32 $1.442695020e+00, v7  }
0x333: {  	v50 =	vmul.f32 $6.250000000e-02, v48;
	v8 =	vsub.f32 v8, v49  }
0x334: {  	v52 =	vld [tilespmem:$0xEF40];
	(erf) = vpow2.f32 v7  }
0x335: {  	v8 =	vmul.f32 $1.442695020e+00, v8;
	v7 =	vmax.f32 v49, v50  }
0x336: {  	v11 =	vsub.f32 v49, v7;
	v6 =	vmul.f32 $6.250000000e-02, v6  }
0x337: {  	v51 =	vld [tilespmem:$0xF000];
	(erf) = vpow2.f32 v8  }
0x338: {  	v9 =	vsub.f32 v50, v7;
	v53 =	vmul.f32 $1.442695020e+00, v11;
	v54 =	vmax.f32 v7, v6  }
0x339: {  	v58 =	vmul.f32 $6.250000000e-02, v52;
	v7 =	vsub.f32 v7, v54  }
0x33a: {  	v56 =	vmul.f32 $1.442695020e+00, v9;
	v55 =	vpop (erf);
	(erf) = vpow2.f32 v53  }
0x33b: {  	v6 =	vsub.f32 v6, v54;
	v7 =	vmul.f32 $1.442695020e+00, v7  }
0x33c: {  	v61 =	vmax.f32 v54, v58;
	v57 =	vmul.f32 v55, v51;
	v59 =	vpop (erf);
	(erf) = vpow2.f32 v56  }
0x33d: {  	v6 =	vmul.f32 $1.442695020e+00, v6;
	v62 =	vpop (erf);
	(erf) = vpow2.f32 v7;
	v7 =	vsub.f32 v54, v61  }
0x33e: {  	v60 =	vadd.f32 v57, v59  }
0x33f: {  	(erf) = vpow2.f32 v6;
	v6 =	vmul.f32 $1.442695020e+00, v7;
	v7 =	vsub.f32 v58, v61  }
0x340: {  	v8 =	vmul.f32 v60, v62  }
0x341: {  	v63 =	vpop (erf)  }
0x342: {  	v8 =	vadd.f32 v8, v63;
	(erf) = vpow2.f32 v6;
	v6 =	vmul.f32 $1.442695020e+00, v7  }
0x343: {  	v7 =	vpop (erf)  }
0x344: {  	v7 =	vmul.f32 v8, v7  }
0x345: {  	(erf) = vpow2.f32 v6  }
0x346: {  	v6 =	vpop (erf)  }
0x347: {  	v6 =	vadd.f32 v7, v6  }
0x348: {  	v7 =	vpop (erf)  }
0x349: {  	v6 =	vmul.f32 v6, v7  }
0x34a: {  	v7 =	vpop (erf)  }
0x34b: {  	v6 =	vadd.f32 v6, v7  }
0x34c: {  	v7 =	vpop (erf)  }
0x34d: {  	v6 =	vmul.f32 v6, v7  }
0x34e: {  	v7 =	vpop (erf)  }
0x34f: {  	v6 =	vadd.f32 v6, v7  }
0x350: {  	[tilespmem:$0xEF80] =	vst v61  }
0x351: {  	s10 =	simm.s32 $0xEF80;
	s0 =	simm.s32 $0x0;
	s9 =	rddreg [dreg:$0x4];
	[tilespmem:$0xF000] =	vst v6  }
0x352: {  	[hbm4b:s9+s0] =	stream.linear.scatter [tilespmem:s10], [sflag:$0x5], $0x80, $0x38;
	[tilespmem:$0xF080] =	vst v63  }
0x353: {  	_ =	swait.ge [sflag:s17], $0x80  }
0x354: {  	[sflag:s17] =	ssyncset.done $0x0  }
0x355: {  	s30 =	simm.s32 $0xF000;
	s29 =	rddreg [dreg:$0x5];
	[sflag:s17] =	ssyncadd.s32 $0xFFFFFF80  }
0x356: {  	[hbm4b:s29+s0] =	stream.linear.scatter [tilespmem:s30], [sflag:$0x5], $0x80, $0x38;
	[tilespmem:$0xF080] =	vst v63  }
0x357: {  	_ =	swait.ge [sflag:s17], $0x80  }
0x358: {  	[sflag:s17] =	ssyncset.done $0x0  }
0x359: {  	[sflag:s17] =	ssyncadd.s32 $0xFFFFFF80  }
0x35a: {  	[tilespmem:s0], [sflag:$0x1] =	stream.linear.gather [hbm4b:s11+s0], $0x2710, $0x38;
	[tilespmem:$0xF080] =	vst v63  }
0x35b: {  	_ = 	snop  }
0x35c: {  	[tilespmem:s16], [sflag:$0x5] =	stream.linear.gather [hbm4b:s12+s0], $0x2710, $0x38;
	[tilespmem:$0xF080] =	vst v63  }
0x35d: {  	_ =	swait.ge [sflag:s17], $0x2710  }
0x35e: {  	[sflag:s17] =	ssyncset.done $0x0  }
0x35f: {  	[sflag:s17] =	ssyncadd.s32 $0xFFFFD8F0  }
0x360: {  	_ =	swait.ge [sflag:s18], $0x2710  }
0x361: {  	[sflag:s18] =	ssyncset.done $0x0  }
0x362: {  	[sflag:s18] =	ssyncadd.s32 $0xFFFFD8F0  }
0x363: {  	[tilespmem:$0xEF80] =	vst v0  }
0x364: {  	[tilespmem:$0xF000] =	vst v1  }
0x365: {  	[tilespmem:s20], [sflag:$0x1] =	stream.indirect.gather [hbm4b:s5+s19], $0x80, s0, s19, $0xb8;
	[tilespmem:$0xF080] =	vst v63  }
0x366: {  	_ = 	snop  }
0x367: {  	[tilespmem:s21], [sflag:$0x2] =	stream.indirect.gather [hbm4b:s6+s19], $0x80, s16, s19, $0xb8;
	[tilespmem:$0xF080] =	vst v63  }
.LBB2_10:
0x368: {  	s1 =	smul.u32 $0xA0, s0;
	_ =	sdelay $0x1  }
0x369: {  	s7 =	sadd.s32 $0x50, s1  }
0x36a: {  	[tilespmem:s22], [sflag:$0x3] =	stream.indirect.gather [hbm4b:s5+s19], $0x80, s7, s19, $0xb8;
	[tilespmem:$0xF080] =	vst v63  }
0x36b: {  	s9 =	sadd.s32 $0x27D0, s1  }
0x36c: {  	[tilespmem:s23], [sflag:$0x4] =	stream.indirect.gather [hbm4b:s6+s19], $0x80, s9, s19, $0xb8;
	[tilespmem:$0xF080] =	vst v63  }
0x36d: {  	_ =	swait.ge [sflag:s18], $0x2800  }
0x36e: {  	[sflag:s18] =	ssyncset.done $0x0  }
0x36f: {  	[sflag:s18] =	ssyncadd.s32 $0xFFFFD800  }
0x370: {  	_ =	swait.ge [sflag:s24], $0x2800  }
0x371: {  	[sflag:s24] =	ssyncset.done $0x0  }
0x372: {  	s8 =	simm.s32 $0x5000;
	[sflag:s24] =	ssyncadd.s32 $0xFFFFD800  }
0x373: {  	s10 =	simm.s32 $0x7800;
	v6 =	vld [tilespmem:s8+$0x80]  }
0x374: {  	v7 =	vld [tilespmem:s10+$0x80]  }
0x375: {  	v8 =	vld [tilespmem:s8+$0x90]  }
0x376: {  	v9 =	vld [tilespmem:s10+$0x90]  }
0x377: {  	v10 =	vld [tilespmem:s8+$0xA0]  }
0x378: {  	v11 =	vld [tilespmem:s10+$0xA0]  }
0x379: {  	v12 =	vld [tilespmem:s8+$0xB0]  }
0x37a: {  	v13 =	vld [tilespmem:s10+$0xB0]  }
0x37b: {  	v14 =	vld [tilespmem:s8+$0xC0]  }
0x37c: {  	v15 =	vld [tilespmem:s10+$0xC0]  }
0x37d: {  	v16 =	vld [tilespmem:s8+$0xD0]  }
0x37e: {  	v17 =	vld [tilespmem:s10+$0xD0]  }
0x37f: {  	v18 =	vld [tilespmem:s8+$0xE0]  }
0x380: {  	v19 =	vld [tilespmem:s10+$0xE0]  }
0x381: {  	v20 =	vld [tilespmem:s8+$0xF0]  }
0x382: {  	v21 =	vld [tilespmem:s10+$0xF0]  }
0x383: {  	v22 =	vld [tilespmem:s10+$0xFFFFFF00]  }
0x384: {  	v23 =	vld [tilespmem:s8+$0xFFFFFF10]  }
0x385: {  	v24 =	vld [tilespmem:s10+$0xFFFFFF10]  }
0x386: {  	v25 =	vld [tilespmem:s8+$0xFFFFFF80]  }
0x387: {  	v26 =	vld [tilespmem:s10+$0xFFFFFF80]  }
0x388: {  	v27 =	vld [tilespmem:s8+$0xFFFFFF90]  }
0x389: {  	v28 =	vld [tilespmem:s10+$0xFFFFFF90]  }
0x38a: {  	v29 =	vld [tilespmem:s8+$0x0]  }
0x38b: {  	v30 =	vld [tilespmem:s10+$0x0]  }
0x38c: {  	v31 =	vld [tilespmem:s8+$0x10]  }
0x38d: {  	v32 =	vld [tilespmem:s10+$0x10]  }
0x38e: {  	v33 =	vld [tilespmem:s8+$0xFFFFFF00]  }
0x38f: {  	v34 =	vld [tilespmem:s8+$0xFFFFFF20]  }
0x390: {  	v62 =	vld [tilespmem:s10+$0x30]  }
0x391: {  	v63 =	vld [tilespmem:s8+$0xFFFFFF40]  }
0x392: {  	v44 =	vld [tilespmem:s10+$0xFFFFFF40];
	v6 =	vmul.bf16 v7, v6;
	v7 =	vmul.bf16 v9, v8  }
0x393: {  	v45 =	vld [tilespmem:s8+$0xFFFFFFC0]  }
0x394: {  	v35 =	vld [tilespmem:s8+$0x40];
	v6 =	vadd.bf16 v7, v6;
	v7 =	vmul.bf16 v11, v10  }
0x395: {  	v37 =	vld [tilespmem:s10+$0x40]  }
0x396: {  	v46 =	vld [tilespmem:s8+$0xFFFFFF50];
	v6 =	vadd.bf16 v7, v6;
	v7 =	vmul.bf16 v13, v12  }
0x397: {  	v38 =	vld [tilespmem:s10+$0xFFFFFF50]  }
0x398: {  	v40 =	vld [tilespmem:s8+$0xFFFFFFD0];
	v6 =	vadd.bf16 v7, v6;
	v7 =	vmul.bf16 v15, v14  }
0x399: {  	v41 =	vld [tilespmem:s10+$0xFFFFFFD0]  }
0x39a: {  	v48 =	vld [tilespmem:s8+$0x50];
	v6 =	vadd.bf16 v7, v6;
	v7 =	vmul.bf16 v17, v16  }
0x39b: {  	v50 =	vld [tilespmem:s10+$0x50]  }
0x39c: {  	v53 =	vld [tilespmem:s8+$0xFFFFFF60];
	v6 =	vadd.bf16 v7, v6;
	v7 =	vmul.bf16 v19, v18  }
0x39d: {  	v8 =	vld [tilespmem:s10+$0xFFFFFF20]  }
0x39e: {  	v9 =	vld [tilespmem:s8+$0xFFFFFFA0];
	v6 =	vadd.bf16 v7, v6;
	v7 =	vmul.bf16 v21, v20  }
0x39f: {  	v10 =	vld [tilespmem:s10+$0xFFFFFFA0]  }
0x3a0: {  	v11 =	vld [tilespmem:s8+$0x20];
	v6 =	vadd.bf16 v7, v6  }
0x3a1: {  	v12 =	vld [tilespmem:s10+$0x20]  }
0x3a2: {  	v13 =	vld [tilespmem:s8+$0xFFFFFF30];
	v36 =	vand.u32 $0xFFFF0000, v6;
	v6 =	vshll.u32 v6, $0x10  }
0x3a3: {  	v23 =	vmul.bf16 v24, v23;
	v14 =	vld [tilespmem:s10+$0xFFFFFF30];
	v6 =	vadd.f32 v6, v36  }
0x3a4: {  	v47 =	vmul.bf16 v26, v25;
	v22 =	vmul.bf16 v22, v33;
	v15 =	vld [tilespmem:s8+$0xFFFFFFB0]  }
0x3a5: {  	v49 =	vmul.bf16 v28, v27;
	v16 =	vld [tilespmem:s10+$0xFFFFFFB0];
	v39 =	vperm.xlane v6, v2  }
0x3a6: {  	v51 =	vmul.bf16 v30, v29;
	v31 =	vmul.bf16 v32, v31;
	v22 =	vadd.bf16 v23, v22;
	v17 =	vld [tilespmem:s8+$0x30]  }
0x3a7: {  	v54 =	vld [tilespmem:s10+$0xFFFFFF60];
	v24 =	vadd.bf16 v49, v47;
	v8 =	vmul.bf16 v8, v34;
	v6 =	vadd.f32 v6, v39  }
0x3a8: {  	v55 =	vld [tilespmem:s8+$0xFFFFFFE0];
	v9 =	vmul.bf16 v10, v9;
	v10 =	vadd.bf16 v31, v51;
	v11 =	vmul.bf16 v12, v11  }
0x3a9: {  	v58 =	vmul.bf16 v38, v46;
	v8 =	vadd.bf16 v8, v22;
	v7 =	vld [tilespmem:s10+$0xFFFFFFC0];
	v52 =	vperm.xlane v6, v3  }
0x3aa: {  	v12 =	vld [tilespmem:s10+$0xFFFFFFE0];
	v9 =	vadd.bf16 v9, v24;
	v13 =	vmul.bf16 v14, v13;
	v10 =	vadd.bf16 v11, v10  }
0x3ab: {  	v14 =	vld [tilespmem:s8+$0x60];
	v11 =	vmul.bf16 v16, v15;
	v15 =	vmul.bf16 v62, v17;
	v6 =	vadd.f32 v6, v52  }
0x3ac: {  	v61 =	vmul.bf16 v41, v40;
	v16 =	vld [tilespmem:s10+$0x60];
	v8 =	vadd.bf16 v13, v8;
	v13 =	vmul.bf16 v44, v63  }
0x3ad: {  	v17 =	vld [tilespmem:s8+$0xFFFFFF70];
	v9 =	vadd.bf16 v11, v9;
	v10 =	vadd.bf16 v15, v10;
	v56 =	vperm.xlane v6, v4  }
0x3ae: {  	v11 =	vld [tilespmem:s10+$0xFFFFFF70];
	v13 =	vadd.bf16 v13, v8;
	v8 =	vmul.bf16 v37, v35;
	v7 =	vmul.bf16 v7, v45  }
0x3af: {  	s9 =	simm.s32 $0x3;
	v57 =	vld [tilespmem:s8+$0xFFFFFFF0];
	v62 =	vmul.bf16 v50, v48;
	v63 =	vmul.bf16 v54, v53;
	v6 =	vadd.f32 v6, v56  }
0x3b0: {  	v59 =	vld [tilespmem:s10+$0xFFFFFFF0];
	v15 =	vmov s9;
	v60 =	vadd.bf16 v8, v10;
	v7 =	vadd.bf16 v7, v9  }
0x3b1: {  	v12 =	vmul.bf16 v12, v55;
	v8 =	vld [tilespmem:s8+$0x70];
	v13 =	vadd.bf16 v58, v13;
	v9 =	vperm.xlane v6, v5  }
0x3b2: {  	s7 =	simm.s32 $0x7A00;
	v10 =	vld [tilespmem:s10+$0x70];
	v14 =	vmul.bf16 v16, v14;
	v21 =	vadd.bf16 v62, v60;
	v22 =	vadd.bf16 v61, v7  }
0x3b3: {  	v19 =	vadd.bf16 v63, v13;
	v16 =	vmul.bf16 v11, v17;
	v7 =	vld [tilespmem:s7+$0x80];
	v9 =	vadd.f32 v6, v9  }
0x3b4: {  	s30 =	simm.s32 $0x5200;
	v11 =	vadd.bf16 v14, v21;
	v13 =	vadd.bf16 v12, v22;
	v12 =	vld [tilespmem:s7+$0x90]  }
0x3b5: {  	v14 =	vadd.bf16 v16, v19;
	v6 =	vld [tilespmem:s30+$0x80];
	[tilespmem:v15+s25+$0x0] =	vst.idx.msk $0x1, v9;
	v15 =	vmul.bf16 v59, v57  }
0x3b6: {  	s29 =	simm.s32 $0x4;
	s9 =	simm.s32 $0x8;
	s8 =	simm.s32 $0x0;
	v9 =	vld [tilespmem:s30+$0x90]  }
.LBB2_11:
0x3b7: {  	p0 =	slt.u32 s9, $0x4C;
	v16 =	vld [tilespmem:s30+$0xA0];
	v17 =	vand.u32 $0xFFFF0000, v14;
	v13 =	vadd.bf16 v15, v13;
	v8 =	vmul.bf16 v10, v8  }
0x3b8: {  	v14 =	vshll.u32 v14, $0x10;
	v15 =	vmov s8;
	v10 =	vld [tilespmem:s7+$0xA0]  }
0x3b9: {  	v18 =	vld [tilespmem:s30+$0xB0];
	v19 =	vand.u32 $0xFFFF0000, v13;
	v13 =	vshll.u32 v13, $0x10;
	v8 =	vadd.bf16 v8, v11  }
0x3ba: {  	v14 =	vadd.f32 v14, v17;
	v15 =	vand.u32 $0xFFFFFFFC, v15;
	v11 =	vld [tilespmem:s7+$0xB0];
	v13 =	vadd.f32 v13, v19  }
0x3bb: {  	v6 =	vmul.bf16 v7, v6;
	v7 =	vmul.bf16 v12, v9;
	v9 =	vld [tilespmem:s30+$0xC0];
	v12 =	vand.u32 $0xFFFF0000, v8  }
0x3bc: {  	v19 =	vperm.xlane v14, v2;
	v8 =	vshll.u32 v8, $0x10;
	v17 =	vld [tilespmem:s7+$0xC0];
	v20 =	vperm.xlane v13, v2  }
0x3bd: {  	s10 =	sadd.s32 $0x1, s8;
	v8 =	vadd.f32 v8, v12;
	v6 =	vadd.bf16 v7, v6;
	v7 =	vmul.bf16 v10, v16;
	v10 =	vld [tilespmem:s30+$0xD0]  }
0x3be: {  	v14 =	vadd.f32 v14, v19;
	v16 =	vmov s10;
	v12 =	vld [tilespmem:s7+$0xD0];
	v13 =	vadd.f32 v13, v20  }
0x3bf: {  	s10 =	sadd.s32 $0x2, s8;
	s8 =	smov.u32 s29;
	s29 =	smov.u32 s9;
	v6 =	vadd.bf16 v7, v6;
	v7 =	vmul.bf16 v11, v18;
	v11 =	vld [tilespmem:s30+$0xE0];
	v18 =	vperm.xlane v8, v2  }
0x3c0: {  	v20 =	vperm.xlane v14, v3;
	v22 =	vmov s10;
	v19 =	vld [tilespmem:s7+$0xE0];
	v21 =	vperm.xlane v13, v3  }
0x3c1: {  	v6 =	vadd.bf16 v7, v6;
	v7 =	vmul.bf16 v17, v9;
	v9 =	vld [tilespmem:s30+$0xF0];
	v8 =	vadd.f32 v8, v18  }
0x3c2: {  	v15 =	vbroadcast v15, $0x0;
	v14 =	vadd.f32 v14, v20;
	v17 =	vld [tilespmem:s7+$0xF0];
	v13 =	vadd.f32 v13, v21  }
0x3c3: {  	v18 =	vld [tilespmem:s7+$0xFFFFFF00];
	v6 =	vadd.bf16 v7, v6;
	v7 =	vmul.bf16 v12, v10;
	v10 =	vperm.xlane v8, v3  }
0x3c4: {  	v16 =	vand.u32 $0xFFFFFFFD, v16;
	v20 =	vperm.xlane v14, v4;
	v12 =	vld [tilespmem:s30+$0xFFFFFF10];
	v21 =	vperm.xlane v13, v4  }
0x3c5: {  	v23 =	vld [tilespmem:s7+$0xFFFFFF10];
	v6 =	vadd.bf16 v7, v6;
	v7 =	vmul.bf16 v19, v11;
	v8 =	vadd.f32 v8, v10  }
0x3c6: {  	v11 =	vadd.f32 v14, v20;
	v14 =	vbroadcast v16, $0x0;
	v10 =	vld [tilespmem:s30+$0xFFFFFF80];
	v13 =	vadd.f32 v13, v21  }
0x3c7: {  	v16 =	vld [tilespmem:s7+$0xFFFFFF80];
	v6 =	vadd.bf16 v7, v6;
	v7 =	vmul.bf16 v17, v9;
	v9 =	vperm.xlane v8, v4  }
0x3c8: {  	v21 =	vand.u32 $0xFFFFFFFE, v22;
	v19 =	vperm.xlane v11, v5;
	v17 =	vld [tilespmem:s30+$0xFFFFFF90];
	v20 =	vperm.xlane v13, v5  }
0x3c9: {  	v22 =	vld [tilespmem:s7+$0xFFFFFF90];
	v6 =	vadd.bf16 v7, v6;
	v7 =	vadd.f32 v8, v9;
	v8 =	vbroadcast v21, $0x0  }
0x3ca: {  	v11 =	vadd.f32 v11, v19;
	v9 =	vmul.bf16 v23, v12;
	v12 =	vld [tilespmem:s30+$0x0];
	v13 =	vadd.f32 v13, v20  }
0x3cb: {  	v19 =	vld [tilespmem:s7+$0x0];
	v20 =	vand.u32 $0xFFFF0000, v6;
	v6 =	vshll.u32 v6, $0x10;
	v21 =	vperm.xlane v7, v5  }
0x3cc: {  	v10 =	vmul.bf16 v16, v10;
	v16 =	vld [tilespmem:s30+$0x10];
	v6 =	vadd.f32 v6, v20;
	[tilespmem:v15+s25+$0x0] =	vst.idx.msk $0x1, v11  }
0x3cd: {  	v11 =	vld [tilespmem:s7+$0x10];
	[tilespmem:v14+s25+$0x0] =	vst.idx.msk $0x1, v13;
	v7 =	vadd.f32 v7, v21  }
0x3ce: {  	v13 =	vld [tilespmem:s30+$0xFFFFFF00];
	v14 =	vmul.bf16 v22, v17;
	v15 =	vperm.xlane v6, v2  }
0x3cf: {  	v17 =	vld [tilespmem:s30+$0xFFFFFF20];
	[tilespmem:v8+s25+$0x0] =	vst.idx.msk $0x1, v7  }
0x3d0: {  	v7 =	vld [tilespmem:s7+$0xFFFFFF20];
	v8 =	vadd.bf16 v14, v10;
	v10 =	vmul.bf16 v19, v12;
	v6 =	vadd.f32 v6, v15  }
0x3d1: {  	v12 =	vld [tilespmem:s30+$0xFFFFFFA0]  }
0x3d2: {  	v14 =	vld [tilespmem:s7+$0xFFFFFFA0];
	v11 =	vmul.bf16 v11, v16;
	v15 =	vperm.xlane v6, v3  }
0x3d3: {  	v13 =	vmul.bf16 v18, v13;
	v16 =	vld [tilespmem:s30+$0x20]  }
0x3d4: {  	v10 =	vadd.bf16 v11, v10;
	v11 =	vld [tilespmem:s7+$0x20];
	v6 =	vadd.f32 v6, v15  }
0x3d5: {  	v9 =	vadd.bf16 v9, v13;
	v7 =	vmul.bf16 v7, v17;
	v13 =	vld [tilespmem:s30+$0xFFFFFF30]  }
0x3d6: {  	v15 =	vld [tilespmem:s7+$0xFFFFFF30];
	v17 =	vperm.xlane v6, v4  }
0x3d7: {  	v7 =	vadd.bf16 v7, v9;
	v9 =	vmul.bf16 v14, v12;
	v12 =	vld [tilespmem:s30+$0xFFFFFFB0]  }
0x3d8: {  	s10 =	sadd.s32 $0x3, s8;
	v14 =	vld [tilespmem:s7+$0xFFFFFFB0];
	v6 =	vadd.f32 v6, v17  }
0x3d9: {  	v8 =	vadd.bf16 v9, v8;
	v9 =	vmul.bf16 v11, v16;
	v11 =	vld [tilespmem:s30+$0x30];
	v16 =	vmov s10  }
0x3da: {  	v17 =	vld [tilespmem:s7+$0x30];
	v18 =	vperm.xlane v6, v5  }
0x3db: {  	v13 =	vmul.bf16 v15, v13;
	v15 =	vld [tilespmem:s30+$0xFFFFFF40];
	v9 =	vadd.bf16 v9, v10  }
0x3dc: {  	v10 =	vld [tilespmem:s7+$0xFFFFFF40];
	v6 =	vadd.f32 v6, v18  }
0x3dd: {  	v7 =	vadd.bf16 v13, v7;
	v12 =	vmul.bf16 v14, v12;
	v13 =	vld [tilespmem:s30+$0xFFFFFFC0]  }
0x3de: {  	v14 =	vld [tilespmem:s7+$0xFFFFFFC0];
	[tilespmem:v16+s25+$0x0] =	vst.idx.msk $0x1, v6  }
0x3df: {  	v6 =	vadd.bf16 v12, v8;
	v8 =	vmul.bf16 v17, v11;
	v11 =	vld [tilespmem:s30+$0x40]  }
0x3e0: {  	v12 =	vld [tilespmem:s7+$0x40]  }
0x3e1: {  	v10 =	vmul.bf16 v10, v15;
	v15 =	vld [tilespmem:s30+$0xFFFFFF50];
	v8 =	vadd.bf16 v8, v9  }
0x3e2: {  	v9 =	vld [tilespmem:s7+$0xFFFFFF50]  }
0x3e3: {  	v7 =	vadd.bf16 v10, v7;
	v10 =	vmul.bf16 v14, v13;
	v13 =	vld [tilespmem:s30+$0xFFFFFFD0]  }
0x3e4: {  	v14 =	vld [tilespmem:s7+$0xFFFFFFD0]  }
0x3e5: {  	v6 =	vadd.bf16 v10, v6;
	v10 =	vmul.bf16 v12, v11;
	v11 =	vld [tilespmem:s30+$0x50]  }
0x3e6: {  	v12 =	vld [tilespmem:s7+$0x50]  }
0x3e7: {  	v9 =	vmul.bf16 v9, v15;
	v15 =	vld [tilespmem:s30+$0xFFFFFF60];
	v8 =	vadd.bf16 v10, v8  }
0x3e8: {  	v10 =	vld [tilespmem:s7+$0xFFFFFF60]  }
0x3e9: {  	v7 =	vadd.bf16 v9, v7;
	v9 =	vmul.bf16 v14, v13;
	v13 =	vld [tilespmem:s30+$0xFFFFFFE0]  }
0x3ea: {  	v14 =	vld [tilespmem:s7+$0xFFFFFFE0]  }
0x3eb: {  	v6 =	vadd.bf16 v9, v6;
	v9 =	vmul.bf16 v12, v11;
	v11 =	vld [tilespmem:s30+$0x60]  }
0x3ec: {  	v12 =	vld [tilespmem:s7+$0x60]  }
0x3ed: {  	v10 =	vmul.bf16 v10, v15;
	v15 =	vld [tilespmem:s30+$0xFFFFFF70];
	v9 =	vadd.bf16 v9, v8  }
0x3ee: {  	v16 =	vld [tilespmem:s7+$0xFFFFFF70]  }
0x3ef: {  	v17 =	vadd.bf16 v10, v7;
	v7 =	vmul.bf16 v14, v13;
	v18 =	vld [tilespmem:s30+$0xFFFFFFF0]  }
0x3f0: {  	v19 =	vld [tilespmem:s7+$0xFFFFFFF0]  }
0x3f1: {  	v13 =	vadd.bf16 v7, v6;
	v7 =	vmul.bf16 v12, v11;
	v8 =	vld [tilespmem:s30+$0x70]  }
.Ltmp4:
0x3f2: {  	s30 =	sadd.s32 $0x200, s30;
	v10 =	vld [tilespmem:s7+$0x70];
	(pc) =	sbr.rel @p0 .LBB2_11-.Ltmp4, $4  }
0x3f3: {  	s7 =	sadd.s32 $0x200, s7;
	v6 =	vld [tilespmem:s30+$0x80];
	v12 =	vmul.bf16 v16, v15;
	v11 =	vadd.bf16 v7, v9  }
0x3f4: {  	v7 =	vld [tilespmem:s7+$0x80]  }
0x3f5: {  	v9 =	vld [tilespmem:s30+$0x90];
	v14 =	vadd.bf16 v12, v17;
	v15 =	vmul.bf16 v19, v18  }
0x3f6: {  	s9 =	sadd.s32 $0x4, s9;
	v12 =	vld [tilespmem:s7+$0x90]  }
0x3f7: {  	v16 =	vld [tilespmem:s30+$0xA0]  }
0x3f8: {  	v17 =	vld [tilespmem:s7+$0xA0]  }
0x3f9: {  	v18 =	vld [tilespmem:s30+$0xB0]  }
0x3fa: {  	v19 =	vld [tilespmem:s7+$0xB0]  }
0x3fb: {  	v20 =	vld [tilespmem:s30+$0xC0]  }
0x3fc: {  	v21 =	vld [tilespmem:s7+$0xC0]  }
0x3fd: {  	v22 =	vld [tilespmem:s30+$0xD0]  }
0x3fe: {  	v23 =	vld [tilespmem:s7+$0xD0]  }
0x3ff: {  	v24 =	vld [tilespmem:s30+$0xE0]  }
0x400: {  	v25 =	vld [tilespmem:s7+$0xE0]  }
0x401: {  	v26 =	vld [tilespmem:s30+$0xF0]  }
0x402: {  	v27 =	vld [tilespmem:s7+$0xF0]  }
0x403: {  	v28 =	vld [tilespmem:s7+$0xFFFFFF00]  }
0x404: {  	v29 =	vld [tilespmem:s30+$0xFFFFFF10]  }
0x405: {  	v30 =	vld [tilespmem:s7+$0xFFFFFF10]  }
0x406: {  	v31 =	vld [tilespmem:s30+$0xFFFFFF80]  }
0x407: {  	v32 =	vld [tilespmem:s7+$0xFFFFFF80]  }
0x408: {  	v33 =	vld [tilespmem:s30+$0xFFFFFF90]  }
0x409: {  	v34 =	vld [tilespmem:s7+$0xFFFFFF90]  }
0x40a: {  	v35 =	vld [tilespmem:s30+$0x0]  }
0x40b: {  	v36 =	vld [tilespmem:s7+$0x0]  }
0x40c: {  	v37 =	vld [tilespmem:s30+$0x10]  }
0x40d: {  	v38 =	vld [tilespmem:s7+$0x10]  }
0x40e: {  	v39 =	vld [tilespmem:s30+$0xFFFFFF00]  }
0x40f: {  	v40 =	vld [tilespmem:s30+$0xFFFFFF20]  }
0x410: {  	v41 =	vld [tilespmem:s7+$0xFFFFFF20]  }
0x411: {  	v42 =	vld [tilespmem:s30+$0xFFFFFFA0]  }
0x412: {  	v43 =	vld [tilespmem:s7+$0xFFFFFFA0]  }
0x413: {  	v8 =	vmul.bf16 v10, v8;
	v10 =	vld [tilespmem:s30+$0x20]  }
0x414: {  	v44 =	vld [tilespmem:s7+$0x20]  }
0x415: {  	v13 =	vadd.bf16 v15, v13;
	v46 =	vld [tilespmem:s30+$0x50]  }
0x416: {  	v15 =	vand.u32 $0xFFFF0000, v14;
	v48 =	vld [tilespmem:s7+$0x50]  }
0x417: {  	v14 =	vshll.u32 v14, $0x10;
	s9 =	sadd.s32 $0x1, s8;
	v51 =	vld [tilespmem:s30+$0xFFFFFF60];
	s10 =	sadd.s32 $0x2, s8;
	v45 =	vand.u32 $0xFFFF0000, v13;
	v13 =	vshll.u32 v13, $0x10  }
0x418: {  	v53 =	vld [tilespmem:s7+$0xFFFFFF60];
	v49 =	vmov s9;
	v54 =	vmov s10;
	v13 =	vadd.f32 v13, v45  }
0x419: {  	v56 =	vld [tilespmem:s30+$0xFFFFFFE0];
	v8 =	vadd.bf16 v8, v11;
	v6 =	vmul.bf16 v7, v6;
	v7 =	vmul.bf16 v12, v9  }
0x41a: {  	v11 =	vld [tilespmem:s30+$0xFFFFFF30];
	v12 =	vadd.f32 v14, v15;
	v45 =	vperm.xlane v13, v2;
	v26 =	vmul.bf16 v27, v26  }
0x41b: {  	v9 =	vld [tilespmem:s7+$0xFFFFFF30];
	v14 =	vand.u32 $0xFFFF0000, v8;
	v61 =	vmul.bf16 v32, v31;
	v62 =	vmul.bf16 v34, v33  }
0x41c: {  	v15 =	vld [tilespmem:s30+$0xFFFFFFB0];
	v8 =	vshll.u32 v8, $0x10;
	v63 =	vmul.bf16 v30, v29;
	v47 =	vmul.bf16 v36, v35  }
0x41d: {  	v8 =	vadd.f32 v8, v14;
	v14 =	vld [tilespmem:s30+$0x30];
	v28 =	vmul.bf16 v28, v39;
	v50 =	vmul.bf16 v38, v37  }
0x41e: {  	v27 =	vld [tilespmem:s7+$0xFFFFFF50];
	v34 =	vand.u32 $0xFFFFFFFD, v49;
	v52 =	vmul.bf16 v41, v40;
	v55 =	vmul.bf16 v43, v42  }
0x41f: {  	v32 =	vld [tilespmem:s30+$0xFFFFFFD0];
	v10 =	vmul.bf16 v44, v10;
	v6 =	vadd.bf16 v7, v6;
	v7 =	vmul.bf16 v17, v16  }
0x420: {  	v38 =	vand.u32 $0xFFFFFFFE, v54;
	v16 =	vld [tilespmem:s7+$0xFFFFFFB0];
	v17 =	vperm.xlane v12, v2;
	v34 =	vbroadcast v34, $0x0  }
0x421: {  	v13 =	vadd.f32 v13, v45;
	v6 =	vadd.bf16 v7, v6;
	v7 =	vmul.bf16 v19, v18;
	v18 =	vld [tilespmem:s7+$0x30]  }
0x422: {  	v31 =	vadd.bf16 v50, v47;
	v12 =	vadd.f32 v12, v17;
	v17 =	vperm.xlane v8, v2;
	v19 =	vld [tilespmem:s30+$0xFFFFFF40]  }
0x423: {  	v9 =	vmul.bf16 v9, v11;
	v11 =	vld [tilespmem:s30+$0x60];
	v6 =	vadd.bf16 v7, v6;
	v7 =	vmul.bf16 v21, v20  }
0x424: {  	v45 =	vperm.xlane v13, v3;
	v10 =	vadd.bf16 v10, v31;
	v20 =	vld [tilespmem:s7+$0xFFFFFF40];
	v58 =	vperm.xlane v12, v3  }
0x425: {  	v8 =	vadd.f32 v8, v17;
	v17 =	vld [tilespmem:s30+$0xFFFFFFC0];
	v6 =	vadd.bf16 v7, v6;
	v7 =	vmul.bf16 v23, v22  }
0x426: {  	v21 =	vld [tilespmem:s30+$0xFFFFFF50];
	v13 =	vadd.f32 v13, v45;
	v45 =	vmov s8;
	v15 =	vmul.bf16 v16, v15  }
0x427: {  	v16 =	vld [tilespmem:s30+$0xFFFFFF70];
	v59 =	vperm.xlane v8, v3;
	v6 =	vadd.bf16 v7, v6;
	v7 =	vmul.bf16 v25, v24  }
0x428: {  	v22 =	vld [tilespmem:s7+$0xFFFFFFC0];
	v12 =	vadd.f32 v12, v58;
	v29 =	vand.u32 $0xFFFFFFFC, v45;
	v14 =	vmul.bf16 v18, v14  }
0x429: {  	v23 =	vld [tilespmem:s30+$0x40];
	v29 =	vbroadcast v29, $0x0;
	v8 =	vadd.f32 v8, v59;
	v6 =	vadd.bf16 v7, v6  }
0x42a: {  	v24 =	vld [tilespmem:s7+$0x40];
	v60 =	vperm.xlane v12, v4;
	v25 =	vadd.bf16 v62, v61;
	v10 =	vadd.bf16 v14, v10  }
0x42b: {  	v58 =	vld [tilespmem:s7+$0xFFFFFFE0];
	v7 =	vperm.xlane v13, v4;
	v6 =	vadd.bf16 v26, v6;
	v26 =	vadd.bf16 v63, v28  }
0x42c: {  	v61 =	vld [tilespmem:s7+$0x60];
	v12 =	vadd.f32 v12, v60;
	v57 =	vperm.xlane v8, v4;
	v25 =	vadd.bf16 v55, v25  }
0x42d: {  	v19 =	vmul.bf16 v20, v19;
	v7 =	vadd.f32 v13, v7;
	v13 =	vld [tilespmem:s7+$0xFFFFFFD0];
	v26 =	vadd.bf16 v52, v26  }
0x42e: {  	v17 =	vmul.bf16 v22, v17;
	v63 =	vld [tilespmem:s7+$0xFFFFFF70];
	v15 =	vadd.bf16 v15, v25;
	v8 =	vadd.f32 v8, v57  }
0x42f: {  	v25 =	vld [tilespmem:s30+$0xFFFFFFF0];
	v14 =	vmul.bf16 v24, v23;
	v62 =	vand.u32 $0xFFFF0000, v6;
	v9 =	vadd.bf16 v9, v26  }
0x430: {  	v6 =	vshll.u32 v6, $0x10;
	v15 =	vadd.bf16 v17, v15;
	v17 =	vmul.bf16 v27, v21;
	v27 =	vld [tilespmem:s30+$0x70]  }
0x431: {  	v59 =	vperm.xlane v12, v5;
	v6 =	vadd.f32 v6, v62;
	v26 =	vld [tilespmem:s7+$0xFFFFFFF0];
	v9 =	vadd.bf16 v19, v9  }
0x432: {  	v10 =	vadd.bf16 v14, v10;
	v14 =	vmul.bf16 v48, v46;
	v13 =	vmul.bf16 v13, v32;
	v32 =	vld [tilespmem:s7+$0x70]  }
0x433: {  	v33 =	vperm.xlane v6, v2;
	v9 =	vadd.bf16 v17, v9;
	v17 =	vmul.bf16 v53, v51  }
0x434: {  	v10 =	vadd.bf16 v14, v10;
	v14 =	vmul.bf16 v58, v56;
	v13 =	vadd.bf16 v13, v15  }
0x435: {  	v11 =	vmul.bf16 v61, v11;
	v15 =	vmul.bf16 v63, v16;
	v9 =	vadd.bf16 v17, v9  }
0x436: {  	v6 =	vadd.f32 v6, v33;
	v13 =	vadd.bf16 v14, v13;
	v14 =	vmul.bf16 v26, v25  }
0x437: {  	v10 =	vadd.bf16 v11, v10;
	v11 =	vmul.bf16 v32, v27;
	v9 =	vadd.bf16 v15, v9  }
0x438: {  	v60 =	vperm.xlane v7, v5;
	v13 =	vadd.bf16 v14, v13;
	v15 =	vperm.xlane v6, v3  }
0x439: {  	v10 =	vadd.bf16 v11, v10;
	v14 =	vand.u32 $0xFFFF0000, v9;
	v9 =	vshll.u32 v9, $0x10  }
0x43a: {  	v11 =	vand.u32 $0xFFFF0000, v13;
	v13 =	vshll.u32 v13, $0x10;
	v9 =	vadd.f32 v9, v14  }
0x43b: {  	v11 =	vadd.f32 v13, v11;
	v13 =	vand.u32 $0xFFFF0000, v10;
	v10 =	vshll.u32 v10, $0x10  }
0x43c: {  	v12 =	vadd.f32 v12, v59;
	v10 =	vadd.f32 v10, v13;
	v16 =	vperm.xlane v9, v2  }
0x43d: {  	v7 =	vadd.f32 v7, v60;
	v6 =	vadd.f32 v6, v15;
	v13 =	vperm.xlane v11, v2  }
0x43e: {  	v15 =	vperm.xlane v8, v5;
	v9 =	vadd.f32 v9, v16;
	v16 =	vperm.xlane v10, v2  }
0x43f: {  	v14 =	vbroadcast v38, $0x0;
	v17 =	vperm.xlane v6, v4;
	v11 =	vadd.f32 v11, v13  }
0x440: {  	s9 =	sadd.s32 $0x3, s29;
	v8 =	vadd.f32 v8, v15;
	v13 =	vperm.xlane v9, v3;
	v10 =	vadd.f32 v10, v16  }
0x441: {  	v15 =	vmov s9;
	v6 =	vadd.f32 v6, v17;
	v16 =	vperm.xlane v11, v3  }
0x442: {  	v17 =	vmov s29;
	v9 =	vadd.f32 v9, v13;
	v13 =	vperm.xlane v10, v3  }
0x443: {  	s10 =	sadd.s32 $0x1, s29;
	v17 =	vand.u32 $0xFFFFFFFC, v17;
	v39 =	vperm.xlane v6, v5;
	v11 =	vadd.f32 v11, v16  }
0x444: {  	v16 =	vmov s10;
	v40 =	vperm.xlane v9, v4;
	v10 =	vadd.f32 v10, v13  }
0x445: {  	s8 =	sadd.s32 $0x2, s29;
	v17 =	vbroadcast v17, $0x0;
	v16 =	vand.u32 $0xFFFFFFFD, v16;
	v41 =	vperm.xlane v11, v4  }
0x446: {  	v13 =	vmov s8;
	v9 =	vadd.f32 v9, v40;
	v42 =	vperm.xlane v10, v4  }
0x447: {  	v16 =	vbroadcast v16, $0x0;
	v13 =	vand.u32 $0xFFFFFFFE, v13;
	v11 =	vadd.f32 v11, v41  }
0x448: {  	[tilespmem:v29+s25+$0x0] =	vst.idx.msk $0x1, v12;
	v13 =	vbroadcast v13, $0x0;
	v12 =	vperm.xlane v9, v5;
	v10 =	vadd.f32 v10, v42  }
0x449: {  	[tilespmem:v34+s25+$0x0] =	vst.idx.msk $0x1, v7;
	v6 =	vadd.f32 v6, v39;
	v7 =	vperm.xlane v11, v5  }
0x44a: {  	[tilespmem:v14+s25+$0x0] =	vst.idx.msk $0x1, v8;
	v8 =	vadd.f32 v9, v12;
	v9 =	vperm.xlane v10, v5  }
0x44b: {  	[tilespmem:v15+s25+$0x0] =	vst.idx.msk $0x1, v6;
	v6 =	vadd.f32 v11, v7  }
0x44c: {  	[tilespmem:v17+s25+$0x0] =	vst.idx.msk $0x1, v8;
	v7 =	vadd.f32 v10, v9  }
0x44d: {  	[tilespmem:v16+s25+$0x0] =	vst.idx.msk $0x1, v6  }
0x44e: {  	[tilespmem:v13+s25+$0x0] =	vst.idx.msk $0x1, v7  }
0x44f: {  	v6 =	vld [tilespmem:$0xEF00];
	_ =	sdelay $0x1  }
0x450: {  	v7 =	vld [tilespmem:$0xEF80];
	_ =	sdelay $0x1  }
0x451: {  	v8 =	vld [tilespmem:$0xEF10]  }
0x452: {  	v6 =	vmul.f32 $6.250000000e-02, v6;
	_ =	sdelay $0x1  }
0x453: {  	v9 =	vmax.f32 v7, v6  }
0x454: {  	v7 =	vsub.f32 v7, v9  }
0x455: {  	v10 =	vld [tilespmem:$0xEF20];
	v8 =	vmul.f32 $6.250000000e-02, v8;
	v6 =	vsub.f32 v6, v9  }
0x456: {  	v7 =	vmul.f32 $1.442695020e+00, v7  }
0x457: {  	v11 =	vmax.f32 v9, v8;
	v6 =	vmul.f32 $1.442695020e+00, v6  }
0x458: {  	(erf) = vpow2.f32 v7;
	v7 =	vsub.f32 v9, v11  }
0x459: {  	(erf) = vpow2.f32 v6;
	v6 =	vld [tilespmem:$0xEF30]  }
0x45a: {  	v9 =	vmul.f32 $6.250000000e-02, v10;
	v7 =	vmul.f32 $1.442695020e+00, v7  }
0x45b: {  	v8 =	vsub.f32 v8, v11  }
0x45c: {  	v12 =	vld [tilespmem:$0xEF40];
	(erf) = vpow2.f32 v7;
	v7 =	vmax.f32 v11, v9  }
0x45d: {  	v8 =	vmul.f32 $1.442695020e+00, v8;
	v10 =	vld [tilespmem:$0xF000];
	v11 =	vsub.f32 v11, v7  }
0x45e: {  	v6 =	vmul.f32 $6.250000000e-02, v6  }
0x45f: {  	(erf) = vpow2.f32 v8;
	v9 =	vsub.f32 v9, v7;
	v8 =	vmul.f32 $1.442695020e+00, v11  }
0x460: {  	v11 =	vmax.f32 v7, v6  }
0x461: {  	v13 =	vpop (erf);
	(erf) = vpow2.f32 v8;
	v8 =	vmul.f32 $1.442695020e+00, v9;
	v7 =	vsub.f32 v7, v11  }
0x462: {  	v9 =	vmul.f32 v13, v10;
	v10 =	vmul.f32 $6.250000000e-02, v12  }
0x463: {  	v6 =	vsub.f32 v6, v11;
	v12 =	vpop (erf);
	v7 =	vmul.f32 $1.442695020e+00, v7  }
0x464: {  	(erf) = vpow2.f32 v8;
	v8 =	vadd.f32 v9, v12;
	v9 =	vmax.f32 v11, v10  }
0x465: {  	v6 =	vmul.f32 $1.442695020e+00, v6;
	v12 =	vpop (erf);
	(erf) = vpow2.f32 v7;
	v7 =	vsub.f32 v11, v9;
	_ =	sdelay $0x1  }
0x466: {  	(erf) = vpow2.f32 v6;
	v6 =	vmul.f32 $1.442695020e+00, v7;
	v7 =	vsub.f32 v10, v9  }
0x467: {  	v8 =	vmul.f32 v8, v12  }
0x468: {  	v10 =	vpop (erf)  }
0x469: {  	v8 =	vadd.f32 v8, v10;
	(erf) = vpow2.f32 v6;
	v6 =	vmul.f32 $1.442695020e+00, v7  }
0x46a: {  	v7 =	vpop (erf)  }
0x46b: {  	v7 =	vmul.f32 v8, v7  }
0x46c: {  	(erf) = vpow2.f32 v6  }
0x46d: {  	v6 =	vpop (erf)  }
0x46e: {  	v6 =	vadd.f32 v7, v6  }
0x46f: {  	v7 =	vpop (erf)  }
0x470: {  	v6 =	vmul.f32 v6, v7  }
0x471: {  	v7 =	vpop (erf)  }
0x472: {  	v6 =	vadd.f32 v6, v7  }
0x473: {  	v7 =	vpop (erf)  }
0x474: {  	v6 =	vmul.f32 v6, v7  }
0x475: {  	v7 =	vpop (erf)  }
0x476: {  	v6 =	vadd.f32 v6, v7  }
0x477: {  	[tilespmem:$0xEF80] =	vst v9  }
0x478: {  	s9 =	sadd.s32 $0xA0, s1;
	[tilespmem:$0xF000] =	vst v6  }
0x479: {  	[tilespmem:s20], [sflag:$0x1] =	stream.indirect.gather [hbm4b:s5+s19], $0x80, s9, s19, $0xb8;
	[tilespmem:$0xF080] =	vst v63  }
0x47a: {  	s10 =	sadd.s32 $0x2820, s1  }
0x47b: {  	[tilespmem:s21], [sflag:$0x2] =	stream.indirect.gather [hbm4b:s6+s19], $0x80, s10, s19, $0xb8;
	[tilespmem:$0xF080] =	vst v63  }
0x47c: {  	_ =	swait.ge [sflag:s26], $0x2800  }
0x47d: {  	[sflag:s26] =	ssyncset.done $0x0  }
0x47e: {  	[sflag:s26] =	ssyncadd.s32 $0xFFFFD800  }
0x47f: {  	_ =	swait.ge [sflag:s28], $0x2800  }
0x480: {  	[sflag:s28] =	ssyncset.done $0x0  }
0x481: {  	s1 =	simm.s32 $0xA000;
	[sflag:s28] =	ssyncadd.s32 $0xFFFFD800  }
0x482: {  	s9 =	simm.s32 $0xC800;
	v6 =	vld [tilespmem:s1+$0x80]  }
0x483: {  	v7 =	vld [tilespmem:s9+$0x80]  }
0x484: {  	v8 =	vld [tilespmem:s1+$0x90]  }
0x485: {  	v9 =	vld [tilespmem:s9+$0x90]  }
0x486: {  	v10 =	vld [tilespmem:s1+$0xA0]  }
0x487: {  	v11 =	vld [tilespmem:s9+$0xA0]  }
0x488: {  	v12 =	vld [tilespmem:s1+$0xB0]  }
0x489: {  	v13 =	vld [tilespmem:s9+$0xB0]  }
0x48a: {  	v14 =	vld [tilespmem:s1+$0xC0]  }
0x48b: {  	v15 =	vld [tilespmem:s9+$0xC0]  }
0x48c: {  	v16 =	vld [tilespmem:s1+$0xD0]  }
0x48d: {  	v17 =	vld [tilespmem:s9+$0xD0]  }
0x48e: {  	v43 =	vld [tilespmem:s1+$0xE0]  }
0x48f: {  	v44 =	vld [tilespmem:s9+$0xE0]  }
0x490: {  	v45 =	vld [tilespmem:s1+$0xF0]  }
0x491: {  	v46 =	vld [tilespmem:s9+$0xF0]  }
0x492: {  	v22 =	vld [tilespmem:s9+$0xFFFFFF00]  }
0x493: {  	v23 =	vld [tilespmem:s1+$0xFFFFFF10]  }
0x494: {  	v47 =	vld [tilespmem:s9+$0xFFFFFF10]  }
0x495: {  	v48 =	vld [tilespmem:s1+$0xFFFFFF80]  }
0x496: {  	v49 =	vld [tilespmem:s9+$0xFFFFFF80]  }
0x497: {  	v50 =	vld [tilespmem:s1+$0xFFFFFF90]  }
0x498: {  	v51 =	vld [tilespmem:s9+$0xFFFFFF90]  }
0x499: {  	v52 =	vld [tilespmem:s1+$0x0]  }
0x49a: {  	v53 =	vld [tilespmem:s9+$0x0]  }
0x49b: {  	v31 =	vld [tilespmem:s1+$0x10]  }
0x49c: {  	v54 =	vld [tilespmem:s9+$0x10]  }
0x49d: {  	v55 =	vld [tilespmem:s1+$0xFFFFFF00]  }
0x49e: {  	v56 =	vld [tilespmem:s1+$0xFFFFFF20]  }
0x49f: {  	v18 =	vld [tilespmem:s9+$0x30]  }
0x4a0: {  	v19 =	vld [tilespmem:s1+$0xFFFFFF40]  }
0x4a1: {  	v57 =	vld [tilespmem:s9+$0xFFFFFF40];
	v6 =	vmul.bf16 v7, v6;
	v7 =	vmul.bf16 v9, v8  }
0x4a2: {  	v58 =	vld [tilespmem:s1+$0xFFFFFFC0]  }
0x4a3: {  	v59 =	vld [tilespmem:s1+$0x40];
	v6 =	vadd.bf16 v7, v6;
	v7 =	vmul.bf16 v11, v10  }
0x4a4: {  	v61 =	vld [tilespmem:s9+$0x40]  }
0x4a5: {  	v62 =	vld [tilespmem:s1+$0xFFFFFF50];
	v6 =	vadd.bf16 v7, v6;
	v7 =	vmul.bf16 v13, v12  }
0x4a6: {  	v63 =	vld [tilespmem:s9+$0xFFFFFF50]  }
0x4a7: {  	v8 =	vld [tilespmem:s9+$0xFFFFFF20];
	v6 =	vadd.bf16 v7, v6;
	v7 =	vmul.bf16 v15, v14  }
0x4a8: {  	v9 =	vld [tilespmem:s1+$0xFFFFFFA0];
	v23 =	vmul.bf16 v47, v23  }
0x4a9: {  	v47 =	vmul.bf16 v49, v48;
	v48 =	vld [tilespmem:s1+$0x50];
	v6 =	vadd.bf16 v7, v6;
	v7 =	vmul.bf16 v17, v16  }
0x4aa: {  	v49 =	vmul.bf16 v51, v50;
	v50 =	vld [tilespmem:s9+$0x50]  }
0x4ab: {  	v51 =	vmul.bf16 v53, v52;
	v53 =	vld [tilespmem:s1+$0xFFFFFF60];
	v6 =	vadd.bf16 v7, v6;
	v7 =	vmul.bf16 v44, v43  }
0x4ac: {  	v31 =	vmul.bf16 v54, v31;
	v54 =	vld [tilespmem:s9+$0xFFFFFF60]  }
0x4ad: {  	v10 =	vld [tilespmem:s9+$0xFFFFFFA0];
	v6 =	vadd.bf16 v7, v6;
	v7 =	vmul.bf16 v46, v45  }
0x4ae: {  	v11 =	vld [tilespmem:s1+$0x20]  }
0x4af: {  	v12 =	vld [tilespmem:s9+$0x20];
	v6 =	vadd.bf16 v7, v6  }
0x4b0: {  	v13 =	vld [tilespmem:s1+$0xFFFFFF30]  }
0x4b1: {  	v14 =	vld [tilespmem:s9+$0xFFFFFF30];
	v60 =	vand.u32 $0xFFFF0000, v6;
	v6 =	vshll.u32 v6, $0x10  }
0x4b2: {  	v15 =	vld [tilespmem:s1+$0xFFFFFFB0];
	v6 =	vadd.f32 v6, v60  }
0x4b3: {  	v22 =	vmul.bf16 v22, v55;
	v16 =	vld [tilespmem:s9+$0xFFFFFFB0]  }
0x4b4: {  	v17 =	vld [tilespmem:s1+$0x30];
	v44 =	vperm.xlane v6, v2  }
0x4b5: {  	v55 =	vld [tilespmem:s1+$0xFFFFFFE0];
	v22 =	vadd.bf16 v23, v22  }
0x4b6: {  	v8 =	vmul.bf16 v8, v56;
	v11 =	vmul.bf16 v12, v11;
	v12 =	vld [tilespmem:s9+$0xFFFFFFE0];
	v6 =	vadd.f32 v6, v44  }
0x4b7: {  	v9 =	vmul.bf16 v10, v9;
	v10 =	vadd.bf16 v31, v51;
	v13 =	vmul.bf16 v14, v13;
	v14 =	vld [tilespmem:s1+$0x60]  }
0x4b8: {  	v24 =	vadd.bf16 v49, v47;
	v8 =	vadd.bf16 v8, v22;
	v7 =	vld [tilespmem:s9+$0xFFFFFFC0];
	v52 =	vperm.xlane v6, v3  }
0x4b9: {  	v10 =	vadd.bf16 v11, v10;
	v45 =	vld [tilespmem:s1+$0xFFFFFFD0];
	v11 =	vmul.bf16 v16, v15;
	v15 =	vmul.bf16 v18, v17  }
0x4ba: {  	v46 =	vld [tilespmem:s9+$0xFFFFFFD0];
	v8 =	vadd.bf16 v13, v8;
	v13 =	vmul.bf16 v57, v19;
	v6 =	vadd.f32 v6, v52  }
0x4bb: {  	v9 =	vadd.bf16 v9, v24;
	v16 =	vld [tilespmem:s9+$0x60];
	v12 =	vmul.bf16 v12, v55;
	v10 =	vadd.bf16 v15, v10  }
0x4bc: {  	s10 =	simm.s32 $0x3;
	v17 =	vld [tilespmem:s1+$0xFFFFFF70];
	v13 =	vadd.bf16 v13, v8;
	v8 =	vmul.bf16 v61, v59;
	v56 =	vperm.xlane v6, v4  }
0x4bd: {  	v9 =	vadd.bf16 v11, v9;
	v11 =	vld [tilespmem:s9+$0xFFFFFF70];
	v15 =	vmov s10;
	v7 =	vmul.bf16 v7, v58  }
0x4be: {  	v57 =	vld [tilespmem:s1+$0xFFFFFFF0];
	v60 =	vadd.bf16 v8, v10;
	v58 =	vmul.bf16 v63, v62;
	v6 =	vadd.f32 v6, v56  }
0x4bf: {  	v59 =	vld [tilespmem:s9+$0xFFFFFFF0];
	v61 =	vmul.bf16 v46, v45;
	v62 =	vmul.bf16 v50, v48;
	v7 =	vadd.bf16 v7, v9  }
0x4c0: {  	v8 =	vld [tilespmem:s1+$0x70];
	v63 =	vmul.bf16 v54, v53;
	v13 =	vadd.bf16 v58, v13;
	v9 =	vperm.xlane v6, v5  }
0x4c1: {  	s29 =	simm.s32 $0xCA00;
	v10 =	vld [tilespmem:s9+$0x70];
	v14 =	vmul.bf16 v16, v14;
	v21 =	vadd.bf16 v62, v60;
	v22 =	vadd.bf16 v61, v7  }
0x4c2: {  	v16 =	vmul.bf16 v11, v17;
	v19 =	vadd.bf16 v63, v13;
	v7 =	vld [tilespmem:s29+$0x80];
	v9 =	vadd.f32 v6, v9  }
0x4c3: {  	s7 =	simm.s32 $0xA200;
	v11 =	vadd.bf16 v14, v21;
	v13 =	vadd.bf16 v12, v22;
	v12 =	vld [tilespmem:s29+$0x90]  }
0x4c4: {  	v14 =	vadd.bf16 v16, v19;
	v6 =	vld [tilespmem:s7+$0x80];
	[tilespmem:v15+s25+$0x0] =	vst.idx.msk $0x1, v9;
	v15 =	vmul.bf16 v59, v57  }
0x4c5: {  	s30 =	simm.s32 $0x0;
	s8 =	simm.s32 $0x8;
	s1 =	simm.s32 $0x4;
	v9 =	vld [tilespmem:s7+$0x90]  }
.LBB2_13:
0x4c6: {  	p0 =	slt.u32 s8, $0x4C;
	v16 =	vld [tilespmem:s7+$0xA0];
	v17 =	vand.u32 $0xFFFF0000, v14;
	v13 =	vadd.bf16 v15, v13;
	v8 =	vmul.bf16 v10, v8  }
0x4c7: {  	v14 =	vshll.u32 v14, $0x10;
	v15 =	vmov s30;
	v10 =	vld [tilespmem:s29+$0xA0]  }
0x4c8: {  	v18 =	vld [tilespmem:s7+$0xB0];
	v19 =	vand.u32 $0xFFFF0000, v13;
	v13 =	vshll.u32 v13, $0x10;
	v8 =	vadd.bf16 v8, v11  }
0x4c9: {  	v14 =	vadd.f32 v14, v17;
	v15 =	vand.u32 $0xFFFFFFFC, v15;
	v11 =	vld [tilespmem:s29+$0xB0];
	v13 =	vadd.f32 v13, v19  }
0x4ca: {  	v6 =	vmul.bf16 v7, v6;
	v7 =	vmul.bf16 v12, v9;
	v9 =	vld [tilespmem:s7+$0xC0];
	v12 =	vand.u32 $0xFFFF0000, v8  }
0x4cb: {  	v19 =	vperm.xlane v14, v2;
	v8 =	vshll.u32 v8, $0x10;
	v17 =	vld [tilespmem:s29+$0xC0];
	v20 =	vperm.xlane v13, v2  }
0x4cc: {  	s9 =	sadd.s32 $0x1, s30;
	v8 =	vadd.f32 v8, v12;
	v6 =	vadd.bf16 v7, v6;
	v7 =	vmul.bf16 v10, v16;
	v10 =	vld [tilespmem:s7+$0xD0]  }
0x4cd: {  	v14 =	vadd.f32 v14, v19;
	v16 =	vmov s9;
	v12 =	vld [tilespmem:s29+$0xD0];
	v13 =	vadd.f32 v13, v20  }
0x4ce: {  	s9 =	sadd.s32 $0x2, s30;
	s30 =	smov.u32 s1;
	s1 =	smov.u32 s8;
	v6 =	vadd.bf16 v7, v6;
	v7 =	vmul.bf16 v11, v18;
	v11 =	vld [tilespmem:s7+$0xE0];
	v18 =	vperm.xlane v8, v2  }
0x4cf: {  	v20 =	vperm.xlane v14, v3;
	v22 =	vmov s9;
	v19 =	vld [tilespmem:s29+$0xE0];
	v21 =	vperm.xlane v13, v3  }
0x4d0: {  	v6 =	vadd.bf16 v7, v6;
	v7 =	vmul.bf16 v17, v9;
	v9 =	vld [tilespmem:s7+$0xF0];
	v8 =	vadd.f32 v8, v18  }
0x4d1: {  	v15 =	vbroadcast v15, $0x0;
	v14 =	vadd.f32 v14, v20;
	v17 =	vld [tilespmem:s29+$0xF0];
	v13 =	vadd.f32 v13, v21  }
0x4d2: {  	v18 =	vld [tilespmem:s29+$0xFFFFFF00];
	v6 =	vadd.bf16 v7, v6;
	v7 =	vmul.bf16 v12, v10;
	v10 =	vperm.xlane v8, v3  }
0x4d3: {  	v16 =	vand.u32 $0xFFFFFFFD, v16;
	v20 =	vperm.xlane v14, v4;
	v12 =	vld [tilespmem:s7+$0xFFFFFF10];
	v21 =	vperm.xlane v13, v4  }
0x4d4: {  	v23 =	vld [tilespmem:s29+$0xFFFFFF10];
	v6 =	vadd.bf16 v7, v6;
	v7 =	vmul.bf16 v19, v11;
	v8 =	vadd.f32 v8, v10  }
0x4d5: {  	v11 =	vadd.f32 v14, v20;
	v14 =	vbroadcast v16, $0x0;
	v10 =	vld [tilespmem:s7+$0xFFFFFF80];
	v13 =	vadd.f32 v13, v21  }
0x4d6: {  	v16 =	vld [tilespmem:s29+$0xFFFFFF80];
	v6 =	vadd.bf16 v7, v6;
	v7 =	vmul.bf16 v17, v9;
	v9 =	vperm.xlane v8, v4  }
0x4d7: {  	v21 =	vand.u32 $0xFFFFFFFE, v22;
	v19 =	vperm.xlane v11, v5;
	v17 =	vld [tilespmem:s7+$0xFFFFFF90];
	v20 =	vperm.xlane v13, v5  }
0x4d8: {  	v22 =	vld [tilespmem:s29+$0xFFFFFF90];
	v6 =	vadd.bf16 v7, v6;
	v7 =	vadd.f32 v8, v9;
	v8 =	vbroadcast v21, $0x0  }
0x4d9: {  	v11 =	vadd.f32 v11, v19;
	v9 =	vmul.bf16 v23, v12;
	v12 =	vld [tilespmem:s7+$0x0];
	v13 =	vadd.f32 v13, v20  }
0x4da: {  	v19 =	vld [tilespmem:s29+$0x0];
	v20 =	vand.u32 $0xFFFF0000, v6;
	v6 =	vshll.u32 v6, $0x10;
	v21 =	vperm.xlane v7, v5  }
0x4db: {  	v10 =	vmul.bf16 v16, v10;
	v16 =	vld [tilespmem:s7+$0x10];
	v6 =	vadd.f32 v6, v20;
	[tilespmem:v15+s25+$0x0] =	vst.idx.msk $0x1, v11  }
0x4dc: {  	v11 =	vld [tilespmem:s29+$0x10];
	[tilespmem:v14+s25+$0x0] =	vst.idx.msk $0x1, v13;
	v7 =	vadd.f32 v7, v21  }
0x4dd: {  	v13 =	vld [tilespmem:s7+$0xFFFFFF00];
	v14 =	vmul.bf16 v22, v17;
	v15 =	vperm.xlane v6, v2  }
0x4de: {  	v17 =	vld [tilespmem:s7+$0xFFFFFF20];
	[tilespmem:v8+s25+$0x0] =	vst.idx.msk $0x1, v7  }
0x4df: {  	v7 =	vld [tilespmem:s29+$0xFFFFFF20];
	v8 =	vadd.bf16 v14, v10;
	v10 =	vmul.bf16 v19, v12;
	v6 =	vadd.f32 v6, v15  }
0x4e0: {  	v12 =	vld [tilespmem:s7+$0xFFFFFFA0]  }
0x4e1: {  	v14 =	vld [tilespmem:s29+$0xFFFFFFA0];
	v11 =	vmul.bf16 v11, v16;
	v15 =	vperm.xlane v6, v3  }
0x4e2: {  	v13 =	vmul.bf16 v18, v13;
	v16 =	vld [tilespmem:s7+$0x20]  }
0x4e3: {  	v10 =	vadd.bf16 v11, v10;
	v11 =	vld [tilespmem:s29+$0x20];
	v6 =	vadd.f32 v6, v15  }
0x4e4: {  	v9 =	vadd.bf16 v9, v13;
	v7 =	vmul.bf16 v7, v17;
	v13 =	vld [tilespmem:s7+$0xFFFFFF30]  }
0x4e5: {  	v15 =	vld [tilespmem:s29+$0xFFFFFF30];
	v17 =	vperm.xlane v6, v4  }
0x4e6: {  	v7 =	vadd.bf16 v7, v9;
	v9 =	vmul.bf16 v14, v12;
	v12 =	vld [tilespmem:s7+$0xFFFFFFB0]  }
0x4e7: {  	s9 =	sadd.s32 $0x3, s30;
	v14 =	vld [tilespmem:s29+$0xFFFFFFB0];
	v6 =	vadd.f32 v6, v17  }
0x4e8: {  	v8 =	vadd.bf16 v9, v8;
	v9 =	vmul.bf16 v11, v16;
	v11 =	vld [tilespmem:s7+$0x30];
	v16 =	vmov s9  }
0x4e9: {  	v17 =	vld [tilespmem:s29+$0x30];
	v18 =	vperm.xlane v6, v5  }
0x4ea: {  	v13 =	vmul.bf16 v15, v13;
	v15 =	vld [tilespmem:s7+$0xFFFFFF40];
	v9 =	vadd.bf16 v9, v10  }
0x4eb: {  	v10 =	vld [tilespmem:s29+$0xFFFFFF40];
	v6 =	vadd.f32 v6, v18  }
0x4ec: {  	v7 =	vadd.bf16 v13, v7;
	v12 =	vmul.bf16 v14, v12;
	v13 =	vld [tilespmem:s7+$0xFFFFFFC0]  }
0x4ed: {  	v14 =	vld [tilespmem:s29+$0xFFFFFFC0];
	[tilespmem:v16+s25+$0x0] =	vst.idx.msk $0x1, v6  }
0x4ee: {  	v6 =	vadd.bf16 v12, v8;
	v8 =	vmul.bf16 v17, v11;
	v11 =	vld [tilespmem:s7+$0x40]  }
0x4ef: {  	v12 =	vld [tilespmem:s29+$0x40]  }
0x4f0: {  	v10 =	vmul.bf16 v10, v15;
	v15 =	vld [tilespmem:s7+$0xFFFFFF50];
	v8 =	vadd.bf16 v8, v9  }
0x4f1: {  	v9 =	vld [tilespmem:s29+$0xFFFFFF50]  }
0x4f2: {  	v7 =	vadd.bf16 v10, v7;
	v10 =	vmul.bf16 v14, v13;
	v13 =	vld [tilespmem:s7+$0xFFFFFFD0]  }
0x4f3: {  	v14 =	vld [tilespmem:s29+$0xFFFFFFD0]  }
0x4f4: {  	v6 =	vadd.bf16 v10, v6;
	v10 =	vmul.bf16 v12, v11;
	v11 =	vld [tilespmem:s7+$0x50]  }
0x4f5: {  	v12 =	vld [tilespmem:s29+$0x50]  }
0x4f6: {  	v9 =	vmul.bf16 v9, v15;
	v15 =	vld [tilespmem:s7+$0xFFFFFF60];
	v8 =	vadd.bf16 v10, v8  }
0x4f7: {  	v10 =	vld [tilespmem:s29+$0xFFFFFF60]  }
0x4f8: {  	v7 =	vadd.bf16 v9, v7;
	v9 =	vmul.bf16 v14, v13;
	v13 =	vld [tilespmem:s7+$0xFFFFFFE0]  }
0x4f9: {  	v14 =	vld [tilespmem:s29+$0xFFFFFFE0]  }
0x4fa: {  	v6 =	vadd.bf16 v9, v6;
	v9 =	vmul.bf16 v12, v11;
	v11 =	vld [tilespmem:s7+$0x60]  }
0x4fb: {  	v12 =	vld [tilespmem:s29+$0x60]  }
0x4fc: {  	v10 =	vmul.bf16 v10, v15;
	v15 =	vld [tilespmem:s7+$0xFFFFFF70];
	v9 =	vadd.bf16 v9, v8  }
0x4fd: {  	v16 =	vld [tilespmem:s29+$0xFFFFFF70]  }
0x4fe: {  	v17 =	vadd.bf16 v10, v7;
	v7 =	vmul.bf16 v14, v13;
	v18 =	vld [tilespmem:s7+$0xFFFFFFF0]  }
0x4ff: {  	v19 =	vld [tilespmem:s29+$0xFFFFFFF0]  }
0x500: {  	v13 =	vadd.bf16 v7, v6;
	v7 =	vmul.bf16 v12, v11;
	v8 =	vld [tilespmem:s7+$0x70]  }
.Ltmp5:
0x501: {  	s7 =	sadd.s32 $0x200, s7;
	v10 =	vld [tilespmem:s29+$0x70];
	(pc) =	sbr.rel @p0 .LBB2_13-.Ltmp5, $4  }
0x502: {  	s29 =	sadd.s32 $0x200, s29;
	v6 =	vld [tilespmem:s7+$0x80];
	v12 =	vmul.bf16 v16, v15;
	v11 =	vadd.bf16 v7, v9  }
0x503: {  	v7 =	vld [tilespmem:s29+$0x80]  }
0x504: {  	v9 =	vld [tilespmem:s7+$0x90];
	v14 =	vadd.bf16 v12, v17;
	v15 =	vmul.bf16 v19, v18  }
0x505: {  	s8 =	sadd.s32 $0x4, s8;
	v12 =	vld [tilespmem:s29+$0x90]  }
0x506: {  	v16 =	vld [tilespmem:s7+$0xA0]  }
0x507: {  	v17 =	vld [tilespmem:s29+$0xA0]  }
0x508: {  	v18 =	vld [tilespmem:s7+$0xB0]  }
0x509: {  	v19 =	vld [tilespmem:s29+$0xB0]  }
0x50a: {  	v20 =	vld [tilespmem:s7+$0xC0]  }
0x50b: {  	v21 =	vld [tilespmem:s29+$0xC0]  }
0x50c: {  	v22 =	vld [tilespmem:s7+$0xD0]  }
0x50d: {  	v23 =	vld [tilespmem:s29+$0xD0]  }
0x50e: {  	v24 =	vld [tilespmem:s7+$0xE0]  }
0x50f: {  	v25 =	vld [tilespmem:s29+$0xE0]  }
0x510: {  	v26 =	vld [tilespmem:s7+$0xF0]  }
0x511: {  	v27 =	vld [tilespmem:s29+$0xF0]  }
0x512: {  	v28 =	vld [tilespmem:s29+$0xFFFFFF00]  }
0x513: {  	v29 =	vld [tilespmem:s7+$0xFFFFFF10]  }
0x514: {  	v30 =	vld [tilespmem:s29+$0xFFFFFF10]  }
0x515: {  	v31 =	vld [tilespmem:s7+$0xFFFFFF80]  }
0x516: {  	v32 =	vld [tilespmem:s29+$0xFFFFFF80]  }
0x517: {  	v33 =	vld [tilespmem:s7+$0xFFFFFF90]  }
0x518: {  	v34 =	vld [tilespmem:s29+$0xFFFFFF90]  }
0x519: {  	v35 =	vld [tilespmem:s7+$0x0]  }
0x51a: {  	v36 =	vld [tilespmem:s29+$0x0]  }
0x51b: {  	v37 =	vld [tilespmem:s7+$0x10]  }
0x51c: {  	v38 =	vld [tilespmem:s29+$0x10]  }
0x51d: {  	v39 =	vld [tilespmem:s7+$0xFFFFFF00]  }
0x51e: {  	v40 =	vld [tilespmem:s7+$0xFFFFFF20]  }
0x51f: {  	v41 =	vld [tilespmem:s29+$0xFFFFFF20]  }
0x520: {  	v42 =	vld [tilespmem:s7+$0xFFFFFFA0]  }
0x521: {  	v43 =	vld [tilespmem:s29+$0xFFFFFFA0]  }
0x522: {  	v8 =	vmul.bf16 v10, v8;
	v10 =	vld [tilespmem:s7+$0x20]  }
0x523: {  	v44 =	vld [tilespmem:s29+$0x20]  }
0x524: {  	v13 =	vadd.bf16 v15, v13;
	v15 =	vld [tilespmem:s29+$0x30]  }
0x525: {  	v49 =	vld [tilespmem:s7+$0xFFFFFF50]  }
0x526: {  	v53 =	vand.u32 $0xFFFF0000, v14;
	v54 =	vshll.u32 v14, $0x10;
	v51 =	vld [tilespmem:s29+$0xFFFFFF50]  }
0x527: {  	v14 =	vadd.f32 v54, v53;
	v54 =	vld [tilespmem:s7+$0xFFFFFFD0];
	v45 =	vand.u32 $0xFFFF0000, v13;
	v13 =	vshll.u32 v13, $0x10  }
0x528: {  	v8 =	vadd.bf16 v8, v11;
	v11 =	vld [tilespmem:s7+$0xFFFFFF30];
	v55 =	vadd.f32 v13, v45  }
0x529: {  	v6 =	vmul.bf16 v7, v6;
	v13 =	vld [tilespmem:s7+$0xFFFFFFB0];
	v57 =	vperm.xlane v14, v2  }
0x52a: {  	v7 =	vmul.bf16 v12, v9;
	v9 =	vld [tilespmem:s29+$0xFFFFFF30];
	v46 =	vperm.xlane v55, v2  }
0x52b: {  	v16 =	vmul.bf16 v17, v16;
	v17 =	vld [tilespmem:s7+$0x30];
	v58 =	vmul.bf16 v19, v18  }
0x52c: {  	v56 =	vand.u32 $0xFFFF0000, v8;
	v18 =	vld [tilespmem:s7+$0xFFFFFF40];
	v20 =	vmul.bf16 v21, v20;
	v61 =	vmul.bf16 v23, v22  }
0x52d: {  	v8 =	vshll.u32 v8, $0x10;
	v21 =	vld [tilespmem:s7+$0xFFFFFFC0];
	v24 =	vmul.bf16 v25, v24;
	v50 =	vmul.bf16 v27, v26  }
0x52e: {  	v8 =	vadd.f32 v8, v56;
	v52 =	vmul.bf16 v32, v31;
	v53 =	vmul.bf16 v34, v33;
	v56 =	vld [tilespmem:s29+$0xFFFFFFD0]  }
0x52f: {  	s10 =	sadd.s32 $0x3, s1;
	v14 =	vadd.f32 v14, v57;
	v28 =	vmul.bf16 v28, v39;
	v57 =	vmul.bf16 v36, v35;
	v34 =	vld [tilespmem:s7+$0xFFFFFF60]  }
0x530: {  	v10 =	vmul.bf16 v44, v10;
	v35 =	vld [tilespmem:s29+$0xFFFFFF60];
	v33 =	vmov s10;
	v6 =	vadd.bf16 v7, v6  }
0x531: {  	v19 =	vld [tilespmem:s29+$0xFFFFFFC0];
	v12 =	vadd.f32 v55, v46;
	v59 =	vperm.xlane v8, v2;
	v45 =	vperm.xlane v14, v3  }
0x532: {  	v36 =	vld [tilespmem:s7+$0xFFFFFFE0];
	v55 =	vmul.bf16 v30, v29;
	v6 =	vadd.bf16 v16, v6;
	v16 =	vadd.bf16 v53, v52  }
0x533: {  	v7 =	vld [tilespmem:s29+$0xFFFFFFB0];
	v60 =	vperm.xlane v12, v3;
	v8 =	vadd.f32 v8, v59;
	v9 =	vmul.bf16 v9, v11  }
0x534: {  	v46 =	vld [tilespmem:s29+$0xFFFFFF40];
	v6 =	vadd.bf16 v58, v6;
	v58 =	vmul.bf16 v38, v37;
	v15 =	vmul.bf16 v15, v17  }
0x535: {  	s8 =	sadd.s32 $0x1, s30;
	v52 =	vld [tilespmem:s29+$0xFFFFFFF0];
	v14 =	vadd.f32 v14, v45;
	v47 =	vmul.bf16 v56, v54;
	v53 =	vmul.bf16 v35, v34  }
0x536: {  	v45 =	vld [tilespmem:s29+$0x40];
	v54 =	vmov s8;
	v35 =	vmov s1;
	v62 =	vperm.xlane v8, v3  }
0x537: {  	v38 =	vld [tilespmem:s29+$0xFFFFFFE0];
	v12 =	vadd.f32 v12, v60;
	v63 =	vperm.xlane v14, v4;
	v60 =	vmul.bf16 v41, v40  }
0x538: {  	v59 =	vld [tilespmem:s7+$0x50];
	v7 =	vmul.bf16 v7, v13;
	v41 =	vmul.bf16 v19, v21;
	v6 =	vadd.bf16 v20, v6  }
0x539: {  	v56 =	vld [tilespmem:s29+$0x70];
	v39 =	vmul.bf16 v46, v18;
	v46 =	vmul.bf16 v51, v49;
	v51 =	vmov s30  }
0x53a: {  	v20 =	vld [tilespmem:s7+$0x40];
	v48 =	vperm.xlane v12, v4;
	v14 =	vadd.f32 v14, v63;
	v63 =	vadd.bf16 v58, v57  }
0x53b: {  	v8 =	vadd.f32 v8, v62;
	v62 =	vld [tilespmem:s29+$0x50];
	v6 =	vadd.bf16 v61, v6;
	v61 =	vmul.bf16 v43, v42  }
0x53c: {  	v42 =	vld [tilespmem:s29+$0x60];
	v12 =	vadd.f32 v12, v48;
	v10 =	vadd.bf16 v10, v63;
	v11 =	vmul.bf16 v38, v36  }
0x53d: {  	v48 =	vld [tilespmem:s29+$0xFFFFFF70];
	v58 =	vperm.xlane v8, v4;
	s29 =	sadd.s32 $0x1, s1;
	v6 =	vadd.bf16 v24, v6;
	v24 =	vadd.bf16 v55, v28  }
0x53e: {  	v40 =	vld [tilespmem:s7+$0x60];
	v16 =	vadd.bf16 v61, v16;
	v38 =	vmov s29;
	v10 =	vadd.bf16 v15, v10  }
0x53f: {  	v44 =	vmul.bf16 v45, v20;
	v15 =	vand.u32 $0xFFFFFFFC, v51;
	v8 =	vadd.f32 v8, v58  }
0x540: {  	v61 =	vperm.xlane v12, v5;
	v24 =	vadd.bf16 v60, v24;
	v7 =	vadd.bf16 v7, v16  }
0x541: {  	v17 =	vand.u32 $0xFFFFFFFD, v38;
	v6 =	vadd.bf16 v50, v6;
	v49 =	vmul.bf16 v62, v59;
	v50 =	vld [tilespmem:s7+$0xFFFFFFF0]  }
0x542: {  	v55 =	vld [tilespmem:s7+$0x70];
	v15 =	vbroadcast v15, $0x0;
	v9 =	vadd.bf16 v9, v24;
	v7 =	vadd.bf16 v41, v7  }
0x543: {  	v45 =	vld [tilespmem:s7+$0xFFFFFF70];
	v60 =	vperm.xlane v14, v5;
	v10 =	vadd.bf16 v44, v10;
	v16 =	vmul.bf16 v42, v40  }
0x544: {  	v37 =	vand.u32 $0xFFFF0000, v6;
	v9 =	vadd.bf16 v39, v9;
	v7 =	vadd.bf16 v47, v7  }
0x545: {  	v6 =	vshll.u32 v6, $0x10;
	v24 =	vand.u32 $0xFFFFFFFD, v54;
	v10 =	vadd.bf16 v49, v10  }
0x546: {  	v19 =	vmul.bf16 v52, v50;
	v9 =	vadd.bf16 v46, v9;
	v7 =	vadd.bf16 v11, v7  }
0x547: {  	v6 =	vadd.f32 v6, v37;
	v13 =	vmul.bf16 v56, v55;
	v10 =	vadd.bf16 v16, v10  }
0x548: {  	v20 =	vmul.bf16 v48, v45;
	v9 =	vadd.bf16 v53, v9;
	v7 =	vadd.bf16 v19, v7  }
0x549: {  	v57 =	vbroadcast v24, $0x0;
	v43 =	vperm.xlane v6, v2;
	v10 =	vadd.bf16 v13, v10  }
0x54a: {  	v9 =	vadd.bf16 v20, v9;
	v20 =	vand.u32 $0xFFFF0000, v7;
	v7 =	vshll.u32 v7, $0x10  }
0x54b: {  	v24 =	vand.u32 $0xFFFF0000, v10;
	v10 =	vshll.u32 v10, $0x10;
	v7 =	vadd.f32 v7, v20  }
0x54c: {  	v10 =	vadd.f32 v10, v24;
	v63 =	vand.u32 $0xFFFF0000, v9;
	v9 =	vshll.u32 v9, $0x10  }
0x54d: {  	s9 =	sadd.s32 $0x2, s30;
	v6 =	vadd.f32 v6, v43;
	v9 =	vadd.f32 v9, v63;
	v28 =	vperm.xlane v7, v2  }
0x54e: {  	v59 =	vmov s9;
	v17 =	vbroadcast v17, $0x0;
	v30 =	vperm.xlane v10, v2  }
0x54f: {  	v62 =	vperm.xlane v6, v3;
	v26 =	vperm.xlane v9, v2;
	v7 =	vadd.f32 v7, v28  }
0x550: {  	v18 =	vand.u32 $0xFFFFFFFE, v59;
	v29 =	vperm.xlane v8, v5;
	v10 =	vadd.f32 v10, v30  }
0x551: {  	s30 =	sadd.s32 $0x2, s1;
	v6 =	vadd.f32 v6, v62;
	v9 =	vadd.f32 v9, v26;
	v34 =	vperm.xlane v7, v3  }
0x552: {  	v40 =	vmov s30;
	v25 =	vbroadcast v18, $0x0;
	v36 =	vperm.xlane v10, v3  }
0x553: {  	v31 =	vperm.xlane v6, v4;
	v32 =	vperm.xlane v9, v3;
	v7 =	vadd.f32 v7, v34  }
0x554: {  	v27 =	vadd.f32 v14, v60;
	v18 =	vand.u32 $0xFFFFFFFC, v35;
	v10 =	vadd.f32 v10, v36  }
0x555: {  	v6 =	vadd.f32 v6, v31;
	v9 =	vadd.f32 v9, v32;
	v41 =	vperm.xlane v7, v4  }
0x556: {  	v8 =	vadd.f32 v8, v29;
	v11 =	vand.u32 $0xFFFFFFFE, v40;
	v42 =	vperm.xlane v10, v4  }
0x557: {  	v37 =	vperm.xlane v6, v5;
	v39 =	vperm.xlane v9, v4;
	v7 =	vadd.f32 v7, v41  }
0x558: {  	v18 =	vbroadcast v18, $0x0;
	[tilespmem:v15+s25+$0x0] =	vst.idx.msk $0x1, v27;
	v11 =	vbroadcast v11, $0x0;
	v10 =	vadd.f32 v10, v42  }
0x559: {  	v6 =	vadd.f32 v6, v37;
	v9 =	vadd.f32 v9, v39;
	v44 =	vperm.xlane v7, v5  }
0x55a: {  	v12 =	vadd.f32 v12, v61;
	[tilespmem:v25+s25+$0x0] =	vst.idx.msk $0x1, v8;
	v46 =	vperm.xlane v10, v5  }
0x55b: {  	[tilespmem:v33+s25+$0x0] =	vst.idx.msk $0x1, v6;
	v43 =	vperm.xlane v9, v5;
	v6 =	vadd.f32 v7, v44  }
0x55c: {  	[tilespmem:v57+s25+$0x0] =	vst.idx.msk $0x1, v12;
	v7 =	vadd.f32 v10, v46  }
0x55d: {  	v45 =	vadd.f32 v9, v43;
	[tilespmem:v17+s25+$0x0] =	vst.idx.msk $0x1, v6  }
0x55e: {  	[tilespmem:v11+s25+$0x0] =	vst.idx.msk $0x1, v7  }
0x55f: {  	[tilespmem:v18+s25+$0x0] =	vst.idx.msk $0x1, v45  }
0x560: {  	v6 =	vld [tilespmem:$0xEF00];
	_ =	sdelay $0x1  }
0x561: {  	v7 =	vld [tilespmem:$0xEF80];
	_ =	sdelay $0x1  }
0x562: {  	v8 =	vld [tilespmem:$0xEF10]  }
0x563: {  	v6 =	vmul.f32 $6.250000000e-02, v6;
	_ =	sdelay $0x1  }
0x564: {  	v47 =	vmax.f32 v7, v6  }
0x565: {  	v7 =	vsub.f32 v7, v47  }
0x566: {  	v8 =	vmul.f32 $6.250000000e-02, v8;
	v6 =	vsub.f32 v6, v47  }
0x567: {  	v48 =	vld [tilespmem:$0xEF20];
	v7 =	vmul.f32 $1.442695020e+00, v7  }
0x568: {  	v49 =	vmax.f32 v47, v8;
	v6 =	vmul.f32 $1.442695020e+00, v6  }
0x569: {  	(erf) = vpow2.f32 v7;
	v7 =	vsub.f32 v47, v49  }
0x56a: {  	(erf) = vpow2.f32 v6;
	v6 =	vld [tilespmem:$0xEF30]  }
0x56b: {  	v7 =	vmul.f32 $1.442695020e+00, v7  }
0x56c: {  	v50 =	vmul.f32 $6.250000000e-02, v48;
	v8 =	vsub.f32 v8, v49  }
0x56d: {  	v52 =	vld [tilespmem:$0xEF40];
	(erf) = vpow2.f32 v7  }
0x56e: {  	v8 =	vmul.f32 $1.442695020e+00, v8;
	v7 =	vmax.f32 v49, v50  }
0x56f: {  	v11 =	vsub.f32 v49, v7;
	v6 =	vmul.f32 $6.250000000e-02, v6  }
0x570: {  	v51 =	vld [tilespmem:$0xF000];
	(erf) = vpow2.f32 v8  }
0x571: {  	v9 =	vsub.f32 v50, v7;
	v53 =	vmul.f32 $1.442695020e+00, v11;
	v54 =	vmax.f32 v7, v6  }
0x572: {  	v58 =	vmul.f32 $6.250000000e-02, v52;
	v7 =	vsub.f32 v7, v54  }
0x573: {  	v56 =	vmul.f32 $1.442695020e+00, v9;
	v55 =	vpop (erf);
	(erf) = vpow2.f32 v53  }
0x574: {  	v6 =	vsub.f32 v6, v54;
	v7 =	vmul.f32 $1.442695020e+00, v7  }
0x575: {  	v61 =	vmax.f32 v54, v58;
	v57 =	vmul.f32 v55, v51;
	v59 =	vpop (erf);
	(erf) = vpow2.f32 v56  }
0x576: {  	v6 =	vmul.f32 $1.442695020e+00, v6;
	v62 =	vpop (erf);
	(erf) = vpow2.f32 v7;
	v7 =	vsub.f32 v54, v61  }
0x577: {  	v60 =	vadd.f32 v57, v59  }
0x578: {  	(erf) = vpow2.f32 v6;
	v6 =	vmul.f32 $1.442695020e+00, v7;
	v7 =	vsub.f32 v58, v61  }
0x579: {  	v8 =	vmul.f32 v60, v62  }
0x57a: {  	v63 =	vpop (erf)  }
0x57b: {  	v8 =	vadd.f32 v8, v63;
	(erf) = vpow2.f32 v6;
	v6 =	vmul.f32 $1.442695020e+00, v7  }
0x57c: {  	v7 =	vpop (erf)  }
0x57d: {  	v7 =	vmul.f32 v8, v7  }
0x57e: {  	(erf) = vpow2.f32 v6  }
0x57f: {  	v6 =	vpop (erf)  }
0x580: {  	v6 =	vadd.f32 v7, v6  }
0x581: {  	v7 =	vpop (erf)  }
0x582: {  	v6 =	vmul.f32 v6, v7  }
0x583: {  	v7 =	vpop (erf)  }
0x584: {  	s0 =	sadd.s32 $0x1, s0;
	v6 =	vadd.f32 v6, v7  }
0x585: {  	p0 =	sne.s32 s0, $0x3E;
	v7 =	vpop (erf)  }
.Ltmp6:
0x586: {  	v6 =	vmul.f32 v6, v7;
	(pc) =	sbr.rel @p0 .LBB2_10-.Ltmp6, $4  }
0x587: {  	v7 =	vpop (erf)  }
0x588: {  	v6 =	vadd.f32 v6, v7  }
0x589: {  	[tilespmem:$0xEF80] =	vst v61  }
0x58a: {  	[tilespmem:$0xF000] =	vst v6  }
0x58b: {  	_ =	swait.ge [sflag:s18], $0x2800  }
0x58c: {  	[sflag:s18] =	ssyncset.done $0x0  }
0x58d: {  	[sflag:s18] =	ssyncadd.s32 $0xFFFFD800  }
0x58e: {  	_ =	swait.ge [sflag:s24], $0x2800  }
0x58f: {  	[sflag:s24] =	ssyncset.done $0x0  }
0x590: {  	s1 =	simm.s32 $0x5000;
	[sflag:s24] =	ssyncadd.s32 $0xFFFFD800  }
0x591: {  	s0 =	simm.s32 $0x7800;
	v6 =	vld [tilespmem:s1+$0x80]  }
0x592: {  	v7 =	vld [tilespmem:s0+$0x80]  }
0x593: {  	v8 =	vld [tilespmem:s1+$0x90]  }
0x594: {  	v9 =	vld [tilespmem:s0+$0x90]  }
0x595: {  	v10 =	vld [tilespmem:s1+$0xA0]  }
0x596: {  	v11 =	vld [tilespmem:s0+$0xA0]  }
0x597: {  	v12 =	vld [tilespmem:s1+$0xB0]  }
0x598: {  	v13 =	vld [tilespmem:s0+$0xB0]  }
0x599: {  	v14 =	vld [tilespmem:s1+$0xC0]  }
0x59a: {  	v15 =	vld [tilespmem:s0+$0xC0]  }
0x59b: {  	v16 =	vld [tilespmem:s1+$0xD0]  }
0x59c: {  	v17 =	vld [tilespmem:s0+$0xD0]  }
0x59d: {  	v18 =	vld [tilespmem:s1+$0xE0]  }
0x59e: {  	v19 =	vld [tilespmem:s0+$0xE0]  }
0x59f: {  	v20 =	vld [tilespmem:s1+$0xF0]  }
0x5a0: {  	v21 =	vld [tilespmem:s0+$0xF0]  }
0x5a1: {  	v22 =	vld [tilespmem:s0+$0xFFFFFF00]  }
0x5a2: {  	v23 =	vld [tilespmem:s1+$0xFFFFFF10]  }
0x5a3: {  	v24 =	vld [tilespmem:s0+$0xFFFFFF10]  }
0x5a4: {  	v25 =	vld [tilespmem:s1+$0xFFFFFF80]  }
0x5a5: {  	v26 =	vld [tilespmem:s0+$0xFFFFFF80]  }
0x5a6: {  	v27 =	vld [tilespmem:s1+$0xFFFFFF90]  }
0x5a7: {  	v28 =	vld [tilespmem:s0+$0xFFFFFF90]  }
0x5a8: {  	v29 =	vld [tilespmem:s1+$0x0]  }
0x5a9: {  	v30 =	vld [tilespmem:s0+$0x0]  }
0x5aa: {  	v31 =	vld [tilespmem:s1+$0x10]  }
0x5ab: {  	v32 =	vld [tilespmem:s0+$0x10]  }
0x5ac: {  	v33 =	vld [tilespmem:s1+$0xFFFFFF00]  }
0x5ad: {  	v34 =	vld [tilespmem:s1+$0xFFFFFF20]  }
0x5ae: {  	v62 =	vld [tilespmem:s0+$0x30]  }
0x5af: {  	v63 =	vld [tilespmem:s1+$0xFFFFFF40]  }
0x5b0: {  	v44 =	vld [tilespmem:s0+$0xFFFFFF40];
	v6 =	vmul.bf16 v7, v6;
	v7 =	vmul.bf16 v9, v8  }
0x5b1: {  	v45 =	vld [tilespmem:s1+$0xFFFFFFC0]  }
0x5b2: {  	v35 =	vld [tilespmem:s1+$0x40];
	v6 =	vadd.bf16 v7, v6;
	v7 =	vmul.bf16 v11, v10  }
0x5b3: {  	v37 =	vld [tilespmem:s0+$0x40]  }
0x5b4: {  	v46 =	vld [tilespmem:s1+$0xFFFFFF50];
	v6 =	vadd.bf16 v7, v6;
	v7 =	vmul.bf16 v13, v12  }
0x5b5: {  	v38 =	vld [tilespmem:s0+$0xFFFFFF50]  }
0x5b6: {  	v40 =	vld [tilespmem:s1+$0xFFFFFFD0];
	v6 =	vadd.bf16 v7, v6;
	v7 =	vmul.bf16 v15, v14  }
0x5b7: {  	v41 =	vld [tilespmem:s0+$0xFFFFFFD0]  }
0x5b8: {  	v48 =	vld [tilespmem:s1+$0x50];
	v6 =	vadd.bf16 v7, v6;
	v7 =	vmul.bf16 v17, v16  }
0x5b9: {  	v50 =	vld [tilespmem:s0+$0x50]  }
0x5ba: {  	v53 =	vld [tilespmem:s1+$0xFFFFFF60];
	v6 =	vadd.bf16 v7, v6;
	v7 =	vmul.bf16 v19, v18  }
0x5bb: {  	v8 =	vld [tilespmem:s0+$0xFFFFFF20]  }
0x5bc: {  	v9 =	vld [tilespmem:s1+$0xFFFFFFA0];
	v6 =	vadd.bf16 v7, v6;
	v7 =	vmul.bf16 v21, v20  }
0x5bd: {  	v10 =	vld [tilespmem:s0+$0xFFFFFFA0]  }
0x5be: {  	v11 =	vld [tilespmem:s1+$0x20];
	v6 =	vadd.bf16 v7, v6  }
0x5bf: {  	v12 =	vld [tilespmem:s0+$0x20]  }
0x5c0: {  	v13 =	vld [tilespmem:s1+$0xFFFFFF30];
	v36 =	vand.u32 $0xFFFF0000, v6;
	v6 =	vshll.u32 v6, $0x10  }
0x5c1: {  	v23 =	vmul.bf16 v24, v23;
	v14 =	vld [tilespmem:s0+$0xFFFFFF30];
	v6 =	vadd.f32 v6, v36  }
0x5c2: {  	v47 =	vmul.bf16 v26, v25;
	v22 =	vmul.bf16 v22, v33;
	v15 =	vld [tilespmem:s1+$0xFFFFFFB0]  }
0x5c3: {  	v49 =	vmul.bf16 v28, v27;
	v16 =	vld [tilespmem:s0+$0xFFFFFFB0];
	v39 =	vperm.xlane v6, v2  }
0x5c4: {  	v51 =	vmul.bf16 v30, v29;
	v31 =	vmul.bf16 v32, v31;
	v22 =	vadd.bf16 v23, v22;
	v17 =	vld [tilespmem:s1+$0x30]  }
0x5c5: {  	v54 =	vld [tilespmem:s0+$0xFFFFFF60];
	v24 =	vadd.bf16 v49, v47;
	v8 =	vmul.bf16 v8, v34;
	v6 =	vadd.f32 v6, v39  }
0x5c6: {  	v55 =	vld [tilespmem:s1+$0xFFFFFFE0];
	v9 =	vmul.bf16 v10, v9;
	v10 =	vadd.bf16 v31, v51;
	v11 =	vmul.bf16 v12, v11  }
0x5c7: {  	v58 =	vmul.bf16 v38, v46;
	v8 =	vadd.bf16 v8, v22;
	v7 =	vld [tilespmem:s0+$0xFFFFFFC0];
	v52 =	vperm.xlane v6, v3  }
0x5c8: {  	v12 =	vld [tilespmem:s0+$0xFFFFFFE0];
	v9 =	vadd.bf16 v9, v24;
	v13 =	vmul.bf16 v14, v13;
	v10 =	vadd.bf16 v11, v10  }
0x5c9: {  	v14 =	vld [tilespmem:s1+$0x60];
	v11 =	vmul.bf16 v16, v15;
	v15 =	vmul.bf16 v62, v17;
	v6 =	vadd.f32 v6, v52  }
0x5ca: {  	v61 =	vmul.bf16 v41, v40;
	v16 =	vld [tilespmem:s0+$0x60];
	v8 =	vadd.bf16 v13, v8;
	v13 =	vmul.bf16 v44, v63  }
0x5cb: {  	v17 =	vld [tilespmem:s1+$0xFFFFFF70];
	v9 =	vadd.bf16 v11, v9;
	v10 =	vadd.bf16 v15, v10;
	v56 =	vperm.xlane v6, v4  }
0x5cc: {  	v11 =	vld [tilespmem:s0+$0xFFFFFF70];
	v13 =	vadd.bf16 v13, v8;
	v8 =	vmul.bf16 v37, v35;
	v7 =	vmul.bf16 v7, v45  }
0x5cd: {  	s7 =	simm.s32 $0x3;
	v57 =	vld [tilespmem:s1+$0xFFFFFFF0];
	v62 =	vmul.bf16 v50, v48;
	v63 =	vmul.bf16 v54, v53;
	v6 =	vadd.f32 v6, v56  }
0x5ce: {  	v59 =	vld [tilespmem:s0+$0xFFFFFFF0];
	v15 =	vmov s7;
	v60 =	vadd.bf16 v8, v10;
	v7 =	vadd.bf16 v7, v9  }
0x5cf: {  	v12 =	vmul.bf16 v12, v55;
	v8 =	vld [tilespmem:s1+$0x70];
	v13 =	vadd.bf16 v58, v13;
	v9 =	vperm.xlane v6, v5  }
0x5d0: {  	s7 =	simm.s32 $0x7A00;
	v10 =	vld [tilespmem:s0+$0x70];
	v14 =	vmul.bf16 v16, v14;
	v21 =	vadd.bf16 v62, v60;
	v22 =	vadd.bf16 v61, v7  }
0x5d1: {  	v19 =	vadd.bf16 v63, v13;
	v16 =	vmul.bf16 v11, v17;
	v7 =	vld [tilespmem:s7+$0x80];
	v9 =	vadd.f32 v6, v9  }
0x5d2: {  	s1 =	simm.s32 $0x5200;
	v11 =	vadd.bf16 v14, v21;
	v13 =	vadd.bf16 v12, v22;
	v12 =	vld [tilespmem:s7+$0x90]  }
0x5d3: {  	v14 =	vadd.bf16 v16, v19;
	v6 =	vld [tilespmem:s1+$0x80];
	[tilespmem:v15+s25+$0x0] =	vst.idx.msk $0x1, v9;
	v15 =	vmul.bf16 v59, v57  }
0x5d4: {  	s29 =	simm.s32 $0x0;
	s8 =	simm.s32 $0x8;
	s0 =	simm.s32 $0x4;
	v9 =	vld [tilespmem:s1+$0x90]  }
.LBB2_16:
0x5d5: {  	p0 =	slt.u32 s8, $0x4C;
	v16 =	vld [tilespmem:s1+$0xA0];
	v17 =	vand.u32 $0xFFFF0000, v14;
	v13 =	vadd.bf16 v15, v13;
	v8 =	vmul.bf16 v10, v8  }
0x5d6: {  	v14 =	vshll.u32 v14, $0x10;
	v15 =	vmov s29;
	v10 =	vld [tilespmem:s7+$0xA0]  }
0x5d7: {  	v18 =	vld [tilespmem:s1+$0xB0];
	v19 =	vand.u32 $0xFFFF0000, v13;
	v13 =	vshll.u32 v13, $0x10;
	v8 =	vadd.bf16 v8, v11  }
0x5d8: {  	v14 =	vadd.f32 v14, v17;
	v15 =	vand.u32 $0xFFFFFFFC, v15;
	v11 =	vld [tilespmem:s7+$0xB0];
	v13 =	vadd.f32 v13, v19  }
0x5d9: {  	v6 =	vmul.bf16 v7, v6;
	v7 =	vmul.bf16 v12, v9;
	v9 =	vld [tilespmem:s1+$0xC0];
	v12 =	vand.u32 $0xFFFF0000, v8  }
0x5da: {  	v19 =	vperm.xlane v14, v2;
	v8 =	vshll.u32 v8, $0x10;
	v17 =	vld [tilespmem:s7+$0xC0];
	v20 =	vperm.xlane v13, v2  }
0x5db: {  	s9 =	sadd.s32 $0x1, s29;
	v8 =	vadd.f32 v8, v12;
	v6 =	vadd.bf16 v7, v6;
	v7 =	vmul.bf16 v10, v16;
	v10 =	vld [tilespmem:s1+$0xD0]  }
0x5dc: {  	v14 =	vadd.f32 v14, v19;
	v16 =	vmov s9;
	v12 =	vld [tilespmem:s7+$0xD0];
	v13 =	vadd.f32 v13, v20  }
0x5dd: {  	s9 =	sadd.s32 $0x2, s29;
	s29 =	smov.u32 s0;
	s0 =	smov.u32 s8;
	v6 =	vadd.bf16 v7, v6;
	v7 =	vmul.bf16 v11, v18;
	v11 =	vld [tilespmem:s1+$0xE0];
	v18 =	vperm.xlane v8, v2  }
0x5de: {  	v20 =	vperm.xlane v14, v3;
	v22 =	vmov s9;
	v19 =	vld [tilespmem:s7+$0xE0];
	v21 =	vperm.xlane v13, v3  }
0x5df: {  	v6 =	vadd.bf16 v7, v6;
	v7 =	vmul.bf16 v17, v9;
	v9 =	vld [tilespmem:s1+$0xF0];
	v8 =	vadd.f32 v8, v18  }
0x5e0: {  	v15 =	vbroadcast v15, $0x0;
	v14 =	vadd.f32 v14, v20;
	v17 =	vld [tilespmem:s7+$0xF0];
	v13 =	vadd.f32 v13, v21  }
0x5e1: {  	v18 =	vld [tilespmem:s7+$0xFFFFFF00];
	v6 =	vadd.bf16 v7, v6;
	v7 =	vmul.bf16 v12, v10;
	v10 =	vperm.xlane v8, v3  }
0x5e2: {  	v16 =	vand.u32 $0xFFFFFFFD, v16;
	v20 =	vperm.xlane v14, v4;
	v12 =	vld [tilespmem:s1+$0xFFFFFF10];
	v21 =	vperm.xlane v13, v4  }
0x5e3: {  	v23 =	vld [tilespmem:s7+$0xFFFFFF10];
	v6 =	vadd.bf16 v7, v6;
	v7 =	vmul.bf16 v19, v11;
	v8 =	vadd.f32 v8, v10  }
0x5e4: {  	v11 =	vadd.f32 v14, v20;
	v14 =	vbroadcast v16, $0x0;
	v10 =	vld [tilespmem:s1+$0xFFFFFF80];
	v13 =	vadd.f32 v13, v21  }
0x5e5: {  	v16 =	vld [tilespmem:s7+$0xFFFFFF80];
	v6 =	vadd.bf16 v7, v6;
	v7 =	vmul.bf16 v17, v9;
	v9 =	vperm.xlane v8, v4  }
0x5e6: {  	v21 =	vand.u32 $0xFFFFFFFE, v22;
	v19 =	vperm.xlane v11, v5;
	v17 =	vld [tilespmem:s1+$0xFFFFFF90];
	v20 =	vperm.xlane v13, v5  }
0x5e7: {  	v22 =	vld [tilespmem:s7+$0xFFFFFF90];
	v6 =	vadd.bf16 v7, v6;
	v7 =	vadd.f32 v8, v9;
	v8 =	vbroadcast v21, $0x0  }
0x5e8: {  	v11 =	vadd.f32 v11, v19;
	v9 =	vmul.bf16 v23, v12;
	v12 =	vld [tilespmem:s1+$0x0];
	v13 =	vadd.f32 v13, v20  }
0x5e9: {  	v19 =	vld [tilespmem:s7+$0x0];
	v20 =	vand.u32 $0xFFFF0000, v6;
	v6 =	vshll.u32 v6, $0x10;
	v21 =	vperm.xlane v7, v5  }
0x5ea: {  	v10 =	vmul.bf16 v16, v10;
	v16 =	vld [tilespmem:s1+$0x10];
	v6 =	vadd.f32 v6, v20;
	[tilespmem:v15+s25+$0x0] =	vst.idx.msk $0x1, v11  }
0x5eb: {  	v11 =	vld [tilespmem:s7+$0x10];
	[tilespmem:v14+s25+$0x0] =	vst.idx.msk $0x1, v13;
	v7 =	vadd.f32 v7, v21  }
0x5ec: {  	v13 =	vld [tilespmem:s1+$0xFFFFFF00];
	v14 =	vmul.bf16 v22, v17;
	v15 =	vperm.xlane v6, v2  }
0x5ed: {  	v17 =	vld [tilespmem:s1+$0xFFFFFF20];
	[tilespmem:v8+s25+$0x0] =	vst.idx.msk $0x1, v7  }
0x5ee: {  	v7 =	vld [tilespmem:s7+$0xFFFFFF20];
	v8 =	vadd.bf16 v14, v10;
	v10 =	vmul.bf16 v19, v12;
	v6 =	vadd.f32 v6, v15  }
0x5ef: {  	v12 =	vld [tilespmem:s1+$0xFFFFFFA0]  }
0x5f0: {  	v14 =	vld [tilespmem:s7+$0xFFFFFFA0];
	v11 =	vmul.bf16 v11, v16;
	v15 =	vperm.xlane v6, v3  }
0x5f1: {  	v13 =	vmul.bf16 v18, v13;
	v16 =	vld [tilespmem:s1+$0x20]  }
0x5f2: {  	v10 =	vadd.bf16 v11, v10;
	v11 =	vld [tilespmem:s7+$0x20];
	v6 =	vadd.f32 v6, v15  }
0x5f3: {  	v9 =	vadd.bf16 v9, v13;
	v7 =	vmul.bf16 v7, v17;
	v13 =	vld [tilespmem:s1+$0xFFFFFF30]  }
0x5f4: {  	v15 =	vld [tilespmem:s7+$0xFFFFFF30];
	v17 =	vperm.xlane v6, v4  }
0x5f5: {  	v7 =	vadd.bf16 v7, v9;
	v9 =	vmul.bf16 v14, v12;
	v12 =	vld [tilespmem:s1+$0xFFFFFFB0]  }
0x5f6: {  	s9 =	sadd.s32 $0x3, s29;
	v14 =	vld [tilespmem:s7+$0xFFFFFFB0];
	v6 =	vadd.f32 v6, v17  }
0x5f7: {  	v8 =	vadd.bf16 v9, v8;
	v9 =	vmul.bf16 v11, v16;
	v11 =	vld [tilespmem:s1+$0x30];
	v16 =	vmov s9  }
0x5f8: {  	v17 =	vld [tilespmem:s7+$0x30];
	v18 =	vperm.xlane v6, v5  }
0x5f9: {  	v13 =	vmul.bf16 v15, v13;
	v15 =	vld [tilespmem:s1+$0xFFFFFF40];
	v9 =	vadd.bf16 v9, v10  }
0x5fa: {  	v10 =	vld [tilespmem:s7+$0xFFFFFF40];
	v6 =	vadd.f32 v6, v18  }
0x5fb: {  	v7 =	vadd.bf16 v13, v7;
	v12 =	vmul.bf16 v14, v12;
	v13 =	vld [tilespmem:s1+$0xFFFFFFC0]  }
0x5fc: {  	v14 =	vld [tilespmem:s7+$0xFFFFFFC0];
	[tilespmem:v16+s25+$0x0] =	vst.idx.msk $0x1, v6  }
0x5fd: {  	v6 =	vadd.bf16 v12, v8;
	v8 =	vmul.bf16 v17, v11;
	v11 =	vld [tilespmem:s1+$0x40]  }
0x5fe: {  	v12 =	vld [tilespmem:s7+$0x40]  }
0x5ff: {  	v10 =	vmul.bf16 v10, v15;
	v15 =	vld [tilespmem:s1+$0xFFFFFF50];
	v8 =	vadd.bf16 v8, v9  }
0x600: {  	v9 =	vld [tilespmem:s7+$0xFFFFFF50]  }
0x601: {  	v7 =	vadd.bf16 v10, v7;
	v10 =	vmul.bf16 v14, v13;
	v13 =	vld [tilespmem:s1+$0xFFFFFFD0]  }
0x602: {  	v14 =	vld [tilespmem:s7+$0xFFFFFFD0]  }
0x603: {  	v6 =	vadd.bf16 v10, v6;
	v10 =	vmul.bf16 v12, v11;
	v11 =	vld [tilespmem:s1+$0x50]  }
0x604: {  	v12 =	vld [tilespmem:s7+$0x50]  }
0x605: {  	v9 =	vmul.bf16 v9, v15;
	v15 =	vld [tilespmem:s1+$0xFFFFFF60];
	v8 =	vadd.bf16 v10, v8  }
0x606: {  	v10 =	vld [tilespmem:s7+$0xFFFFFF60]  }
0x607: {  	v7 =	vadd.bf16 v9, v7;
	v9 =	vmul.bf16 v14, v13;
	v13 =	vld [tilespmem:s1+$0xFFFFFFE0]  }
0x608: {  	v14 =	vld [tilespmem:s7+$0xFFFFFFE0]  }
0x609: {  	v6 =	vadd.bf16 v9, v6;
	v9 =	vmul.bf16 v12, v11;
	v11 =	vld [tilespmem:s1+$0x60]  }
0x60a: {  	v12 =	vld [tilespmem:s7+$0x60]  }
0x60b: {  	v10 =	vmul.bf16 v10, v15;
	v15 =	vld [tilespmem:s1+$0xFFFFFF70];
	v9 =	vadd.bf16 v9, v8  }
0x60c: {  	v16 =	vld [tilespmem:s7+$0xFFFFFF70]  }
0x60d: {  	v17 =	vadd.bf16 v10, v7;
	v7 =	vmul.bf16 v14, v13;
	v18 =	vld [tilespmem:s1+$0xFFFFFFF0]  }
0x60e: {  	v19 =	vld [tilespmem:s7+$0xFFFFFFF0]  }
0x60f: {  	v13 =	vadd.bf16 v7, v6;
	v7 =	vmul.bf16 v12, v11;
	v8 =	vld [tilespmem:s1+$0x70]  }
.Ltmp7:
0x610: {  	s1 =	sadd.s32 $0x200, s1;
	v10 =	vld [tilespmem:s7+$0x70];
	(pc) =	sbr.rel @p0 .LBB2_16-.Ltmp7, $4  }
0x611: {  	s7 =	sadd.s32 $0x200, s7;
	v6 =	vld [tilespmem:s1+$0x80];
	v12 =	vmul.bf16 v16, v15;
	v11 =	vadd.bf16 v7, v9  }
0x612: {  	v7 =	vld [tilespmem:s7+$0x80]  }
0x613: {  	v9 =	vld [tilespmem:s1+$0x90];
	v14 =	vadd.bf16 v12, v17;
	v15 =	vmul.bf16 v19, v18  }
0x614: {  	s8 =	sadd.s32 $0x4, s8;
	v12 =	vld [tilespmem:s7+$0x90]  }
0x615: {  	v16 =	vld [tilespmem:s1+$0xA0]  }
0x616: {  	v17 =	vld [tilespmem:s7+$0xA0]  }
0x617: {  	v18 =	vld [tilespmem:s1+$0xB0]  }
0x618: {  	v19 =	vld [tilespmem:s7+$0xB0]  }
0x619: {  	v20 =	vld [tilespmem:s1+$0xC0]  }
0x61a: {  	v21 =	vld [tilespmem:s7+$0xC0]  }
0x61b: {  	v22 =	vld [tilespmem:s1+$0xD0]  }
0x61c: {  	v23 =	vld [tilespmem:s7+$0xD0]  }
0x61d: {  	v24 =	vld [tilespmem:s1+$0xE0]  }
0x61e: {  	v25 =	vld [tilespmem:s7+$0xE0]  }
0x61f: {  	v26 =	vld [tilespmem:s1+$0xF0]  }
0x620: {  	v27 =	vld [tilespmem:s7+$0xF0]  }
0x621: {  	v28 =	vld [tilespmem:s7+$0xFFFFFF00]  }
0x622: {  	v29 =	vld [tilespmem:s1+$0xFFFFFF10]  }
0x623: {  	v30 =	vld [tilespmem:s7+$0xFFFFFF10]  }
0x624: {  	v31 =	vld [tilespmem:s1+$0xFFFFFF80]  }
0x625: {  	v32 =	vld [tilespmem:s7+$0xFFFFFF80]  }
0x626: {  	v33 =	vld [tilespmem:s1+$0xFFFFFF90]  }
0x627: {  	v34 =	vld [tilespmem:s7+$0xFFFFFF90]  }
0x628: {  	v35 =	vld [tilespmem:s1+$0x0]  }
0x629: {  	v36 =	vld [tilespmem:s7+$0x0]  }
0x62a: {  	v37 =	vld [tilespmem:s1+$0x10]  }
0x62b: {  	v38 =	vld [tilespmem:s7+$0x10]  }
0x62c: {  	v39 =	vld [tilespmem:s1+$0xFFFFFF00]  }
0x62d: {  	v40 =	vld [tilespmem:s1+$0xFFFFFF20]  }
0x62e: {  	v41 =	vld [tilespmem:s7+$0xFFFFFF20]  }
0x62f: {  	v42 =	vld [tilespmem:s1+$0xFFFFFFA0]  }
0x630: {  	v8 =	vmul.bf16 v10, v8;
	v10 =	vld [tilespmem:s1+$0x20]  }
0x631: {  	v44 =	vld [tilespmem:s7+$0x20]  }
0x632: {  	v13 =	vadd.bf16 v15, v13;
	v15 =	vld [tilespmem:s7+$0x30]  }
0x633: {  	v53 =	vand.u32 $0xFFFF0000, v14;
	v54 =	vshll.u32 v14, $0x10;
	v49 =	vld [tilespmem:s1+$0xFFFFFF50]  }
0x634: {  	v51 =	vld [tilespmem:s7+$0xFFFFFF50];
	v14 =	vadd.f32 v54, v53;
	v45 =	vand.u32 $0xFFFF0000, v13;
	v13 =	vshll.u32 v13, $0x10  }
0x635: {  	v54 =	vld [tilespmem:s1+$0xFFFFFFD0];
	v6 =	vmul.bf16 v7, v6;
	v55 =	vadd.f32 v13, v45  }
0x636: {  	v8 =	vadd.bf16 v8, v11;
	v11 =	vld [tilespmem:s1+$0xFFFFFF30];
	v57 =	vperm.xlane v14, v2;
	v7 =	vmul.bf16 v12, v9  }
0x637: {  	v13 =	vld [tilespmem:s1+$0xFFFFFFB0];
	v46 =	vperm.xlane v55, v2;
	v16 =	vmul.bf16 v17, v16  }
0x638: {  	v9 =	vld [tilespmem:s7+$0xFFFFFF30];
	v58 =	vmul.bf16 v19, v18;
	v20 =	vmul.bf16 v21, v20  }
0x639: {  	v56 =	vand.u32 $0xFFFF0000, v8;
	v17 =	vld [tilespmem:s1+$0x30];
	v61 =	vmul.bf16 v23, v22;
	v24 =	vmul.bf16 v25, v24  }
0x63a: {  	v8 =	vshll.u32 v8, $0x10;
	v18 =	vld [tilespmem:s1+$0xFFFFFF40];
	v50 =	vmul.bf16 v27, v26;
	v52 =	vmul.bf16 v32, v31  }
0x63b: {  	v8 =	vadd.f32 v8, v56;
	v53 =	vmul.bf16 v34, v33;
	v28 =	vmul.bf16 v28, v39;
	v56 =	vld [tilespmem:s7+$0xFFFFFFD0]  }
0x63c: {  	v14 =	vadd.f32 v14, v57;
	v57 =	vmul.bf16 v36, v35;
	v10 =	vmul.bf16 v44, v10;
	v34 =	vld [tilespmem:s1+$0xFFFFFF60]  }
0x63d: {  	v35 =	vld [tilespmem:s7+$0xFFFFFF60];
	v6 =	vadd.bf16 v7, v6;
	v12 =	vadd.f32 v55, v46;
	v59 =	vperm.xlane v8, v2  }
0x63e: {  	v21 =	vld [tilespmem:s1+$0xFFFFFFC0];
	v45 =	vperm.xlane v14, v3;
	v55 =	vmul.bf16 v30, v29  }
0x63f: {  	v7 =	vld [tilespmem:s7+$0xFFFFFFB0];
	v6 =	vadd.bf16 v16, v6;
	v16 =	vadd.bf16 v53, v52;
	v60 =	vperm.xlane v12, v3  }
0x640: {  	v19 =	vld [tilespmem:s7+$0xFFFFFFC0];
	v8 =	vadd.f32 v8, v59;
	v14 =	vadd.f32 v14, v45;
	v9 =	vmul.bf16 v9, v11  }
0x641: {  	s8 =	sadd.s32 $0x1, s29;
	v46 =	vld [tilespmem:s7+$0xFFFFFF40];
	v6 =	vadd.bf16 v58, v6;
	v58 =	vmul.bf16 v38, v37;
	v15 =	vmul.bf16 v15, v17  }
0x642: {  	v43 =	vld [tilespmem:s7+$0xFFFFFFA0];
	v47 =	vmul.bf16 v56, v54;
	v53 =	vmul.bf16 v35, v34;
	v54 =	vmov s8  }
0x643: {  	v36 =	vld [tilespmem:s1+$0xFFFFFFE0];
	v35 =	vmov s0;
	v62 =	vperm.xlane v8, v3;
	v63 =	vperm.xlane v14, v4  }
0x644: {  	v38 =	vld [tilespmem:s7+$0xFFFFFFE0];
	s8 =	sadd.s32 $0x3, s0;
	v12 =	vadd.f32 v12, v60;
	v60 =	vmul.bf16 v41, v40;
	v7 =	vmul.bf16 v7, v13  }
0x645: {  	v52 =	vld [tilespmem:s7+$0xFFFFFFF0];
	v41 =	vmul.bf16 v19, v21;
	v33 =	vmov s8;
	v6 =	vadd.bf16 v20, v6  }
0x646: {  	v45 =	vld [tilespmem:s7+$0x40];
	v39 =	vmul.bf16 v46, v18;
	v46 =	vmul.bf16 v51, v49;
	v51 =	vmov s29  }
0x647: {  	v20 =	vld [tilespmem:s1+$0x40];
	v48 =	vperm.xlane v12, v4;
	v14 =	vadd.f32 v14, v63;
	v63 =	vadd.bf16 v58, v57  }
0x648: {  	v59 =	vld [tilespmem:s1+$0x50];
	v8 =	vadd.f32 v8, v62;
	v6 =	vadd.bf16 v61, v6;
	v61 =	vmul.bf16 v43, v42  }
0x649: {  	s9 =	sadd.s32 $0x1, s0;
	v40 =	vld [tilespmem:s1+$0x60];
	v12 =	vadd.f32 v12, v48;
	v10 =	vadd.bf16 v10, v63;
	v11 =	vmul.bf16 v38, v36  }
0x64a: {  	v62 =	vld [tilespmem:s7+$0x50];
	v58 =	vperm.xlane v8, v4;
	v38 =	vmov s9;
	v6 =	vadd.bf16 v24, v6  }
0x64b: {  	v42 =	vld [tilespmem:s7+$0x60];
	v24 =	vadd.bf16 v55, v28;
	v16 =	vadd.bf16 v61, v16;
	v17 =	vand.u32 $0xFFFFFFFD, v38  }
0x64c: {  	v56 =	vld [tilespmem:s7+$0x70];
	v10 =	vadd.bf16 v15, v10;
	v44 =	vmul.bf16 v45, v20;
	v15 =	vand.u32 $0xFFFFFFFC, v51  }
0x64d: {  	v48 =	vld [tilespmem:s7+$0xFFFFFF70];
	v61 =	vperm.xlane v12, v5;
	v24 =	vadd.bf16 v60, v24;
	v7 =	vadd.bf16 v7, v16  }
0x64e: {  	v8 =	vadd.f32 v8, v58;
	v17 =	vbroadcast v17, $0x0;
	v6 =	vadd.bf16 v50, v6;
	v50 =	vld [tilespmem:s1+$0xFFFFFFF0]  }
0x64f: {  	v55 =	vld [tilespmem:s1+$0x70];
	v49 =	vmul.bf16 v62, v59;
	v9 =	vadd.bf16 v9, v24;
	v7 =	vadd.bf16 v41, v7  }
0x650: {  	v45 =	vld [tilespmem:s1+$0xFFFFFF70];
	v15 =	vbroadcast v15, $0x0;
	v10 =	vadd.bf16 v44, v10;
	v16 =	vmul.bf16 v42, v40  }
0x651: {  	v37 =	vand.u32 $0xFFFF0000, v6;
	v9 =	vadd.bf16 v39, v9;
	v7 =	vadd.bf16 v47, v7  }
0x652: {  	v6 =	vshll.u32 v6, $0x10;
	v24 =	vand.u32 $0xFFFFFFFD, v54;
	v10 =	vadd.bf16 v49, v10  }
0x653: {  	v19 =	vmul.bf16 v52, v50;
	v9 =	vadd.bf16 v46, v9;
	v7 =	vadd.bf16 v11, v7  }
0x654: {  	v6 =	vadd.f32 v6, v37;
	v13 =	vmul.bf16 v56, v55;
	v10 =	vadd.bf16 v16, v10  }
0x655: {  	v20 =	vmul.bf16 v48, v45;
	v9 =	vadd.bf16 v53, v9;
	v7 =	vadd.bf16 v19, v7  }
0x656: {  	v57 =	vbroadcast v24, $0x0;
	v43 =	vperm.xlane v6, v2;
	v10 =	vadd.bf16 v13, v10  }
0x657: {  	v9 =	vadd.bf16 v20, v9;
	v20 =	vand.u32 $0xFFFF0000, v7;
	v7 =	vshll.u32 v7, $0x10  }
0x658: {  	v24 =	vand.u32 $0xFFFF0000, v10;
	v10 =	vshll.u32 v10, $0x10;
	v7 =	vadd.f32 v7, v20  }
0x659: {  	v10 =	vadd.f32 v10, v24;
	v63 =	vand.u32 $0xFFFF0000, v9;
	v9 =	vshll.u32 v9, $0x10  }
0x65a: {  	s7 =	sadd.s32 $0x2, s29;
	v6 =	vadd.f32 v6, v43;
	v9 =	vadd.f32 v9, v63;
	v28 =	vperm.xlane v7, v2  }
0x65b: {  	v59 =	vmov s7;
	v60 =	vperm.xlane v14, v5;
	v30 =	vperm.xlane v10, v2  }
0x65c: {  	v62 =	vperm.xlane v6, v3;
	v26 =	vperm.xlane v9, v2;
	v7 =	vadd.f32 v7, v28  }
0x65d: {  	v18 =	vand.u32 $0xFFFFFFFE, v59;
	v29 =	vperm.xlane v8, v5;
	v10 =	vadd.f32 v10, v30  }
0x65e: {  	s10 =	sadd.s32 $0x2, s0;
	v6 =	vadd.f32 v6, v62;
	v9 =	vadd.f32 v9, v26;
	v34 =	vperm.xlane v7, v3  }
0x65f: {  	v40 =	vmov s10;
	v25 =	vbroadcast v18, $0x0;
	v36 =	vperm.xlane v10, v3  }
0x660: {  	v31 =	vperm.xlane v6, v4;
	v32 =	vperm.xlane v9, v3;
	v7 =	vadd.f32 v7, v34  }
0x661: {  	v27 =	vadd.f32 v14, v60;
	v18 =	vand.u32 $0xFFFFFFFC, v35;
	v10 =	vadd.f32 v10, v36  }
0x662: {  	v6 =	vadd.f32 v6, v31;
	v9 =	vadd.f32 v9, v32;
	v41 =	vperm.xlane v7, v4  }
0x663: {  	v8 =	vadd.f32 v8, v29;
	v11 =	vand.u32 $0xFFFFFFFE, v40;
	v42 =	vperm.xlane v10, v4  }
0x664: {  	v37 =	vperm.xlane v6, v5;
	v39 =	vperm.xlane v9, v4;
	v7 =	vadd.f32 v7, v41  }
0x665: {  	v18 =	vbroadcast v18, $0x0;
	[tilespmem:v15+s25+$0x0] =	vst.idx.msk $0x1, v27;
	v11 =	vbroadcast v11, $0x0;
	v10 =	vadd.f32 v10, v42  }
0x666: {  	v6 =	vadd.f32 v6, v37;
	v9 =	vadd.f32 v9, v39;
	v44 =	vperm.xlane v7, v5  }
0x667: {  	v12 =	vadd.f32 v12, v61;
	[tilespmem:v25+s25+$0x0] =	vst.idx.msk $0x1, v8;
	v46 =	vperm.xlane v10, v5  }
0x668: {  	[tilespmem:v33+s25+$0x0] =	vst.idx.msk $0x1, v6;
	v43 =	vperm.xlane v9, v5;
	v6 =	vadd.f32 v7, v44  }
0x669: {  	[tilespmem:v57+s25+$0x0] =	vst.idx.msk $0x1, v12;
	v7 =	vadd.f32 v10, v46  }
0x66a: {  	v45 =	vadd.f32 v9, v43;
	[tilespmem:v17+s25+$0x0] =	vst.idx.msk $0x1, v6  }
0x66b: {  	[tilespmem:v11+s25+$0x0] =	vst.idx.msk $0x1, v7  }
0x66c: {  	[tilespmem:v18+s25+$0x0] =	vst.idx.msk $0x1, v45  }
0x66d: {  	v6 =	vld [tilespmem:$0xEF00];
	_ =	sdelay $0x1  }
0x66e: {  	v7 =	vld [tilespmem:$0xEF80];
	_ =	sdelay $0x1  }
0x66f: {  	v8 =	vld [tilespmem:$0xEF10]  }
0x670: {  	v6 =	vmul.f32 $6.250000000e-02, v6;
	_ =	sdelay $0x1  }
0x671: {  	v47 =	vmax.f32 v7, v6  }
0x672: {  	v7 =	vsub.f32 v7, v47  }
0x673: {  	v8 =	vmul.f32 $6.250000000e-02, v8;
	v6 =	vsub.f32 v6, v47  }
0x674: {  	v48 =	vld [tilespmem:$0xEF20];
	v7 =	vmul.f32 $1.442695020e+00, v7  }
0x675: {  	v49 =	vmax.f32 v47, v8;
	v6 =	vmul.f32 $1.442695020e+00, v6  }
0x676: {  	(erf) = vpow2.f32 v7;
	v7 =	vsub.f32 v47, v49  }
0x677: {  	(erf) = vpow2.f32 v6;
	v6 =	vld [tilespmem:$0xEF30]  }
0x678: {  	v7 =	vmul.f32 $1.442695020e+00, v7  }
0x679: {  	v50 =	vmul.f32 $6.250000000e-02, v48;
	v8 =	vsub.f32 v8, v49  }
0x67a: {  	v52 =	vld [tilespmem:$0xEF40];
	(erf) = vpow2.f32 v7  }
0x67b: {  	v8 =	vmul.f32 $1.442695020e+00, v8;
	v7 =	vmax.f32 v49, v50  }
0x67c: {  	v11 =	vsub.f32 v49, v7;
	v6 =	vmul.f32 $6.250000000e-02, v6  }
0x67d: {  	v51 =	vld [tilespmem:$0xF000];
	(erf) = vpow2.f32 v8  }
0x67e: {  	v9 =	vsub.f32 v50, v7;
	v53 =	vmul.f32 $1.442695020e+00, v11;
	v54 =	vmax.f32 v7, v6  }
0x67f: {  	v58 =	vmul.f32 $6.250000000e-02, v52;
	v7 =	vsub.f32 v7, v54  }
0x680: {  	v56 =	vmul.f32 $1.442695020e+00, v9;
	v55 =	vpop (erf);
	(erf) = vpow2.f32 v53  }
0x681: {  	v6 =	vsub.f32 v6, v54;
	v7 =	vmul.f32 $1.442695020e+00, v7  }
0x682: {  	v61 =	vmax.f32 v54, v58;
	v57 =	vmul.f32 v55, v51;
	v59 =	vpop (erf);
	(erf) = vpow2.f32 v56  }
0x683: {  	v6 =	vmul.f32 $1.442695020e+00, v6;
	v62 =	vpop (erf);
	(erf) = vpow2.f32 v7;
	v7 =	vsub.f32 v54, v61  }
0x684: {  	v60 =	vadd.f32 v57, v59  }
0x685: {  	(erf) = vpow2.f32 v6;
	v6 =	vmul.f32 $1.442695020e+00, v7;
	v7 =	vsub.f32 v58, v61  }
0x686: {  	v8 =	vmul.f32 v60, v62  }
0x687: {  	v63 =	vpop (erf)  }
0x688: {  	v8 =	vadd.f32 v8, v63;
	(erf) = vpow2.f32 v6;
	v6 =	vmul.f32 $1.442695020e+00, v7  }
0x689: {  	v7 =	vpop (erf)  }
0x68a: {  	v7 =	vmul.f32 v8, v7  }
0x68b: {  	(erf) = vpow2.f32 v6  }
0x68c: {  	v6 =	vpop (erf)  }
0x68d: {  	v6 =	vadd.f32 v7, v6  }
0x68e: {  	v7 =	vpop (erf)  }
0x68f: {  	v6 =	vmul.f32 v6, v7  }
0x690: {  	v7 =	vpop (erf)  }
0x691: {  	v6 =	vadd.f32 v6, v7  }
0x692: {  	v7 =	vpop (erf)  }
0x693: {  	v6 =	vmul.f32 v6, v7  }
0x694: {  	v7 =	vpop (erf)  }
0x695: {  	v6 =	vadd.f32 v6, v7  }
0x696: {  	[tilespmem:$0xEF80] =	vst v61  }
0x697: {  	s29 =	simm.s32 $0xEF80;
	[tilespmem:$0xF000] =	vst v6  }
0x698: {  	[hbm4b:s13+s2] =	stream.linear.scatter [tilespmem:s29], [sflag:$0x5], $0x80, $0x38;
	[tilespmem:$0xF080] =	vst v63  }
0x699: {  	s31 =	sadd.s32 $0x1, s31;
	_ =	swait.ge [sflag:s17], $0x80  }
0x69a: {  	p0 =	sne.s32 s31, s15;
	[sflag:s17] =	ssyncset.done $0x0  }
.Ltmp8:
0x69b: {  	s30 =	simm.s32 $0xF000;
	[sflag:s17] =	ssyncadd.s32 $0xFFFFFF80;
	(pc) =	sbr.rel @p0 .LBB2_1-.Ltmp8, $4  }
0x69c: {  	[hbm4b:s14+s2] =	stream.linear.scatter [tilespmem:s30], [sflag:$0x5], $0x80, $0x38;
	[tilespmem:$0xF080] =	vst v63  }
0x69d: {  	_ =	swait.ge [sflag:s17], $0x80  }
0x69e: {  	[sflag:s17] =	ssyncset.done $0x0  }
0x69f: {  	[sflag:s17] =	ssyncadd.s32 $0xFFFFFF80  }
0x6a0: {  	_ =	sfence.sel $0x180000  }
0x6a1: {  	[bflag:$0x0] =	sbarrier.arrive $0xFFFF  }
0x6a2: {  	_ =	strace $0x90000047  }
0x6a3: {  	s0 =	stileid.u32;
	[bflag:$0x2] =	sbarrier.arrive $0xFFFF  }
0x6a4: {  	p0 =	sne.s32 s0, $0x0;
	s0 =	rddreg [dreg:$0x1]  }
0x6a5: {  	s0 =	sadd.s32 @!p0 $0x100000, s0  }
0x6a6: {  	[sflag:s0] =	ssyncadd.tile.s32 @!p0 $0x1;
	_ =	shalt  }
.Lfunc_end2:
_tile_overlayer_lowered:
.L_overlay_start_2:
0x6a7: {  	(tag) =	ssettag $0x2  }
0x6a8: {  	s0 =	rddreg [dreg:$0x0];
	s2 =	stileid.u32  }
0x6a9: {  	s1 =	rddreg [dreg:$0x1];
	p0 =	sne.s32 s2, $0x0  }
0x6aa: {  	s3 =	rddreg [dreg:$0x2];
	[bflag:$0x3] =	sbarrier.arrive $0xFFFF;
	s2 =	simm.s32 @!p0 $0x1C05  }
0x6ab: {  	[timem:s3], [sflag:s2] =	dma.local @!p0 [hbm:s0], s1  }
0x6ac: {  	s0 =	simm.s32 @!p0 $0x5  }
0x6ad: {  	_ =	swait.ge @!p0 [sflag:s0], s1  }
0x6ae: {  	s1 =	ssub.s32 @!p0 $0x0, s1;
	[sflag:s0] =	ssyncset.done @!p0 $0x0  }
0x6af: {  	[sflag:s0] =	ssyncadd.s32 @!p0 s1  }
0x6b0: {  	[bflag:$0x3] =	sbarrier.arrive $0xFFFF  }
0x6b1: {  	_ =	shalt  }

</sc_bundles>
